<compile_context>
chip_gen: v7x
topology: tpu7x:2x2x1
jax: 0.10.2.dev20260603
libtpu: 0.0.44.dev20260713+nightly
codegen_flags: <defaults>
</compile_context>

<pallas_src>
import functools

import jax
import jax.numpy as jnp
from jax import lax
from jax.experimental import pallas as pl
from jax.experimental.pallas import tpu as pltpu
from jax.experimental.pallas import tpu_sc as plsc

N = 10000
E = 320000
D = 128

NC = 2
NS = 16
NW = NC * NS
EW = E // NW
K = 50
NB = 5
NBATCH = EW // (NB * K)
QB = NBATCH // 5
STRIPE = 632
NPAD = NS * STRIPE

_mesh = plsc.VectorSubcoreMesh(
    core_axis_name="c", subcore_axis_name="s", num_cores=NC, num_subcores=NS
)


@functools.partial(
    pl.kernel,
    out_type=(
        jax.ShapeDtypeStruct((N,), jnp.float32),
        jax.ShapeDtypeStruct((N,), jnp.float32),
    ),
    mesh=_mesh,
    scratch_types=[
        pltpu.VMEM((5, NB, K), jnp.int32),
        pltpu.VMEM((K,), jnp.float32),
        pltpu.VMEM_SHARED((N,), jnp.float32),
        pltpu.SemaphoreType.DMA,
        pltpu.SemaphoreType.DMA,
        pltpu.SemaphoreType.DMA,
        pltpu.SemaphoreType.DMA,
        pltpu.SemaphoreType.DMA,
        pltpu.SemaphoreType.DMA,
        pltpu.SemaphoreType.DMA,
        pltpu.SemaphoreType.DMA,
        pltpu.SemaphoreType.DMA,
        pltpu.SemaphoreType.DMA,
    ],
)
def _deg_kernel(dst_hbm, zeros1_hbm, ones_hbm, out0_hbm, out1_hbm,
                dstb, onesv, accum,
                si0, si1, si2, si3, si4, ss0, ss1, ss2, ss3, ss4):
    c = lax.axis_index("c")
    s = lax.axis_index("s")
    w = c * NS + s
    si = (si0, si1, si2, si3, si4)
    ssb = (ss0, ss1, ss2, ss3, ss4)

    @pl.when(s == 0)
    def _zero():
        pltpu.sync_copy(zeros1_hbm, accum)

    pltpu.sync_copy(ones_hbm, onesv)
    for t in range(4):
        pltpu.async_copy(dst_hbm.at[w, t], dstb.at[t], si[t])
    plsc.subcore_barrier()

    def scat_wait(b):
        pltpu.make_async_copy(onesv, accum.at[dstb.at[0, b]], ssb[b]).wait()

    def process(j, t, wait_pred):
        pltpu.make_async_copy(dst_hbm.at[w, j], dstb.at[t], si[t]).wait()
        for b in range(NB):
            if wait_pred is None:
                scat_wait(b)
            else:
                @pl.when(wait_pred)
                def _w(b=b):
                    scat_wait(b)
            pltpu.async_copy(onesv, accum.at[dstb.at[t, b]], ssb[b],
                             add=True)

    def prefetch(j, t):
        pltpu.async_copy(dst_hbm.at[w, j], dstb.at[t], si[t])

    def body(i, carry):
        j0 = 5 * i
        process(j0, 0, i > 0)
        prefetch(j0 + 4, 4)
        for k in range(1, 5):
            process(j0 + k, k, None)
            if k < 4:
                @pl.when(i < QB - 1)
                def _pf(k=k):
                    prefetch(j0 + 4 + k, k - 1)
        @pl.when(i < QB - 1)
        def _pf3():
            prefetch(j0 + 8, 3)
        return carry

    lax.fori_loop(0, QB, body, 0)
    for b in range(NB):
        scat_wait(b)
    plsc.subcore_barrier()

    @pl.when(jnp.logical_and(s == 0, c == 0))
    def _flush0():
        pltpu.sync_copy(accum, out0_hbm)

    @pl.when(jnp.logical_and(s == 0, c == 1))
    def _flush1():
        pltpu.sync_copy(accum, out1_hbm)


@functools.partial(
    pl.kernel,
    out_type=jax.ShapeDtypeStruct((NC, NPAD, D), jnp.float32),
    mesh=_mesh,
    scratch_types=[
        pltpu.VMEM((5, NB, K), jnp.int32),
        pltpu.VMEM((5, NB, K), jnp.int32),
        pltpu.VMEM((NB, K, D), jnp.float32),
        pltpu.VMEM_SHARED((NPAD, D), jnp.float32),
        pltpu.SemaphoreType.DMA,
        pltpu.SemaphoreType.DMA,
        pltpu.SemaphoreType.DMA,
        pltpu.SemaphoreType.DMA,
        pltpu.SemaphoreType.DMA,
        pltpu.SemaphoreType.DMA,
        pltpu.SemaphoreType.DMA,
        pltpu.SemaphoreType.DMA,
        pltpu.SemaphoreType.DMA,
        pltpu.SemaphoreType.DMA,
        pltpu.SemaphoreType.DMA,
        pltpu.SemaphoreType.DMA,
        pltpu.SemaphoreType.DMA,
        pltpu.SemaphoreType.DMA,
        pltpu.SemaphoreType.DMA,
        pltpu.SemaphoreType.DMA,
    ],
)
def _agg_kernel(g_hbm, src_hbm, dst_hbm, zeros2_hbm, out_hbm,
                srcb, dstb, rows, accum,
                semz, si0, si1, si2, si3, si4, sg0, sg1, sg2, sg3, sg4,
                ss0, ss1, ss2, ss3, ss4):
    c = lax.axis_index("c")
    s = lax.axis_index("s")
    w = c * NS + s
    si = (si0, si1, si2, si3, si4)
    sg = (sg0, sg1, sg2, sg3, sg4)
    ssb = (ss0, ss1, ss2, ss3, ss4)
    row0 = s * STRIPE

    zcp = pltpu.async_copy(
        zeros2_hbm.at[pl.ds(row0, STRIPE)], accum.at[pl.ds(row0, STRIPE)], semz
    )
    for t in range(4):
        pltpu.async_copy(src_hbm.at[w, t], srcb.at[t], si[t])
        pltpu.async_copy(dst_hbm.at[w, t], dstb.at[t], si[t])
    zcp.wait()
    plsc.subcore_barrier()

    def scat_wait(b):
        pltpu.make_async_copy(
            rows.at[b], accum.at[dstb.at[0, b]], ssb[b]
        ).wait()

    def prefetch(j, t):
        pltpu.async_copy(src_hbm.at[w, j], srcb.at[t], si[t])
        pltpu.async_copy(dst_hbm.at[w, j], dstb.at[t], si[t])

    def process(j, t, wait_pred):
        pltpu.make_async_copy(src_hbm.at[w, j], srcb.at[t], si[t]).wait()
        pltpu.make_async_copy(dst_hbm.at[w, j], dstb.at[t], si[t]).wait()
        gcps = []
        for b in range(NB):
            if wait_pred is None:
                scat_wait(b)
            else:
                @pl.when(wait_pred)
                def _w(b=b):
                    scat_wait(b)
            gcps.append(
                pltpu.async_copy(g_hbm.at[srcb.at[t, b]], rows.at[b], sg[b])
            )
        for b in range(NB):
            gcps[b].wait()
            pltpu.async_copy(rows.at[b], accum.at[dstb.at[t, b]], ssb[b],
                             add=True)

    def body(i, carry):
        j0 = 5 * i
        process(j0, 0, i > 0)
        prefetch(j0 + 4, 4)
        for k in range(1, 5):
            process(j0 + k, k, None)
            if k < 4:
                @pl.when(i < QB - 1)
                def _pf(k=k):
                    prefetch(j0 + 4 + k, k - 1)
        @pl.when(i < QB - 1)
        def _pf3():
            prefetch(j0 + 8, 3)
        return carry

    lax.fori_loop(0, QB, body, 0)
    for b in range(NB):
        scat_wait(b)
    plsc.subcore_barrier()

    pltpu.sync_copy(
        accum.at[pl.ds(row0, STRIPE)], out_hbm.at[c, pl.ds(row0, STRIPE)]
    )


def _tc_a_body(x_ref, w_ref, d0_ref, d1_ref, h_ref, g_ref, dinv_ref):
    h = jnp.dot(x_ref[...], w_ref[...], preferred_element_type=jnp.float32)
    dinv = lax.rsqrt(d0_ref[...] + d1_ref[...] + 1.0)
    h_ref[...] = h
    g_ref[...] = h * dinv
    dinv_ref[...] = dinv


_tc_a = pl.pallas_call(
    _tc_a_body,
    out_shape=(
        jax.ShapeDtypeStruct((N, D), jnp.float32),
        jax.ShapeDtypeStruct((N, D), jnp.float32),
        jax.ShapeDtypeStruct((N, 1), jnp.float32),
    ),
)


def _tc_mid_body(p_ref, h_ref, dinv_ref, b_ref, w_ref, h2_ref, g2_ref, y_ref):
    dinv = dinv_ref[...]
    agg = p_ref[0, :N, :] + p_ref[1, :N, :]
    pre = dinv * (agg + dinv * h_ref[...]) + b_ref[...][None, :]
    y_ref[...] = pre
    z = jnp.maximum(pre, 0.0)
    h2 = jnp.dot(z, w_ref[...], preferred_element_type=jnp.float32)
    h2_ref[...] = h2
    g2_ref[...] = h2 * dinv


_tc_mid = pl.pallas_call(
    _tc_mid_body,
    out_shape=(
        jax.ShapeDtypeStruct((N, D), jnp.float32),
        jax.ShapeDtypeStruct((N, D), jnp.float32),
        jax.ShapeDtypeStruct((N, D), jnp.float32),
    ),
)


@jax.jit
def kernel(x, edge_index, W1, b1, W2, b2):
    ei = edge_index.astype(jnp.int32)
    src4 = ei[0].reshape(NW, NBATCH, NB, K)
    dst4 = ei[1].reshape(NW, NBATCH, NB, K)
    zeros1 = jnp.zeros((N,), jnp.float32)
    zeros2 = jnp.zeros((NPAD, D), jnp.float32)
    ones = jnp.ones((K,), jnp.float32)

    d0, d1 = _deg_kernel(dst4, zeros1, ones)

    h1, g1, dinv = _tc_a(x, W1, d0[:, None], d1[:, None])

    def body(carry, wb):
        h, g = carry
        w, b = wb
        p = _agg_kernel(g, src4, dst4, zeros2)
        h2, g2, y = _tc_mid(p, h, dinv, b, w)
        return (h2, g2), y

    _, ys = lax.scan(body, (h1, g1), (jnp.stack([W2, W2]), jnp.stack([b1, b2])))
    return ys[1]

# --- scband reference (transcript-rebuilt; emitter-appended) ---
"""Pipeline reference for scband-gcn-58128087384142 (READ-ONLY COPY).

The authoritative reference and input builder live on the scoring server;
editing this copy changes nothing except your own understanding.
"""

import jax, jax.numpy as jnp
import numpy as np

N_NODES = 10000
N_EDGES = 320000
D_IN = 128
D_HID = 128
D_OUT = 128


def gcn_conv(x, edge_index, W, b, num_nodes):
    # GCNConv: add self-loops, symmetric normalization, aggregate, linear
    src = edge_index[0]
    dst = edge_index[1]
    loop = jnp.arange(num_nodes, dtype=edge_index.dtype)
    src = jnp.concatenate([src, loop])
    dst = jnp.concatenate([dst, loop])
    h = x @ W
    ones = jnp.ones(src.shape[0], dtype=x.dtype)
    deg = jnp.zeros(num_nodes, dtype=x.dtype).at[dst].add(ones)
    dinv = jnp.where(deg > 0, jax.lax.rsqrt(deg), 0.0)
    norm = dinv[src] * dinv[dst]
    msg = h[src] * norm[:, None]
    out = jax.ops.segment_sum(msg, dst, num_segments=num_nodes)
    return out + b


def setup_inputs(seed: int = 0) -> dict:
    key = jax.random.key(seed)
    k1, k2, k3, k4, k5, k6 = jax.random.split(key, 6)
    x = jax.random.normal(k1, (N_NODES, D_IN), dtype=jnp.float32)
    edge_index = jax.random.randint(k2, (2, N_EDGES), 0, N_NODES, dtype=jnp.int64)
    s1 = 1.0 / np.sqrt(D_IN)
    s2 = 1.0 / np.sqrt(D_HID)
    W1 = jax.random.uniform(k3, (D_IN, D_HID), dtype=jnp.float32, minval=-s1, maxval=s1)
    b1 = jnp.zeros((D_HID,), dtype=jnp.float32)
    W2 = jax.random.uniform(k4, (D_HID, D_OUT), dtype=jnp.float32, minval=-s2, maxval=s2)
    b2 = jnp.zeros((D_OUT,), dtype=jnp.float32)
    return {"x": x, "edge_index": edge_index, "W1": W1, "b1": b1, "W2": W2, "b2": b2}


def reference(x, edge_index, W1, b1, W2, b2):
    # GCN.forward in eval mode (dropout is identity when training=False)
    h = gcn_conv(x, edge_index, W1, b1, N_NODES)
    h = jax.nn.relu(h)
    out = gcn_conv(h, edge_index, W2, b2, N_NODES)
    return out

if __name__ == "__main__":
    import jax
    _d = setup_inputs()
    print(jax.jit(kernel)(*tuple(_d.values())))

</pallas_src>

<mosaic_0001>
#map = affine_map<(d0, d1) -> (0, 0, 0, 0)>
#map1 = affine_map<(d0, d1) -> (0)>
module attributes {stable_mosaic.version = 14 : i64} {
  func.func @_deg_kernel(%arg0: i32, %arg1: i32, %arg2: memref<32x40x5x50xi32, #tpu.memory_space<hbm>>, %arg3: memref<10000xf32, #tpu.memory_space<hbm>>, %arg4: memref<50xf32, #tpu.memory_space<hbm>>, %arg5: memref<10000xf32, #tpu.memory_space<hbm>>, %arg6: memref<10000xf32, #tpu.memory_space<hbm>>, %arg7: memref<5x5x50xi32, #tpu.memory_space<vmem>>, %arg8: memref<50xf32, #tpu.memory_space<vmem>>, %arg9: memref<10000xf32, #tpu.memory_space<vmem_shared>>, %arg10: memref<!tpu.dma_semaphore, #tpu.memory_space<semaphore_mem>>, %arg11: memref<!tpu.dma_semaphore, #tpu.memory_space<semaphore_mem>>, %arg12: memref<!tpu.dma_semaphore, #tpu.memory_space<semaphore_mem>>, %arg13: memref<!tpu.dma_semaphore, #tpu.memory_space<semaphore_mem>>, %arg14: memref<!tpu.dma_semaphore, #tpu.memory_space<semaphore_mem>>, %arg15: memref<!tpu.dma_semaphore, #tpu.memory_space<semaphore_mem>>, %arg16: memref<!tpu.dma_semaphore, #tpu.memory_space<semaphore_mem>>, %arg17: memref<!tpu.dma_semaphore, #tpu.memory_space<semaphore_mem>>, %arg18: memref<!tpu.dma_semaphore, #tpu.memory_space<semaphore_mem>>, %arg19: memref<!tpu.dma_semaphore, #tpu.memory_space<semaphore_mem>>) attributes {dimension_semantics = [#tpu.dimension_semantics<core_parallel>, #tpu.dimension_semantics<subcore_parallel>], iteration_bounds = array<i64: 2, 16>, scalar_prefetch = 0 : i64, scratch_operands = 13 : i64, tpu.core_type = #tpu.core_type<sc_vector_subcore>, window_params = [{transform_indices = #map}, {transform_indices = #map1}, {transform_indices = #map1}, {transform_indices = #map1}, {transform_indices = #map1}]} {
    %mul3A = arith.constant 16 : i32
    %mul3A_0 = arith.muli %arg0, %mul3A : i32
    %add3A = arith.addi %mul3A_0, %arg1 : i32
    %eq3A = arith.constant 0 : i32
    %eq3A_1 = arith.cmpi eq, %arg1, %eq3A : i32
    %convert_element_type3A = arith.extui %eq3A_1 : i1 to i32
    %cond3A = arith.constant 0 : i32
    %cond3A_2 = arith.cmpi ne, %convert_element_type3A, %cond3A : i32
    scf.if %cond3A_2 {
      "tpu.region"() ({
        %run_scoped3A = tpu.sem_alloc : memref<!tpu.dma_semaphore, #tpu.memory_space<semaphore_mem>>
        tpu.enqueue_dma source(%arg3 : memref<10000xf32, #tpu.memory_space<hbm>>) target(%arg9 : memref<10000xf32, #tpu.memory_space<vmem_shared>>) target_semaphore(%run_scoped3A : memref<!tpu.dma_semaphore, #tpu.memory_space<semaphore_mem>>)
        tpu.wait_dma2 semaphore(%run_scoped3A : memref<!tpu.dma_semaphore, #tpu.memory_space<semaphore_mem>>) src(%arg3 : memref<10000xf32, #tpu.memory_space<hbm>>) dst(%arg9 : memref<10000xf32, #tpu.memory_space<vmem_shared>>)
        tpu.yield
      }) : () -> ()
    } else {
    }
    "tpu.region"() ({
      %run_scoped3A = tpu.sem_alloc : memref<!tpu.dma_semaphore, #tpu.memory_space<semaphore_mem>>
      tpu.enqueue_dma source(%arg4 : memref<50xf32, #tpu.memory_space<hbm>>) target(%arg8 : memref<50xf32, #tpu.memory_space<vmem>>) target_semaphore(%run_scoped3A : memref<!tpu.dma_semaphore, #tpu.memory_space<semaphore_mem>>)
      tpu.wait_dma2 semaphore(%run_scoped3A : memref<!tpu.dma_semaphore, #tpu.memory_space<semaphore_mem>>) src(%arg4 : memref<50xf32, #tpu.memory_space<hbm>>) dst(%arg8 : memref<50xf32, #tpu.memory_space<vmem>>)
      tpu.yield
    }) : () -> ()
    %dma_start3A = arith.constant 0 : i32
    %dma_start3A_3 = arith.constant 0 : i32
    %dma_start3A_4 = arith.constant 0 : i32
    %dma_start3A_5 = arith.constant 0 : i32
    %dma_start3A_6 = tpu.memref_slice %arg7[%dma_start3A_3, %dma_start3A_4, %dma_start3A_5] : memref<5x5x50xi32, #tpu.memory_space<vmem>> -> memref<1x5x50xi32, #tpu.memory_space<vmem>>
    %dma_start3A_7 = tpu.memref_squeeze %dma_start3A_6 : memref<1x5x50xi32, #tpu.memory_space<vmem>> -> memref<5x50xi32, #tpu.memory_space<vmem>>
    %dma_start3A_8 = arith.constant 0 : i32
    %dma_start3A_9 = arith.constant 0 : i32
    %dma_start3A_10 = tpu.memref_slice %arg2[%add3A, %dma_start3A, %dma_start3A_8, %dma_start3A_9] : memref<32x40x5x50xi32, #tpu.memory_space<hbm>> -> memref<1x1x5x50xi32, #tpu.memory_space<hbm>>
    %dma_start3A_11 = tpu.memref_squeeze %dma_start3A_10 : memref<1x1x5x50xi32, #tpu.memory_space<hbm>> -> memref<5x50xi32, #tpu.memory_space<hbm>>
    %dma_start3A_12 = arith.constant 0 : i32
    %dma_start3A_13 = arith.constant 0 : i32
    %dma_start3A_14 = tpu.memref_slice %arg7[%dma_start3A_3, %dma_start3A_12, %dma_start3A_13] : memref<5x5x50xi32, #tpu.memory_space<vmem>> -> memref<1x5x50xi32, #tpu.memory_space<vmem>>
    %dma_start3A_15 = tpu.memref_squeeze %dma_start3A_14 : memref<1x5x50xi32, #tpu.memory_space<vmem>> -> memref<5x50xi32, #tpu.memory_space<vmem>>
    %dma_start3A_16 = arith.constant 0 : i32
    %dma_start3A_17 = arith.constant 0 : i32
    %dma_start3A_18 = tpu.memref_slice %arg2[%add3A, %dma_start3A, %dma_start3A_16, %dma_start3A_17] : memref<32x40x5x50xi32, #tpu.memory_space<hbm>> -> memref<1x1x5x50xi32, #tpu.memory_space<hbm>>
    %dma_start3A_19 = tpu.memref_squeeze %dma_start3A_18 : memref<1x1x5x50xi32, #tpu.memory_space<hbm>> -> memref<5x50xi32, #tpu.memory_space<hbm>>
    tpu.enqueue_dma source(%dma_start3A_19 : memref<5x50xi32, #tpu.memory_space<hbm>>) target(%dma_start3A_15 : memref<5x50xi32, #tpu.memory_space<vmem>>) target_semaphore(%arg10 : memref<!tpu.dma_semaphore, #tpu.memory_space<semaphore_mem>>)
    %dma_start3A_20 = arith.constant 1 : i32
    %dma_start3A_21 = arith.constant 1 : i32
    %dma_start3A_22 = arith.constant 0 : i32
    %dma_start3A_23 = arith.constant 0 : i32
    %dma_start3A_24 = tpu.memref_slice %arg7[%dma_start3A_21, %dma_start3A_22, %dma_start3A_23] : memref<5x5x50xi32, #tpu.memory_space<vmem>> -> memref<1x5x50xi32, #tpu.memory_space<vmem>>
    %dma_start3A_25 = tpu.memref_squeeze %dma_start3A_24 : memref<1x5x50xi32, #tpu.memory_space<vmem>> -> memref<5x50xi32, #tpu.memory_space<vmem>>
    %dma_start3A_26 = arith.constant 0 : i32
    %dma_start3A_27 = arith.constant 0 : i32
    %dma_start3A_28 = tpu.memref_slice %arg2[%add3A, %dma_start3A_20, %dma_start3A_26, %dma_start3A_27] : memref<32x40x5x50xi32, #tpu.memory_space<hbm>> -> memref<1x1x5x50xi32, #tpu.memory_space<hbm>>
    %dma_start3A_29 = tpu.memref_squeeze %dma_start3A_28 : memref<1x1x5x50xi32, #tpu.memory_space<hbm>> -> memref<5x50xi32, #tpu.memory_space<hbm>>
    %dma_start3A_30 = arith.constant 0 : i32
    %dma_start3A_31 = arith.constant 0 : i32
    %dma_start3A_32 = tpu.memref_slice %arg7[%dma_start3A_21, %dma_start3A_30, %dma_start3A_31] : memref<5x5x50xi32, #tpu.memory_space<vmem>> -> memref<1x5x50xi32, #tpu.memory_space<vmem>>
    %dma_start3A_33 = tpu.memref_squeeze %dma_start3A_32 : memref<1x5x50xi32, #tpu.memory_space<vmem>> -> memref<5x50xi32, #tpu.memory_space<vmem>>
    %dma_start3A_34 = arith.constant 0 : i32
    %dma_start3A_35 = arith.constant 0 : i32
    %dma_start3A_36 = tpu.memref_slice %arg2[%add3A, %dma_start3A_20, %dma_start3A_34, %dma_start3A_35] : memref<32x40x5x50xi32, #tpu.memory_space<hbm>> -> memref<1x1x5x50xi32, #tpu.memory_space<hbm>>
    %dma_start3A_37 = tpu.memref_squeeze %dma_start3A_36 : memref<1x1x5x50xi32, #tpu.memory_space<hbm>> -> memref<5x50xi32, #tpu.memory_space<hbm>>
    tpu.enqueue_dma source(%dma_start3A_37 : memref<5x50xi32, #tpu.memory_space<hbm>>) target(%dma_start3A_33 : memref<5x50xi32, #tpu.memory_space<vmem>>) target_semaphore(%arg11 : memref<!tpu.dma_semaphore, #tpu.memory_space<semaphore_mem>>)
    %dma_start3A_38 = arith.constant 2 : i32
    %dma_start3A_39 = arith.constant 2 : i32
    %dma_start3A_40 = arith.constant 0 : i32
    %dma_start3A_41 = arith.constant 0 : i32
    %dma_start3A_42 = tpu.memref_slice %arg7[%dma_start3A_39, %dma_start3A_40, %dma_start3A_41] : memref<5x5x50xi32, #tpu.memory_space<vmem>> -> memref<1x5x50xi32, #tpu.memory_space<vmem>>
    %dma_start3A_43 = tpu.memref_squeeze %dma_start3A_42 : memref<1x5x50xi32, #tpu.memory_space<vmem>> -> memref<5x50xi32, #tpu.memory_space<vmem>>
    %dma_start3A_44 = arith.constant 0 : i32
    %dma_start3A_45 = arith.constant 0 : i32
    %dma_start3A_46 = tpu.memref_slice %arg2[%add3A, %dma_start3A_38, %dma_start3A_44, %dma_start3A_45] : memref<32x40x5x50xi32, #tpu.memory_space<hbm>> -> memref<1x1x5x50xi32, #tpu.memory_space<hbm>>
    %dma_start3A_47 = tpu.memref_squeeze %dma_start3A_46 : memref<1x1x5x50xi32, #tpu.memory_space<hbm>> -> memref<5x50xi32, #tpu.memory_space<hbm>>
    %dma_start3A_48 = arith.constant 0 : i32
    %dma_start3A_49 = arith.constant 0 : i32
    %dma_start3A_50 = tpu.memref_slice %arg7[%dma_start3A_39, %dma_start3A_48, %dma_start3A_49] : memref<5x5x50xi32, #tpu.memory_space<vmem>> -> memref<1x5x50xi32, #tpu.memory_space<vmem>>
    %dma_start3A_51 = tpu.memref_squeeze %dma_start3A_50 : memref<1x5x50xi32, #tpu.memory_space<vmem>> -> memref<5x50xi32, #tpu.memory_space<vmem>>
    %dma_start3A_52 = arith.constant 0 : i32
    %dma_start3A_53 = arith.constant 0 : i32
    %dma_start3A_54 = tpu.memref_slice %arg2[%add3A, %dma_start3A_38, %dma_start3A_52, %dma_start3A_53] : memref<32x40x5x50xi32, #tpu.memory_space<hbm>> -> memref<1x1x5x50xi32, #tpu.memory_space<hbm>>
    %dma_start3A_55 = tpu.memref_squeeze %dma_start3A_54 : memref<1x1x5x50xi32, #tpu.memory_space<hbm>> -> memref<5x50xi32, #tpu.memory_space<hbm>>
    tpu.enqueue_dma source(%dma_start3A_55 : memref<5x50xi32, #tpu.memory_space<hbm>>) target(%dma_start3A_51 : memref<5x50xi32, #tpu.memory_space<vmem>>) target_semaphore(%arg12 : memref<!tpu.dma_semaphore, #tpu.memory_space<semaphore_mem>>)
    %dma_start3A_56 = arith.constant 3 : i32
    %dma_start3A_57 = arith.constant 3 : i32
    %dma_start3A_58 = arith.constant 0 : i32
    %dma_start3A_59 = arith.constant 0 : i32
    %dma_start3A_60 = tpu.memref_slice %arg7[%dma_start3A_57, %dma_start3A_58, %dma_start3A_59] : memref<5x5x50xi32, #tpu.memory_space<vmem>> -> memref<1x5x50xi32, #tpu.memory_space<vmem>>
    %dma_start3A_61 = tpu.memref_squeeze %dma_start3A_60 : memref<1x5x50xi32, #tpu.memory_space<vmem>> -> memref<5x50xi32, #tpu.memory_space<vmem>>
    %dma_start3A_62 = arith.constant 0 : i32
    %dma_start3A_63 = arith.constant 0 : i32
    %dma_start3A_64 = tpu.memref_slice %arg2[%add3A, %dma_start3A_56, %dma_start3A_62, %dma_start3A_63] : memref<32x40x5x50xi32, #tpu.memory_space<hbm>> -> memref<1x1x5x50xi32, #tpu.memory_space<hbm>>
    %dma_start3A_65 = tpu.memref_squeeze %dma_start3A_64 : memref<1x1x5x50xi32, #tpu.memory_space<hbm>> -> memref<5x50xi32, #tpu.memory_space<hbm>>
    %dma_start3A_66 = arith.constant 0 : i32
    %dma_start3A_67 = arith.constant 0 : i32
    %dma_start3A_68 = tpu.memref_slice %arg7[%dma_start3A_57, %dma_start3A_66, %dma_start3A_67] : memref<5x5x50xi32, #tpu.memory_space<vmem>> -> memref<1x5x50xi32, #tpu.memory_space<vmem>>
    %dma_start3A_69 = tpu.memref_squeeze %dma_start3A_68 : memref<1x5x50xi32, #tpu.memory_space<vmem>> -> memref<5x50xi32, #tpu.memory_space<vmem>>
    %dma_start3A_70 = arith.constant 0 : i32
    %dma_start3A_71 = arith.constant 0 : i32
    %dma_start3A_72 = tpu.memref_slice %arg2[%add3A, %dma_start3A_56, %dma_start3A_70, %dma_start3A_71] : memref<32x40x5x50xi32, #tpu.memory_space<hbm>> -> memref<1x1x5x50xi32, #tpu.memory_space<hbm>>
    %dma_start3A_73 = tpu.memref_squeeze %dma_start3A_72 : memref<1x1x5x50xi32, #tpu.memory_space<hbm>> -> memref<5x50xi32, #tpu.memory_space<hbm>>
    tpu.enqueue_dma source(%dma_start3A_73 : memref<5x50xi32, #tpu.memory_space<hbm>>) target(%dma_start3A_69 : memref<5x50xi32, #tpu.memory_space<vmem>>) target_semaphore(%arg13 : memref<!tpu.dma_semaphore, #tpu.memory_space<semaphore_mem>>)
    %barrier3A = arith.constant 0 : index
    tpu.barrier barrier_id(%barrier3A)
    %scan3A = arith.constant 0 : i32
    %scan3A_74 = arith.constant 0 : i32
    %scan3A_75 = arith.constant 8 : i32
    %scan3A_76 = arith.addi %scan3A_74, %scan3A_75 : i32
    %scan3A_77 = arith.constant 1 : i32
    scf.for %scan3A_129 = %scan3A_74 to %scan3A_76 step %scan3A_77  : i32 {
      %mul3A_130 = arith.constant 5 : i32
      %mul3A_131 = arith.muli %mul3A_130, %scan3A_129 : i32
      %gt3A = arith.constant 0 : i32
      %gt3A_132 = arith.cmpi sgt, %scan3A_129, %gt3A : i32
      %dma_wait3A_133 = arith.constant 0 : i32
      %dma_wait3A_134 = arith.constant 0 : i32
      %dma_wait3A_135 = arith.constant 0 : i32
      %dma_wait3A_136 = tpu.memref_slice %arg7[%dma_wait3A_133, %dma_wait3A_134, %dma_wait3A_135] : memref<5x5x50xi32, #tpu.memory_space<vmem>> -> memref<1x5x50xi32, #tpu.memory_space<vmem>>
      %dma_wait3A_137 = tpu.memref_squeeze %dma_wait3A_136 : memref<1x5x50xi32, #tpu.memory_space<vmem>> -> memref<5x50xi32, #tpu.memory_space<vmem>>
      %dma_wait3A_138 = arith.constant 0 : i32
      %dma_wait3A_139 = arith.constant 0 : i32
      %dma_wait3A_140 = tpu.memref_slice %arg2[%add3A, %mul3A_131, %dma_wait3A_138, %dma_wait3A_139] : memref<32x40x5x50xi32, #tpu.memory_space<hbm>> -> memref<1x1x5x50xi32, #tpu.memory_space<hbm>>
      %dma_wait3A_141 = tpu.memref_squeeze %dma_wait3A_140 : memref<1x1x5x50xi32, #tpu.memory_space<hbm>> -> memref<5x50xi32, #tpu.memory_space<hbm>>
      %dma_wait3A_142 = arith.constant 0 : i32
      %dma_wait3A_143 = arith.constant 0 : i32
      %dma_wait3A_144 = tpu.memref_slice %arg7[%dma_wait3A_133, %dma_wait3A_142, %dma_wait3A_143] : memref<5x5x50xi32, #tpu.memory_space<vmem>> -> memref<1x5x50xi32, #tpu.memory_space<vmem>>
      %dma_wait3A_145 = tpu.memref_squeeze %dma_wait3A_144 : memref<1x5x50xi32, #tpu.memory_space<vmem>> -> memref<5x50xi32, #tpu.memory_space<vmem>>
      %dma_wait3A_146 = arith.constant 0 : i32
      %dma_wait3A_147 = arith.constant 0 : i32
      %dma_wait3A_148 = tpu.memref_slice %arg2[%add3A, %mul3A_131, %dma_wait3A_146, %dma_wait3A_147] : memref<32x40x5x50xi32, #tpu.memory_space<hbm>> -> memref<1x1x5x50xi32, #tpu.memory_space<hbm>>
      %dma_wait3A_149 = tpu.memref_squeeze %dma_wait3A_148 : memref<1x1x5x50xi32, #tpu.memory_space<hbm>> -> memref<5x50xi32, #tpu.memory_space<hbm>>
      tpu.wait_dma2 semaphore(%arg10 : memref<!tpu.dma_semaphore, #tpu.memory_space<semaphore_mem>>) src(%dma_wait3A_149 : memref<5x50xi32, #tpu.memory_space<hbm>>) dst(%dma_wait3A_145 : memref<5x50xi32, #tpu.memory_space<vmem>>)
      %convert_element_type3A_150 = arith.extui %gt3A_132 : i1 to i32
      %cond3A_151 = arith.constant 0 : i32
      %cond3A_152 = arith.cmpi ne, %convert_element_type3A_150, %cond3A_151 : i32
      scf.if %cond3A_152 {
        %dma_wait3A_594 = arith.constant 0 : i32
        %dma_wait3A_595 = arith.constant 0 : i32
        %dma_wait3A_596 = arith.constant 0 : i32
        %dma_wait3A_597 = tpu.memref_slice %arg7[%dma_wait3A_594, %dma_wait3A_595, %dma_wait3A_596] : memref<5x5x50xi32, #tpu.memory_space<vmem>> -> memref<1x1x50xi32, #tpu.memory_space<vmem>>
        %dma_wait3A_598 = tpu.memref_squeeze %dma_wait3A_597 : memref<1x1x50xi32, #tpu.memory_space<vmem>> -> memref<50xi32, #tpu.memory_space<vmem>>
        %dma_wait3A_599 = arith.constant 0 : i32
        %dma_wait3A_600 = tpu.memref_slice %arg9[%dma_wait3A_599] : memref<10000xf32, #tpu.memory_space<vmem_shared>> -> memref<10000xf32, #tpu.memory_space<vmem_shared>>
        tpu.wait_indirect_dma semaphore(%arg15 : memref<!tpu.dma_semaphore, #tpu.memory_space<semaphore_mem>>) src(%arg8 : memref<50xf32, #tpu.memory_space<vmem>>) dst(%dma_wait3A_600 : memref<10000xf32, #tpu.memory_space<vmem_shared>>)
      } else {
      }
      %dma_start3A_153 = arith.constant 0 : i32
      %dma_start3A_154 = arith.constant 0 : i32
      %dma_start3A_155 = arith.constant 0 : i32
      %dma_start3A_156 = tpu.memref_slice %arg7[%dma_start3A_153, %dma_start3A_154, %dma_start3A_155] : memref<5x5x50xi32, #tpu.memory_space<vmem>> -> memref<1x1x50xi32, #tpu.memory_space<vmem>>
      %dma_start3A_157 = tpu.memref_squeeze %dma_start3A_156 : memref<1x1x50xi32, #tpu.memory_space<vmem>> -> memref<50xi32, #tpu.memory_space<vmem>>
      %dma_start3A_158 = arith.constant 0 : i32
      %dma_start3A_159 = tpu.memref_slice %arg9[%dma_start3A_158] : memref<10000xf32, #tpu.memory_space<vmem_shared>> -> memref<10000xf32, #tpu.memory_space<vmem_shared>>
      tpu.enqueue_indirect_dma source(%arg8 : memref<50xf32, #tpu.memory_space<vmem>>) target(%dma_start3A_159 : memref<10000xf32, #tpu.memory_space<vmem_shared>>) offsets(%dma_start3A_157 : memref<50xi32, #tpu.memory_space<vmem>>) semaphore(%arg15 : memref<!tpu.dma_semaphore, #tpu.memory_space<semaphore_mem>>) {add = true}
      %convert_element_type3A_160 = arith.extui %gt3A_132 : i1 to i32
      %cond3A_161 = arith.constant 0 : i32
      %cond3A_162 = arith.cmpi ne, %convert_element_type3A_160, %cond3A_161 : i32
      scf.if %cond3A_162 {
        %dma_wait3A_594 = arith.constant 0 : i32
        %dma_wait3A_595 = arith.constant 1 : i32
        %dma_wait3A_596 = arith.constant 0 : i32
        %dma_wait3A_597 = tpu.memref_slice %arg7[%dma_wait3A_594, %dma_wait3A_595, %dma_wait3A_596] : memref<5x5x50xi32, #tpu.memory_space<vmem>> -> memref<1x1x50xi32, #tpu.memory_space<vmem>>
        %dma_wait3A_598 = tpu.memref_squeeze %dma_wait3A_597 : memref<1x1x50xi32, #tpu.memory_space<vmem>> -> memref<50xi32, #tpu.memory_space<vmem>>
        %dma_wait3A_599 = arith.constant 0 : i32
        %dma_wait3A_600 = tpu.memref_slice %arg9[%dma_wait3A_599] : memref<10000xf32, #tpu.memory_space<vmem_shared>> -> memref<10000xf32, #tpu.memory_space<vmem_shared>>
        tpu.wait_indirect_dma semaphore(%arg16 : memref<!tpu.dma_semaphore, #tpu.memory_space<semaphore_mem>>) src(%arg8 : memref<50xf32, #tpu.memory_space<vmem>>) dst(%dma_wait3A_600 : memref<10000xf32, #tpu.memory_space<vmem_shared>>)
      } else {
      }
      %dma_start3A_163 = arith.constant 0 : i32
      %dma_start3A_164 = arith.constant 1 : i32
      %dma_start3A_165 = arith.constant 0 : i32
      %dma_start3A_166 = tpu.memref_slice %arg7[%dma_start3A_163, %dma_start3A_164, %dma_start3A_165] : memref<5x5x50xi32, #tpu.memory_space<vmem>> -> memref<1x1x50xi32, #tpu.memory_space<vmem>>
      %dma_start3A_167 = tpu.memref_squeeze %dma_start3A_166 : memref<1x1x50xi32, #tpu.memory_space<vmem>> -> memref<50xi32, #tpu.memory_space<vmem>>
      %dma_start3A_168 = arith.constant 0 : i32
      %dma_start3A_169 = tpu.memref_slice %arg9[%dma_start3A_168] : memref<10000xf32, #tpu.memory_space<vmem_shared>> -> memref<10000xf32, #tpu.memory_space<vmem_shared>>
      tpu.enqueue_indirect_dma source(%arg8 : memref<50xf32, #tpu.memory_space<vmem>>) target(%dma_start3A_169 : memref<10000xf32, #tpu.memory_space<vmem_shared>>) offsets(%dma_start3A_167 : memref<50xi32, #tpu.memory_space<vmem>>) semaphore(%arg16 : memref<!tpu.dma_semaphore, #tpu.memory_space<semaphore_mem>>) {add = true}
      %convert_element_type3A_170 = arith.extui %gt3A_132 : i1 to i32
      %cond3A_171 = arith.constant 0 : i32
      %cond3A_172 = arith.cmpi ne, %convert_element_type3A_170, %cond3A_171 : i32
      scf.if %cond3A_172 {
        %dma_wait3A_594 = arith.constant 0 : i32
        %dma_wait3A_595 = arith.constant 2 : i32
        %dma_wait3A_596 = arith.constant 0 : i32
        %dma_wait3A_597 = tpu.memref_slice %arg7[%dma_wait3A_594, %dma_wait3A_595, %dma_wait3A_596] : memref<5x5x50xi32, #tpu.memory_space<vmem>> -> memref<1x1x50xi32, #tpu.memory_space<vmem>>
        %dma_wait3A_598 = tpu.memref_squeeze %dma_wait3A_597 : memref<1x1x50xi32, #tpu.memory_space<vmem>> -> memref<50xi32, #tpu.memory_space<vmem>>
        %dma_wait3A_599 = arith.constant 0 : i32
        %dma_wait3A_600 = tpu.memref_slice %arg9[%dma_wait3A_599] : memref<10000xf32, #tpu.memory_space<vmem_shared>> -> memref<10000xf32, #tpu.memory_space<vmem_shared>>
        tpu.wait_indirect_dma semaphore(%arg17 : memref<!tpu.dma_semaphore, #tpu.memory_space<semaphore_mem>>) src(%arg8 : memref<50xf32, #tpu.memory_space<vmem>>) dst(%dma_wait3A_600 : memref<10000xf32, #tpu.memory_space<vmem_shared>>)
      } else {
      }
      %dma_start3A_173 = arith.constant 0 : i32
      %dma_start3A_174 = arith.constant 2 : i32
      %dma_start3A_175 = arith.constant 0 : i32
      %dma_start3A_176 = tpu.memref_slice %arg7[%dma_start3A_173, %dma_start3A_174, %dma_start3A_175] : memref<5x5x50xi32, #tpu.memory_space<vmem>> -> memref<1x1x50xi32, #tpu.memory_space<vmem>>
      %dma_start3A_177 = tpu.memref_squeeze %dma_start3A_176 : memref<1x1x50xi32, #tpu.memory_space<vmem>> -> memref<50xi32, #tpu.memory_space<vmem>>
      %dma_start3A_178 = arith.constant 0 : i32
      %dma_start3A_179 = tpu.memref_slice %arg9[%dma_start3A_178] : memref<10000xf32, #tpu.memory_space<vmem_shared>> -> memref<10000xf32, #tpu.memory_space<vmem_shared>>
      tpu.enqueue_indirect_dma source(%arg8 : memref<50xf32, #tpu.memory_space<vmem>>) target(%dma_start3A_179 : memref<10000xf32, #tpu.memory_space<vmem_shared>>) offsets(%dma_start3A_177 : memref<50xi32, #tpu.memory_space<vmem>>) semaphore(%arg17 : memref<!tpu.dma_semaphore, #tpu.memory_space<semaphore_mem>>) {add = true}
      %convert_element_type3A_180 = arith.extui %gt3A_132 : i1 to i32
      %cond3A_181 = arith.constant 0 : i32
      %cond3A_182 = arith.cmpi ne, %convert_element_type3A_180, %cond3A_181 : i32
      scf.if %cond3A_182 {
        %dma_wait3A_594 = arith.constant 0 : i32
        %dma_wait3A_595 = arith.constant 3 : i32
        %dma_wait3A_596 = arith.constant 0 : i32
        %dma_wait3A_597 = tpu.memref_slice %arg7[%dma_wait3A_594, %dma_wait3A_595, %dma_wait3A_596] : memref<5x5x50xi32, #tpu.memory_space<vmem>> -> memref<1x1x50xi32, #tpu.memory_space<vmem>>
        %dma_wait3A_598 = tpu.memref_squeeze %dma_wait3A_597 : memref<1x1x50xi32, #tpu.memory_space<vmem>> -> memref<50xi32, #tpu.memory_space<vmem>>
        %dma_wait3A_599 = arith.constant 0 : i32
        %dma_wait3A_600 = tpu.memref_slice %arg9[%dma_wait3A_599] : memref<10000xf32, #tpu.memory_space<vmem_shared>> -> memref<10000xf32, #tpu.memory_space<vmem_shared>>
        tpu.wait_indirect_dma semaphore(%arg18 : memref<!tpu.dma_semaphore, #tpu.memory_space<semaphore_mem>>) src(%arg8 : memref<50xf32, #tpu.memory_space<vmem>>) dst(%dma_wait3A_600 : memref<10000xf32, #tpu.memory_space<vmem_shared>>)
      } else {
      }
      %dma_start3A_183 = arith.constant 0 : i32
      %dma_start3A_184 = arith.constant 3 : i32
      %dma_start3A_185 = arith.constant 0 : i32
      %dma_start3A_186 = tpu.memref_slice %arg7[%dma_start3A_183, %dma_start3A_184, %dma_start3A_185] : memref<5x5x50xi32, #tpu.memory_space<vmem>> -> memref<1x1x50xi32, #tpu.memory_space<vmem>>
      %dma_start3A_187 = tpu.memref_squeeze %dma_start3A_186 : memref<1x1x50xi32, #tpu.memory_space<vmem>> -> memref<50xi32, #tpu.memory_space<vmem>>
      %dma_start3A_188 = arith.constant 0 : i32
      %dma_start3A_189 = tpu.memref_slice %arg9[%dma_start3A_188] : memref<10000xf32, #tpu.memory_space<vmem_shared>> -> memref<10000xf32, #tpu.memory_space<vmem_shared>>
      tpu.enqueue_indirect_dma source(%arg8 : memref<50xf32, #tpu.memory_space<vmem>>) target(%dma_start3A_189 : memref<10000xf32, #tpu.memory_space<vmem_shared>>) offsets(%dma_start3A_187 : memref<50xi32, #tpu.memory_space<vmem>>) semaphore(%arg18 : memref<!tpu.dma_semaphore, #tpu.memory_space<semaphore_mem>>) {add = true}
      %convert_element_type3A_190 = arith.extui %gt3A_132 : i1 to i32
      %cond3A_191 = arith.constant 0 : i32
      %cond3A_192 = arith.cmpi ne, %convert_element_type3A_190, %cond3A_191 : i32
      scf.if %cond3A_192 {
        %dma_wait3A_594 = arith.constant 0 : i32
        %dma_wait3A_595 = arith.constant 4 : i32
        %dma_wait3A_596 = arith.constant 0 : i32
        %dma_wait3A_597 = tpu.memref_slice %arg7[%dma_wait3A_594, %dma_wait3A_595, %dma_wait3A_596] : memref<5x5x50xi32, #tpu.memory_space<vmem>> -> memref<1x1x50xi32, #tpu.memory_space<vmem>>
        %dma_wait3A_598 = tpu.memref_squeeze %dma_wait3A_597 : memref<1x1x50xi32, #tpu.memory_space<vmem>> -> memref<50xi32, #tpu.memory_space<vmem>>
        %dma_wait3A_599 = arith.constant 0 : i32
        %dma_wait3A_600 = tpu.memref_slice %arg9[%dma_wait3A_599] : memref<10000xf32, #tpu.memory_space<vmem_shared>> -> memref<10000xf32, #tpu.memory_space<vmem_shared>>
        tpu.wait_indirect_dma semaphore(%arg19 : memref<!tpu.dma_semaphore, #tpu.memory_space<semaphore_mem>>) src(%arg8 : memref<50xf32, #tpu.memory_space<vmem>>) dst(%dma_wait3A_600 : memref<10000xf32, #tpu.memory_space<vmem_shared>>)
      } else {
      }
      %dma_start3A_193 = arith.constant 0 : i32
      %dma_start3A_194 = arith.constant 4 : i32
      %dma_start3A_195 = arith.constant 0 : i32
      %dma_start3A_196 = tpu.memref_slice %arg7[%dma_start3A_193, %dma_start3A_194, %dma_start3A_195] : memref<5x5x50xi32, #tpu.memory_space<vmem>> -> memref<1x1x50xi32, #tpu.memory_space<vmem>>
      %dma_start3A_197 = tpu.memref_squeeze %dma_start3A_196 : memref<1x1x50xi32, #tpu.memory_space<vmem>> -> memref<50xi32, #tpu.memory_space<vmem>>
      %dma_start3A_198 = arith.constant 0 : i32
      %dma_start3A_199 = tpu.memref_slice %arg9[%dma_start3A_198] : memref<10000xf32, #tpu.memory_space<vmem_shared>> -> memref<10000xf32, #tpu.memory_space<vmem_shared>>
      tpu.enqueue_indirect_dma source(%arg8 : memref<50xf32, #tpu.memory_space<vmem>>) target(%dma_start3A_199 : memref<10000xf32, #tpu.memory_space<vmem_shared>>) offsets(%dma_start3A_197 : memref<50xi32, #tpu.memory_space<vmem>>) semaphore(%arg19 : memref<!tpu.dma_semaphore, #tpu.memory_space<semaphore_mem>>) {add = true}
      %add3A_200 = arith.constant 4 : i32
      %add3A_201 = arith.addi %mul3A_131, %add3A_200 : i32
      %dma_start3A_202 = arith.constant 4 : i32
      %dma_start3A_203 = arith.constant 0 : i32
      %dma_start3A_204 = arith.constant 0 : i32
      %dma_start3A_205 = tpu.memref_slice %arg7[%dma_start3A_202, %dma_start3A_203, %dma_start3A_204] : memref<5x5x50xi32, #tpu.memory_space<vmem>> -> memref<1x5x50xi32, #tpu.memory_space<vmem>>
      %dma_start3A_206 = tpu.memref_squeeze %dma_start3A_205 : memref<1x5x50xi32, #tpu.memory_space<vmem>> -> memref<5x50xi32, #tpu.memory_space<vmem>>
      %dma_start3A_207 = arith.constant 0 : i32
      %dma_start3A_208 = arith.constant 0 : i32
      %dma_start3A_209 = tpu.memref_slice %arg2[%add3A, %add3A_201, %dma_start3A_207, %dma_start3A_208] : memref<32x40x5x50xi32, #tpu.memory_space<hbm>> -> memref<1x1x5x50xi32, #tpu.memory_space<hbm>>
      %dma_start3A_210 = tpu.memref_squeeze %dma_start3A_209 : memref<1x1x5x50xi32, #tpu.memory_space<hbm>> -> memref<5x50xi32, #tpu.memory_space<hbm>>
      %dma_start3A_211 = arith.constant 0 : i32
      %dma_start3A_212 = arith.constant 0 : i32
      %dma_start3A_213 = tpu.memref_slice %arg7[%dma_start3A_202, %dma_start3A_211, %dma_start3A_212] : memref<5x5x50xi32, #tpu.memory_space<vmem>> -> memref<1x5x50xi32, #tpu.memory_space<vmem>>
      %dma_start3A_214 = tpu.memref_squeeze %dma_start3A_213 : memref<1x5x50xi32, #tpu.memory_space<vmem>> -> memref<5x50xi32, #tpu.memory_space<vmem>>
      %dma_start3A_215 = arith.constant 0 : i32
      %dma_start3A_216 = arith.constant 0 : i32
      %dma_start3A_217 = tpu.memref_slice %arg2[%add3A, %add3A_201, %dma_start3A_215, %dma_start3A_216] : memref<32x40x5x50xi32, #tpu.memory_space<hbm>> -> memref<1x1x5x50xi32, #tpu.memory_space<hbm>>
      %dma_start3A_218 = tpu.memref_squeeze %dma_start3A_217 : memref<1x1x5x50xi32, #tpu.memory_space<hbm>> -> memref<5x50xi32, #tpu.memory_space<hbm>>
      tpu.enqueue_dma source(%dma_start3A_218 : memref<5x50xi32, #tpu.memory_space<hbm>>) target(%dma_start3A_214 : memref<5x50xi32, #tpu.memory_space<vmem>>) target_semaphore(%arg14 : memref<!tpu.dma_semaphore, #tpu.memory_space<semaphore_mem>>)
      %add3A_219 = arith.constant 1 : i32
      %add3A_220 = arith.addi %mul3A_131, %add3A_219 : i32
      %dma_wait3A_221 = arith.constant 1 : i32
      %dma_wait3A_222 = arith.constant 0 : i32
      %dma_wait3A_223 = arith.constant 0 : i32
      %dma_wait3A_224 = tpu.memref_slice %arg7[%dma_wait3A_221, %dma_wait3A_222, %dma_wait3A_223] : memref<5x5x50xi32, #tpu.memory_space<vmem>> -> memref<1x5x50xi32, #tpu.memory_space<vmem>>
      %dma_wait3A_225 = tpu.memref_squeeze %dma_wait3A_224 : memref<1x5x50xi32, #tpu.memory_space<vmem>> -> memref<5x50xi32, #tpu.memory_space<vmem>>
      %dma_wait3A_226 = arith.constant 0 : i32
      %dma_wait3A_227 = arith.constant 0 : i32
      %dma_wait3A_228 = tpu.memref_slice %arg2[%add3A, %add3A_220, %dma_wait3A_226, %dma_wait3A_227] : memref<32x40x5x50xi32, #tpu.memory_space<hbm>> -> memref<1x1x5x50xi32, #tpu.memory_space<hbm>>
      %dma_wait3A_229 = tpu.memref_squeeze %dma_wait3A_228 : memref<1x1x5x50xi32, #tpu.memory_space<hbm>> -> memref<5x50xi32, #tpu.memory_space<hbm>>
      %dma_wait3A_230 = arith.constant 0 : i32
      %dma_wait3A_231 = arith.constant 0 : i32
      %dma_wait3A_232 = tpu.memref_slice %arg7[%dma_wait3A_221, %dma_wait3A_230, %dma_wait3A_231] : memref<5x5x50xi32, #tpu.memory_space<vmem>> -> memref<1x5x50xi32, #tpu.memory_space<vmem>>
      %dma_wait3A_233 = tpu.memref_squeeze %dma_wait3A_232 : memref<1x5x50xi32, #tpu.memory_space<vmem>> -> memref<5x50xi32, #tpu.memory_space<vmem>>
      %dma_wait3A_234 = arith.constant 0 : i32
      %dma_wait3A_235 = arith.constant 0 : i32
      %dma_wait3A_236 = tpu.memref_slice %arg2[%add3A, %add3A_220, %dma_wait3A_234, %dma_wait3A_235] : memref<32x40x5x50xi32, #tpu.memory_space<hbm>> -> memref<1x1x5x50xi32, #tpu.memory_space<hbm>>
      %dma_wait3A_237 = tpu.memref_squeeze %dma_wait3A_236 : memref<1x1x5x50xi32, #tpu.memory_space<hbm>> -> memref<5x50xi32, #tpu.memory_space<hbm>>
      tpu.wait_dma2 semaphore(%arg11 : memref<!tpu.dma_semaphore, #tpu.memory_space<semaphore_mem>>) src(%dma_wait3A_237 : memref<5x50xi32, #tpu.memory_space<hbm>>) dst(%dma_wait3A_233 : memref<5x50xi32, #tpu.memory_space<vmem>>)
      %dma_wait3A_238 = arith.constant 0 : i32
      %dma_wait3A_239 = arith.constant 0 : i32
      %dma_wait3A_240 = arith.constant 0 : i32
      %dma_wait3A_241 = tpu.memref_slice %arg7[%dma_wait3A_238, %dma_wait3A_239, %dma_wait3A_240] : memref<5x5x50xi32, #tpu.memory_space<vmem>> -> memref<1x1x50xi32, #tpu.memory_space<vmem>>
      %dma_wait3A_242 = tpu.memref_squeeze %dma_wait3A_241 : memref<1x1x50xi32, #tpu.memory_space<vmem>> -> memref<50xi32, #tpu.memory_space<vmem>>
      %dma_wait3A_243 = arith.constant 0 : i32
      %dma_wait3A_244 = tpu.memref_slice %arg9[%dma_wait3A_243] : memref<10000xf32, #tpu.memory_space<vmem_shared>> -> memref<10000xf32, #tpu.memory_space<vmem_shared>>
      tpu.wait_indirect_dma semaphore(%arg15 : memref<!tpu.dma_semaphore, #tpu.memory_space<semaphore_mem>>) src(%arg8 : memref<50xf32, #tpu.memory_space<vmem>>) dst(%dma_wait3A_244 : memref<10000xf32, #tpu.memory_space<vmem_shared>>)
      %dma_start3A_245 = arith.constant 1 : i32
      %dma_start3A_246 = arith.constant 0 : i32
      %dma_start3A_247 = arith.constant 0 : i32
      %dma_start3A_248 = tpu.memref_slice %arg7[%dma_start3A_245, %dma_start3A_246, %dma_start3A_247] : memref<5x5x50xi32, #tpu.memory_space<vmem>> -> memref<1x1x50xi32, #tpu.memory_space<vmem>>
      %dma_start3A_249 = tpu.memref_squeeze %dma_start3A_248 : memref<1x1x50xi32, #tpu.memory_space<vmem>> -> memref<50xi32, #tpu.memory_space<vmem>>
      %dma_start3A_250 = arith.constant 0 : i32
      %dma_start3A_251 = tpu.memref_slice %arg9[%dma_start3A_250] : memref<10000xf32, #tpu.memory_space<vmem_shared>> -> memref<10000xf32, #tpu.memory_space<vmem_shared>>
      tpu.enqueue_indirect_dma source(%arg8 : memref<50xf32, #tpu.memory_space<vmem>>) target(%dma_start3A_251 : memref<10000xf32, #tpu.memory_space<vmem_shared>>) offsets(%dma_start3A_249 : memref<50xi32, #tpu.memory_space<vmem>>) semaphore(%arg15 : memref<!tpu.dma_semaphore, #tpu.memory_space<semaphore_mem>>) {add = true}
      %dma_wait3A_252 = arith.constant 0 : i32
      %dma_wait3A_253 = arith.constant 1 : i32
      %dma_wait3A_254 = arith.constant 0 : i32
      %dma_wait3A_255 = tpu.memref_slice %arg7[%dma_wait3A_252, %dma_wait3A_253, %dma_wait3A_254] : memref<5x5x50xi32, #tpu.memory_space<vmem>> -> memref<1x1x50xi32, #tpu.memory_space<vmem>>
      %dma_wait3A_256 = tpu.memref_squeeze %dma_wait3A_255 : memref<1x1x50xi32, #tpu.memory_space<vmem>> -> memref<50xi32, #tpu.memory_space<vmem>>
      %dma_wait3A_257 = arith.constant 0 : i32
      %dma_wait3A_258 = tpu.memref_slice %arg9[%dma_wait3A_257] : memref<10000xf32, #tpu.memory_space<vmem_shared>> -> memref<10000xf32, #tpu.memory_space<vmem_shared>>
      tpu.wait_indirect_dma semaphore(%arg16 : memref<!tpu.dma_semaphore, #tpu.memory_space<semaphore_mem>>) src(%arg8 : memref<50xf32, #tpu.memory_space<vmem>>) dst(%dma_wait3A_258 : memref<10000xf32, #tpu.memory_space<vmem_shared>>)
      %dma_start3A_259 = arith.constant 1 : i32
      %dma_start3A_260 = arith.constant 1 : i32
      %dma_start3A_261 = arith.constant 0 : i32
      %dma_start3A_262 = tpu.memref_slice %arg7[%dma_start3A_259, %dma_start3A_260, %dma_start3A_261] : memref<5x5x50xi32, #tpu.memory_space<vmem>> -> memref<1x1x50xi32, #tpu.memory_space<vmem>>
      %dma_start3A_263 = tpu.memref_squeeze %dma_start3A_262 : memref<1x1x50xi32, #tpu.memory_space<vmem>> -> memref<50xi32, #tpu.memory_space<vmem>>
      %dma_start3A_264 = arith.constant 0 : i32
      %dma_start3A_265 = tpu.memref_slice %arg9[%dma_start3A_264] : memref<10000xf32, #tpu.memory_space<vmem_shared>> -> memref<10000xf32, #tpu.memory_space<vmem_shared>>
      tpu.enqueue_indirect_dma source(%arg8 : memref<50xf32, #tpu.memory_space<vmem>>) target(%dma_start3A_265 : memref<10000xf32, #tpu.memory_space<vmem_shared>>) offsets(%dma_start3A_263 : memref<50xi32, #tpu.memory_space<vmem>>) semaphore(%arg16 : memref<!tpu.dma_semaphore, #tpu.memory_space<semaphore_mem>>) {add = true}
      %dma_wait3A_266 = arith.constant 0 : i32
      %dma_wait3A_267 = arith.constant 2 : i32
      %dma_wait3A_268 = arith.constant 0 : i32
      %dma_wait3A_269 = tpu.memref_slice %arg7[%dma_wait3A_266, %dma_wait3A_267, %dma_wait3A_268] : memref<5x5x50xi32, #tpu.memory_space<vmem>> -> memref<1x1x50xi32, #tpu.memory_space<vmem>>
      %dma_wait3A_270 = tpu.memref_squeeze %dma_wait3A_269 : memref<1x1x50xi32, #tpu.memory_space<vmem>> -> memref<50xi32, #tpu.memory_space<vmem>>
      %dma_wait3A_271 = arith.constant 0 : i32
      %dma_wait3A_272 = tpu.memref_slice %arg9[%dma_wait3A_271] : memref<10000xf32, #tpu.memory_space<vmem_shared>> -> memref<10000xf32, #tpu.memory_space<vmem_shared>>
      tpu.wait_indirect_dma semaphore(%arg17 : memref<!tpu.dma_semaphore, #tpu.memory_space<semaphore_mem>>) src(%arg8 : memref<50xf32, #tpu.memory_space<vmem>>) dst(%dma_wait3A_272 : memref<10000xf32, #tpu.memory_space<vmem_shared>>)
      %dma_start3A_273 = arith.constant 1 : i32
      %dma_start3A_274 = arith.constant 2 : i32
      %dma_start3A_275 = arith.constant 0 : i32
      %dma_start3A_276 = tpu.memref_slice %arg7[%dma_start3A_273, %dma_start3A_274, %dma_start3A_275] : memref<5x5x50xi32, #tpu.memory_space<vmem>> -> memref<1x1x50xi32, #tpu.memory_space<vmem>>
      %dma_start3A_277 = tpu.memref_squeeze %dma_start3A_276 : memref<1x1x50xi32, #tpu.memory_space<vmem>> -> memref<50xi32, #tpu.memory_space<vmem>>
      %dma_start3A_278 = arith.constant 0 : i32
      %dma_start3A_279 = tpu.memref_slice %arg9[%dma_start3A_278] : memref<10000xf32, #tpu.memory_space<vmem_shared>> -> memref<10000xf32, #tpu.memory_space<vmem_shared>>
      tpu.enqueue_indirect_dma source(%arg8 : memref<50xf32, #tpu.memory_space<vmem>>) target(%dma_start3A_279 : memref<10000xf32, #tpu.memory_space<vmem_shared>>) offsets(%dma_start3A_277 : memref<50xi32, #tpu.memory_space<vmem>>) semaphore(%arg17 : memref<!tpu.dma_semaphore, #tpu.memory_space<semaphore_mem>>) {add = true}
      %dma_wait3A_280 = arith.constant 0 : i32
      %dma_wait3A_281 = arith.constant 3 : i32
      %dma_wait3A_282 = arith.constant 0 : i32
      %dma_wait3A_283 = tpu.memref_slice %arg7[%dma_wait3A_280, %dma_wait3A_281, %dma_wait3A_282] : memref<5x5x50xi32, #tpu.memory_space<vmem>> -> memref<1x1x50xi32, #tpu.memory_space<vmem>>
      %dma_wait3A_284 = tpu.memref_squeeze %dma_wait3A_283 : memref<1x1x50xi32, #tpu.memory_space<vmem>> -> memref<50xi32, #tpu.memory_space<vmem>>
      %dma_wait3A_285 = arith.constant 0 : i32
      %dma_wait3A_286 = tpu.memref_slice %arg9[%dma_wait3A_285] : memref<10000xf32, #tpu.memory_space<vmem_shared>> -> memref<10000xf32, #tpu.memory_space<vmem_shared>>
      tpu.wait_indirect_dma semaphore(%arg18 : memref<!tpu.dma_semaphore, #tpu.memory_space<semaphore_mem>>) src(%arg8 : memref<50xf32, #tpu.memory_space<vmem>>) dst(%dma_wait3A_286 : memref<10000xf32, #tpu.memory_space<vmem_shared>>)
      %dma_start3A_287 = arith.constant 1 : i32
      %dma_start3A_288 = arith.constant 3 : i32
      %dma_start3A_289 = arith.constant 0 : i32
      %dma_start3A_290 = tpu.memref_slice %arg7[%dma_start3A_287, %dma_start3A_288, %dma_start3A_289] : memref<5x5x50xi32, #tpu.memory_space<vmem>> -> memref<1x1x50xi32, #tpu.memory_space<vmem>>
      %dma_start3A_291 = tpu.memref_squeeze %dma_start3A_290 : memref<1x1x50xi32, #tpu.memory_space<vmem>> -> memref<50xi32, #tpu.memory_space<vmem>>
      %dma_start3A_292 = arith.constant 0 : i32
      %dma_start3A_293 = tpu.memref_slice %arg9[%dma_start3A_292] : memref<10000xf32, #tpu.memory_space<vmem_shared>> -> memref<10000xf32, #tpu.memory_space<vmem_shared>>
      tpu.enqueue_indirect_dma source(%arg8 : memref<50xf32, #tpu.memory_space<vmem>>) target(%dma_start3A_293 : memref<10000xf32, #tpu.memory_space<vmem_shared>>) offsets(%dma_start3A_291 : memref<50xi32, #tpu.memory_space<vmem>>) semaphore(%arg18 : memref<!tpu.dma_semaphore, #tpu.memory_space<semaphore_mem>>) {add = true}
      %dma_wait3A_294 = arith.constant 0 : i32
      %dma_wait3A_295 = arith.constant 4 : i32
      %dma_wait3A_296 = arith.constant 0 : i32
      %dma_wait3A_297 = tpu.memref_slice %arg7[%dma_wait3A_294, %dma_wait3A_295, %dma_wait3A_296] : memref<5x5x50xi32, #tpu.memory_space<vmem>> -> memref<1x1x50xi32, #tpu.memory_space<vmem>>
      %dma_wait3A_298 = tpu.memref_squeeze %dma_wait3A_297 : memref<1x1x50xi32, #tpu.memory_space<vmem>> -> memref<50xi32, #tpu.memory_space<vmem>>
      %dma_wait3A_299 = arith.constant 0 : i32
      %dma_wait3A_300 = tpu.memref_slice %arg9[%dma_wait3A_299] : memref<10000xf32, #tpu.memory_space<vmem_shared>> -> memref<10000xf32, #tpu.memory_space<vmem_shared>>
      tpu.wait_indirect_dma semaphore(%arg19 : memref<!tpu.dma_semaphore, #tpu.memory_space<semaphore_mem>>) src(%arg8 : memref<50xf32, #tpu.memory_space<vmem>>) dst(%dma_wait3A_300 : memref<10000xf32, #tpu.memory_space<vmem_shared>>)
      %dma_start3A_301 = arith.constant 1 : i32
      %dma_start3A_302 = arith.constant 4 : i32
      %dma_start3A_303 = arith.constant 0 : i32
      %dma_start3A_304 = tpu.memref_slice %arg7[%dma_start3A_301, %dma_start3A_302, %dma_start3A_303] : memref<5x5x50xi32, #tpu.memory_space<vmem>> -> memref<1x1x50xi32, #tpu.memory_space<vmem>>
      %dma_start3A_305 = tpu.memref_squeeze %dma_start3A_304 : memref<1x1x50xi32, #tpu.memory_space<vmem>> -> memref<50xi32, #tpu.memory_space<vmem>>
      %dma_start3A_306 = arith.constant 0 : i32
      %dma_start3A_307 = tpu.memref_slice %arg9[%dma_start3A_306] : memref<10000xf32, #tpu.memory_space<vmem_shared>> -> memref<10000xf32, #tpu.memory_space<vmem_shared>>
      tpu.enqueue_indirect_dma source(%arg8 : memref<50xf32, #tpu.memory_space<vmem>>) target(%dma_start3A_307 : memref<10000xf32, #tpu.memory_space<vmem_shared>>) offsets(%dma_start3A_305 : memref<50xi32, #tpu.memory_space<vmem>>) semaphore(%arg19 : memref<!tpu.dma_semaphore, #tpu.memory_space<semaphore_mem>>) {add = true}
      %lt3A = arith.constant 7 : i32
      %lt3A_308 = arith.cmpi slt, %scan3A_129, %lt3A : i32
      %convert_element_type3A_309 = arith.extui %lt3A_308 : i1 to i32
      %cond3A_310 = arith.constant 0 : i32
      %cond3A_311 = arith.cmpi ne, %convert_element_type3A_309, %cond3A_310 : i32
      scf.if %cond3A_311 {
        %add3A_594 = arith.constant 4 : i32
        %add3A_595 = arith.addi %mul3A_131, %add3A_594 : i32
        %add3A_596 = arith.constant 1 : i32
        %add3A_597 = arith.addi %add3A_595, %add3A_596 : i32
        %dma_start3A_598 = arith.constant 0 : i32
        %dma_start3A_599 = arith.constant 0 : i32
        %dma_start3A_600 = arith.constant 0 : i32
        %dma_start3A_601 = tpu.memref_slice %arg7[%dma_start3A_598, %dma_start3A_599, %dma_start3A_600] : memref<5x5x50xi32, #tpu.memory_space<vmem>> -> memref<1x5x50xi32, #tpu.memory_space<vmem>>
        %dma_start3A_602 = tpu.memref_squeeze %dma_start3A_601 : memref<1x5x50xi32, #tpu.memory_space<vmem>> -> memref<5x50xi32, #tpu.memory_space<vmem>>
        %dma_start3A_603 = arith.constant 0 : i32
        %dma_start3A_604 = arith.constant 0 : i32
        %dma_start3A_605 = tpu.memref_slice %arg2[%add3A, %add3A_597, %dma_start3A_603, %dma_start3A_604] : memref<32x40x5x50xi32, #tpu.memory_space<hbm>> -> memref<1x1x5x50xi32, #tpu.memory_space<hbm>>
        %dma_start3A_606 = tpu.memref_squeeze %dma_start3A_605 : memref<1x1x5x50xi32, #tpu.memory_space<hbm>> -> memref<5x50xi32, #tpu.memory_space<hbm>>
        %dma_start3A_607 = arith.constant 0 : i32
        %dma_start3A_608 = arith.constant 0 : i32
        %dma_start3A_609 = tpu.memref_slice %arg7[%dma_start3A_598, %dma_start3A_607, %dma_start3A_608] : memref<5x5x50xi32, #tpu.memory_space<vmem>> -> memref<1x5x50xi32, #tpu.memory_space<vmem>>
        %dma_start3A_610 = tpu.memref_squeeze %dma_start3A_609 : memref<1x5x50xi32, #tpu.memory_space<vmem>> -> memref<5x50xi32, #tpu.memory_space<vmem>>
        %dma_start3A_611 = arith.constant 0 : i32
        %dma_start3A_612 = arith.constant 0 : i32
        %dma_start3A_613 = tpu.memref_slice %arg2[%add3A, %add3A_597, %dma_start3A_611, %dma_start3A_612] : memref<32x40x5x50xi32, #tpu.memory_space<hbm>> -> memref<1x1x5x50xi32, #tpu.memory_space<hbm>>
        %dma_start3A_614 = tpu.memref_squeeze %dma_start3A_613 : memref<1x1x5x50xi32, #tpu.memory_space<hbm>> -> memref<5x50xi32, #tpu.memory_space<hbm>>
        tpu.enqueue_dma source(%dma_start3A_614 : memref<5x50xi32, #tpu.memory_space<hbm>>) target(%dma_start3A_610 : memref<5x50xi32, #tpu.memory_space<vmem>>) target_semaphore(%arg10 : memref<!tpu.dma_semaphore, #tpu.memory_space<semaphore_mem>>)
      } else {
      }
      %add3A_312 = arith.constant 2 : i32
      %add3A_313 = arith.addi %mul3A_131, %add3A_312 : i32
      %dma_wait3A_314 = arith.constant 2 : i32
      %dma_wait3A_315 = arith.constant 0 : i32
      %dma_wait3A_316 = arith.constant 0 : i32
      %dma_wait3A_317 = tpu.memref_slice %arg7[%dma_wait3A_314, %dma_wait3A_315, %dma_wait3A_316] : memref<5x5x50xi32, #tpu.memory_space<vmem>> -> memref<1x5x50xi32, #tpu.memory_space<vmem>>
      %dma_wait3A_318 = tpu.memref_squeeze %dma_wait3A_317 : memref<1x5x50xi32, #tpu.memory_space<vmem>> -> memref<5x50xi32, #tpu.memory_space<vmem>>
      %dma_wait3A_319 = arith.constant 0 : i32
      %dma_wait3A_320 = arith.constant 0 : i32
      %dma_wait3A_321 = tpu.memref_slice %arg2[%add3A, %add3A_313, %dma_wait3A_319, %dma_wait3A_320] : memref<32x40x5x50xi32, #tpu.memory_space<hbm>> -> memref<1x1x5x50xi32, #tpu.memory_space<hbm>>
      %dma_wait3A_322 = tpu.memref_squeeze %dma_wait3A_321 : memref<1x1x5x50xi32, #tpu.memory_space<hbm>> -> memref<5x50xi32, #tpu.memory_space<hbm>>
      %dma_wait3A_323 = arith.constant 0 : i32
      %dma_wait3A_324 = arith.constant 0 : i32
      %dma_wait3A_325 = tpu.memref_slice %arg7[%dma_wait3A_314, %dma_wait3A_323, %dma_wait3A_324] : memref<5x5x50xi32, #tpu.memory_space<vmem>> -> memref<1x5x50xi32, #tpu.memory_space<vmem>>
      %dma_wait3A_326 = tpu.memref_squeeze %dma_wait3A_325 : memref<1x5x50xi32, #tpu.memory_space<vmem>> -> memref<5x50xi32, #tpu.memory_space<vmem>>
      %dma_wait3A_327 = arith.constant 0 : i32
      %dma_wait3A_328 = arith.constant 0 : i32
      %dma_wait3A_329 = tpu.memref_slice %arg2[%add3A, %add3A_313, %dma_wait3A_327, %dma_wait3A_328] : memref<32x40x5x50xi32, #tpu.memory_space<hbm>> -> memref<1x1x5x50xi32, #tpu.memory_space<hbm>>
      %dma_wait3A_330 = tpu.memref_squeeze %dma_wait3A_329 : memref<1x1x5x50xi32, #tpu.memory_space<hbm>> -> memref<5x50xi32, #tpu.memory_space<hbm>>
      tpu.wait_dma2 semaphore(%arg12 : memref<!tpu.dma_semaphore, #tpu.memory_space<semaphore_mem>>) src(%dma_wait3A_330 : memref<5x50xi32, #tpu.memory_space<hbm>>) dst(%dma_wait3A_326 : memref<5x50xi32, #tpu.memory_space<vmem>>)
      %dma_wait3A_331 = arith.constant 0 : i32
      %dma_wait3A_332 = arith.constant 0 : i32
      %dma_wait3A_333 = arith.constant 0 : i32
      %dma_wait3A_334 = tpu.memref_slice %arg7[%dma_wait3A_331, %dma_wait3A_332, %dma_wait3A_333] : memref<5x5x50xi32, #tpu.memory_space<vmem>> -> memref<1x1x50xi32, #tpu.memory_space<vmem>>
      %dma_wait3A_335 = tpu.memref_squeeze %dma_wait3A_334 : memref<1x1x50xi32, #tpu.memory_space<vmem>> -> memref<50xi32, #tpu.memory_space<vmem>>
      %dma_wait3A_336 = arith.constant 0 : i32
      %dma_wait3A_337 = tpu.memref_slice %arg9[%dma_wait3A_336] : memref<10000xf32, #tpu.memory_space<vmem_shared>> -> memref<10000xf32, #tpu.memory_space<vmem_shared>>
      tpu.wait_indirect_dma semaphore(%arg15 : memref<!tpu.dma_semaphore, #tpu.memory_space<semaphore_mem>>) src(%arg8 : memref<50xf32, #tpu.memory_space<vmem>>) dst(%dma_wait3A_337 : memref<10000xf32, #tpu.memory_space<vmem_shared>>)
      %dma_start3A_338 = arith.constant 2 : i32
      %dma_start3A_339 = arith.constant 0 : i32
      %dma_start3A_340 = arith.constant 0 : i32
      %dma_start3A_341 = tpu.memref_slice %arg7[%dma_start3A_338, %dma_start3A_339, %dma_start3A_340] : memref<5x5x50xi32, #tpu.memory_space<vmem>> -> memref<1x1x50xi32, #tpu.memory_space<vmem>>
      %dma_start3A_342 = tpu.memref_squeeze %dma_start3A_341 : memref<1x1x50xi32, #tpu.memory_space<vmem>> -> memref<50xi32, #tpu.memory_space<vmem>>
      %dma_start3A_343 = arith.constant 0 : i32
      %dma_start3A_344 = tpu.memref_slice %arg9[%dma_start3A_343] : memref<10000xf32, #tpu.memory_space<vmem_shared>> -> memref<10000xf32, #tpu.memory_space<vmem_shared>>
      tpu.enqueue_indirect_dma source(%arg8 : memref<50xf32, #tpu.memory_space<vmem>>) target(%dma_start3A_344 : memref<10000xf32, #tpu.memory_space<vmem_shared>>) offsets(%dma_start3A_342 : memref<50xi32, #tpu.memory_space<vmem>>) semaphore(%arg15 : memref<!tpu.dma_semaphore, #tpu.memory_space<semaphore_mem>>) {add = true}
      %dma_wait3A_345 = arith.constant 0 : i32
      %dma_wait3A_346 = arith.constant 1 : i32
      %dma_wait3A_347 = arith.constant 0 : i32
      %dma_wait3A_348 = tpu.memref_slice %arg7[%dma_wait3A_345, %dma_wait3A_346, %dma_wait3A_347] : memref<5x5x50xi32, #tpu.memory_space<vmem>> -> memref<1x1x50xi32, #tpu.memory_space<vmem>>
      %dma_wait3A_349 = tpu.memref_squeeze %dma_wait3A_348 : memref<1x1x50xi32, #tpu.memory_space<vmem>> -> memref<50xi32, #tpu.memory_space<vmem>>
      %dma_wait3A_350 = arith.constant 0 : i32
      %dma_wait3A_351 = tpu.memref_slice %arg9[%dma_wait3A_350] : memref<10000xf32, #tpu.memory_space<vmem_shared>> -> memref<10000xf32, #tpu.memory_space<vmem_shared>>
      tpu.wait_indirect_dma semaphore(%arg16 : memref<!tpu.dma_semaphore, #tpu.memory_space<semaphore_mem>>) src(%arg8 : memref<50xf32, #tpu.memory_space<vmem>>) dst(%dma_wait3A_351 : memref<10000xf32, #tpu.memory_space<vmem_shared>>)
      %dma_start3A_352 = arith.constant 2 : i32
      %dma_start3A_353 = arith.constant 1 : i32
      %dma_start3A_354 = arith.constant 0 : i32
      %dma_start3A_355 = tpu.memref_slice %arg7[%dma_start3A_352, %dma_start3A_353, %dma_start3A_354] : memref<5x5x50xi32, #tpu.memory_space<vmem>> -> memref<1x1x50xi32, #tpu.memory_space<vmem>>
      %dma_start3A_356 = tpu.memref_squeeze %dma_start3A_355 : memref<1x1x50xi32, #tpu.memory_space<vmem>> -> memref<50xi32, #tpu.memory_space<vmem>>
      %dma_start3A_357 = arith.constant 0 : i32
      %dma_start3A_358 = tpu.memref_slice %arg9[%dma_start3A_357] : memref<10000xf32, #tpu.memory_space<vmem_shared>> -> memref<10000xf32, #tpu.memory_space<vmem_shared>>
      tpu.enqueue_indirect_dma source(%arg8 : memref<50xf32, #tpu.memory_space<vmem>>) target(%dma_start3A_358 : memref<10000xf32, #tpu.memory_space<vmem_shared>>) offsets(%dma_start3A_356 : memref<50xi32, #tpu.memory_space<vmem>>) semaphore(%arg16 : memref<!tpu.dma_semaphore, #tpu.memory_space<semaphore_mem>>) {add = true}
      %dma_wait3A_359 = arith.constant 0 : i32
      %dma_wait3A_360 = arith.constant 2 : i32
      %dma_wait3A_361 = arith.constant 0 : i32
      %dma_wait3A_362 = tpu.memref_slice %arg7[%dma_wait3A_359, %dma_wait3A_360, %dma_wait3A_361] : memref<5x5x50xi32, #tpu.memory_space<vmem>> -> memref<1x1x50xi32, #tpu.memory_space<vmem>>
      %dma_wait3A_363 = tpu.memref_squeeze %dma_wait3A_362 : memref<1x1x50xi32, #tpu.memory_space<vmem>> -> memref<50xi32, #tpu.memory_space<vmem>>
      %dma_wait3A_364 = arith.constant 0 : i32
      %dma_wait3A_365 = tpu.memref_slice %arg9[%dma_wait3A_364] : memref<10000xf32, #tpu.memory_space<vmem_shared>> -> memref<10000xf32, #tpu.memory_space<vmem_shared>>
      tpu.wait_indirect_dma semaphore(%arg17 : memref<!tpu.dma_semaphore, #tpu.memory_space<semaphore_mem>>) src(%arg8 : memref<50xf32, #tpu.memory_space<vmem>>) dst(%dma_wait3A_365 : memref<10000xf32, #tpu.memory_space<vmem_shared>>)
      %dma_start3A_366 = arith.constant 2 : i32
      %dma_start3A_367 = arith.constant 2 : i32
      %dma_start3A_368 = arith.constant 0 : i32
      %dma_start3A_369 = tpu.memref_slice %arg7[%dma_start3A_366, %dma_start3A_367, %dma_start3A_368] : memref<5x5x50xi32, #tpu.memory_space<vmem>> -> memref<1x1x50xi32, #tpu.memory_space<vmem>>
      %dma_start3A_370 = tpu.memref_squeeze %dma_start3A_369 : memref<1x1x50xi32, #tpu.memory_space<vmem>> -> memref<50xi32, #tpu.memory_space<vmem>>
      %dma_start3A_371 = arith.constant 0 : i32
      %dma_start3A_372 = tpu.memref_slice %arg9[%dma_start3A_371] : memref<10000xf32, #tpu.memory_space<vmem_shared>> -> memref<10000xf32, #tpu.memory_space<vmem_shared>>
      tpu.enqueue_indirect_dma source(%arg8 : memref<50xf32, #tpu.memory_space<vmem>>) target(%dma_start3A_372 : memref<10000xf32, #tpu.memory_space<vmem_shared>>) offsets(%dma_start3A_370 : memref<50xi32, #tpu.memory_space<vmem>>) semaphore(%arg17 : memref<!tpu.dma_semaphore, #tpu.memory_space<semaphore_mem>>) {add = true}
      %dma_wait3A_373 = arith.constant 0 : i32
      %dma_wait3A_374 = arith.constant 3 : i32
      %dma_wait3A_375 = arith.constant 0 : i32
      %dma_wait3A_376 = tpu.memref_slice %arg7[%dma_wait3A_373, %dma_wait3A_374, %dma_wait3A_375] : memref<5x5x50xi32, #tpu.memory_space<vmem>> -> memref<1x1x50xi32, #tpu.memory_space<vmem>>
      %dma_wait3A_377 = tpu.memref_squeeze %dma_wait3A_376 : memref<1x1x50xi32, #tpu.memory_space<vmem>> -> memref<50xi32, #tpu.memory_space<vmem>>
      %dma_wait3A_378 = arith.constant 0 : i32
      %dma_wait3A_379 = tpu.memref_slice %arg9[%dma_wait3A_378] : memref<10000xf32, #tpu.memory_space<vmem_shared>> -> memref<10000xf32, #tpu.memory_space<vmem_shared>>
      tpu.wait_indirect_dma semaphore(%arg18 : memref<!tpu.dma_semaphore, #tpu.memory_space<semaphore_mem>>) src(%arg8 : memref<50xf32, #tpu.memory_space<vmem>>) dst(%dma_wait3A_379 : memref<10000xf32, #tpu.memory_space<vmem_shared>>)
      %dma_start3A_380 = arith.constant 2 : i32
      %dma_start3A_381 = arith.constant 3 : i32
      %dma_start3A_382 = arith.constant 0 : i32
      %dma_start3A_383 = tpu.memref_slice %arg7[%dma_start3A_380, %dma_start3A_381, %dma_start3A_382] : memref<5x5x50xi32, #tpu.memory_space<vmem>> -> memref<1x1x50xi32, #tpu.memory_space<vmem>>
      %dma_start3A_384 = tpu.memref_squeeze %dma_start3A_383 : memref<1x1x50xi32, #tpu.memory_space<vmem>> -> memref<50xi32, #tpu.memory_space<vmem>>
      %dma_start3A_385 = arith.constant 0 : i32
      %dma_start3A_386 = tpu.memref_slice %arg9[%dma_start3A_385] : memref<10000xf32, #tpu.memory_space<vmem_shared>> -> memref<10000xf32, #tpu.memory_space<vmem_shared>>
      tpu.enqueue_indirect_dma source(%arg8 : memref<50xf32, #tpu.memory_space<vmem>>) target(%dma_start3A_386 : memref<10000xf32, #tpu.memory_space<vmem_shared>>) offsets(%dma_start3A_384 : memref<50xi32, #tpu.memory_space<vmem>>) semaphore(%arg18 : memref<!tpu.dma_semaphore, #tpu.memory_space<semaphore_mem>>) {add = true}
      %dma_wait3A_387 = arith.constant 0 : i32
      %dma_wait3A_388 = arith.constant 4 : i32
      %dma_wait3A_389 = arith.constant 0 : i32
      %dma_wait3A_390 = tpu.memref_slice %arg7[%dma_wait3A_387, %dma_wait3A_388, %dma_wait3A_389] : memref<5x5x50xi32, #tpu.memory_space<vmem>> -> memref<1x1x50xi32, #tpu.memory_space<vmem>>
      %dma_wait3A_391 = tpu.memref_squeeze %dma_wait3A_390 : memref<1x1x50xi32, #tpu.memory_space<vmem>> -> memref<50xi32, #tpu.memory_space<vmem>>
      %dma_wait3A_392 = arith.constant 0 : i32
      %dma_wait3A_393 = tpu.memref_slice %arg9[%dma_wait3A_392] : memref<10000xf32, #tpu.memory_space<vmem_shared>> -> memref<10000xf32, #tpu.memory_space<vmem_shared>>
      tpu.wait_indirect_dma semaphore(%arg19 : memref<!tpu.dma_semaphore, #tpu.memory_space<semaphore_mem>>) src(%arg8 : memref<50xf32, #tpu.memory_space<vmem>>) dst(%dma_wait3A_393 : memref<10000xf32, #tpu.memory_space<vmem_shared>>)
      %dma_start3A_394 = arith.constant 2 : i32
      %dma_start3A_395 = arith.constant 4 : i32
      %dma_start3A_396 = arith.constant 0 : i32
      %dma_start3A_397 = tpu.memref_slice %arg7[%dma_start3A_394, %dma_start3A_395, %dma_start3A_396] : memref<5x5x50xi32, #tpu.memory_space<vmem>> -> memref<1x1x50xi32, #tpu.memory_space<vmem>>
      %dma_start3A_398 = tpu.memref_squeeze %dma_start3A_397 : memref<1x1x50xi32, #tpu.memory_space<vmem>> -> memref<50xi32, #tpu.memory_space<vmem>>
      %dma_start3A_399 = arith.constant 0 : i32
      %dma_start3A_400 = tpu.memref_slice %arg9[%dma_start3A_399] : memref<10000xf32, #tpu.memory_space<vmem_shared>> -> memref<10000xf32, #tpu.memory_space<vmem_shared>>
      tpu.enqueue_indirect_dma source(%arg8 : memref<50xf32, #tpu.memory_space<vmem>>) target(%dma_start3A_400 : memref<10000xf32, #tpu.memory_space<vmem_shared>>) offsets(%dma_start3A_398 : memref<50xi32, #tpu.memory_space<vmem>>) semaphore(%arg19 : memref<!tpu.dma_semaphore, #tpu.memory_space<semaphore_mem>>) {add = true}
      %lt3A_401 = arith.constant 7 : i32
      %lt3A_402 = arith.cmpi slt, %scan3A_129, %lt3A_401 : i32
      %convert_element_type3A_403 = arith.extui %lt3A_402 : i1 to i32
      %cond3A_404 = arith.constant 0 : i32
      %cond3A_405 = arith.cmpi ne, %convert_element_type3A_403, %cond3A_404 : i32
      scf.if %cond3A_405 {
        %add3A_594 = arith.constant 4 : i32
        %add3A_595 = arith.addi %mul3A_131, %add3A_594 : i32
        %add3A_596 = arith.constant 2 : i32
        %add3A_597 = arith.addi %add3A_595, %add3A_596 : i32
        %dma_start3A_598 = arith.constant 1 : i32
        %dma_start3A_599 = arith.constant 0 : i32
        %dma_start3A_600 = arith.constant 0 : i32
        %dma_start3A_601 = tpu.memref_slice %arg7[%dma_start3A_598, %dma_start3A_599, %dma_start3A_600] : memref<5x5x50xi32, #tpu.memory_space<vmem>> -> memref<1x5x50xi32, #tpu.memory_space<vmem>>
        %dma_start3A_602 = tpu.memref_squeeze %dma_start3A_601 : memref<1x5x50xi32, #tpu.memory_space<vmem>> -> memref<5x50xi32, #tpu.memory_space<vmem>>
        %dma_start3A_603 = arith.constant 0 : i32
        %dma_start3A_604 = arith.constant 0 : i32
        %dma_start3A_605 = tpu.memref_slice %arg2[%add3A, %add3A_597, %dma_start3A_603, %dma_start3A_604] : memref<32x40x5x50xi32, #tpu.memory_space<hbm>> -> memref<1x1x5x50xi32, #tpu.memory_space<hbm>>
        %dma_start3A_606 = tpu.memref_squeeze %dma_start3A_605 : memref<1x1x5x50xi32, #tpu.memory_space<hbm>> -> memref<5x50xi32, #tpu.memory_space<hbm>>
        %dma_start3A_607 = arith.constant 0 : i32
        %dma_start3A_608 = arith.constant 0 : i32
        %dma_start3A_609 = tpu.memref_slice %arg7[%dma_start3A_598, %dma_start3A_607, %dma_start3A_608] : memref<5x5x50xi32, #tpu.memory_space<vmem>> -> memref<1x5x50xi32, #tpu.memory_space<vmem>>
        %dma_start3A_610 = tpu.memref_squeeze %dma_start3A_609 : memref<1x5x50xi32, #tpu.memory_space<vmem>> -> memref<5x50xi32, #tpu.memory_space<vmem>>
        %dma_start3A_611 = arith.constant 0 : i32
        %dma_start3A_612 = arith.constant 0 : i32
        %dma_start3A_613 = tpu.memref_slice %arg2[%add3A, %add3A_597, %dma_start3A_611, %dma_start3A_612] : memref<32x40x5x50xi32, #tpu.memory_space<hbm>> -> memref<1x1x5x50xi32, #tpu.memory_space<hbm>>
        %dma_start3A_614 = tpu.memref_squeeze %dma_start3A_613 : memref<1x1x5x50xi32, #tpu.memory_space<hbm>> -> memref<5x50xi32, #tpu.memory_space<hbm>>
        tpu.enqueue_dma source(%dma_start3A_614 : memref<5x50xi32, #tpu.memory_space<hbm>>) target(%dma_start3A_610 : memref<5x50xi32, #tpu.memory_space<vmem>>) target_semaphore(%arg11 : memref<!tpu.dma_semaphore, #tpu.memory_space<semaphore_mem>>)
      } else {
      }
      %add3A_406 = arith.constant 3 : i32
      %add3A_407 = arith.addi %mul3A_131, %add3A_406 : i32
      %dma_wait3A_408 = arith.constant 3 : i32
      %dma_wait3A_409 = arith.constant 0 : i32
      %dma_wait3A_410 = arith.constant 0 : i32
      %dma_wait3A_411 = tpu.memref_slice %arg7[%dma_wait3A_408, %dma_wait3A_409, %dma_wait3A_410] : memref<5x5x50xi32, #tpu.memory_space<vmem>> -> memref<1x5x50xi32, #tpu.memory_space<vmem>>
      %dma_wait3A_412 = tpu.memref_squeeze %dma_wait3A_411 : memref<1x5x50xi32, #tpu.memory_space<vmem>> -> memref<5x50xi32, #tpu.memory_space<vmem>>
      %dma_wait3A_413 = arith.constant 0 : i32
      %dma_wait3A_414 = arith.constant 0 : i32
      %dma_wait3A_415 = tpu.memref_slice %arg2[%add3A, %add3A_407, %dma_wait3A_413, %dma_wait3A_414] : memref<32x40x5x50xi32, #tpu.memory_space<hbm>> -> memref<1x1x5x50xi32, #tpu.memory_space<hbm>>
      %dma_wait3A_416 = tpu.memref_squeeze %dma_wait3A_415 : memref<1x1x5x50xi32, #tpu.memory_space<hbm>> -> memref<5x50xi32, #tpu.memory_space<hbm>>
      %dma_wait3A_417 = arith.constant 0 : i32
      %dma_wait3A_418 = arith.constant 0 : i32
      %dma_wait3A_419 = tpu.memref_slice %arg7[%dma_wait3A_408, %dma_wait3A_417, %dma_wait3A_418] : memref<5x5x50xi32, #tpu.memory_space<vmem>> -> memref<1x5x50xi32, #tpu.memory_space<vmem>>
      %dma_wait3A_420 = tpu.memref_squeeze %dma_wait3A_419 : memref<1x5x50xi32, #tpu.memory_space<vmem>> -> memref<5x50xi32, #tpu.memory_space<vmem>>
      %dma_wait3A_421 = arith.constant 0 : i32
      %dma_wait3A_422 = arith.constant 0 : i32
      %dma_wait3A_423 = tpu.memref_slice %arg2[%add3A, %add3A_407, %dma_wait3A_421, %dma_wait3A_422] : memref<32x40x5x50xi32, #tpu.memory_space<hbm>> -> memref<1x1x5x50xi32, #tpu.memory_space<hbm>>
      %dma_wait3A_424 = tpu.memref_squeeze %dma_wait3A_423 : memref<1x1x5x50xi32, #tpu.memory_space<hbm>> -> memref<5x50xi32, #tpu.memory_space<hbm>>
      tpu.wait_dma2 semaphore(%arg13 : memref<!tpu.dma_semaphore, #tpu.memory_space<semaphore_mem>>) src(%dma_wait3A_424 : memref<5x50xi32, #tpu.memory_space<hbm>>) dst(%dma_wait3A_420 : memref<5x50xi32, #tpu.memory_space<vmem>>)
      %dma_wait3A_425 = arith.constant 0 : i32
      %dma_wait3A_426 = arith.constant 0 : i32
      %dma_wait3A_427 = arith.constant 0 : i32
      %dma_wait3A_428 = tpu.memref_slice %arg7[%dma_wait3A_425, %dma_wait3A_426, %dma_wait3A_427] : memref<5x5x50xi32, #tpu.memory_space<vmem>> -> memref<1x1x50xi32, #tpu.memory_space<vmem>>
      %dma_wait3A_429 = tpu.memref_squeeze %dma_wait3A_428 : memref<1x1x50xi32, #tpu.memory_space<vmem>> -> memref<50xi32, #tpu.memory_space<vmem>>
      %dma_wait3A_430 = arith.constant 0 : i32
      %dma_wait3A_431 = tpu.memref_slice %arg9[%dma_wait3A_430] : memref<10000xf32, #tpu.memory_space<vmem_shared>> -> memref<10000xf32, #tpu.memory_space<vmem_shared>>
      tpu.wait_indirect_dma semaphore(%arg15 : memref<!tpu.dma_semaphore, #tpu.memory_space<semaphore_mem>>) src(%arg8 : memref<50xf32, #tpu.memory_space<vmem>>) dst(%dma_wait3A_431 : memref<10000xf32, #tpu.memory_space<vmem_shared>>)
      %dma_start3A_432 = arith.constant 3 : i32
      %dma_start3A_433 = arith.constant 0 : i32
      %dma_start3A_434 = arith.constant 0 : i32
      %dma_start3A_435 = tpu.memref_slice %arg7[%dma_start3A_432, %dma_start3A_433, %dma_start3A_434] : memref<5x5x50xi32, #tpu.memory_space<vmem>> -> memref<1x1x50xi32, #tpu.memory_space<vmem>>
      %dma_start3A_436 = tpu.memref_squeeze %dma_start3A_435 : memref<1x1x50xi32, #tpu.memory_space<vmem>> -> memref<50xi32, #tpu.memory_space<vmem>>
      %dma_start3A_437 = arith.constant 0 : i32
      %dma_start3A_438 = tpu.memref_slice %arg9[%dma_start3A_437] : memref<10000xf32, #tpu.memory_space<vmem_shared>> -> memref<10000xf32, #tpu.memory_space<vmem_shared>>
      tpu.enqueue_indirect_dma source(%arg8 : memref<50xf32, #tpu.memory_space<vmem>>) target(%dma_start3A_438 : memref<10000xf32, #tpu.memory_space<vmem_shared>>) offsets(%dma_start3A_436 : memref<50xi32, #tpu.memory_space<vmem>>) semaphore(%arg15 : memref<!tpu.dma_semaphore, #tpu.memory_space<semaphore_mem>>) {add = true}
      %dma_wait3A_439 = arith.constant 0 : i32
      %dma_wait3A_440 = arith.constant 1 : i32
      %dma_wait3A_441 = arith.constant 0 : i32
      %dma_wait3A_442 = tpu.memref_slice %arg7[%dma_wait3A_439, %dma_wait3A_440, %dma_wait3A_441] : memref<5x5x50xi32, #tpu.memory_space<vmem>> -> memref<1x1x50xi32, #tpu.memory_space<vmem>>
      %dma_wait3A_443 = tpu.memref_squeeze %dma_wait3A_442 : memref<1x1x50xi32, #tpu.memory_space<vmem>> -> memref<50xi32, #tpu.memory_space<vmem>>
      %dma_wait3A_444 = arith.constant 0 : i32
      %dma_wait3A_445 = tpu.memref_slice %arg9[%dma_wait3A_444] : memref<10000xf32, #tpu.memory_space<vmem_shared>> -> memref<10000xf32, #tpu.memory_space<vmem_shared>>
      tpu.wait_indirect_dma semaphore(%arg16 : memref<!tpu.dma_semaphore, #tpu.memory_space<semaphore_mem>>) src(%arg8 : memref<50xf32, #tpu.memory_space<vmem>>) dst(%dma_wait3A_445 : memref<10000xf32, #tpu.memory_space<vmem_shared>>)
      %dma_start3A_446 = arith.constant 3 : i32
      %dma_start3A_447 = arith.constant 1 : i32
      %dma_start3A_448 = arith.constant 0 : i32
      %dma_start3A_449 = tpu.memref_slice %arg7[%dma_start3A_446, %dma_start3A_447, %dma_start3A_448] : memref<5x5x50xi32, #tpu.memory_space<vmem>> -> memref<1x1x50xi32, #tpu.memory_space<vmem>>
      %dma_start3A_450 = tpu.memref_squeeze %dma_start3A_449 : memref<1x1x50xi32, #tpu.memory_space<vmem>> -> memref<50xi32, #tpu.memory_space<vmem>>
      %dma_start3A_451 = arith.constant 0 : i32
      %dma_start3A_452 = tpu.memref_slice %arg9[%dma_start3A_451] : memref<10000xf32, #tpu.memory_space<vmem_shared>> -> memref<10000xf32, #tpu.memory_space<vmem_shared>>
      tpu.enqueue_indirect_dma source(%arg8 : memref<50xf32, #tpu.memory_space<vmem>>) target(%dma_start3A_452 : memref<10000xf32, #tpu.memory_space<vmem_shared>>) offsets(%dma_start3A_450 : memref<50xi32, #tpu.memory_space<vmem>>) semaphore(%arg16 : memref<!tpu.dma_semaphore, #tpu.memory_space<semaphore_mem>>) {add = true}
      %dma_wait3A_453 = arith.constant 0 : i32
      %dma_wait3A_454 = arith.constant 2 : i32
      %dma_wait3A_455 = arith.constant 0 : i32
      %dma_wait3A_456 = tpu.memref_slice %arg7[%dma_wait3A_453, %dma_wait3A_454, %dma_wait3A_455] : memref<5x5x50xi32, #tpu.memory_space<vmem>> -> memref<1x1x50xi32, #tpu.memory_space<vmem>>
      %dma_wait3A_457 = tpu.memref_squeeze %dma_wait3A_456 : memref<1x1x50xi32, #tpu.memory_space<vmem>> -> memref<50xi32, #tpu.memory_space<vmem>>
      %dma_wait3A_458 = arith.constant 0 : i32
      %dma_wait3A_459 = tpu.memref_slice %arg9[%dma_wait3A_458] : memref<10000xf32, #tpu.memory_space<vmem_shared>> -> memref<10000xf32, #tpu.memory_space<vmem_shared>>
      tpu.wait_indirect_dma semaphore(%arg17 : memref<!tpu.dma_semaphore, #tpu.memory_space<semaphore_mem>>) src(%arg8 : memref<50xf32, #tpu.memory_space<vmem>>) dst(%dma_wait3A_459 : memref<10000xf32, #tpu.memory_space<vmem_shared>>)
      %dma_start3A_460 = arith.constant 3 : i32
      %dma_start3A_461 = arith.constant 2 : i32
      %dma_start3A_462 = arith.constant 0 : i32
      %dma_start3A_463 = tpu.memref_slice %arg7[%dma_start3A_460, %dma_start3A_461, %dma_start3A_462] : memref<5x5x50xi32, #tpu.memory_space<vmem>> -> memref<1x1x50xi32, #tpu.memory_space<vmem>>
      %dma_start3A_464 = tpu.memref_squeeze %dma_start3A_463 : memref<1x1x50xi32, #tpu.memory_space<vmem>> -> memref<50xi32, #tpu.memory_space<vmem>>
      %dma_start3A_465 = arith.constant 0 : i32
      %dma_start3A_466 = tpu.memref_slice %arg9[%dma_start3A_465] : memref<10000xf32, #tpu.memory_space<vmem_shared>> -> memref<10000xf32, #tpu.memory_space<vmem_shared>>
      tpu.enqueue_indirect_dma source(%arg8 : memref<50xf32, #tpu.memory_space<vmem>>) target(%dma_start3A_466 : memref<10000xf32, #tpu.memory_space<vmem_shared>>) offsets(%dma_start3A_464 : memref<50xi32, #tpu.memory_space<vmem>>) semaphore(%arg17 : memref<!tpu.dma_semaphore, #tpu.memory_space<semaphore_mem>>) {add = true}
      %dma_wait3A_467 = arith.constant 0 : i32
      %dma_wait3A_468 = arith.constant 3 : i32
      %dma_wait3A_469 = arith.constant 0 : i32
      %dma_wait3A_470 = tpu.memref_slice %arg7[%dma_wait3A_467, %dma_wait3A_468, %dma_wait3A_469] : memref<5x5x50xi32, #tpu.memory_space<vmem>> -> memref<1x1x50xi32, #tpu.memory_space<vmem>>
      %dma_wait3A_471 = tpu.memref_squeeze %dma_wait3A_470 : memref<1x1x50xi32, #tpu.memory_space<vmem>> -> memref<50xi32, #tpu.memory_space<vmem>>
      %dma_wait3A_472 = arith.constant 0 : i32
      %dma_wait3A_473 = tpu.memref_slice %arg9[%dma_wait3A_472] : memref<10000xf32, #tpu.memory_space<vmem_shared>> -> memref<10000xf32, #tpu.memory_space<vmem_shared>>
      tpu.wait_indirect_dma semaphore(%arg18 : memref<!tpu.dma_semaphore, #tpu.memory_space<semaphore_mem>>) src(%arg8 : memref<50xf32, #tpu.memory_space<vmem>>) dst(%dma_wait3A_473 : memref<10000xf32, #tpu.memory_space<vmem_shared>>)
      %dma_start3A_474 = arith.constant 3 : i32
      %dma_start3A_475 = arith.constant 3 : i32
      %dma_start3A_476 = arith.constant 0 : i32
      %dma_start3A_477 = tpu.memref_slice %arg7[%dma_start3A_474, %dma_start3A_475, %dma_start3A_476] : memref<5x5x50xi32, #tpu.memory_space<vmem>> -> memref<1x1x50xi32, #tpu.memory_space<vmem>>
      %dma_start3A_478 = tpu.memref_squeeze %dma_start3A_477 : memref<1x1x50xi32, #tpu.memory_space<vmem>> -> memref<50xi32, #tpu.memory_space<vmem>>
      %dma_start3A_479 = arith.constant 0 : i32
      %dma_start3A_480 = tpu.memref_slice %arg9[%dma_start3A_479] : memref<10000xf32, #tpu.memory_space<vmem_shared>> -> memref<10000xf32, #tpu.memory_space<vmem_shared>>
      tpu.enqueue_indirect_dma source(%arg8 : memref<50xf32, #tpu.memory_space<vmem>>) target(%dma_start3A_480 : memref<10000xf32, #tpu.memory_space<vmem_shared>>) offsets(%dma_start3A_478 : memref<50xi32, #tpu.memory_space<vmem>>) semaphore(%arg18 : memref<!tpu.dma_semaphore, #tpu.memory_space<semaphore_mem>>) {add = true}
      %dma_wait3A_481 = arith.constant 0 : i32
      %dma_wait3A_482 = arith.constant 4 : i32
      %dma_wait3A_483 = arith.constant 0 : i32
      %dma_wait3A_484 = tpu.memref_slice %arg7[%dma_wait3A_481, %dma_wait3A_482, %dma_wait3A_483] : memref<5x5x50xi32, #tpu.memory_space<vmem>> -> memref<1x1x50xi32, #tpu.memory_space<vmem>>
      %dma_wait3A_485 = tpu.memref_squeeze %dma_wait3A_484 : memref<1x1x50xi32, #tpu.memory_space<vmem>> -> memref<50xi32, #tpu.memory_space<vmem>>
      %dma_wait3A_486 = arith.constant 0 : i32
      %dma_wait3A_487 = tpu.memref_slice %arg9[%dma_wait3A_486] : memref<10000xf32, #tpu.memory_space<vmem_shared>> -> memref<10000xf32, #tpu.memory_space<vmem_shared>>
      tpu.wait_indirect_dma semaphore(%arg19 : memref<!tpu.dma_semaphore, #tpu.memory_space<semaphore_mem>>) src(%arg8 : memref<50xf32, #tpu.memory_space<vmem>>) dst(%dma_wait3A_487 : memref<10000xf32, #tpu.memory_space<vmem_shared>>)
      %dma_start3A_488 = arith.constant 3 : i32
      %dma_start3A_489 = arith.constant 4 : i32
      %dma_start3A_490 = arith.constant 0 : i32
      %dma_start3A_491 = tpu.memref_slice %arg7[%dma_start3A_488, %dma_start3A_489, %dma_start3A_490] : memref<5x5x50xi32, #tpu.memory_space<vmem>> -> memref<1x1x50xi32, #tpu.memory_space<vmem>>
      %dma_start3A_492 = tpu.memref_squeeze %dma_start3A_491 : memref<1x1x50xi32, #tpu.memory_space<vmem>> -> memref<50xi32, #tpu.memory_space<vmem>>
      %dma_start3A_493 = arith.constant 0 : i32
      %dma_start3A_494 = tpu.memref_slice %arg9[%dma_start3A_493] : memref<10000xf32, #tpu.memory_space<vmem_shared>> -> memref<10000xf32, #tpu.memory_space<vmem_shared>>
      tpu.enqueue_indirect_dma source(%arg8 : memref<50xf32, #tpu.memory_space<vmem>>) target(%dma_start3A_494 : memref<10000xf32, #tpu.memory_space<vmem_shared>>) offsets(%dma_start3A_492 : memref<50xi32, #tpu.memory_space<vmem>>) semaphore(%arg19 : memref<!tpu.dma_semaphore, #tpu.memory_space<semaphore_mem>>) {add = true}
      %lt3A_495 = arith.constant 7 : i32
      %lt3A_496 = arith.cmpi slt, %scan3A_129, %lt3A_495 : i32
      %convert_element_type3A_497 = arith.extui %lt3A_496 : i1 to i32
      %cond3A_498 = arith.constant 0 : i32
      %cond3A_499 = arith.cmpi ne, %convert_element_type3A_497, %cond3A_498 : i32
      scf.if %cond3A_499 {
        %add3A_594 = arith.constant 4 : i32
        %add3A_595 = arith.addi %mul3A_131, %add3A_594 : i32
        %add3A_596 = arith.constant 3 : i32
        %add3A_597 = arith.addi %add3A_595, %add3A_596 : i32
        %dma_start3A_598 = arith.constant 2 : i32
        %dma_start3A_599 = arith.constant 0 : i32
        %dma_start3A_600 = arith.constant 0 : i32
        %dma_start3A_601 = tpu.memref_slice %arg7[%dma_start3A_598, %dma_start3A_599, %dma_start3A_600] : memref<5x5x50xi32, #tpu.memory_space<vmem>> -> memref<1x5x50xi32, #tpu.memory_space<vmem>>
        %dma_start3A_602 = tpu.memref_squeeze %dma_start3A_601 : memref<1x5x50xi32, #tpu.memory_space<vmem>> -> memref<5x50xi32, #tpu.memory_space<vmem>>
        %dma_start3A_603 = arith.constant 0 : i32
        %dma_start3A_604 = arith.constant 0 : i32
        %dma_start3A_605 = tpu.memref_slice %arg2[%add3A, %add3A_597, %dma_start3A_603, %dma_start3A_604] : memref<32x40x5x50xi32, #tpu.memory_space<hbm>> -> memref<1x1x5x50xi32, #tpu.memory_space<hbm>>
        %dma_start3A_606 = tpu.memref_squeeze %dma_start3A_605 : memref<1x1x5x50xi32, #tpu.memory_space<hbm>> -> memref<5x50xi32, #tpu.memory_space<hbm>>
        %dma_start3A_607 = arith.constant 0 : i32
        %dma_start3A_608 = arith.constant 0 : i32
        %dma_start3A_609 = tpu.memref_slice %arg7[%dma_start3A_598, %dma_start3A_607, %dma_start3A_608] : memref<5x5x50xi32, #tpu.memory_space<vmem>> -> memref<1x5x50xi32, #tpu.memory_space<vmem>>
        %dma_start3A_610 = tpu.memref_squeeze %dma_start3A_609 : memref<1x5x50xi32, #tpu.memory_space<vmem>> -> memref<5x50xi32, #tpu.memory_space<vmem>>
        %dma_start3A_611 = arith.constant 0 : i32
        %dma_start3A_612 = arith.constant 0 : i32
        %dma_start3A_613 = tpu.memref_slice %arg2[%add3A, %add3A_597, %dma_start3A_611, %dma_start3A_612] : memref<32x40x5x50xi32, #tpu.memory_space<hbm>> -> memref<1x1x5x50xi32, #tpu.memory_space<hbm>>
        %dma_start3A_614 = tpu.memref_squeeze %dma_start3A_613 : memref<1x1x5x50xi32, #tpu.memory_space<hbm>> -> memref<5x50xi32, #tpu.memory_space<hbm>>
        tpu.enqueue_dma source(%dma_start3A_614 : memref<5x50xi32, #tpu.memory_space<hbm>>) target(%dma_start3A_610 : memref<5x50xi32, #tpu.memory_space<vmem>>) target_semaphore(%arg12 : memref<!tpu.dma_semaphore, #tpu.memory_space<semaphore_mem>>)
      } else {
      }
      %add3A_500 = arith.constant 4 : i32
      %add3A_501 = arith.addi %mul3A_131, %add3A_500 : i32
      %dma_wait3A_502 = arith.constant 4 : i32
      %dma_wait3A_503 = arith.constant 0 : i32
      %dma_wait3A_504 = arith.constant 0 : i32
      %dma_wait3A_505 = tpu.memref_slice %arg7[%dma_wait3A_502, %dma_wait3A_503, %dma_wait3A_504] : memref<5x5x50xi32, #tpu.memory_space<vmem>> -> memref<1x5x50xi32, #tpu.memory_space<vmem>>
      %dma_wait3A_506 = tpu.memref_squeeze %dma_wait3A_505 : memref<1x5x50xi32, #tpu.memory_space<vmem>> -> memref<5x50xi32, #tpu.memory_space<vmem>>
      %dma_wait3A_507 = arith.constant 0 : i32
      %dma_wait3A_508 = arith.constant 0 : i32
      %dma_wait3A_509 = tpu.memref_slice %arg2[%add3A, %add3A_501, %dma_wait3A_507, %dma_wait3A_508] : memref<32x40x5x50xi32, #tpu.memory_space<hbm>> -> memref<1x1x5x50xi32, #tpu.memory_space<hbm>>
      %dma_wait3A_510 = tpu.memref_squeeze %dma_wait3A_509 : memref<1x1x5x50xi32, #tpu.memory_space<hbm>> -> memref<5x50xi32, #tpu.memory_space<hbm>>
      %dma_wait3A_511 = arith.constant 0 : i32
      %dma_wait3A_512 = arith.constant 0 : i32
      %dma_wait3A_513 = tpu.memref_slice %arg7[%dma_wait3A_502, %dma_wait3A_511, %dma_wait3A_512] : memref<5x5x50xi32, #tpu.memory_space<vmem>> -> memref<1x5x50xi32, #tpu.memory_space<vmem>>
      %dma_wait3A_514 = tpu.memref_squeeze %dma_wait3A_513 : memref<1x5x50xi32, #tpu.memory_space<vmem>> -> memref<5x50xi32, #tpu.memory_space<vmem>>
      %dma_wait3A_515 = arith.constant 0 : i32
      %dma_wait3A_516 = arith.constant 0 : i32
      %dma_wait3A_517 = tpu.memref_slice %arg2[%add3A, %add3A_501, %dma_wait3A_515, %dma_wait3A_516] : memref<32x40x5x50xi32, #tpu.memory_space<hbm>> -> memref<1x1x5x50xi32, #tpu.memory_space<hbm>>
      %dma_wait3A_518 = tpu.memref_squeeze %dma_wait3A_517 : memref<1x1x5x50xi32, #tpu.memory_space<hbm>> -> memref<5x50xi32, #tpu.memory_space<hbm>>
      tpu.wait_dma2 semaphore(%arg14 : memref<!tpu.dma_semaphore, #tpu.memory_space<semaphore_mem>>) src(%dma_wait3A_518 : memref<5x50xi32, #tpu.memory_space<hbm>>) dst(%dma_wait3A_514 : memref<5x50xi32, #tpu.memory_space<vmem>>)
      %dma_wait3A_519 = arith.constant 0 : i32
      %dma_wait3A_520 = arith.constant 0 : i32
      %dma_wait3A_521 = arith.constant 0 : i32
      %dma_wait3A_522 = tpu.memref_slice %arg7[%dma_wait3A_519, %dma_wait3A_520, %dma_wait3A_521] : memref<5x5x50xi32, #tpu.memory_space<vmem>> -> memref<1x1x50xi32, #tpu.memory_space<vmem>>
      %dma_wait3A_523 = tpu.memref_squeeze %dma_wait3A_522 : memref<1x1x50xi32, #tpu.memory_space<vmem>> -> memref<50xi32, #tpu.memory_space<vmem>>
      %dma_wait3A_524 = arith.constant 0 : i32
      %dma_wait3A_525 = tpu.memref_slice %arg9[%dma_wait3A_524] : memref<10000xf32, #tpu.memory_space<vmem_shared>> -> memref<10000xf32, #tpu.memory_space<vmem_shared>>
      tpu.wait_indirect_dma semaphore(%arg15 : memref<!tpu.dma_semaphore, #tpu.memory_space<semaphore_mem>>) src(%arg8 : memref<50xf32, #tpu.memory_space<vmem>>) dst(%dma_wait3A_525 : memref<10000xf32, #tpu.memory_space<vmem_shared>>)
      %dma_start3A_526 = arith.constant 4 : i32
      %dma_start3A_527 = arith.constant 0 : i32
      %dma_start3A_528 = arith.constant 0 : i32
      %dma_start3A_529 = tpu.memref_slice %arg7[%dma_start3A_526, %dma_start3A_527, %dma_start3A_528] : memref<5x5x50xi32, #tpu.memory_space<vmem>> -> memref<1x1x50xi32, #tpu.memory_space<vmem>>
      %dma_start3A_530 = tpu.memref_squeeze %dma_start3A_529 : memref<1x1x50xi32, #tpu.memory_space<vmem>> -> memref<50xi32, #tpu.memory_space<vmem>>
      %dma_start3A_531 = arith.constant 0 : i32
      %dma_start3A_532 = tpu.memref_slice %arg9[%dma_start3A_531] : memref<10000xf32, #tpu.memory_space<vmem_shared>> -> memref<10000xf32, #tpu.memory_space<vmem_shared>>
      tpu.enqueue_indirect_dma source(%arg8 : memref<50xf32, #tpu.memory_space<vmem>>) target(%dma_start3A_532 : memref<10000xf32, #tpu.memory_space<vmem_shared>>) offsets(%dma_start3A_530 : memref<50xi32, #tpu.memory_space<vmem>>) semaphore(%arg15 : memref<!tpu.dma_semaphore, #tpu.memory_space<semaphore_mem>>) {add = true}
      %dma_wait3A_533 = arith.constant 0 : i32
      %dma_wait3A_534 = arith.constant 1 : i32
      %dma_wait3A_535 = arith.constant 0 : i32
      %dma_wait3A_536 = tpu.memref_slice %arg7[%dma_wait3A_533, %dma_wait3A_534, %dma_wait3A_535] : memref<5x5x50xi32, #tpu.memory_space<vmem>> -> memref<1x1x50xi32, #tpu.memory_space<vmem>>
      %dma_wait3A_537 = tpu.memref_squeeze %dma_wait3A_536 : memref<1x1x50xi32, #tpu.memory_space<vmem>> -> memref<50xi32, #tpu.memory_space<vmem>>
      %dma_wait3A_538 = arith.constant 0 : i32
      %dma_wait3A_539 = tpu.memref_slice %arg9[%dma_wait3A_538] : memref<10000xf32, #tpu.memory_space<vmem_shared>> -> memref<10000xf32, #tpu.memory_space<vmem_shared>>
      tpu.wait_indirect_dma semaphore(%arg16 : memref<!tpu.dma_semaphore, #tpu.memory_space<semaphore_mem>>) src(%arg8 : memref<50xf32, #tpu.memory_space<vmem>>) dst(%dma_wait3A_539 : memref<10000xf32, #tpu.memory_space<vmem_shared>>)
      %dma_start3A_540 = arith.constant 4 : i32
      %dma_start3A_541 = arith.constant 1 : i32
      %dma_start3A_542 = arith.constant 0 : i32
      %dma_start3A_543 = tpu.memref_slice %arg7[%dma_start3A_540, %dma_start3A_541, %dma_start3A_542] : memref<5x5x50xi32, #tpu.memory_space<vmem>> -> memref<1x1x50xi32, #tpu.memory_space<vmem>>
      %dma_start3A_544 = tpu.memref_squeeze %dma_start3A_543 : memref<1x1x50xi32, #tpu.memory_space<vmem>> -> memref<50xi32, #tpu.memory_space<vmem>>
      %dma_start3A_545 = arith.constant 0 : i32
      %dma_start3A_546 = tpu.memref_slice %arg9[%dma_start3A_545] : memref<10000xf32, #tpu.memory_space<vmem_shared>> -> memref<10000xf32, #tpu.memory_space<vmem_shared>>
      tpu.enqueue_indirect_dma source(%arg8 : memref<50xf32, #tpu.memory_space<vmem>>) target(%dma_start3A_546 : memref<10000xf32, #tpu.memory_space<vmem_shared>>) offsets(%dma_start3A_544 : memref<50xi32, #tpu.memory_space<vmem>>) semaphore(%arg16 : memref<!tpu.dma_semaphore, #tpu.memory_space<semaphore_mem>>) {add = true}
      %dma_wait3A_547 = arith.constant 0 : i32
      %dma_wait3A_548 = arith.constant 2 : i32
      %dma_wait3A_549 = arith.constant 0 : i32
      %dma_wait3A_550 = tpu.memref_slice %arg7[%dma_wait3A_547, %dma_wait3A_548, %dma_wait3A_549] : memref<5x5x50xi32, #tpu.memory_space<vmem>> -> memref<1x1x50xi32, #tpu.memory_space<vmem>>
      %dma_wait3A_551 = tpu.memref_squeeze %dma_wait3A_550 : memref<1x1x50xi32, #tpu.memory_space<vmem>> -> memref<50xi32, #tpu.memory_space<vmem>>
      %dma_wait3A_552 = arith.constant 0 : i32
      %dma_wait3A_553 = tpu.memref_slice %arg9[%dma_wait3A_552] : memref<10000xf32, #tpu.memory_space<vmem_shared>> -> memref<10000xf32, #tpu.memory_space<vmem_shared>>
      tpu.wait_indirect_dma semaphore(%arg17 : memref<!tpu.dma_semaphore, #tpu.memory_space<semaphore_mem>>) src(%arg8 : memref<50xf32, #tpu.memory_space<vmem>>) dst(%dma_wait3A_553 : memref<10000xf32, #tpu.memory_space<vmem_shared>>)
      %dma_start3A_554 = arith.constant 4 : i32
      %dma_start3A_555 = arith.constant 2 : i32
      %dma_start3A_556 = arith.constant 0 : i32
      %dma_start3A_557 = tpu.memref_slice %arg7[%dma_start3A_554, %dma_start3A_555, %dma_start3A_556] : memref<5x5x50xi32, #tpu.memory_space<vmem>> -> memref<1x1x50xi32, #tpu.memory_space<vmem>>
      %dma_start3A_558 = tpu.memref_squeeze %dma_start3A_557 : memref<1x1x50xi32, #tpu.memory_space<vmem>> -> memref<50xi32, #tpu.memory_space<vmem>>
      %dma_start3A_559 = arith.constant 0 : i32
      %dma_start3A_560 = tpu.memref_slice %arg9[%dma_start3A_559] : memref<10000xf32, #tpu.memory_space<vmem_shared>> -> memref<10000xf32, #tpu.memory_space<vmem_shared>>
      tpu.enqueue_indirect_dma source(%arg8 : memref<50xf32, #tpu.memory_space<vmem>>) target(%dma_start3A_560 : memref<10000xf32, #tpu.memory_space<vmem_shared>>) offsets(%dma_start3A_558 : memref<50xi32, #tpu.memory_space<vmem>>) semaphore(%arg17 : memref<!tpu.dma_semaphore, #tpu.memory_space<semaphore_mem>>) {add = true}
      %dma_wait3A_561 = arith.constant 0 : i32
      %dma_wait3A_562 = arith.constant 3 : i32
      %dma_wait3A_563 = arith.constant 0 : i32
      %dma_wait3A_564 = tpu.memref_slice %arg7[%dma_wait3A_561, %dma_wait3A_562, %dma_wait3A_563] : memref<5x5x50xi32, #tpu.memory_space<vmem>> -> memref<1x1x50xi32, #tpu.memory_space<vmem>>
      %dma_wait3A_565 = tpu.memref_squeeze %dma_wait3A_564 : memref<1x1x50xi32, #tpu.memory_space<vmem>> -> memref<50xi32, #tpu.memory_space<vmem>>
      %dma_wait3A_566 = arith.constant 0 : i32
      %dma_wait3A_567 = tpu.memref_slice %arg9[%dma_wait3A_566] : memref<10000xf32, #tpu.memory_space<vmem_shared>> -> memref<10000xf32, #tpu.memory_space<vmem_shared>>
      tpu.wait_indirect_dma semaphore(%arg18 : memref<!tpu.dma_semaphore, #tpu.memory_space<semaphore_mem>>) src(%arg8 : memref<50xf32, #tpu.memory_space<vmem>>) dst(%dma_wait3A_567 : memref<10000xf32, #tpu.memory_space<vmem_shared>>)
      %dma_start3A_568 = arith.constant 4 : i32
      %dma_start3A_569 = arith.constant 3 : i32
      %dma_start3A_570 = arith.constant 0 : i32
      %dma_start3A_571 = tpu.memref_slice %arg7[%dma_start3A_568, %dma_start3A_569, %dma_start3A_570] : memref<5x5x50xi32, #tpu.memory_space<vmem>> -> memref<1x1x50xi32, #tpu.memory_space<vmem>>
      %dma_start3A_572 = tpu.memref_squeeze %dma_start3A_571 : memref<1x1x50xi32, #tpu.memory_space<vmem>> -> memref<50xi32, #tpu.memory_space<vmem>>
      %dma_start3A_573 = arith.constant 0 : i32
      %dma_start3A_574 = tpu.memref_slice %arg9[%dma_start3A_573] : memref<10000xf32, #tpu.memory_space<vmem_shared>> -> memref<10000xf32, #tpu.memory_space<vmem_shared>>
      tpu.enqueue_indirect_dma source(%arg8 : memref<50xf32, #tpu.memory_space<vmem>>) target(%dma_start3A_574 : memref<10000xf32, #tpu.memory_space<vmem_shared>>) offsets(%dma_start3A_572 : memref<50xi32, #tpu.memory_space<vmem>>) semaphore(%arg18 : memref<!tpu.dma_semaphore, #tpu.memory_space<semaphore_mem>>) {add = true}
      %dma_wait3A_575 = arith.constant 0 : i32
      %dma_wait3A_576 = arith.constant 4 : i32
      %dma_wait3A_577 = arith.constant 0 : i32
      %dma_wait3A_578 = tpu.memref_slice %arg7[%dma_wait3A_575, %dma_wait3A_576, %dma_wait3A_577] : memref<5x5x50xi32, #tpu.memory_space<vmem>> -> memref<1x1x50xi32, #tpu.memory_space<vmem>>
      %dma_wait3A_579 = tpu.memref_squeeze %dma_wait3A_578 : memref<1x1x50xi32, #tpu.memory_space<vmem>> -> memref<50xi32, #tpu.memory_space<vmem>>
      %dma_wait3A_580 = arith.constant 0 : i32
      %dma_wait3A_581 = tpu.memref_slice %arg9[%dma_wait3A_580] : memref<10000xf32, #tpu.memory_space<vmem_shared>> -> memref<10000xf32, #tpu.memory_space<vmem_shared>>
      tpu.wait_indirect_dma semaphore(%arg19 : memref<!tpu.dma_semaphore, #tpu.memory_space<semaphore_mem>>) src(%arg8 : memref<50xf32, #tpu.memory_space<vmem>>) dst(%dma_wait3A_581 : memref<10000xf32, #tpu.memory_space<vmem_shared>>)
      %dma_start3A_582 = arith.constant 4 : i32
      %dma_start3A_583 = arith.constant 4 : i32
      %dma_start3A_584 = arith.constant 0 : i32
      %dma_start3A_585 = tpu.memref_slice %arg7[%dma_start3A_582, %dma_start3A_583, %dma_start3A_584] : memref<5x5x50xi32, #tpu.memory_space<vmem>> -> memref<1x1x50xi32, #tpu.memory_space<vmem>>
      %dma_start3A_586 = tpu.memref_squeeze %dma_start3A_585 : memref<1x1x50xi32, #tpu.memory_space<vmem>> -> memref<50xi32, #tpu.memory_space<vmem>>
      %dma_start3A_587 = arith.constant 0 : i32
      %dma_start3A_588 = tpu.memref_slice %arg9[%dma_start3A_587] : memref<10000xf32, #tpu.memory_space<vmem_shared>> -> memref<10000xf32, #tpu.memory_space<vmem_shared>>
      tpu.enqueue_indirect_dma source(%arg8 : memref<50xf32, #tpu.memory_space<vmem>>) target(%dma_start3A_588 : memref<10000xf32, #tpu.memory_space<vmem_shared>>) offsets(%dma_start3A_586 : memref<50xi32, #tpu.memory_space<vmem>>) semaphore(%arg19 : memref<!tpu.dma_semaphore, #tpu.memory_space<semaphore_mem>>) {add = true}
      %lt3A_589 = arith.constant 7 : i32
      %lt3A_590 = arith.cmpi slt, %scan3A_129, %lt3A_589 : i32
      %convert_element_type3A_591 = arith.extui %lt3A_590 : i1 to i32
      %cond3A_592 = arith.constant 0 : i32
      %cond3A_593 = arith.cmpi ne, %convert_element_type3A_591, %cond3A_592 : i32
      scf.if %cond3A_593 {
        %add3A_594 = arith.constant 8 : i32
        %add3A_595 = arith.addi %mul3A_131, %add3A_594 : i32
        %dma_start3A_596 = arith.constant 3 : i32
        %dma_start3A_597 = arith.constant 0 : i32
        %dma_start3A_598 = arith.constant 0 : i32
        %dma_start3A_599 = tpu.memref_slice %arg7[%dma_start3A_596, %dma_start3A_597, %dma_start3A_598] : memref<5x5x50xi32, #tpu.memory_space<vmem>> -> memref<1x5x50xi32, #tpu.memory_space<vmem>>
        %dma_start3A_600 = tpu.memref_squeeze %dma_start3A_599 : memref<1x5x50xi32, #tpu.memory_space<vmem>> -> memref<5x50xi32, #tpu.memory_space<vmem>>
        %dma_start3A_601 = arith.constant 0 : i32
        %dma_start3A_602 = arith.constant 0 : i32
        %dma_start3A_603 = tpu.memref_slice %arg2[%add3A, %add3A_595, %dma_start3A_601, %dma_start3A_602] : memref<32x40x5x50xi32, #tpu.memory_space<hbm>> -> memref<1x1x5x50xi32, #tpu.memory_space<hbm>>
        %dma_start3A_604 = tpu.memref_squeeze %dma_start3A_603 : memref<1x1x5x50xi32, #tpu.memory_space<hbm>> -> memref<5x50xi32, #tpu.memory_space<hbm>>
        %dma_start3A_605 = arith.constant 0 : i32
        %dma_start3A_606 = arith.constant 0 : i32
        %dma_start3A_607 = tpu.memref_slice %arg7[%dma_start3A_596, %dma_start3A_605, %dma_start3A_606] : memref<5x5x50xi32, #tpu.memory_space<vmem>> -> memref<1x5x50xi32, #tpu.memory_space<vmem>>
        %dma_start3A_608 = tpu.memref_squeeze %dma_start3A_607 : memref<1x5x50xi32, #tpu.memory_space<vmem>> -> memref<5x50xi32, #tpu.memory_space<vmem>>
        %dma_start3A_609 = arith.constant 0 : i32
        %dma_start3A_610 = arith.constant 0 : i32
        %dma_start3A_611 = tpu.memref_slice %arg2[%add3A, %add3A_595, %dma_start3A_609, %dma_start3A_610] : memref<32x40x5x50xi32, #tpu.memory_space<hbm>> -> memref<1x1x5x50xi32, #tpu.memory_space<hbm>>
        %dma_start3A_612 = tpu.memref_squeeze %dma_start3A_611 : memref<1x1x5x50xi32, #tpu.memory_space<hbm>> -> memref<5x50xi32, #tpu.memory_space<hbm>>
        tpu.enqueue_dma source(%dma_start3A_612 : memref<5x50xi32, #tpu.memory_space<hbm>>) target(%dma_start3A_608 : memref<5x50xi32, #tpu.memory_space<vmem>>) target_semaphore(%arg13 : memref<!tpu.dma_semaphore, #tpu.memory_space<semaphore_mem>>)
      } else {
      }
    }
    %scan3A_78 = arith.constant 8 : i32
    %dma_wait3A = arith.constant 0 : i32
    %dma_wait3A_79 = arith.constant 0 : i32
    %dma_wait3A_80 = arith.constant 0 : i32
    %dma_wait3A_81 = tpu.memref_slice %arg7[%dma_wait3A, %dma_wait3A_79, %dma_wait3A_80] : memref<5x5x50xi32, #tpu.memory_space<vmem>> -> memref<1x1x50xi32, #tpu.memory_space<vmem>>
    %dma_wait3A_82 = tpu.memref_squeeze %dma_wait3A_81 : memref<1x1x50xi32, #tpu.memory_space<vmem>> -> memref<50xi32, #tpu.memory_space<vmem>>
    %dma_wait3A_83 = arith.constant 0 : i32
    %dma_wait3A_84 = tpu.memref_slice %arg9[%dma_wait3A_83] : memref<10000xf32, #tpu.memory_space<vmem_shared>> -> memref<10000xf32, #tpu.memory_space<vmem_shared>>
    tpu.wait_indirect_dma semaphore(%arg15 : memref<!tpu.dma_semaphore, #tpu.memory_space<semaphore_mem>>) src(%arg8 : memref<50xf32, #tpu.memory_space<vmem>>) dst(%dma_wait3A_84 : memref<10000xf32, #tpu.memory_space<vmem_shared>>)
    %dma_wait3A_85 = arith.constant 0 : i32
    %dma_wait3A_86 = arith.constant 1 : i32
    %dma_wait3A_87 = arith.constant 0 : i32
    %dma_wait3A_88 = tpu.memref_slice %arg7[%dma_wait3A_85, %dma_wait3A_86, %dma_wait3A_87] : memref<5x5x50xi32, #tpu.memory_space<vmem>> -> memref<1x1x50xi32, #tpu.memory_space<vmem>>
    %dma_wait3A_89 = tpu.memref_squeeze %dma_wait3A_88 : memref<1x1x50xi32, #tpu.memory_space<vmem>> -> memref<50xi32, #tpu.memory_space<vmem>>
    %dma_wait3A_90 = arith.constant 0 : i32
    %dma_wait3A_91 = tpu.memref_slice %arg9[%dma_wait3A_90] : memref<10000xf32, #tpu.memory_space<vmem_shared>> -> memref<10000xf32, #tpu.memory_space<vmem_shared>>
    tpu.wait_indirect_dma semaphore(%arg16 : memref<!tpu.dma_semaphore, #tpu.memory_space<semaphore_mem>>) src(%arg8 : memref<50xf32, #tpu.memory_space<vmem>>) dst(%dma_wait3A_91 : memref<10000xf32, #tpu.memory_space<vmem_shared>>)
    %dma_wait3A_92 = arith.constant 0 : i32
    %dma_wait3A_93 = arith.constant 2 : i32
    %dma_wait3A_94 = arith.constant 0 : i32
    %dma_wait3A_95 = tpu.memref_slice %arg7[%dma_wait3A_92, %dma_wait3A_93, %dma_wait3A_94] : memref<5x5x50xi32, #tpu.memory_space<vmem>> -> memref<1x1x50xi32, #tpu.memory_space<vmem>>
    %dma_wait3A_96 = tpu.memref_squeeze %dma_wait3A_95 : memref<1x1x50xi32, #tpu.memory_space<vmem>> -> memref<50xi32, #tpu.memory_space<vmem>>
    %dma_wait3A_97 = arith.constant 0 : i32
    %dma_wait3A_98 = tpu.memref_slice %arg9[%dma_wait3A_97] : memref<10000xf32, #tpu.memory_space<vmem_shared>> -> memref<10000xf32, #tpu.memory_space<vmem_shared>>
    tpu.wait_indirect_dma semaphore(%arg17 : memref<!tpu.dma_semaphore, #tpu.memory_space<semaphore_mem>>) src(%arg8 : memref<50xf32, #tpu.memory_space<vmem>>) dst(%dma_wait3A_98 : memref<10000xf32, #tpu.memory_space<vmem_shared>>)
    %dma_wait3A_99 = arith.constant 0 : i32
    %dma_wait3A_100 = arith.constant 3 : i32
    %dma_wait3A_101 = arith.constant 0 : i32
    %dma_wait3A_102 = tpu.memref_slice %arg7[%dma_wait3A_99, %dma_wait3A_100, %dma_wait3A_101] : memref<5x5x50xi32, #tpu.memory_space<vmem>> -> memref<1x1x50xi32, #tpu.memory_space<vmem>>
    %dma_wait3A_103 = tpu.memref_squeeze %dma_wait3A_102 : memref<1x1x50xi32, #tpu.memory_space<vmem>> -> memref<50xi32, #tpu.memory_space<vmem>>
    %dma_wait3A_104 = arith.constant 0 : i32
    %dma_wait3A_105 = tpu.memref_slice %arg9[%dma_wait3A_104] : memref<10000xf32, #tpu.memory_space<vmem_shared>> -> memref<10000xf32, #tpu.memory_space<vmem_shared>>
    tpu.wait_indirect_dma semaphore(%arg18 : memref<!tpu.dma_semaphore, #tpu.memory_space<semaphore_mem>>) src(%arg8 : memref<50xf32, #tpu.memory_space<vmem>>) dst(%dma_wait3A_105 : memref<10000xf32, #tpu.memory_space<vmem_shared>>)
    %dma_wait3A_106 = arith.constant 0 : i32
    %dma_wait3A_107 = arith.constant 4 : i32
    %dma_wait3A_108 = arith.constant 0 : i32
    %dma_wait3A_109 = tpu.memref_slice %arg7[%dma_wait3A_106, %dma_wait3A_107, %dma_wait3A_108] : memref<5x5x50xi32, #tpu.memory_space<vmem>> -> memref<1x1x50xi32, #tpu.memory_space<vmem>>
    %dma_wait3A_110 = tpu.memref_squeeze %dma_wait3A_109 : memref<1x1x50xi32, #tpu.memory_space<vmem>> -> memref<50xi32, #tpu.memory_space<vmem>>
    %dma_wait3A_111 = arith.constant 0 : i32
    %dma_wait3A_112 = tpu.memref_slice %arg9[%dma_wait3A_111] : memref<10000xf32, #tpu.memory_space<vmem_shared>> -> memref<10000xf32, #tpu.memory_space<vmem_shared>>
    tpu.wait_indirect_dma semaphore(%arg19 : memref<!tpu.dma_semaphore, #tpu.memory_space<semaphore_mem>>) src(%arg8 : memref<50xf32, #tpu.memory_space<vmem>>) dst(%dma_wait3A_112 : memref<10000xf32, #tpu.memory_space<vmem_shared>>)
    %barrier3A_113 = arith.constant 0 : index
    tpu.barrier barrier_id(%barrier3A_113)
    %eq3A_114 = arith.constant 0 : i32
    %eq3A_115 = arith.cmpi eq, %arg1, %eq3A_114 : i32
    %eq3A_116 = arith.constant 0 : i32
    %eq3A_117 = arith.cmpi eq, %arg0, %eq3A_116 : i32
    %and3A = arith.andi %eq3A_115, %eq3A_117 : i1
    %convert_element_type3A_118 = arith.extui %and3A : i1 to i32
    %cond3A_119 = arith.constant 0 : i32
    %cond3A_120 = arith.cmpi ne, %convert_element_type3A_118, %cond3A_119 : i32
    scf.if %cond3A_120 {
      "tpu.region"() ({
        %run_scoped3A = tpu.sem_alloc : memref<!tpu.dma_semaphore, #tpu.memory_space<semaphore_mem>>
        tpu.enqueue_dma source(%arg9 : memref<10000xf32, #tpu.memory_space<vmem_shared>>) target(%arg5 : memref<10000xf32, #tpu.memory_space<hbm>>) target_semaphore(%run_scoped3A : memref<!tpu.dma_semaphore, #tpu.memory_space<semaphore_mem>>)
        tpu.wait_dma2 semaphore(%run_scoped3A : memref<!tpu.dma_semaphore, #tpu.memory_space<semaphore_mem>>) src(%arg9 : memref<10000xf32, #tpu.memory_space<vmem_shared>>) dst(%arg5 : memref<10000xf32, #tpu.memory_space<hbm>>)
        tpu.yield
      }) : () -> ()
    } else {
    }
    %eq3A_121 = arith.constant 0 : i32
    %eq3A_122 = arith.cmpi eq, %arg1, %eq3A_121 : i32
    %eq3A_123 = arith.constant 1 : i32
    %eq3A_124 = arith.cmpi eq, %arg0, %eq3A_123 : i32
    %and3A_125 = arith.andi %eq3A_122, %eq3A_124 : i1
    %convert_element_type3A_126 = arith.extui %and3A_125 : i1 to i32
    %cond3A_127 = arith.constant 0 : i32
    %cond3A_128 = arith.cmpi ne, %convert_element_type3A_126, %cond3A_127 : i32
    scf.if %cond3A_128 {
      "tpu.region"() ({
        %run_scoped3A = tpu.sem_alloc : memref<!tpu.dma_semaphore, #tpu.memory_space<semaphore_mem>>
        tpu.enqueue_dma source(%arg9 : memref<10000xf32, #tpu.memory_space<vmem_shared>>) target(%arg6 : memref<10000xf32, #tpu.memory_space<hbm>>) target_semaphore(%run_scoped3A : memref<!tpu.dma_semaphore, #tpu.memory_space<semaphore_mem>>)
        tpu.wait_dma2 semaphore(%run_scoped3A : memref<!tpu.dma_semaphore, #tpu.memory_space<semaphore_mem>>) src(%arg9 : memref<10000xf32, #tpu.memory_space<vmem_shared>>) dst(%arg6 : memref<10000xf32, #tpu.memory_space<hbm>>)
        tpu.yield
      }) : () -> ()
    } else {
    }
    return
  }
}

#map = affine_map<(d0, d1) -> (0, 0)>
#map1 = affine_map<(d0, d1) -> (0, 0, 0, 0)>
#map2 = affine_map<(d0, d1) -> (0, 0, 0)>
module attributes {stable_mosaic.version = 14 : i64} {
  func.func @_agg_kernel(%arg0: i32, %arg1: i32, %arg2: memref<10000x128xf32, #tpu.memory_space<hbm>>, %arg3: memref<32x40x5x50xi32, #tpu.memory_space<hbm>>, %arg4: memref<32x40x5x50xi32, #tpu.memory_space<hbm>>, %arg5: memref<10112x128xf32, #tpu.memory_space<hbm>>, %arg6: memref<2x10112x128xf32, #tpu.memory_space<hbm>>, %arg7: memref<5x5x50xi32, #tpu.memory_space<vmem>>, %arg8: memref<5x5x50xi32, #tpu.memory_space<vmem>>, %arg9: memref<5x50x128xf32, #tpu.memory_space<vmem>>, %arg10: memref<10112x128xf32, #tpu.memory_space<vmem_shared>>, %arg11: memref<!tpu.dma_semaphore, #tpu.memory_space<semaphore_mem>>, %arg12: memref<!tpu.dma_semaphore, #tpu.memory_space<semaphore_mem>>, %arg13: memref<!tpu.dma_semaphore, #tpu.memory_space<semaphore_mem>>, %arg14: memref<!tpu.dma_semaphore, #tpu.memory_space<semaphore_mem>>, %arg15: memref<!tpu.dma_semaphore, #tpu.memory_space<semaphore_mem>>, %arg16: memref<!tpu.dma_semaphore, #tpu.memory_space<semaphore_mem>>, %arg17: memref<!tpu.dma_semaphore, #tpu.memory_space<semaphore_mem>>, %arg18: memref<!tpu.dma_semaphore, #tpu.memory_space<semaphore_mem>>, %arg19: memref<!tpu.dma_semaphore, #tpu.memory_space<semaphore_mem>>, %arg20: memref<!tpu.dma_semaphore, #tpu.memory_space<semaphore_mem>>, %arg21: memref<!tpu.dma_semaphore, #tpu.memory_space<semaphore_mem>>, %arg22: memref<!tpu.dma_semaphore, #tpu.memory_space<semaphore_mem>>, %arg23: memref<!tpu.dma_semaphore, #tpu.memory_space<semaphore_mem>>, %arg24: memref<!tpu.dma_semaphore, #tpu.memory_space<semaphore_mem>>, %arg25: memref<!tpu.dma_semaphore, #tpu.memory_space<semaphore_mem>>, %arg26: memref<!tpu.dma_semaphore, #tpu.memory_space<semaphore_mem>>) attributes {dimension_semantics = [#tpu.dimension_semantics<core_parallel>, #tpu.dimension_semantics<subcore_parallel>], iteration_bounds = array<i64: 2, 16>, scalar_prefetch = 0 : i64, scratch_operands = 20 : i64, tpu.core_type = #tpu.core_type<sc_vector_subcore>, window_params = [{transform_indices = #map}, {transform_indices = #map1}, {transform_indices = #map1}, {transform_indices = #map}, {transform_indices = #map2}]} {
    %mul3A = arith.constant 16 : i32
    %mul3A_0 = arith.muli %arg0, %mul3A : i32
    %add3A = arith.addi %mul3A_0, %arg1 : i32
    %mul3A_1 = arith.constant 632 : i32
    %mul3A_2 = arith.muli %arg1, %mul3A_1 : i32
    %dma_start3A = arith.constant 0 : i32
    %dma_start3A_3 = tpu.memref_slice %arg10[%mul3A_2, %dma_start3A] : memref<10112x128xf32, #tpu.memory_space<vmem_shared>> -> memref<632x128xf32, #tpu.memory_space<vmem_shared>>
    %dma_start3A_4 = arith.constant 0 : i32
    %dma_start3A_5 = tpu.memref_slice %arg5[%mul3A_2, %dma_start3A_4] : memref<10112x128xf32, #tpu.memory_space<hbm>> -> memref<632x128xf32, #tpu.memory_space<hbm>>
    tpu.enqueue_dma source(%dma_start3A_5 : memref<632x128xf32, #tpu.memory_space<hbm>>) target(%dma_start3A_3 : memref<632x128xf32, #tpu.memory_space<vmem_shared>>) target_semaphore(%arg11 : memref<!tpu.dma_semaphore, #tpu.memory_space<semaphore_mem>>)
    %dma_start3A_6 = arith.constant 0 : i32
    %dma_start3A_7 = arith.constant 0 : i32
    %dma_start3A_8 = arith.constant 0 : i32
    %dma_start3A_9 = arith.constant 0 : i32
    %dma_start3A_10 = tpu.memref_slice %arg7[%dma_start3A_7, %dma_start3A_8, %dma_start3A_9] : memref<5x5x50xi32, #tpu.memory_space<vmem>> -> memref<1x5x50xi32, #tpu.memory_space<vmem>>
    %dma_start3A_11 = tpu.memref_squeeze %dma_start3A_10 : memref<1x5x50xi32, #tpu.memory_space<vmem>> -> memref<5x50xi32, #tpu.memory_space<vmem>>
    %dma_start3A_12 = arith.constant 0 : i32
    %dma_start3A_13 = arith.constant 0 : i32
    %dma_start3A_14 = tpu.memref_slice %arg3[%add3A, %dma_start3A_6, %dma_start3A_12, %dma_start3A_13] : memref<32x40x5x50xi32, #tpu.memory_space<hbm>> -> memref<1x1x5x50xi32, #tpu.memory_space<hbm>>
    %dma_start3A_15 = tpu.memref_squeeze %dma_start3A_14 : memref<1x1x5x50xi32, #tpu.memory_space<hbm>> -> memref<5x50xi32, #tpu.memory_space<hbm>>
    %dma_start3A_16 = arith.constant 0 : i32
    %dma_start3A_17 = arith.constant 0 : i32
    %dma_start3A_18 = tpu.memref_slice %arg7[%dma_start3A_7, %dma_start3A_16, %dma_start3A_17] : memref<5x5x50xi32, #tpu.memory_space<vmem>> -> memref<1x5x50xi32, #tpu.memory_space<vmem>>
    %dma_start3A_19 = tpu.memref_squeeze %dma_start3A_18 : memref<1x5x50xi32, #tpu.memory_space<vmem>> -> memref<5x50xi32, #tpu.memory_space<vmem>>
    %dma_start3A_20 = arith.constant 0 : i32
    %dma_start3A_21 = arith.constant 0 : i32
    %dma_start3A_22 = tpu.memref_slice %arg3[%add3A, %dma_start3A_6, %dma_start3A_20, %dma_start3A_21] : memref<32x40x5x50xi32, #tpu.memory_space<hbm>> -> memref<1x1x5x50xi32, #tpu.memory_space<hbm>>
    %dma_start3A_23 = tpu.memref_squeeze %dma_start3A_22 : memref<1x1x5x50xi32, #tpu.memory_space<hbm>> -> memref<5x50xi32, #tpu.memory_space<hbm>>
    tpu.enqueue_dma source(%dma_start3A_23 : memref<5x50xi32, #tpu.memory_space<hbm>>) target(%dma_start3A_19 : memref<5x50xi32, #tpu.memory_space<vmem>>) target_semaphore(%arg12 : memref<!tpu.dma_semaphore, #tpu.memory_space<semaphore_mem>>)
    %dma_start3A_24 = arith.constant 0 : i32
    %dma_start3A_25 = arith.constant 0 : i32
    %dma_start3A_26 = arith.constant 0 : i32
    %dma_start3A_27 = arith.constant 0 : i32
    %dma_start3A_28 = tpu.memref_slice %arg8[%dma_start3A_25, %dma_start3A_26, %dma_start3A_27] : memref<5x5x50xi32, #tpu.memory_space<vmem>> -> memref<1x5x50xi32, #tpu.memory_space<vmem>>
    %dma_start3A_29 = tpu.memref_squeeze %dma_start3A_28 : memref<1x5x50xi32, #tpu.memory_space<vmem>> -> memref<5x50xi32, #tpu.memory_space<vmem>>
    %dma_start3A_30 = arith.constant 0 : i32
    %dma_start3A_31 = arith.constant 0 : i32
    %dma_start3A_32 = tpu.memref_slice %arg4[%add3A, %dma_start3A_24, %dma_start3A_30, %dma_start3A_31] : memref<32x40x5x50xi32, #tpu.memory_space<hbm>> -> memref<1x1x5x50xi32, #tpu.memory_space<hbm>>
    %dma_start3A_33 = tpu.memref_squeeze %dma_start3A_32 : memref<1x1x5x50xi32, #tpu.memory_space<hbm>> -> memref<5x50xi32, #tpu.memory_space<hbm>>
    %dma_start3A_34 = arith.constant 0 : i32
    %dma_start3A_35 = arith.constant 0 : i32
    %dma_start3A_36 = tpu.memref_slice %arg8[%dma_start3A_25, %dma_start3A_34, %dma_start3A_35] : memref<5x5x50xi32, #tpu.memory_space<vmem>> -> memref<1x5x50xi32, #tpu.memory_space<vmem>>
    %dma_start3A_37 = tpu.memref_squeeze %dma_start3A_36 : memref<1x5x50xi32, #tpu.memory_space<vmem>> -> memref<5x50xi32, #tpu.memory_space<vmem>>
    %dma_start3A_38 = arith.constant 0 : i32
    %dma_start3A_39 = arith.constant 0 : i32
    %dma_start3A_40 = tpu.memref_slice %arg4[%add3A, %dma_start3A_24, %dma_start3A_38, %dma_start3A_39] : memref<32x40x5x50xi32, #tpu.memory_space<hbm>> -> memref<1x1x5x50xi32, #tpu.memory_space<hbm>>
    %dma_start3A_41 = tpu.memref_squeeze %dma_start3A_40 : memref<1x1x5x50xi32, #tpu.memory_space<hbm>> -> memref<5x50xi32, #tpu.memory_space<hbm>>
    tpu.enqueue_dma source(%dma_start3A_41 : memref<5x50xi32, #tpu.memory_space<hbm>>) target(%dma_start3A_37 : memref<5x50xi32, #tpu.memory_space<vmem>>) target_semaphore(%arg12 : memref<!tpu.dma_semaphore, #tpu.memory_space<semaphore_mem>>)
    %dma_start3A_42 = arith.constant 1 : i32
    %dma_start3A_43 = arith.constant 1 : i32
    %dma_start3A_44 = arith.constant 0 : i32
    %dma_start3A_45 = arith.constant 0 : i32
    %dma_start3A_46 = tpu.memref_slice %arg7[%dma_start3A_43, %dma_start3A_44, %dma_start3A_45] : memref<5x5x50xi32, #tpu.memory_space<vmem>> -> memref<1x5x50xi32, #tpu.memory_space<vmem>>
    %dma_start3A_47 = tpu.memref_squeeze %dma_start3A_46 : memref<1x5x50xi32, #tpu.memory_space<vmem>> -> memref<5x50xi32, #tpu.memory_space<vmem>>
    %dma_start3A_48 = arith.constant 0 : i32
    %dma_start3A_49 = arith.constant 0 : i32
    %dma_start3A_50 = tpu.memref_slice %arg3[%add3A, %dma_start3A_42, %dma_start3A_48, %dma_start3A_49] : memref<32x40x5x50xi32, #tpu.memory_space<hbm>> -> memref<1x1x5x50xi32, #tpu.memory_space<hbm>>
    %dma_start3A_51 = tpu.memref_squeeze %dma_start3A_50 : memref<1x1x5x50xi32, #tpu.memory_space<hbm>> -> memref<5x50xi32, #tpu.memory_space<hbm>>
    %dma_start3A_52 = arith.constant 0 : i32
    %dma_start3A_53 = arith.constant 0 : i32
    %dma_start3A_54 = tpu.memref_slice %arg7[%dma_start3A_43, %dma_start3A_52, %dma_start3A_53] : memref<5x5x50xi32, #tpu.memory_space<vmem>> -> memref<1x5x50xi32, #tpu.memory_space<vmem>>
    %dma_start3A_55 = tpu.memref_squeeze %dma_start3A_54 : memref<1x5x50xi32, #tpu.memory_space<vmem>> -> memref<5x50xi32, #tpu.memory_space<vmem>>
    %dma_start3A_56 = arith.constant 0 : i32
    %dma_start3A_57 = arith.constant 0 : i32
    %dma_start3A_58 = tpu.memref_slice %arg3[%add3A, %dma_start3A_42, %dma_start3A_56, %dma_start3A_57] : memref<32x40x5x50xi32, #tpu.memory_space<hbm>> -> memref<1x1x5x50xi32, #tpu.memory_space<hbm>>
    %dma_start3A_59 = tpu.memref_squeeze %dma_start3A_58 : memref<1x1x5x50xi32, #tpu.memory_space<hbm>> -> memref<5x50xi32, #tpu.memory_space<hbm>>
    tpu.enqueue_dma source(%dma_start3A_59 : memref<5x50xi32, #tpu.memory_space<hbm>>) target(%dma_start3A_55 : memref<5x50xi32, #tpu.memory_space<vmem>>) target_semaphore(%arg13 : memref<!tpu.dma_semaphore, #tpu.memory_space<semaphore_mem>>)
    %dma_start3A_60 = arith.constant 1 : i32
    %dma_start3A_61 = arith.constant 1 : i32
    %dma_start3A_62 = arith.constant 0 : i32
    %dma_start3A_63 = arith.constant 0 : i32
    %dma_start3A_64 = tpu.memref_slice %arg8[%dma_start3A_61, %dma_start3A_62, %dma_start3A_63] : memref<5x5x50xi32, #tpu.memory_space<vmem>> -> memref<1x5x50xi32, #tpu.memory_space<vmem>>
    %dma_start3A_65 = tpu.memref_squeeze %dma_start3A_64 : memref<1x5x50xi32, #tpu.memory_space<vmem>> -> memref<5x50xi32, #tpu.memory_space<vmem>>
    %dma_start3A_66 = arith.constant 0 : i32
    %dma_start3A_67 = arith.constant 0 : i32
    %dma_start3A_68 = tpu.memref_slice %arg4[%add3A, %dma_start3A_60, %dma_start3A_66, %dma_start3A_67] : memref<32x40x5x50xi32, #tpu.memory_space<hbm>> -> memref<1x1x5x50xi32, #tpu.memory_space<hbm>>
    %dma_start3A_69 = tpu.memref_squeeze %dma_start3A_68 : memref<1x1x5x50xi32, #tpu.memory_space<hbm>> -> memref<5x50xi32, #tpu.memory_space<hbm>>
    %dma_start3A_70 = arith.constant 0 : i32
    %dma_start3A_71 = arith.constant 0 : i32
    %dma_start3A_72 = tpu.memref_slice %arg8[%dma_start3A_61, %dma_start3A_70, %dma_start3A_71] : memref<5x5x50xi32, #tpu.memory_space<vmem>> -> memref<1x5x50xi32, #tpu.memory_space<vmem>>
    %dma_start3A_73 = tpu.memref_squeeze %dma_start3A_72 : memref<1x5x50xi32, #tpu.memory_space<vmem>> -> memref<5x50xi32, #tpu.memory_space<vmem>>
    %dma_start3A_74 = arith.constant 0 : i32
    %dma_start3A_75 = arith.constant 0 : i32
    %dma_start3A_76 = tpu.memref_slice %arg4[%add3A, %dma_start3A_60, %dma_start3A_74, %dma_start3A_75] : memref<32x40x5x50xi32, #tpu.memory_space<hbm>> -> memref<1x1x5x50xi32, #tpu.memory_space<hbm>>
    %dma_start3A_77 = tpu.memref_squeeze %dma_start3A_76 : memref<1x1x5x50xi32, #tpu.memory_space<hbm>> -> memref<5x50xi32, #tpu.memory_space<hbm>>
    tpu.enqueue_dma source(%dma_start3A_77 : memref<5x50xi32, #tpu.memory_space<hbm>>) target(%dma_start3A_73 : memref<5x50xi32, #tpu.memory_space<vmem>>) target_semaphore(%arg13 : memref<!tpu.dma_semaphore, #tpu.memory_space<semaphore_mem>>)
    %dma_start3A_78 = arith.constant 2 : i32
    %dma_start3A_79 = arith.constant 2 : i32
    %dma_start3A_80 = arith.constant 0 : i32
    %dma_start3A_81 = arith.constant 0 : i32
    %dma_start3A_82 = tpu.memref_slice %arg7[%dma_start3A_79, %dma_start3A_80, %dma_start3A_81] : memref<5x5x50xi32, #tpu.memory_space<vmem>> -> memref<1x5x50xi32, #tpu.memory_space<vmem>>
    %dma_start3A_83 = tpu.memref_squeeze %dma_start3A_82 : memref<1x5x50xi32, #tpu.memory_space<vmem>> -> memref<5x50xi32, #tpu.memory_space<vmem>>
    %dma_start3A_84 = arith.constant 0 : i32
    %dma_start3A_85 = arith.constant 0 : i32
    %dma_start3A_86 = tpu.memref_slice %arg3[%add3A, %dma_start3A_78, %dma_start3A_84, %dma_start3A_85] : memref<32x40x5x50xi32, #tpu.memory_space<hbm>> -> memref<1x1x5x50xi32, #tpu.memory_space<hbm>>
    %dma_start3A_87 = tpu.memref_squeeze %dma_start3A_86 : memref<1x1x5x50xi32, #tpu.memory_space<hbm>> -> memref<5x50xi32, #tpu.memory_space<hbm>>
    %dma_start3A_88 = arith.constant 0 : i32
    %dma_start3A_89 = arith.constant 0 : i32
    %dma_start3A_90 = tpu.memref_slice %arg7[%dma_start3A_79, %dma_start3A_88, %dma_start3A_89] : memref<5x5x50xi32, #tpu.memory_space<vmem>> -> memref<1x5x50xi32, #tpu.memory_space<vmem>>
    %dma_start3A_91 = tpu.memref_squeeze %dma_start3A_90 : memref<1x5x50xi32, #tpu.memory_space<vmem>> -> memref<5x50xi32, #tpu.memory_space<vmem>>
    %dma_start3A_92 = arith.constant 0 : i32
    %dma_start3A_93 = arith.constant 0 : i32
    %dma_start3A_94 = tpu.memref_slice %arg3[%add3A, %dma_start3A_78, %dma_start3A_92, %dma_start3A_93] : memref<32x40x5x50xi32, #tpu.memory_space<hbm>> -> memref<1x1x5x50xi32, #tpu.memory_space<hbm>>
    %dma_start3A_95 = tpu.memref_squeeze %dma_start3A_94 : memref<1x1x5x50xi32, #tpu.memory_space<hbm>> -> memref<5x50xi32, #tpu.memory_space<hbm>>
    tpu.enqueue_dma source(%dma_start3A_95 : memref<5x50xi32, #tpu.memory_space<hbm>>) target(%dma_start3A_91 : memref<5x50xi32, #tpu.memory_space<vmem>>) target_semaphore(%arg14 : memref<!tpu.dma_semaphore, #tpu.memory_space<semaphore_mem>>)
    %dma_start3A_96 = arith.constant 2 : i32
    %dma_start3A_97 = arith.constant 2 : i32
    %dma_start3A_98 = arith.constant 0 : i32
    %dma_start3A_99 = arith.constant 0 : i32
    %dma_start3A_100 = tpu.memref_slice %arg8[%dma_start3A_97, %dma_start3A_98, %dma_start3A_99] : memref<5x5x50xi32, #tpu.memory_space<vmem>> -> memref<1x5x50xi32, #tpu.memory_space<vmem>>
    %dma_start3A_101 = tpu.memref_squeeze %dma_start3A_100 : memref<1x5x50xi32, #tpu.memory_space<vmem>> -> memref<5x50xi32, #tpu.memory_space<vmem>>
    %dma_start3A_102 = arith.constant 0 : i32
    %dma_start3A_103 = arith.constant 0 : i32
    %dma_start3A_104 = tpu.memref_slice %arg4[%add3A, %dma_start3A_96, %dma_start3A_102, %dma_start3A_103] : memref<32x40x5x50xi32, #tpu.memory_space<hbm>> -> memref<1x1x5x50xi32, #tpu.memory_space<hbm>>
    %dma_start3A_105 = tpu.memref_squeeze %dma_start3A_104 : memref<1x1x5x50xi32, #tpu.memory_space<hbm>> -> memref<5x50xi32, #tpu.memory_space<hbm>>
    %dma_start3A_106 = arith.constant 0 : i32
    %dma_start3A_107 = arith.constant 0 : i32
    %dma_start3A_108 = tpu.memref_slice %arg8[%dma_start3A_97, %dma_start3A_106, %dma_start3A_107] : memref<5x5x50xi32, #tpu.memory_space<vmem>> -> memref<1x5x50xi32, #tpu.memory_space<vmem>>
    %dma_start3A_109 = tpu.memref_squeeze %dma_start3A_108 : memref<1x5x50xi32, #tpu.memory_space<vmem>> -> memref<5x50xi32, #tpu.memory_space<vmem>>
    %dma_start3A_110 = arith.constant 0 : i32
    %dma_start3A_111 = arith.constant 0 : i32
    %dma_start3A_112 = tpu.memref_slice %arg4[%add3A, %dma_start3A_96, %dma_start3A_110, %dma_start3A_111] : memref<32x40x5x50xi32, #tpu.memory_space<hbm>> -> memref<1x1x5x50xi32, #tpu.memory_space<hbm>>
    %dma_start3A_113 = tpu.memref_squeeze %dma_start3A_112 : memref<1x1x5x50xi32, #tpu.memory_space<hbm>> -> memref<5x50xi32, #tpu.memory_space<hbm>>
    tpu.enqueue_dma source(%dma_start3A_113 : memref<5x50xi32, #tpu.memory_space<hbm>>) target(%dma_start3A_109 : memref<5x50xi32, #tpu.memory_space<vmem>>) target_semaphore(%arg14 : memref<!tpu.dma_semaphore, #tpu.memory_space<semaphore_mem>>)
    %dma_start3A_114 = arith.constant 3 : i32
    %dma_start3A_115 = arith.constant 3 : i32
    %dma_start3A_116 = arith.constant 0 : i32
    %dma_start3A_117 = arith.constant 0 : i32
    %dma_start3A_118 = tpu.memref_slice %arg7[%dma_start3A_115, %dma_start3A_116, %dma_start3A_117] : memref<5x5x50xi32, #tpu.memory_space<vmem>> -> memref<1x5x50xi32, #tpu.memory_space<vmem>>
    %dma_start3A_119 = tpu.memref_squeeze %dma_start3A_118 : memref<1x5x50xi32, #tpu.memory_space<vmem>> -> memref<5x50xi32, #tpu.memory_space<vmem>>
    %dma_start3A_120 = arith.constant 0 : i32
    %dma_start3A_121 = arith.constant 0 : i32
    %dma_start3A_122 = tpu.memref_slice %arg3[%add3A, %dma_start3A_114, %dma_start3A_120, %dma_start3A_121] : memref<32x40x5x50xi32, #tpu.memory_space<hbm>> -> memref<1x1x5x50xi32, #tpu.memory_space<hbm>>
    %dma_start3A_123 = tpu.memref_squeeze %dma_start3A_122 : memref<1x1x5x50xi32, #tpu.memory_space<hbm>> -> memref<5x50xi32, #tpu.memory_space<hbm>>
    %dma_start3A_124 = arith.constant 0 : i32
    %dma_start3A_125 = arith.constant 0 : i32
    %dma_start3A_126 = tpu.memref_slice %arg7[%dma_start3A_115, %dma_start3A_124, %dma_start3A_125] : memref<5x5x50xi32, #tpu.memory_space<vmem>> -> memref<1x5x50xi32, #tpu.memory_space<vmem>>
    %dma_start3A_127 = tpu.memref_squeeze %dma_start3A_126 : memref<1x5x50xi32, #tpu.memory_space<vmem>> -> memref<5x50xi32, #tpu.memory_space<vmem>>
    %dma_start3A_128 = arith.constant 0 : i32
    %dma_start3A_129 = arith.constant 0 : i32
    %dma_start3A_130 = tpu.memref_slice %arg3[%add3A, %dma_start3A_114, %dma_start3A_128, %dma_start3A_129] : memref<32x40x5x50xi32, #tpu.memory_space<hbm>> -> memref<1x1x5x50xi32, #tpu.memory_space<hbm>>
    %dma_start3A_131 = tpu.memref_squeeze %dma_start3A_130 : memref<1x1x5x50xi32, #tpu.memory_space<hbm>> -> memref<5x50xi32, #tpu.memory_space<hbm>>
    tpu.enqueue_dma source(%dma_start3A_131 : memref<5x50xi32, #tpu.memory_space<hbm>>) target(%dma_start3A_127 : memref<5x50xi32, #tpu.memory_space<vmem>>) target_semaphore(%arg15 : memref<!tpu.dma_semaphore, #tpu.memory_space<semaphore_mem>>)
    %dma_start3A_132 = arith.constant 3 : i32
    %dma_start3A_133 = arith.constant 3 : i32
    %dma_start3A_134 = arith.constant 0 : i32
    %dma_start3A_135 = arith.constant 0 : i32
    %dma_start3A_136 = tpu.memref_slice %arg8[%dma_start3A_133, %dma_start3A_134, %dma_start3A_135] : memref<5x5x50xi32, #tpu.memory_space<vmem>> -> memref<1x5x50xi32, #tpu.memory_space<vmem>>
    %dma_start3A_137 = tpu.memref_squeeze %dma_start3A_136 : memref<1x5x50xi32, #tpu.memory_space<vmem>> -> memref<5x50xi32, #tpu.memory_space<vmem>>
    %dma_start3A_138 = arith.constant 0 : i32
    %dma_start3A_139 = arith.constant 0 : i32
    %dma_start3A_140 = tpu.memref_slice %arg4[%add3A, %dma_start3A_132, %dma_start3A_138, %dma_start3A_139] : memref<32x40x5x50xi32, #tpu.memory_space<hbm>> -> memref<1x1x5x50xi32, #tpu.memory_space<hbm>>
    %dma_start3A_141 = tpu.memref_squeeze %dma_start3A_140 : memref<1x1x5x50xi32, #tpu.memory_space<hbm>> -> memref<5x50xi32, #tpu.memory_space<hbm>>
    %dma_start3A_142 = arith.constant 0 : i32
    %dma_start3A_143 = arith.constant 0 : i32
    %dma_start3A_144 = tpu.memref_slice %arg8[%dma_start3A_133, %dma_start3A_142, %dma_start3A_143] : memref<5x5x50xi32, #tpu.memory_space<vmem>> -> memref<1x5x50xi32, #tpu.memory_space<vmem>>
    %dma_start3A_145 = tpu.memref_squeeze %dma_start3A_144 : memref<1x5x50xi32, #tpu.memory_space<vmem>> -> memref<5x50xi32, #tpu.memory_space<vmem>>
    %dma_start3A_146 = arith.constant 0 : i32
    %dma_start3A_147 = arith.constant 0 : i32
    %dma_start3A_148 = tpu.memref_slice %arg4[%add3A, %dma_start3A_132, %dma_start3A_146, %dma_start3A_147] : memref<32x40x5x50xi32, #tpu.memory_space<hbm>> -> memref<1x1x5x50xi32, #tpu.memory_space<hbm>>
    %dma_start3A_149 = tpu.memref_squeeze %dma_start3A_148 : memref<1x1x5x50xi32, #tpu.memory_space<hbm>> -> memref<5x50xi32, #tpu.memory_space<hbm>>
    tpu.enqueue_dma source(%dma_start3A_149 : memref<5x50xi32, #tpu.memory_space<hbm>>) target(%dma_start3A_145 : memref<5x50xi32, #tpu.memory_space<vmem>>) target_semaphore(%arg15 : memref<!tpu.dma_semaphore, #tpu.memory_space<semaphore_mem>>)
    %dma_wait3A = arith.constant 0 : i32
    %dma_wait3A_150 = tpu.memref_slice %arg10[%mul3A_2, %dma_wait3A] : memref<10112x128xf32, #tpu.memory_space<vmem_shared>> -> memref<632x128xf32, #tpu.memory_space<vmem_shared>>
    %dma_wait3A_151 = arith.constant 0 : i32
    %dma_wait3A_152 = tpu.memref_slice %arg5[%mul3A_2, %dma_wait3A_151] : memref<10112x128xf32, #tpu.memory_space<hbm>> -> memref<632x128xf32, #tpu.memory_space<hbm>>
    tpu.wait_dma2 semaphore(%arg11 : memref<!tpu.dma_semaphore, #tpu.memory_space<semaphore_mem>>) src(%dma_wait3A_152 : memref<632x128xf32, #tpu.memory_space<hbm>>) dst(%dma_wait3A_150 : memref<632x128xf32, #tpu.memory_space<vmem_shared>>)
    %barrier3A = arith.constant 0 : index
    tpu.barrier barrier_id(%barrier3A)
    %scan3A = arith.constant 0 : i32
    %scan3A_153 = arith.constant 0 : i32
    %scan3A_154 = arith.constant 8 : i32
    %scan3A_155 = arith.addi %scan3A_153, %scan3A_154 : i32
    %scan3A_156 = arith.constant 1 : i32
    scf.for %scan3A_224 = %scan3A_153 to %scan3A_155 step %scan3A_156  : i32 {
      %mul3A_225 = arith.constant 5 : i32
      %mul3A_226 = arith.muli %mul3A_225, %scan3A_224 : i32
      %gt3A = arith.constant 0 : i32
      %gt3A_227 = arith.cmpi sgt, %scan3A_224, %gt3A : i32
      %dma_wait3A_228 = arith.constant 0 : i32
      %dma_wait3A_229 = arith.constant 0 : i32
      %dma_wait3A_230 = arith.constant 0 : i32
      %dma_wait3A_231 = tpu.memref_slice %arg7[%dma_wait3A_228, %dma_wait3A_229, %dma_wait3A_230] : memref<5x5x50xi32, #tpu.memory_space<vmem>> -> memref<1x5x50xi32, #tpu.memory_space<vmem>>
      %dma_wait3A_232 = tpu.memref_squeeze %dma_wait3A_231 : memref<1x5x50xi32, #tpu.memory_space<vmem>> -> memref<5x50xi32, #tpu.memory_space<vmem>>
      %dma_wait3A_233 = arith.constant 0 : i32
      %dma_wait3A_234 = arith.constant 0 : i32
      %dma_wait3A_235 = tpu.memref_slice %arg3[%add3A, %mul3A_226, %dma_wait3A_233, %dma_wait3A_234] : memref<32x40x5x50xi32, #tpu.memory_space<hbm>> -> memref<1x1x5x50xi32, #tpu.memory_space<hbm>>
      %dma_wait3A_236 = tpu.memref_squeeze %dma_wait3A_235 : memref<1x1x5x50xi32, #tpu.memory_space<hbm>> -> memref<5x50xi32, #tpu.memory_space<hbm>>
      %dma_wait3A_237 = arith.constant 0 : i32
      %dma_wait3A_238 = arith.constant 0 : i32
      %dma_wait3A_239 = tpu.memref_slice %arg7[%dma_wait3A_228, %dma_wait3A_237, %dma_wait3A_238] : memref<5x5x50xi32, #tpu.memory_space<vmem>> -> memref<1x5x50xi32, #tpu.memory_space<vmem>>
      %dma_wait3A_240 = tpu.memref_squeeze %dma_wait3A_239 : memref<1x5x50xi32, #tpu.memory_space<vmem>> -> memref<5x50xi32, #tpu.memory_space<vmem>>
      %dma_wait3A_241 = arith.constant 0 : i32
      %dma_wait3A_242 = arith.constant 0 : i32
      %dma_wait3A_243 = tpu.memref_slice %arg3[%add3A, %mul3A_226, %dma_wait3A_241, %dma_wait3A_242] : memref<32x40x5x50xi32, #tpu.memory_space<hbm>> -> memref<1x1x5x50xi32, #tpu.memory_space<hbm>>
      %dma_wait3A_244 = tpu.memref_squeeze %dma_wait3A_243 : memref<1x1x5x50xi32, #tpu.memory_space<hbm>> -> memref<5x50xi32, #tpu.memory_space<hbm>>
      tpu.wait_dma2 semaphore(%arg12 : memref<!tpu.dma_semaphore, #tpu.memory_space<semaphore_mem>>) src(%dma_wait3A_244 : memref<5x50xi32, #tpu.memory_space<hbm>>) dst(%dma_wait3A_240 : memref<5x50xi32, #tpu.memory_space<vmem>>)
      %dma_wait3A_245 = arith.constant 0 : i32
      %dma_wait3A_246 = arith.constant 0 : i32
      %dma_wait3A_247 = arith.constant 0 : i32
      %dma_wait3A_248 = tpu.memref_slice %arg8[%dma_wait3A_245, %dma_wait3A_246, %dma_wait3A_247] : memref<5x5x50xi32, #tpu.memory_space<vmem>> -> memref<1x5x50xi32, #tpu.memory_space<vmem>>
      %dma_wait3A_249 = tpu.memref_squeeze %dma_wait3A_248 : memref<1x5x50xi32, #tpu.memory_space<vmem>> -> memref<5x50xi32, #tpu.memory_space<vmem>>
      %dma_wait3A_250 = arith.constant 0 : i32
      %dma_wait3A_251 = arith.constant 0 : i32
      %dma_wait3A_252 = tpu.memref_slice %arg4[%add3A, %mul3A_226, %dma_wait3A_250, %dma_wait3A_251] : memref<32x40x5x50xi32, #tpu.memory_space<hbm>> -> memref<1x1x5x50xi32, #tpu.memory_space<hbm>>
      %dma_wait3A_253 = tpu.memref_squeeze %dma_wait3A_252 : memref<1x1x5x50xi32, #tpu.memory_space<hbm>> -> memref<5x50xi32, #tpu.memory_space<hbm>>
      %dma_wait3A_254 = arith.constant 0 : i32
      %dma_wait3A_255 = arith.constant 0 : i32
      %dma_wait3A_256 = tpu.memref_slice %arg8[%dma_wait3A_245, %dma_wait3A_254, %dma_wait3A_255] : memref<5x5x50xi32, #tpu.memory_space<vmem>> -> memref<1x5x50xi32, #tpu.memory_space<vmem>>
      %dma_wait3A_257 = tpu.memref_squeeze %dma_wait3A_256 : memref<1x5x50xi32, #tpu.memory_space<vmem>> -> memref<5x50xi32, #tpu.memory_space<vmem>>
      %dma_wait3A_258 = arith.constant 0 : i32
      %dma_wait3A_259 = arith.constant 0 : i32
      %dma_wait3A_260 = tpu.memref_slice %arg4[%add3A, %mul3A_226, %dma_wait3A_258, %dma_wait3A_259] : memref<32x40x5x50xi32, #tpu.memory_space<hbm>> -> memref<1x1x5x50xi32, #tpu.memory_space<hbm>>
      %dma_wait3A_261 = tpu.memref_squeeze %dma_wait3A_260 : memref<1x1x5x50xi32, #tpu.memory_space<hbm>> -> memref<5x50xi32, #tpu.memory_space<hbm>>
      tpu.wait_dma2 semaphore(%arg12 : memref<!tpu.dma_semaphore, #tpu.memory_space<semaphore_mem>>) src(%dma_wait3A_261 : memref<5x50xi32, #tpu.memory_space<hbm>>) dst(%dma_wait3A_257 : memref<5x50xi32, #tpu.memory_space<vmem>>)
      %convert_element_type3A = arith.extui %gt3A_227 : i1 to i32
      %cond3A = arith.constant 0 : i32
      %cond3A_262 = arith.cmpi ne, %convert_element_type3A, %cond3A : i32
      scf.if %cond3A_262 {
        %dma_wait3A_1709 = arith.constant 0 : i32
        %dma_wait3A_1710 = arith.constant 0 : i32
        %dma_wait3A_1711 = arith.constant 0 : i32
        %dma_wait3A_1712 = arith.constant 0 : i32
        %dma_wait3A_1713 = arith.constant 0 : i32
        %dma_wait3A_1714 = tpu.memref_slice %arg9[%dma_wait3A_1709, %dma_wait3A_1712, %dma_wait3A_1713] : memref<5x50x128xf32, #tpu.memory_space<vmem>> -> memref<1x50x128xf32, #tpu.memory_space<vmem>>
        %dma_wait3A_1715 = tpu.memref_squeeze %dma_wait3A_1714 : memref<1x50x128xf32, #tpu.memory_space<vmem>> -> memref<50x128xf32, #tpu.memory_space<vmem>>
        %dma_wait3A_1716 = arith.constant 0 : i32
        %dma_wait3A_1717 = tpu.memref_slice %arg8[%dma_wait3A_1710, %dma_wait3A_1711, %dma_wait3A_1716] : memref<5x5x50xi32, #tpu.memory_space<vmem>> -> memref<1x1x50xi32, #tpu.memory_space<vmem>>
        %dma_wait3A_1718 = tpu.memref_squeeze %dma_wait3A_1717 : memref<1x1x50xi32, #tpu.memory_space<vmem>> -> memref<50xi32, #tpu.memory_space<vmem>>
        %dma_wait3A_1719 = arith.constant 0 : i32
        %dma_wait3A_1720 = arith.constant 0 : i32
        %dma_wait3A_1721 = tpu.memref_slice %arg10[%dma_wait3A_1719, %dma_wait3A_1720] : memref<10112x128xf32, #tpu.memory_space<vmem_shared>> -> memref<10112x128xf32, #tpu.memory_space<vmem_shared>>
        tpu.wait_indirect_dma semaphore(%arg22 : memref<!tpu.dma_semaphore, #tpu.memory_space<semaphore_mem>>) src(%dma_wait3A_1715 : memref<50x128xf32, #tpu.memory_space<vmem>>) dst(%dma_wait3A_1721 : memref<10112x128xf32, #tpu.memory_space<vmem_shared>>)
      } else {
      }
      %dma_start3A_263 = arith.constant 0 : i32
      %dma_start3A_264 = arith.constant 0 : i32
      %dma_start3A_265 = arith.constant 0 : i32
      %dma_start3A_266 = arith.constant 0 : i32
      %dma_start3A_267 = arith.constant 0 : i32
      %dma_start3A_268 = tpu.memref_slice %arg9[%dma_start3A_265, %dma_start3A_266, %dma_start3A_267] : memref<5x50x128xf32, #tpu.memory_space<vmem>> -> memref<1x50x128xf32, #tpu.memory_space<vmem>>
      %dma_start3A_269 = tpu.memref_squeeze %dma_start3A_268 : memref<1x50x128xf32, #tpu.memory_space<vmem>> -> memref<50x128xf32, #tpu.memory_space<vmem>>
      %dma_start3A_270 = arith.constant 0 : i32
      %dma_start3A_271 = tpu.memref_slice %arg7[%dma_start3A_263, %dma_start3A_264, %dma_start3A_270] : memref<5x5x50xi32, #tpu.memory_space<vmem>> -> memref<1x1x50xi32, #tpu.memory_space<vmem>>
      %dma_start3A_272 = tpu.memref_squeeze %dma_start3A_271 : memref<1x1x50xi32, #tpu.memory_space<vmem>> -> memref<50xi32, #tpu.memory_space<vmem>>
      %dma_start3A_273 = arith.constant 0 : i32
      %dma_start3A_274 = arith.constant 0 : i32
      %dma_start3A_275 = tpu.memref_slice %arg2[%dma_start3A_273, %dma_start3A_274] : memref<10000x128xf32, #tpu.memory_space<hbm>> -> memref<10000x128xf32, #tpu.memory_space<hbm>>
      tpu.enqueue_indirect_dma source(%dma_start3A_275 : memref<10000x128xf32, #tpu.memory_space<hbm>>) target(%dma_start3A_269 : memref<50x128xf32, #tpu.memory_space<vmem>>) offsets(%dma_start3A_272 : memref<50xi32, #tpu.memory_space<vmem>>) semaphore(%arg17 : memref<!tpu.dma_semaphore, #tpu.memory_space<semaphore_mem>>)
      %convert_element_type3A_276 = arith.extui %gt3A_227 : i1 to i32
      %cond3A_277 = arith.constant 0 : i32
      %cond3A_278 = arith.cmpi ne, %convert_element_type3A_276, %cond3A_277 : i32
      scf.if %cond3A_278 {
        %dma_wait3A_1709 = arith.constant 1 : i32
        %dma_wait3A_1710 = arith.constant 0 : i32
        %dma_wait3A_1711 = arith.constant 1 : i32
        %dma_wait3A_1712 = arith.constant 0 : i32
        %dma_wait3A_1713 = arith.constant 0 : i32
        %dma_wait3A_1714 = tpu.memref_slice %arg9[%dma_wait3A_1709, %dma_wait3A_1712, %dma_wait3A_1713] : memref<5x50x128xf32, #tpu.memory_space<vmem>> -> memref<1x50x128xf32, #tpu.memory_space<vmem>>
        %dma_wait3A_1715 = tpu.memref_squeeze %dma_wait3A_1714 : memref<1x50x128xf32, #tpu.memory_space<vmem>> -> memref<50x128xf32, #tpu.memory_space<vmem>>
        %dma_wait3A_1716 = arith.constant 0 : i32
        %dma_wait3A_1717 = tpu.memref_slice %arg8[%dma_wait3A_1710, %dma_wait3A_1711, %dma_wait3A_1716] : memref<5x5x50xi32, #tpu.memory_space<vmem>> -> memref<1x1x50xi32, #tpu.memory_space<vmem>>
        %dma_wait3A_1718 = tpu.memref_squeeze %dma_wait3A_1717 : memref<1x1x50xi32, #tpu.memory_space<vmem>> -> memref<50xi32, #tpu.memory_space<vmem>>
        %dma_wait3A_1719 = arith.constant 0 : i32
        %dma_wait3A_1720 = arith.constant 0 : i32
        %dma_wait3A_1721 = tpu.memref_slice %arg10[%dma_wait3A_1719, %dma_wait3A_1720] : memref<10112x128xf32, #tpu.memory_space<vmem_shared>> -> memref<10112x128xf32, #tpu.memory_space<vmem_shared>>
        tpu.wait_indirect_dma semaphore(%arg23 : memref<!tpu.dma_semaphore, #tpu.memory_space<semaphore_mem>>) src(%dma_wait3A_1715 : memref<50x128xf32, #tpu.memory_space<vmem>>) dst(%dma_wait3A_1721 : memref<10112x128xf32, #tpu.memory_space<vmem_shared>>)
      } else {
      }
      %dma_start3A_279 = arith.constant 0 : i32
      %dma_start3A_280 = arith.constant 1 : i32
      %dma_start3A_281 = arith.constant 1 : i32
      %dma_start3A_282 = arith.constant 0 : i32
      %dma_start3A_283 = arith.constant 0 : i32
      %dma_start3A_284 = tpu.memref_slice %arg9[%dma_start3A_281, %dma_start3A_282, %dma_start3A_283] : memref<5x50x128xf32, #tpu.memory_space<vmem>> -> memref<1x50x128xf32, #tpu.memory_space<vmem>>
      %dma_start3A_285 = tpu.memref_squeeze %dma_start3A_284 : memref<1x50x128xf32, #tpu.memory_space<vmem>> -> memref<50x128xf32, #tpu.memory_space<vmem>>
      %dma_start3A_286 = arith.constant 0 : i32
      %dma_start3A_287 = tpu.memref_slice %arg7[%dma_start3A_279, %dma_start3A_280, %dma_start3A_286] : memref<5x5x50xi32, #tpu.memory_space<vmem>> -> memref<1x1x50xi32, #tpu.memory_space<vmem>>
      %dma_start3A_288 = tpu.memref_squeeze %dma_start3A_287 : memref<1x1x50xi32, #tpu.memory_space<vmem>> -> memref<50xi32, #tpu.memory_space<vmem>>
      %dma_start3A_289 = arith.constant 0 : i32
      %dma_start3A_290 = arith.constant 0 : i32
      %dma_start3A_291 = tpu.memref_slice %arg2[%dma_start3A_289, %dma_start3A_290] : memref<10000x128xf32, #tpu.memory_space<hbm>> -> memref<10000x128xf32, #tpu.memory_space<hbm>>
      tpu.enqueue_indirect_dma source(%dma_start3A_291 : memref<10000x128xf32, #tpu.memory_space<hbm>>) target(%dma_start3A_285 : memref<50x128xf32, #tpu.memory_space<vmem>>) offsets(%dma_start3A_288 : memref<50xi32, #tpu.memory_space<vmem>>) semaphore(%arg18 : memref<!tpu.dma_semaphore, #tpu.memory_space<semaphore_mem>>)
      %convert_element_type3A_292 = arith.extui %gt3A_227 : i1 to i32
      %cond3A_293 = arith.constant 0 : i32
      %cond3A_294 = arith.cmpi ne, %convert_element_type3A_292, %cond3A_293 : i32
      scf.if %cond3A_294 {
        %dma_wait3A_1709 = arith.constant 2 : i32
        %dma_wait3A_1710 = arith.constant 0 : i32
        %dma_wait3A_1711 = arith.constant 2 : i32
        %dma_wait3A_1712 = arith.constant 0 : i32
        %dma_wait3A_1713 = arith.constant 0 : i32
        %dma_wait3A_1714 = tpu.memref_slice %arg9[%dma_wait3A_1709, %dma_wait3A_1712, %dma_wait3A_1713] : memref<5x50x128xf32, #tpu.memory_space<vmem>> -> memref<1x50x128xf32, #tpu.memory_space<vmem>>
        %dma_wait3A_1715 = tpu.memref_squeeze %dma_wait3A_1714 : memref<1x50x128xf32, #tpu.memory_space<vmem>> -> memref<50x128xf32, #tpu.memory_space<vmem>>
        %dma_wait3A_1716 = arith.constant 0 : i32
        %dma_wait3A_1717 = tpu.memref_slice %arg8[%dma_wait3A_1710, %dma_wait3A_1711, %dma_wait3A_1716] : memref<5x5x50xi32, #tpu.memory_space<vmem>> -> memref<1x1x50xi32, #tpu.memory_space<vmem>>
        %dma_wait3A_1718 = tpu.memref_squeeze %dma_wait3A_1717 : memref<1x1x50xi32, #tpu.memory_space<vmem>> -> memref<50xi32, #tpu.memory_space<vmem>>
        %dma_wait3A_1719 = arith.constant 0 : i32
        %dma_wait3A_1720 = arith.constant 0 : i32
        %dma_wait3A_1721 = tpu.memref_slice %arg10[%dma_wait3A_1719, %dma_wait3A_1720] : memref<10112x128xf32, #tpu.memory_space<vmem_shared>> -> memref<10112x128xf32, #tpu.memory_space<vmem_shared>>
        tpu.wait_indirect_dma semaphore(%arg24 : memref<!tpu.dma_semaphore, #tpu.memory_space<semaphore_mem>>) src(%dma_wait3A_1715 : memref<50x128xf32, #tpu.memory_space<vmem>>) dst(%dma_wait3A_1721 : memref<10112x128xf32, #tpu.memory_space<vmem_shared>>)
      } else {
      }
      %dma_start3A_295 = arith.constant 0 : i32
      %dma_start3A_296 = arith.constant 2 : i32
      %dma_start3A_297 = arith.constant 2 : i32
      %dma_start3A_298 = arith.constant 0 : i32
      %dma_start3A_299 = arith.constant 0 : i32
      %dma_start3A_300 = tpu.memref_slice %arg9[%dma_start3A_297, %dma_start3A_298, %dma_start3A_299] : memref<5x50x128xf32, #tpu.memory_space<vmem>> -> memref<1x50x128xf32, #tpu.memory_space<vmem>>
      %dma_start3A_301 = tpu.memref_squeeze %dma_start3A_300 : memref<1x50x128xf32, #tpu.memory_space<vmem>> -> memref<50x128xf32, #tpu.memory_space<vmem>>
      %dma_start3A_302 = arith.constant 0 : i32
      %dma_start3A_303 = tpu.memref_slice %arg7[%dma_start3A_295, %dma_start3A_296, %dma_start3A_302] : memref<5x5x50xi32, #tpu.memory_space<vmem>> -> memref<1x1x50xi32, #tpu.memory_space<vmem>>
      %dma_start3A_304 = tpu.memref_squeeze %dma_start3A_303 : memref<1x1x50xi32, #tpu.memory_space<vmem>> -> memref<50xi32, #tpu.memory_space<vmem>>
      %dma_start3A_305 = arith.constant 0 : i32
      %dma_start3A_306 = arith.constant 0 : i32
      %dma_start3A_307 = tpu.memref_slice %arg2[%dma_start3A_305, %dma_start3A_306] : memref<10000x128xf32, #tpu.memory_space<hbm>> -> memref<10000x128xf32, #tpu.memory_space<hbm>>
      tpu.enqueue_indirect_dma source(%dma_start3A_307 : memref<10000x128xf32, #tpu.memory_space<hbm>>) target(%dma_start3A_301 : memref<50x128xf32, #tpu.memory_space<vmem>>) offsets(%dma_start3A_304 : memref<50xi32, #tpu.memory_space<vmem>>) semaphore(%arg19 : memref<!tpu.dma_semaphore, #tpu.memory_space<semaphore_mem>>)
      %convert_element_type3A_308 = arith.extui %gt3A_227 : i1 to i32
      %cond3A_309 = arith.constant 0 : i32
      %cond3A_310 = arith.cmpi ne, %convert_element_type3A_308, %cond3A_309 : i32
      scf.if %cond3A_310 {
        %dma_wait3A_1709 = arith.constant 3 : i32
        %dma_wait3A_1710 = arith.constant 0 : i32
        %dma_wait3A_1711 = arith.constant 3 : i32
        %dma_wait3A_1712 = arith.constant 0 : i32
        %dma_wait3A_1713 = arith.constant 0 : i32
        %dma_wait3A_1714 = tpu.memref_slice %arg9[%dma_wait3A_1709, %dma_wait3A_1712, %dma_wait3A_1713] : memref<5x50x128xf32, #tpu.memory_space<vmem>> -> memref<1x50x128xf32, #tpu.memory_space<vmem>>
        %dma_wait3A_1715 = tpu.memref_squeeze %dma_wait3A_1714 : memref<1x50x128xf32, #tpu.memory_space<vmem>> -> memref<50x128xf32, #tpu.memory_space<vmem>>
        %dma_wait3A_1716 = arith.constant 0 : i32
        %dma_wait3A_1717 = tpu.memref_slice %arg8[%dma_wait3A_1710, %dma_wait3A_1711, %dma_wait3A_1716] : memref<5x5x50xi32, #tpu.memory_space<vmem>> -> memref<1x1x50xi32, #tpu.memory_space<vmem>>
        %dma_wait3A_1718 = tpu.memref_squeeze %dma_wait3A_1717 : memref<1x1x50xi32, #tpu.memory_space<vmem>> -> memref<50xi32, #tpu.memory_space<vmem>>
        %dma_wait3A_1719 = arith.constant 0 : i32
        %dma_wait3A_1720 = arith.constant 0 : i32
        %dma_wait3A_1721 = tpu.memref_slice %arg10[%dma_wait3A_1719, %dma_wait3A_1720] : memref<10112x128xf32, #tpu.memory_space<vmem_shared>> -> memref<10112x128xf32, #tpu.memory_space<vmem_shared>>
        tpu.wait_indirect_dma semaphore(%arg25 : memref<!tpu.dma_semaphore, #tpu.memory_space<semaphore_mem>>) src(%dma_wait3A_1715 : memref<50x128xf32, #tpu.memory_space<vmem>>) dst(%dma_wait3A_1721 : memref<10112x128xf32, #tpu.memory_space<vmem_shared>>)
      } else {
      }
      %dma_start3A_311 = arith.constant 0 : i32
      %dma_start3A_312 = arith.constant 3 : i32
      %dma_start3A_313 = arith.constant 3 : i32
      %dma_start3A_314 = arith.constant 0 : i32
      %dma_start3A_315 = arith.constant 0 : i32
      %dma_start3A_316 = tpu.memref_slice %arg9[%dma_start3A_313, %dma_start3A_314, %dma_start3A_315] : memref<5x50x128xf32, #tpu.memory_space<vmem>> -> memref<1x50x128xf32, #tpu.memory_space<vmem>>
      %dma_start3A_317 = tpu.memref_squeeze %dma_start3A_316 : memref<1x50x128xf32, #tpu.memory_space<vmem>> -> memref<50x128xf32, #tpu.memory_space<vmem>>
      %dma_start3A_318 = arith.constant 0 : i32
      %dma_start3A_319 = tpu.memref_slice %arg7[%dma_start3A_311, %dma_start3A_312, %dma_start3A_318] : memref<5x5x50xi32, #tpu.memory_space<vmem>> -> memref<1x1x50xi32, #tpu.memory_space<vmem>>
      %dma_start3A_320 = tpu.memref_squeeze %dma_start3A_319 : memref<1x1x50xi32, #tpu.memory_space<vmem>> -> memref<50xi32, #tpu.memory_space<vmem>>
      %dma_start3A_321 = arith.constant 0 : i32
      %dma_start3A_322 = arith.constant 0 : i32
      %dma_start3A_323 = tpu.memref_slice %arg2[%dma_start3A_321, %dma_start3A_322] : memref<10000x128xf32, #tpu.memory_space<hbm>> -> memref<10000x128xf32, #tpu.memory_space<hbm>>
      tpu.enqueue_indirect_dma source(%dma_start3A_323 : memref<10000x128xf32, #tpu.memory_space<hbm>>) target(%dma_start3A_317 : memref<50x128xf32, #tpu.memory_space<vmem>>) offsets(%dma_start3A_320 : memref<50xi32, #tpu.memory_space<vmem>>) semaphore(%arg20 : memref<!tpu.dma_semaphore, #tpu.memory_space<semaphore_mem>>)
      %convert_element_type3A_324 = arith.extui %gt3A_227 : i1 to i32
      %cond3A_325 = arith.constant 0 : i32
      %cond3A_326 = arith.cmpi ne, %convert_element_type3A_324, %cond3A_325 : i32
      scf.if %cond3A_326 {
        %dma_wait3A_1709 = arith.constant 4 : i32
        %dma_wait3A_1710 = arith.constant 0 : i32
        %dma_wait3A_1711 = arith.constant 4 : i32
        %dma_wait3A_1712 = arith.constant 0 : i32
        %dma_wait3A_1713 = arith.constant 0 : i32
        %dma_wait3A_1714 = tpu.memref_slice %arg9[%dma_wait3A_1709, %dma_wait3A_1712, %dma_wait3A_1713] : memref<5x50x128xf32, #tpu.memory_space<vmem>> -> memref<1x50x128xf32, #tpu.memory_space<vmem>>
        %dma_wait3A_1715 = tpu.memref_squeeze %dma_wait3A_1714 : memref<1x50x128xf32, #tpu.memory_space<vmem>> -> memref<50x128xf32, #tpu.memory_space<vmem>>
        %dma_wait3A_1716 = arith.constant 0 : i32
        %dma_wait3A_1717 = tpu.memref_slice %arg8[%dma_wait3A_1710, %dma_wait3A_1711, %dma_wait3A_1716] : memref<5x5x50xi32, #tpu.memory_space<vmem>> -> memref<1x1x50xi32, #tpu.memory_space<vmem>>
        %dma_wait3A_1718 = tpu.memref_squeeze %dma_wait3A_1717 : memref<1x1x50xi32, #tpu.memory_space<vmem>> -> memref<50xi32, #tpu.memory_space<vmem>>
        %dma_wait3A_1719 = arith.constant 0 : i32
        %dma_wait3A_1720 = arith.constant 0 : i32
        %dma_wait3A_1721 = tpu.memref_slice %arg10[%dma_wait3A_1719, %dma_wait3A_1720] : memref<10112x128xf32, #tpu.memory_space<vmem_shared>> -> memref<10112x128xf32, #tpu.memory_space<vmem_shared>>
        tpu.wait_indirect_dma semaphore(%arg26 : memref<!tpu.dma_semaphore, #tpu.memory_space<semaphore_mem>>) src(%dma_wait3A_1715 : memref<50x128xf32, #tpu.memory_space<vmem>>) dst(%dma_wait3A_1721 : memref<10112x128xf32, #tpu.memory_space<vmem_shared>>)
      } else {
      }
      %dma_start3A_327 = arith.constant 0 : i32
      %dma_start3A_328 = arith.constant 4 : i32
      %dma_start3A_329 = arith.constant 4 : i32
      %dma_start3A_330 = arith.constant 0 : i32
      %dma_start3A_331 = arith.constant 0 : i32
      %dma_start3A_332 = tpu.memref_slice %arg9[%dma_start3A_329, %dma_start3A_330, %dma_start3A_331] : memref<5x50x128xf32, #tpu.memory_space<vmem>> -> memref<1x50x128xf32, #tpu.memory_space<vmem>>
      %dma_start3A_333 = tpu.memref_squeeze %dma_start3A_332 : memref<1x50x128xf32, #tpu.memory_space<vmem>> -> memref<50x128xf32, #tpu.memory_space<vmem>>
      %dma_start3A_334 = arith.constant 0 : i32
      %dma_start3A_335 = tpu.memref_slice %arg7[%dma_start3A_327, %dma_start3A_328, %dma_start3A_334] : memref<5x5x50xi32, #tpu.memory_space<vmem>> -> memref<1x1x50xi32, #tpu.memory_space<vmem>>
      %dma_start3A_336 = tpu.memref_squeeze %dma_start3A_335 : memref<1x1x50xi32, #tpu.memory_space<vmem>> -> memref<50xi32, #tpu.memory_space<vmem>>
      %dma_start3A_337 = arith.constant 0 : i32
      %dma_start3A_338 = arith.constant 0 : i32
      %dma_start3A_339 = tpu.memref_slice %arg2[%dma_start3A_337, %dma_start3A_338] : memref<10000x128xf32, #tpu.memory_space<hbm>> -> memref<10000x128xf32, #tpu.memory_space<hbm>>
      tpu.enqueue_indirect_dma source(%dma_start3A_339 : memref<10000x128xf32, #tpu.memory_space<hbm>>) target(%dma_start3A_333 : memref<50x128xf32, #tpu.memory_space<vmem>>) offsets(%dma_start3A_336 : memref<50xi32, #tpu.memory_space<vmem>>) semaphore(%arg21 : memref<!tpu.dma_semaphore, #tpu.memory_space<semaphore_mem>>)
      %dma_wait3A_340 = arith.constant 0 : i32
      %dma_wait3A_341 = arith.constant 0 : i32
      %dma_wait3A_342 = arith.constant 0 : i32
      %dma_wait3A_343 = arith.constant 0 : i32
      %dma_wait3A_344 = arith.constant 0 : i32
      %dma_wait3A_345 = tpu.memref_slice %arg9[%dma_wait3A_342, %dma_wait3A_343, %dma_wait3A_344] : memref<5x50x128xf32, #tpu.memory_space<vmem>> -> memref<1x50x128xf32, #tpu.memory_space<vmem>>
      %dma_wait3A_346 = tpu.memref_squeeze %dma_wait3A_345 : memref<1x50x128xf32, #tpu.memory_space<vmem>> -> memref<50x128xf32, #tpu.memory_space<vmem>>
      %dma_wait3A_347 = arith.constant 0 : i32
      %dma_wait3A_348 = tpu.memref_slice %arg7[%dma_wait3A_340, %dma_wait3A_341, %dma_wait3A_347] : memref<5x5x50xi32, #tpu.memory_space<vmem>> -> memref<1x1x50xi32, #tpu.memory_space<vmem>>
      %dma_wait3A_349 = tpu.memref_squeeze %dma_wait3A_348 : memref<1x1x50xi32, #tpu.memory_space<vmem>> -> memref<50xi32, #tpu.memory_space<vmem>>
      %dma_wait3A_350 = arith.constant 0 : i32
      %dma_wait3A_351 = arith.constant 0 : i32
      %dma_wait3A_352 = tpu.memref_slice %arg2[%dma_wait3A_350, %dma_wait3A_351] : memref<10000x128xf32, #tpu.memory_space<hbm>> -> memref<10000x128xf32, #tpu.memory_space<hbm>>
      tpu.wait_indirect_dma semaphore(%arg17 : memref<!tpu.dma_semaphore, #tpu.memory_space<semaphore_mem>>) src(%dma_wait3A_352 : memref<10000x128xf32, #tpu.memory_space<hbm>>) dst(%dma_wait3A_346 : memref<50x128xf32, #tpu.memory_space<vmem>>)
      %dma_start3A_353 = arith.constant 0 : i32
      %dma_start3A_354 = arith.constant 0 : i32
      %dma_start3A_355 = arith.constant 0 : i32
      %dma_start3A_356 = arith.constant 0 : i32
      %dma_start3A_357 = arith.constant 0 : i32
      %dma_start3A_358 = tpu.memref_slice %arg9[%dma_start3A_353, %dma_start3A_356, %dma_start3A_357] : memref<5x50x128xf32, #tpu.memory_space<vmem>> -> memref<1x50x128xf32, #tpu.memory_space<vmem>>
      %dma_start3A_359 = tpu.memref_squeeze %dma_start3A_358 : memref<1x50x128xf32, #tpu.memory_space<vmem>> -> memref<50x128xf32, #tpu.memory_space<vmem>>
      %dma_start3A_360 = arith.constant 0 : i32
      %dma_start3A_361 = tpu.memref_slice %arg8[%dma_start3A_354, %dma_start3A_355, %dma_start3A_360] : memref<5x5x50xi32, #tpu.memory_space<vmem>> -> memref<1x1x50xi32, #tpu.memory_space<vmem>>
      %dma_start3A_362 = tpu.memref_squeeze %dma_start3A_361 : memref<1x1x50xi32, #tpu.memory_space<vmem>> -> memref<50xi32, #tpu.memory_space<vmem>>
      %dma_start3A_363 = arith.constant 0 : i32
      %dma_start3A_364 = arith.constant 0 : i32
      %dma_start3A_365 = tpu.memref_slice %arg10[%dma_start3A_363, %dma_start3A_364] : memref<10112x128xf32, #tpu.memory_space<vmem_shared>> -> memref<10112x128xf32, #tpu.memory_space<vmem_shared>>
      tpu.enqueue_indirect_dma source(%dma_start3A_359 : memref<50x128xf32, #tpu.memory_space<vmem>>) target(%dma_start3A_365 : memref<10112x128xf32, #tpu.memory_space<vmem_shared>>) offsets(%dma_start3A_362 : memref<50xi32, #tpu.memory_space<vmem>>) semaphore(%arg22 : memref<!tpu.dma_semaphore, #tpu.memory_space<semaphore_mem>>) {add = true}
      %dma_wait3A_366 = arith.constant 0 : i32
      %dma_wait3A_367 = arith.constant 1 : i32
      %dma_wait3A_368 = arith.constant 1 : i32
      %dma_wait3A_369 = arith.constant 0 : i32
      %dma_wait3A_370 = arith.constant 0 : i32
      %dma_wait3A_371 = tpu.memref_slice %arg9[%dma_wait3A_368, %dma_wait3A_369, %dma_wait3A_370] : memref<5x50x128xf32, #tpu.memory_space<vmem>> -> memref<1x50x128xf32, #tpu.memory_space<vmem>>
      %dma_wait3A_372 = tpu.memref_squeeze %dma_wait3A_371 : memref<1x50x128xf32, #tpu.memory_space<vmem>> -> memref<50x128xf32, #tpu.memory_space<vmem>>
      %dma_wait3A_373 = arith.constant 0 : i32
      %dma_wait3A_374 = tpu.memref_slice %arg7[%dma_wait3A_366, %dma_wait3A_367, %dma_wait3A_373] : memref<5x5x50xi32, #tpu.memory_space<vmem>> -> memref<1x1x50xi32, #tpu.memory_space<vmem>>
      %dma_wait3A_375 = tpu.memref_squeeze %dma_wait3A_374 : memref<1x1x50xi32, #tpu.memory_space<vmem>> -> memref<50xi32, #tpu.memory_space<vmem>>
      %dma_wait3A_376 = arith.constant 0 : i32
      %dma_wait3A_377 = arith.constant 0 : i32
      %dma_wait3A_378 = tpu.memref_slice %arg2[%dma_wait3A_376, %dma_wait3A_377] : memref<10000x128xf32, #tpu.memory_space<hbm>> -> memref<10000x128xf32, #tpu.memory_space<hbm>>
      tpu.wait_indirect_dma semaphore(%arg18 : memref<!tpu.dma_semaphore, #tpu.memory_space<semaphore_mem>>) src(%dma_wait3A_378 : memref<10000x128xf32, #tpu.memory_space<hbm>>) dst(%dma_wait3A_372 : memref<50x128xf32, #tpu.memory_space<vmem>>)
      %dma_start3A_379 = arith.constant 1 : i32
      %dma_start3A_380 = arith.constant 0 : i32
      %dma_start3A_381 = arith.constant 1 : i32
      %dma_start3A_382 = arith.constant 0 : i32
      %dma_start3A_383 = arith.constant 0 : i32
      %dma_start3A_384 = tpu.memref_slice %arg9[%dma_start3A_379, %dma_start3A_382, %dma_start3A_383] : memref<5x50x128xf32, #tpu.memory_space<vmem>> -> memref<1x50x128xf32, #tpu.memory_space<vmem>>
      %dma_start3A_385 = tpu.memref_squeeze %dma_start3A_384 : memref<1x50x128xf32, #tpu.memory_space<vmem>> -> memref<50x128xf32, #tpu.memory_space<vmem>>
      %dma_start3A_386 = arith.constant 0 : i32
      %dma_start3A_387 = tpu.memref_slice %arg8[%dma_start3A_380, %dma_start3A_381, %dma_start3A_386] : memref<5x5x50xi32, #tpu.memory_space<vmem>> -> memref<1x1x50xi32, #tpu.memory_space<vmem>>
      %dma_start3A_388 = tpu.memref_squeeze %dma_start3A_387 : memref<1x1x50xi32, #tpu.memory_space<vmem>> -> memref<50xi32, #tpu.memory_space<vmem>>
      %dma_start3A_389 = arith.constant 0 : i32
      %dma_start3A_390 = arith.constant 0 : i32
      %dma_start3A_391 = tpu.memref_slice %arg10[%dma_start3A_389, %dma_start3A_390] : memref<10112x128xf32, #tpu.memory_space<vmem_shared>> -> memref<10112x128xf32, #tpu.memory_space<vmem_shared>>
      tpu.enqueue_indirect_dma source(%dma_start3A_385 : memref<50x128xf32, #tpu.memory_space<vmem>>) target(%dma_start3A_391 : memref<10112x128xf32, #tpu.memory_space<vmem_shared>>) offsets(%dma_start3A_388 : memref<50xi32, #tpu.memory_space<vmem>>) semaphore(%arg23 : memref<!tpu.dma_semaphore, #tpu.memory_space<semaphore_mem>>) {add = true}
      %dma_wait3A_392 = arith.constant 0 : i32
      %dma_wait3A_393 = arith.constant 2 : i32
      %dma_wait3A_394 = arith.constant 2 : i32
      %dma_wait3A_395 = arith.constant 0 : i32
      %dma_wait3A_396 = arith.constant 0 : i32
      %dma_wait3A_397 = tpu.memref_slice %arg9[%dma_wait3A_394, %dma_wait3A_395, %dma_wait3A_396] : memref<5x50x128xf32, #tpu.memory_space<vmem>> -> memref<1x50x128xf32, #tpu.memory_space<vmem>>
      %dma_wait3A_398 = tpu.memref_squeeze %dma_wait3A_397 : memref<1x50x128xf32, #tpu.memory_space<vmem>> -> memref<50x128xf32, #tpu.memory_space<vmem>>
      %dma_wait3A_399 = arith.constant 0 : i32
      %dma_wait3A_400 = tpu.memref_slice %arg7[%dma_wait3A_392, %dma_wait3A_393, %dma_wait3A_399] : memref<5x5x50xi32, #tpu.memory_space<vmem>> -> memref<1x1x50xi32, #tpu.memory_space<vmem>>
      %dma_wait3A_401 = tpu.memref_squeeze %dma_wait3A_400 : memref<1x1x50xi32, #tpu.memory_space<vmem>> -> memref<50xi32, #tpu.memory_space<vmem>>
      %dma_wait3A_402 = arith.constant 0 : i32
      %dma_wait3A_403 = arith.constant 0 : i32
      %dma_wait3A_404 = tpu.memref_slice %arg2[%dma_wait3A_402, %dma_wait3A_403] : memref<10000x128xf32, #tpu.memory_space<hbm>> -> memref<10000x128xf32, #tpu.memory_space<hbm>>
      tpu.wait_indirect_dma semaphore(%arg19 : memref<!tpu.dma_semaphore, #tpu.memory_space<semaphore_mem>>) src(%dma_wait3A_404 : memref<10000x128xf32, #tpu.memory_space<hbm>>) dst(%dma_wait3A_398 : memref<50x128xf32, #tpu.memory_space<vmem>>)
      %dma_start3A_405 = arith.constant 2 : i32
      %dma_start3A_406 = arith.constant 0 : i32
      %dma_start3A_407 = arith.constant 2 : i32
      %dma_start3A_408 = arith.constant 0 : i32
      %dma_start3A_409 = arith.constant 0 : i32
      %dma_start3A_410 = tpu.memref_slice %arg9[%dma_start3A_405, %dma_start3A_408, %dma_start3A_409] : memref<5x50x128xf32, #tpu.memory_space<vmem>> -> memref<1x50x128xf32, #tpu.memory_space<vmem>>
      %dma_start3A_411 = tpu.memref_squeeze %dma_start3A_410 : memref<1x50x128xf32, #tpu.memory_space<vmem>> -> memref<50x128xf32, #tpu.memory_space<vmem>>
      %dma_start3A_412 = arith.constant 0 : i32
      %dma_start3A_413 = tpu.memref_slice %arg8[%dma_start3A_406, %dma_start3A_407, %dma_start3A_412] : memref<5x5x50xi32, #tpu.memory_space<vmem>> -> memref<1x1x50xi32, #tpu.memory_space<vmem>>
      %dma_start3A_414 = tpu.memref_squeeze %dma_start3A_413 : memref<1x1x50xi32, #tpu.memory_space<vmem>> -> memref<50xi32, #tpu.memory_space<vmem>>
      %dma_start3A_415 = arith.constant 0 : i32
      %dma_start3A_416 = arith.constant 0 : i32
      %dma_start3A_417 = tpu.memref_slice %arg10[%dma_start3A_415, %dma_start3A_416] : memref<10112x128xf32, #tpu.memory_space<vmem_shared>> -> memref<10112x128xf32, #tpu.memory_space<vmem_shared>>
      tpu.enqueue_indirect_dma source(%dma_start3A_411 : memref<50x128xf32, #tpu.memory_space<vmem>>) target(%dma_start3A_417 : memref<10112x128xf32, #tpu.memory_space<vmem_shared>>) offsets(%dma_start3A_414 : memref<50xi32, #tpu.memory_space<vmem>>) semaphore(%arg24 : memref<!tpu.dma_semaphore, #tpu.memory_space<semaphore_mem>>) {add = true}
      %dma_wait3A_418 = arith.constant 0 : i32
      %dma_wait3A_419 = arith.constant 3 : i32
      %dma_wait3A_420 = arith.constant 3 : i32
      %dma_wait3A_421 = arith.constant 0 : i32
      %dma_wait3A_422 = arith.constant 0 : i32
      %dma_wait3A_423 = tpu.memref_slice %arg9[%dma_wait3A_420, %dma_wait3A_421, %dma_wait3A_422] : memref<5x50x128xf32, #tpu.memory_space<vmem>> -> memref<1x50x128xf32, #tpu.memory_space<vmem>>
      %dma_wait3A_424 = tpu.memref_squeeze %dma_wait3A_423 : memref<1x50x128xf32, #tpu.memory_space<vmem>> -> memref<50x128xf32, #tpu.memory_space<vmem>>
      %dma_wait3A_425 = arith.constant 0 : i32
      %dma_wait3A_426 = tpu.memref_slice %arg7[%dma_wait3A_418, %dma_wait3A_419, %dma_wait3A_425] : memref<5x5x50xi32, #tpu.memory_space<vmem>> -> memref<1x1x50xi32, #tpu.memory_space<vmem>>
      %dma_wait3A_427 = tpu.memref_squeeze %dma_wait3A_426 : memref<1x1x50xi32, #tpu.memory_space<vmem>> -> memref<50xi32, #tpu.memory_space<vmem>>
      %dma_wait3A_428 = arith.constant 0 : i32
      %dma_wait3A_429 = arith.constant 0 : i32
      %dma_wait3A_430 = tpu.memref_slice %arg2[%dma_wait3A_428, %dma_wait3A_429] : memref<10000x128xf32, #tpu.memory_space<hbm>> -> memref<10000x128xf32, #tpu.memory_space<hbm>>
      tpu.wait_indirect_dma semaphore(%arg20 : memref<!tpu.dma_semaphore, #tpu.memory_space<semaphore_mem>>) src(%dma_wait3A_430 : memref<10000x128xf32, #tpu.memory_space<hbm>>) dst(%dma_wait3A_424 : memref<50x128xf32, #tpu.memory_space<vmem>>)
      %dma_start3A_431 = arith.constant 3 : i32
      %dma_start3A_432 = arith.constant 0 : i32
      %dma_start3A_433 = arith.constant 3 : i32
      %dma_start3A_434 = arith.constant 0 : i32
      %dma_start3A_435 = arith.constant 0 : i32
      %dma_start3A_436 = tpu.memref_slice %arg9[%dma_start3A_431, %dma_start3A_434, %dma_start3A_435] : memref<5x50x128xf32, #tpu.memory_space<vmem>> -> memref<1x50x128xf32, #tpu.memory_space<vmem>>
      %dma_start3A_437 = tpu.memref_squeeze %dma_start3A_436 : memref<1x50x128xf32, #tpu.memory_space<vmem>> -> memref<50x128xf32, #tpu.memory_space<vmem>>
      %dma_start3A_438 = arith.constant 0 : i32
      %dma_start3A_439 = tpu.memref_slice %arg8[%dma_start3A_432, %dma_start3A_433, %dma_start3A_438] : memref<5x5x50xi32, #tpu.memory_space<vmem>> -> memref<1x1x50xi32, #tpu.memory_space<vmem>>
      %dma_start3A_440 = tpu.memref_squeeze %dma_start3A_439 : memref<1x1x50xi32, #tpu.memory_space<vmem>> -> memref<50xi32, #tpu.memory_space<vmem>>
      %dma_start3A_441 = arith.constant 0 : i32
      %dma_start3A_442 = arith.constant 0 : i32
      %dma_start3A_443 = tpu.memref_slice %arg10[%dma_start3A_441, %dma_start3A_442] : memref<10112x128xf32, #tpu.memory_space<vmem_shared>> -> memref<10112x128xf32, #tpu.memory_space<vmem_shared>>
      tpu.enqueue_indirect_dma source(%dma_start3A_437 : memref<50x128xf32, #tpu.memory_space<vmem>>) target(%dma_start3A_443 : memref<10112x128xf32, #tpu.memory_space<vmem_shared>>) offsets(%dma_start3A_440 : memref<50xi32, #tpu.memory_space<vmem>>) semaphore(%arg25 : memref<!tpu.dma_semaphore, #tpu.memory_space<semaphore_mem>>) {add = true}
      %dma_wait3A_444 = arith.constant 0 : i32
      %dma_wait3A_445 = arith.constant 4 : i32
      %dma_wait3A_446 = arith.constant 4 : i32
      %dma_wait3A_447 = arith.constant 0 : i32
      %dma_wait3A_448 = arith.constant 0 : i32
      %dma_wait3A_449 = tpu.memref_slice %arg9[%dma_wait3A_446, %dma_wait3A_447, %dma_wait3A_448] : memref<5x50x128xf32, #tpu.memory_space<vmem>> -> memref<1x50x128xf32, #tpu.memory_space<vmem>>
      %dma_wait3A_450 = tpu.memref_squeeze %dma_wait3A_449 : memref<1x50x128xf32, #tpu.memory_space<vmem>> -> memref<50x128xf32, #tpu.memory_space<vmem>>
      %dma_wait3A_451 = arith.constant 0 : i32
      %dma_wait3A_452 = tpu.memref_slice %arg7[%dma_wait3A_444, %dma_wait3A_445, %dma_wait3A_451] : memref<5x5x50xi32, #tpu.memory_space<vmem>> -> memref<1x1x50xi32, #tpu.memory_space<vmem>>
      %dma_wait3A_453 = tpu.memref_squeeze %dma_wait3A_452 : memref<1x1x50xi32, #tpu.memory_space<vmem>> -> memref<50xi32, #tpu.memory_space<vmem>>
      %dma_wait3A_454 = arith.constant 0 : i32
      %dma_wait3A_455 = arith.constant 0 : i32
      %dma_wait3A_456 = tpu.memref_slice %arg2[%dma_wait3A_454, %dma_wait3A_455] : memref<10000x128xf32, #tpu.memory_space<hbm>> -> memref<10000x128xf32, #tpu.memory_space<hbm>>
      tpu.wait_indirect_dma semaphore(%arg21 : memref<!tpu.dma_semaphore, #tpu.memory_space<semaphore_mem>>) src(%dma_wait3A_456 : memref<10000x128xf32, #tpu.memory_space<hbm>>) dst(%dma_wait3A_450 : memref<50x128xf32, #tpu.memory_space<vmem>>)
      %dma_start3A_457 = arith.constant 4 : i32
      %dma_start3A_458 = arith.constant 0 : i32
      %dma_start3A_459 = arith.constant 4 : i32
      %dma_start3A_460 = arith.constant 0 : i32
      %dma_start3A_461 = arith.constant 0 : i32
      %dma_start3A_462 = tpu.memref_slice %arg9[%dma_start3A_457, %dma_start3A_460, %dma_start3A_461] : memref<5x50x128xf32, #tpu.memory_space<vmem>> -> memref<1x50x128xf32, #tpu.memory_space<vmem>>
      %dma_start3A_463 = tpu.memref_squeeze %dma_start3A_462 : memref<1x50x128xf32, #tpu.memory_space<vmem>> -> memref<50x128xf32, #tpu.memory_space<vmem>>
      %dma_start3A_464 = arith.constant 0 : i32
      %dma_start3A_465 = tpu.memref_slice %arg8[%dma_start3A_458, %dma_start3A_459, %dma_start3A_464] : memref<5x5x50xi32, #tpu.memory_space<vmem>> -> memref<1x1x50xi32, #tpu.memory_space<vmem>>
      %dma_start3A_466 = tpu.memref_squeeze %dma_start3A_465 : memref<1x1x50xi32, #tpu.memory_space<vmem>> -> memref<50xi32, #tpu.memory_space<vmem>>
      %dma_start3A_467 = arith.constant 0 : i32
      %dma_start3A_468 = arith.constant 0 : i32
      %dma_start3A_469 = tpu.memref_slice %arg10[%dma_start3A_467, %dma_start3A_468] : memref<10112x128xf32, #tpu.memory_space<vmem_shared>> -> memref<10112x128xf32, #tpu.memory_space<vmem_shared>>
      tpu.enqueue_indirect_dma source(%dma_start3A_463 : memref<50x128xf32, #tpu.memory_space<vmem>>) target(%dma_start3A_469 : memref<10112x128xf32, #tpu.memory_space<vmem_shared>>) offsets(%dma_start3A_466 : memref<50xi32, #tpu.memory_space<vmem>>) semaphore(%arg26 : memref<!tpu.dma_semaphore, #tpu.memory_space<semaphore_mem>>) {add = true}
      %add3A_470 = arith.constant 4 : i32
      %add3A_471 = arith.addi %mul3A_226, %add3A_470 : i32
      %dma_start3A_472 = arith.constant 4 : i32
      %dma_start3A_473 = arith.constant 0 : i32
      %dma_start3A_474 = arith.constant 0 : i32
      %dma_start3A_475 = tpu.memref_slice %arg7[%dma_start3A_472, %dma_start3A_473, %dma_start3A_474] : memref<5x5x50xi32, #tpu.memory_space<vmem>> -> memref<1x5x50xi32, #tpu.memory_space<vmem>>
      %dma_start3A_476 = tpu.memref_squeeze %dma_start3A_475 : memref<1x5x50xi32, #tpu.memory_space<vmem>> -> memref<5x50xi32, #tpu.memory_space<vmem>>
      %dma_start3A_477 = arith.constant 0 : i32
      %dma_start3A_478 = arith.constant 0 : i32
      %dma_start3A_479 = tpu.memref_slice %arg3[%add3A, %add3A_471, %dma_start3A_477, %dma_start3A_478] : memref<32x40x5x50xi32, #tpu.memory_space<hbm>> -> memref<1x1x5x50xi32, #tpu.memory_space<hbm>>
      %dma_start3A_480 = tpu.memref_squeeze %dma_start3A_479 : memref<1x1x5x50xi32, #tpu.memory_space<hbm>> -> memref<5x50xi32, #tpu.memory_space<hbm>>
      %dma_start3A_481 = arith.constant 0 : i32
      %dma_start3A_482 = arith.constant 0 : i32
      %dma_start3A_483 = tpu.memref_slice %arg7[%dma_start3A_472, %dma_start3A_481, %dma_start3A_482] : memref<5x5x50xi32, #tpu.memory_space<vmem>> -> memref<1x5x50xi32, #tpu.memory_space<vmem>>
      %dma_start3A_484 = tpu.memref_squeeze %dma_start3A_483 : memref<1x5x50xi32, #tpu.memory_space<vmem>> -> memref<5x50xi32, #tpu.memory_space<vmem>>
      %dma_start3A_485 = arith.constant 0 : i32
      %dma_start3A_486 = arith.constant 0 : i32
      %dma_start3A_487 = tpu.memref_slice %arg3[%add3A, %add3A_471, %dma_start3A_485, %dma_start3A_486] : memref<32x40x5x50xi32, #tpu.memory_space<hbm>> -> memref<1x1x5x50xi32, #tpu.memory_space<hbm>>
      %dma_start3A_488 = tpu.memref_squeeze %dma_start3A_487 : memref<1x1x5x50xi32, #tpu.memory_space<hbm>> -> memref<5x50xi32, #tpu.memory_space<hbm>>
      tpu.enqueue_dma source(%dma_start3A_488 : memref<5x50xi32, #tpu.memory_space<hbm>>) target(%dma_start3A_484 : memref<5x50xi32, #tpu.memory_space<vmem>>) target_semaphore(%arg16 : memref<!tpu.dma_semaphore, #tpu.memory_space<semaphore_mem>>)
      %dma_start3A_489 = arith.constant 4 : i32
      %dma_start3A_490 = arith.constant 0 : i32
      %dma_start3A_491 = arith.constant 0 : i32
      %dma_start3A_492 = tpu.memref_slice %arg8[%dma_start3A_489, %dma_start3A_490, %dma_start3A_491] : memref<5x5x50xi32, #tpu.memory_space<vmem>> -> memref<1x5x50xi32, #tpu.memory_space<vmem>>
      %dma_start3A_493 = tpu.memref_squeeze %dma_start3A_492 : memref<1x5x50xi32, #tpu.memory_space<vmem>> -> memref<5x50xi32, #tpu.memory_space<vmem>>
      %dma_start3A_494 = arith.constant 0 : i32
      %dma_start3A_495 = arith.constant 0 : i32
      %dma_start3A_496 = tpu.memref_slice %arg4[%add3A, %add3A_471, %dma_start3A_494, %dma_start3A_495] : memref<32x40x5x50xi32, #tpu.memory_space<hbm>> -> memref<1x1x5x50xi32, #tpu.memory_space<hbm>>
      %dma_start3A_497 = tpu.memref_squeeze %dma_start3A_496 : memref<1x1x5x50xi32, #tpu.memory_space<hbm>> -> memref<5x50xi32, #tpu.memory_space<hbm>>
      %dma_start3A_498 = arith.constant 0 : i32
      %dma_start3A_499 = arith.constant 0 : i32
      %dma_start3A_500 = tpu.memref_slice %arg8[%dma_start3A_489, %dma_start3A_498, %dma_start3A_499] : memref<5x5x50xi32, #tpu.memory_space<vmem>> -> memref<1x5x50xi32, #tpu.memory_space<vmem>>
      %dma_start3A_501 = tpu.memref_squeeze %dma_start3A_500 : memref<1x5x50xi32, #tpu.memory_space<vmem>> -> memref<5x50xi32, #tpu.memory_space<vmem>>
      %dma_start3A_502 = arith.constant 0 : i32
      %dma_start3A_503 = arith.constant 0 : i32
      %dma_start3A_504 = tpu.memref_slice %arg4[%add3A, %add3A_471, %dma_start3A_502, %dma_start3A_503] : memref<32x40x5x50xi32, #tpu.memory_space<hbm>> -> memref<1x1x5x50xi32, #tpu.memory_space<hbm>>
      %dma_start3A_505 = tpu.memref_squeeze %dma_start3A_504 : memref<1x1x5x50xi32, #tpu.memory_space<hbm>> -> memref<5x50xi32, #tpu.memory_space<hbm>>
      tpu.enqueue_dma source(%dma_start3A_505 : memref<5x50xi32, #tpu.memory_space<hbm>>) target(%dma_start3A_501 : memref<5x50xi32, #tpu.memory_space<vmem>>) target_semaphore(%arg16 : memref<!tpu.dma_semaphore, #tpu.memory_space<semaphore_mem>>)
      %add3A_506 = arith.constant 1 : i32
      %add3A_507 = arith.addi %mul3A_226, %add3A_506 : i32
      %dma_wait3A_508 = arith.constant 1 : i32
      %dma_wait3A_509 = arith.constant 0 : i32
      %dma_wait3A_510 = arith.constant 0 : i32
      %dma_wait3A_511 = tpu.memref_slice %arg7[%dma_wait3A_508, %dma_wait3A_509, %dma_wait3A_510] : memref<5x5x50xi32, #tpu.memory_space<vmem>> -> memref<1x5x50xi32, #tpu.memory_space<vmem>>
      %dma_wait3A_512 = tpu.memref_squeeze %dma_wait3A_511 : memref<1x5x50xi32, #tpu.memory_space<vmem>> -> memref<5x50xi32, #tpu.memory_space<vmem>>
      %dma_wait3A_513 = arith.constant 0 : i32
      %dma_wait3A_514 = arith.constant 0 : i32
      %dma_wait3A_515 = tpu.memref_slice %arg3[%add3A, %add3A_507, %dma_wait3A_513, %dma_wait3A_514] : memref<32x40x5x50xi32, #tpu.memory_space<hbm>> -> memref<1x1x5x50xi32, #tpu.memory_space<hbm>>
      %dma_wait3A_516 = tpu.memref_squeeze %dma_wait3A_515 : memref<1x1x5x50xi32, #tpu.memory_space<hbm>> -> memref<5x50xi32, #tpu.memory_space<hbm>>
      %dma_wait3A_517 = arith.constant 0 : i32
      %dma_wait3A_518 = arith.constant 0 : i32
      %dma_wait3A_519 = tpu.memref_slice %arg7[%dma_wait3A_508, %dma_wait3A_517, %dma_wait3A_518] : memref<5x5x50xi32, #tpu.memory_space<vmem>> -> memref<1x5x50xi32, #tpu.memory_space<vmem>>
      %dma_wait3A_520 = tpu.memref_squeeze %dma_wait3A_519 : memref<1x5x50xi32, #tpu.memory_space<vmem>> -> memref<5x50xi32, #tpu.memory_space<vmem>>
      %dma_wait3A_521 = arith.constant 0 : i32
      %dma_wait3A_522 = arith.constant 0 : i32
      %dma_wait3A_523 = tpu.memref_slice %arg3[%add3A, %add3A_507, %dma_wait3A_521, %dma_wait3A_522] : memref<32x40x5x50xi32, #tpu.memory_space<hbm>> -> memref<1x1x5x50xi32, #tpu.memory_space<hbm>>
      %dma_wait3A_524 = tpu.memref_squeeze %dma_wait3A_523 : memref<1x1x5x50xi32, #tpu.memory_space<hbm>> -> memref<5x50xi32, #tpu.memory_space<hbm>>
      tpu.wait_dma2 semaphore(%arg13 : memref<!tpu.dma_semaphore, #tpu.memory_space<semaphore_mem>>) src(%dma_wait3A_524 : memref<5x50xi32, #tpu.memory_space<hbm>>) dst(%dma_wait3A_520 : memref<5x50xi32, #tpu.memory_space<vmem>>)
      %dma_wait3A_525 = arith.constant 1 : i32
      %dma_wait3A_526 = arith.constant 0 : i32
      %dma_wait3A_527 = arith.constant 0 : i32
      %dma_wait3A_528 = tpu.memref_slice %arg8[%dma_wait3A_525, %dma_wait3A_526, %dma_wait3A_527] : memref<5x5x50xi32, #tpu.memory_space<vmem>> -> memref<1x5x50xi32, #tpu.memory_space<vmem>>
      %dma_wait3A_529 = tpu.memref_squeeze %dma_wait3A_528 : memref<1x5x50xi32, #tpu.memory_space<vmem>> -> memref<5x50xi32, #tpu.memory_space<vmem>>
      %dma_wait3A_530 = arith.constant 0 : i32
      %dma_wait3A_531 = arith.constant 0 : i32
      %dma_wait3A_532 = tpu.memref_slice %arg4[%add3A, %add3A_507, %dma_wait3A_530, %dma_wait3A_531] : memref<32x40x5x50xi32, #tpu.memory_space<hbm>> -> memref<1x1x5x50xi32, #tpu.memory_space<hbm>>
      %dma_wait3A_533 = tpu.memref_squeeze %dma_wait3A_532 : memref<1x1x5x50xi32, #tpu.memory_space<hbm>> -> memref<5x50xi32, #tpu.memory_space<hbm>>
      %dma_wait3A_534 = arith.constant 0 : i32
      %dma_wait3A_535 = arith.constant 0 : i32
      %dma_wait3A_536 = tpu.memref_slice %arg8[%dma_wait3A_525, %dma_wait3A_534, %dma_wait3A_535] : memref<5x5x50xi32, #tpu.memory_space<vmem>> -> memref<1x5x50xi32, #tpu.memory_space<vmem>>
      %dma_wait3A_537 = tpu.memref_squeeze %dma_wait3A_536 : memref<1x5x50xi32, #tpu.memory_space<vmem>> -> memref<5x50xi32, #tpu.memory_space<vmem>>
      %dma_wait3A_538 = arith.constant 0 : i32
      %dma_wait3A_539 = arith.constant 0 : i32
      %dma_wait3A_540 = tpu.memref_slice %arg4[%add3A, %add3A_507, %dma_wait3A_538, %dma_wait3A_539] : memref<32x40x5x50xi32, #tpu.memory_space<hbm>> -> memref<1x1x5x50xi32, #tpu.memory_space<hbm>>
      %dma_wait3A_541 = tpu.memref_squeeze %dma_wait3A_540 : memref<1x1x5x50xi32, #tpu.memory_space<hbm>> -> memref<5x50xi32, #tpu.memory_space<hbm>>
      tpu.wait_dma2 semaphore(%arg13 : memref<!tpu.dma_semaphore, #tpu.memory_space<semaphore_mem>>) src(%dma_wait3A_541 : memref<5x50xi32, #tpu.memory_space<hbm>>) dst(%dma_wait3A_537 : memref<5x50xi32, #tpu.memory_space<vmem>>)
      %dma_wait3A_542 = arith.constant 0 : i32
      %dma_wait3A_543 = arith.constant 0 : i32
      %dma_wait3A_544 = arith.constant 0 : i32
      %dma_wait3A_545 = arith.constant 0 : i32
      %dma_wait3A_546 = arith.constant 0 : i32
      %dma_wait3A_547 = tpu.memref_slice %arg9[%dma_wait3A_542, %dma_wait3A_545, %dma_wait3A_546] : memref<5x50x128xf32, #tpu.memory_space<vmem>> -> memref<1x50x128xf32, #tpu.memory_space<vmem>>
      %dma_wait3A_548 = tpu.memref_squeeze %dma_wait3A_547 : memref<1x50x128xf32, #tpu.memory_space<vmem>> -> memref<50x128xf32, #tpu.memory_space<vmem>>
      %dma_wait3A_549 = arith.constant 0 : i32
      %dma_wait3A_550 = tpu.memref_slice %arg8[%dma_wait3A_543, %dma_wait3A_544, %dma_wait3A_549] : memref<5x5x50xi32, #tpu.memory_space<vmem>> -> memref<1x1x50xi32, #tpu.memory_space<vmem>>
      %dma_wait3A_551 = tpu.memref_squeeze %dma_wait3A_550 : memref<1x1x50xi32, #tpu.memory_space<vmem>> -> memref<50xi32, #tpu.memory_space<vmem>>
      %dma_wait3A_552 = arith.constant 0 : i32
      %dma_wait3A_553 = arith.constant 0 : i32
      %dma_wait3A_554 = tpu.memref_slice %arg10[%dma_wait3A_552, %dma_wait3A_553] : memref<10112x128xf32, #tpu.memory_space<vmem_shared>> -> memref<10112x128xf32, #tpu.memory_space<vmem_shared>>
      tpu.wait_indirect_dma semaphore(%arg22 : memref<!tpu.dma_semaphore, #tpu.memory_space<semaphore_mem>>) src(%dma_wait3A_548 : memref<50x128xf32, #tpu.memory_space<vmem>>) dst(%dma_wait3A_554 : memref<10112x128xf32, #tpu.memory_space<vmem_shared>>)
      %dma_start3A_555 = arith.constant 1 : i32
      %dma_start3A_556 = arith.constant 0 : i32
      %dma_start3A_557 = arith.constant 0 : i32
      %dma_start3A_558 = arith.constant 0 : i32
      %dma_start3A_559 = arith.constant 0 : i32
      %dma_start3A_560 = tpu.memref_slice %arg9[%dma_start3A_557, %dma_start3A_558, %dma_start3A_559] : memref<5x50x128xf32, #tpu.memory_space<vmem>> -> memref<1x50x128xf32, #tpu.memory_space<vmem>>
      %dma_start3A_561 = tpu.memref_squeeze %dma_start3A_560 : memref<1x50x128xf32, #tpu.memory_space<vmem>> -> memref<50x128xf32, #tpu.memory_space<vmem>>
      %dma_start3A_562 = arith.constant 0 : i32
      %dma_start3A_563 = tpu.memref_slice %arg7[%dma_start3A_555, %dma_start3A_556, %dma_start3A_562] : memref<5x5x50xi32, #tpu.memory_space<vmem>> -> memref<1x1x50xi32, #tpu.memory_space<vmem>>
      %dma_start3A_564 = tpu.memref_squeeze %dma_start3A_563 : memref<1x1x50xi32, #tpu.memory_space<vmem>> -> memref<50xi32, #tpu.memory_space<vmem>>
      %dma_start3A_565 = arith.constant 0 : i32
      %dma_start3A_566 = arith.constant 0 : i32
      %dma_start3A_567 = tpu.memref_slice %arg2[%dma_start3A_565, %dma_start3A_566] : memref<10000x128xf32, #tpu.memory_space<hbm>> -> memref<10000x128xf32, #tpu.memory_space<hbm>>
      tpu.enqueue_indirect_dma source(%dma_start3A_567 : memref<10000x128xf32, #tpu.memory_space<hbm>>) target(%dma_start3A_561 : memref<50x128xf32, #tpu.memory_space<vmem>>) offsets(%dma_start3A_564 : memref<50xi32, #tpu.memory_space<vmem>>) semaphore(%arg17 : memref<!tpu.dma_semaphore, #tpu.memory_space<semaphore_mem>>)
      %dma_wait3A_568 = arith.constant 1 : i32
      %dma_wait3A_569 = arith.constant 0 : i32
      %dma_wait3A_570 = arith.constant 1 : i32
      %dma_wait3A_571 = arith.constant 0 : i32
      %dma_wait3A_572 = arith.constant 0 : i32
      %dma_wait3A_573 = tpu.memref_slice %arg9[%dma_wait3A_568, %dma_wait3A_571, %dma_wait3A_572] : memref<5x50x128xf32, #tpu.memory_space<vmem>> -> memref<1x50x128xf32, #tpu.memory_space<vmem>>
      %dma_wait3A_574 = tpu.memref_squeeze %dma_wait3A_573 : memref<1x50x128xf32, #tpu.memory_space<vmem>> -> memref<50x128xf32, #tpu.memory_space<vmem>>
      %dma_wait3A_575 = arith.constant 0 : i32
      %dma_wait3A_576 = tpu.memref_slice %arg8[%dma_wait3A_569, %dma_wait3A_570, %dma_wait3A_575] : memref<5x5x50xi32, #tpu.memory_space<vmem>> -> memref<1x1x50xi32, #tpu.memory_space<vmem>>
      %dma_wait3A_577 = tpu.memref_squeeze %dma_wait3A_576 : memref<1x1x50xi32, #tpu.memory_space<vmem>> -> memref<50xi32, #tpu.memory_space<vmem>>
      %dma_wait3A_578 = arith.constant 0 : i32
      %dma_wait3A_579 = arith.constant 0 : i32
      %dma_wait3A_580 = tpu.memref_slice %arg10[%dma_wait3A_578, %dma_wait3A_579] : memref<10112x128xf32, #tpu.memory_space<vmem_shared>> -> memref<10112x128xf32, #tpu.memory_space<vmem_shared>>
      tpu.wait_indirect_dma semaphore(%arg23 : memref<!tpu.dma_semaphore, #tpu.memory_space<semaphore_mem>>) src(%dma_wait3A_574 : memref<50x128xf32, #tpu.memory_space<vmem>>) dst(%dma_wait3A_580 : memref<10112x128xf32, #tpu.memory_space<vmem_shared>>)
      %dma_start3A_581 = arith.constant 1 : i32
      %dma_start3A_582 = arith.constant 1 : i32
      %dma_start3A_583 = arith.constant 1 : i32
      %dma_start3A_584 = arith.constant 0 : i32
      %dma_start3A_585 = arith.constant 0 : i32
      %dma_start3A_586 = tpu.memref_slice %arg9[%dma_start3A_583, %dma_start3A_584, %dma_start3A_585] : memref<5x50x128xf32, #tpu.memory_space<vmem>> -> memref<1x50x128xf32, #tpu.memory_space<vmem>>
      %dma_start3A_587 = tpu.memref_squeeze %dma_start3A_586 : memref<1x50x128xf32, #tpu.memory_space<vmem>> -> memref<50x128xf32, #tpu.memory_space<vmem>>
      %dma_start3A_588 = arith.constant 0 : i32
      %dma_start3A_589 = tpu.memref_slice %arg7[%dma_start3A_581, %dma_start3A_582, %dma_start3A_588] : memref<5x5x50xi32, #tpu.memory_space<vmem>> -> memref<1x1x50xi32, #tpu.memory_space<vmem>>
      %dma_start3A_590 = tpu.memref_squeeze %dma_start3A_589 : memref<1x1x50xi32, #tpu.memory_space<vmem>> -> memref<50xi32, #tpu.memory_space<vmem>>
      %dma_start3A_591 = arith.constant 0 : i32
      %dma_start3A_592 = arith.constant 0 : i32
      %dma_start3A_593 = tpu.memref_slice %arg2[%dma_start3A_591, %dma_start3A_592] : memref<10000x128xf32, #tpu.memory_space<hbm>> -> memref<10000x128xf32, #tpu.memory_space<hbm>>
      tpu.enqueue_indirect_dma source(%dma_start3A_593 : memref<10000x128xf32, #tpu.memory_space<hbm>>) target(%dma_start3A_587 : memref<50x128xf32, #tpu.memory_space<vmem>>) offsets(%dma_start3A_590 : memref<50xi32, #tpu.memory_space<vmem>>) semaphore(%arg18 : memref<!tpu.dma_semaphore, #tpu.memory_space<semaphore_mem>>)
      %dma_wait3A_594 = arith.constant 2 : i32
      %dma_wait3A_595 = arith.constant 0 : i32
      %dma_wait3A_596 = arith.constant 2 : i32
      %dma_wait3A_597 = arith.constant 0 : i32
      %dma_wait3A_598 = arith.constant 0 : i32
      %dma_wait3A_599 = tpu.memref_slice %arg9[%dma_wait3A_594, %dma_wait3A_597, %dma_wait3A_598] : memref<5x50x128xf32, #tpu.memory_space<vmem>> -> memref<1x50x128xf32, #tpu.memory_space<vmem>>
      %dma_wait3A_600 = tpu.memref_squeeze %dma_wait3A_599 : memref<1x50x128xf32, #tpu.memory_space<vmem>> -> memref<50x128xf32, #tpu.memory_space<vmem>>
      %dma_wait3A_601 = arith.constant 0 : i32
      %dma_wait3A_602 = tpu.memref_slice %arg8[%dma_wait3A_595, %dma_wait3A_596, %dma_wait3A_601] : memref<5x5x50xi32, #tpu.memory_space<vmem>> -> memref<1x1x50xi32, #tpu.memory_space<vmem>>
      %dma_wait3A_603 = tpu.memref_squeeze %dma_wait3A_602 : memref<1x1x50xi32, #tpu.memory_space<vmem>> -> memref<50xi32, #tpu.memory_space<vmem>>
      %dma_wait3A_604 = arith.constant 0 : i32
      %dma_wait3A_605 = arith.constant 0 : i32
      %dma_wait3A_606 = tpu.memref_slice %arg10[%dma_wait3A_604, %dma_wait3A_605] : memref<10112x128xf32, #tpu.memory_space<vmem_shared>> -> memref<10112x128xf32, #tpu.memory_space<vmem_shared>>
      tpu.wait_indirect_dma semaphore(%arg24 : memref<!tpu.dma_semaphore, #tpu.memory_space<semaphore_mem>>) src(%dma_wait3A_600 : memref<50x128xf32, #tpu.memory_space<vmem>>) dst(%dma_wait3A_606 : memref<10112x128xf32, #tpu.memory_space<vmem_shared>>)
      %dma_start3A_607 = arith.constant 1 : i32
      %dma_start3A_608 = arith.constant 2 : i32
      %dma_start3A_609 = arith.constant 2 : i32
      %dma_start3A_610 = arith.constant 0 : i32
      %dma_start3A_611 = arith.constant 0 : i32
      %dma_start3A_612 = tpu.memref_slice %arg9[%dma_start3A_609, %dma_start3A_610, %dma_start3A_611] : memref<5x50x128xf32, #tpu.memory_space<vmem>> -> memref<1x50x128xf32, #tpu.memory_space<vmem>>
      %dma_start3A_613 = tpu.memref_squeeze %dma_start3A_612 : memref<1x50x128xf32, #tpu.memory_space<vmem>> -> memref<50x128xf32, #tpu.memory_space<vmem>>
      %dma_start3A_614 = arith.constant 0 : i32
      %dma_start3A_615 = tpu.memref_slice %arg7[%dma_start3A_607, %dma_start3A_608, %dma_start3A_614] : memref<5x5x50xi32, #tpu.memory_space<vmem>> -> memref<1x1x50xi32, #tpu.memory_space<vmem>>
      %dma_start3A_616 = tpu.memref_squeeze %dma_start3A_615 : memref<1x1x50xi32, #tpu.memory_space<vmem>> -> memref<50xi32, #tpu.memory_space<vmem>>
      %dma_start3A_617 = arith.constant 0 : i32
      %dma_start3A_618 = arith.constant 0 : i32
      %dma_start3A_619 = tpu.memref_slice %arg2[%dma_start3A_617, %dma_start3A_618] : memref<10000x128xf32, #tpu.memory_space<hbm>> -> memref<10000x128xf32, #tpu.memory_space<hbm>>
      tpu.enqueue_indirect_dma source(%dma_start3A_619 : memref<10000x128xf32, #tpu.memory_space<hbm>>) target(%dma_start3A_613 : memref<50x128xf32, #tpu.memory_space<vmem>>) offsets(%dma_start3A_616 : memref<50xi32, #tpu.memory_space<vmem>>) semaphore(%arg19 : memref<!tpu.dma_semaphore, #tpu.memory_space<semaphore_mem>>)
      %dma_wait3A_620 = arith.constant 3 : i32
      %dma_wait3A_621 = arith.constant 0 : i32
      %dma_wait3A_622 = arith.constant 3 : i32
      %dma_wait3A_623 = arith.constant 0 : i32
      %dma_wait3A_624 = arith.constant 0 : i32
      %dma_wait3A_625 = tpu.memref_slice %arg9[%dma_wait3A_620, %dma_wait3A_623, %dma_wait3A_624] : memref<5x50x128xf32, #tpu.memory_space<vmem>> -> memref<1x50x128xf32, #tpu.memory_space<vmem>>
      %dma_wait3A_626 = tpu.memref_squeeze %dma_wait3A_625 : memref<1x50x128xf32, #tpu.memory_space<vmem>> -> memref<50x128xf32, #tpu.memory_space<vmem>>
      %dma_wait3A_627 = arith.constant 0 : i32
      %dma_wait3A_628 = tpu.memref_slice %arg8[%dma_wait3A_621, %dma_wait3A_622, %dma_wait3A_627] : memref<5x5x50xi32, #tpu.memory_space<vmem>> -> memref<1x1x50xi32, #tpu.memory_space<vmem>>
      %dma_wait3A_629 = tpu.memref_squeeze %dma_wait3A_628 : memref<1x1x50xi32, #tpu.memory_space<vmem>> -> memref<50xi32, #tpu.memory_space<vmem>>
      %dma_wait3A_630 = arith.constant 0 : i32
      %dma_wait3A_631 = arith.constant 0 : i32
      %dma_wait3A_632 = tpu.memref_slice %arg10[%dma_wait3A_630, %dma_wait3A_631] : memref<10112x128xf32, #tpu.memory_space<vmem_shared>> -> memref<10112x128xf32, #tpu.memory_space<vmem_shared>>
      tpu.wait_indirect_dma semaphore(%arg25 : memref<!tpu.dma_semaphore, #tpu.memory_space<semaphore_mem>>) src(%dma_wait3A_626 : memref<50x128xf32, #tpu.memory_space<vmem>>) dst(%dma_wait3A_632 : memref<10112x128xf32, #tpu.memory_space<vmem_shared>>)
      %dma_start3A_633 = arith.constant 1 : i32
      %dma_start3A_634 = arith.constant 3 : i32
      %dma_start3A_635 = arith.constant 3 : i32
      %dma_start3A_636 = arith.constant 0 : i32
      %dma_start3A_637 = arith.constant 0 : i32
      %dma_start3A_638 = tpu.memref_slice %arg9[%dma_start3A_635, %dma_start3A_636, %dma_start3A_637] : memref<5x50x128xf32, #tpu.memory_space<vmem>> -> memref<1x50x128xf32, #tpu.memory_space<vmem>>
      %dma_start3A_639 = tpu.memref_squeeze %dma_start3A_638 : memref<1x50x128xf32, #tpu.memory_space<vmem>> -> memref<50x128xf32, #tpu.memory_space<vmem>>
      %dma_start3A_640 = arith.constant 0 : i32
      %dma_start3A_641 = tpu.memref_slice %arg7[%dma_start3A_633, %dma_start3A_634, %dma_start3A_640] : memref<5x5x50xi32, #tpu.memory_space<vmem>> -> memref<1x1x50xi32, #tpu.memory_space<vmem>>
      %dma_start3A_642 = tpu.memref_squeeze %dma_start3A_641 : memref<1x1x50xi32, #tpu.memory_space<vmem>> -> memref<50xi32, #tpu.memory_space<vmem>>
      %dma_start3A_643 = arith.constant 0 : i32
      %dma_start3A_644 = arith.constant 0 : i32
      %dma_start3A_645 = tpu.memref_slice %arg2[%dma_start3A_643, %dma_start3A_644] : memref<10000x128xf32, #tpu.memory_space<hbm>> -> memref<10000x128xf32, #tpu.memory_space<hbm>>
      tpu.enqueue_indirect_dma source(%dma_start3A_645 : memref<10000x128xf32, #tpu.memory_space<hbm>>) target(%dma_start3A_639 : memref<50x128xf32, #tpu.memory_space<vmem>>) offsets(%dma_start3A_642 : memref<50xi32, #tpu.memory_space<vmem>>) semaphore(%arg20 : memref<!tpu.dma_semaphore, #tpu.memory_space<semaphore_mem>>)
      %dma_wait3A_646 = arith.constant 4 : i32
      %dma_wait3A_647 = arith.constant 0 : i32
      %dma_wait3A_648 = arith.constant 4 : i32
      %dma_wait3A_649 = arith.constant 0 : i32
      %dma_wait3A_650 = arith.constant 0 : i32
      %dma_wait3A_651 = tpu.memref_slice %arg9[%dma_wait3A_646, %dma_wait3A_649, %dma_wait3A_650] : memref<5x50x128xf32, #tpu.memory_space<vmem>> -> memref<1x50x128xf32, #tpu.memory_space<vmem>>
      %dma_wait3A_652 = tpu.memref_squeeze %dma_wait3A_651 : memref<1x50x128xf32, #tpu.memory_space<vmem>> -> memref<50x128xf32, #tpu.memory_space<vmem>>
      %dma_wait3A_653 = arith.constant 0 : i32
      %dma_wait3A_654 = tpu.memref_slice %arg8[%dma_wait3A_647, %dma_wait3A_648, %dma_wait3A_653] : memref<5x5x50xi32, #tpu.memory_space<vmem>> -> memref<1x1x50xi32, #tpu.memory_space<vmem>>
      %dma_wait3A_655 = tpu.memref_squeeze %dma_wait3A_654 : memref<1x1x50xi32, #tpu.memory_space<vmem>> -> memref<50xi32, #tpu.memory_space<vmem>>
      %dma_wait3A_656 = arith.constant 0 : i32
      %dma_wait3A_657 = arith.constant 0 : i32
      %dma_wait3A_658 = tpu.memref_slice %arg10[%dma_wait3A_656, %dma_wait3A_657] : memref<10112x128xf32, #tpu.memory_space<vmem_shared>> -> memref<10112x128xf32, #tpu.memory_space<vmem_shared>>
      tpu.wait_indirect_dma semaphore(%arg26 : memref<!tpu.dma_semaphore, #tpu.memory_space<semaphore_mem>>) src(%dma_wait3A_652 : memref<50x128xf32, #tpu.memory_space<vmem>>) dst(%dma_wait3A_658 : memref<10112x128xf32, #tpu.memory_space<vmem_shared>>)
      %dma_start3A_659 = arith.constant 1 : i32
      %dma_start3A_660 = arith.constant 4 : i32
      %dma_start3A_661 = arith.constant 4 : i32
      %dma_start3A_662 = arith.constant 0 : i32
      %dma_start3A_663 = arith.constant 0 : i32
      %dma_start3A_664 = tpu.memref_slice %arg9[%dma_start3A_661, %dma_start3A_662, %dma_start3A_663] : memref<5x50x128xf32, #tpu.memory_space<vmem>> -> memref<1x50x128xf32, #tpu.memory_space<vmem>>
      %dma_start3A_665 = tpu.memref_squeeze %dma_start3A_664 : memref<1x50x128xf32, #tpu.memory_space<vmem>> -> memref<50x128xf32, #tpu.memory_space<vmem>>
      %dma_start3A_666 = arith.constant 0 : i32
      %dma_start3A_667 = tpu.memref_slice %arg7[%dma_start3A_659, %dma_start3A_660, %dma_start3A_666] : memref<5x5x50xi32, #tpu.memory_space<vmem>> -> memref<1x1x50xi32, #tpu.memory_space<vmem>>
      %dma_start3A_668 = tpu.memref_squeeze %dma_start3A_667 : memref<1x1x50xi32, #tpu.memory_space<vmem>> -> memref<50xi32, #tpu.memory_space<vmem>>
      %dma_start3A_669 = arith.constant 0 : i32
      %dma_start3A_670 = arith.constant 0 : i32
      %dma_start3A_671 = tpu.memref_slice %arg2[%dma_start3A_669, %dma_start3A_670] : memref<10000x128xf32, #tpu.memory_space<hbm>> -> memref<10000x128xf32, #tpu.memory_space<hbm>>
      tpu.enqueue_indirect_dma source(%dma_start3A_671 : memref<10000x128xf32, #tpu.memory_space<hbm>>) target(%dma_start3A_665 : memref<50x128xf32, #tpu.memory_space<vmem>>) offsets(%dma_start3A_668 : memref<50xi32, #tpu.memory_space<vmem>>) semaphore(%arg21 : memref<!tpu.dma_semaphore, #tpu.memory_space<semaphore_mem>>)
      %dma_wait3A_672 = arith.constant 1 : i32
      %dma_wait3A_673 = arith.constant 0 : i32
      %dma_wait3A_674 = arith.constant 0 : i32
      %dma_wait3A_675 = arith.constant 0 : i32
      %dma_wait3A_676 = arith.constant 0 : i32
      %dma_wait3A_677 = tpu.memref_slice %arg9[%dma_wait3A_674, %dma_wait3A_675, %dma_wait3A_676] : memref<5x50x128xf32, #tpu.memory_space<vmem>> -> memref<1x50x128xf32, #tpu.memory_space<vmem>>
      %dma_wait3A_678 = tpu.memref_squeeze %dma_wait3A_677 : memref<1x50x128xf32, #tpu.memory_space<vmem>> -> memref<50x128xf32, #tpu.memory_space<vmem>>
      %dma_wait3A_679 = arith.constant 0 : i32
      %dma_wait3A_680 = tpu.memref_slice %arg7[%dma_wait3A_672, %dma_wait3A_673, %dma_wait3A_679] : memref<5x5x50xi32, #tpu.memory_space<vmem>> -> memref<1x1x50xi32, #tpu.memory_space<vmem>>
      %dma_wait3A_681 = tpu.memref_squeeze %dma_wait3A_680 : memref<1x1x50xi32, #tpu.memory_space<vmem>> -> memref<50xi32, #tpu.memory_space<vmem>>
      %dma_wait3A_682 = arith.constant 0 : i32
      %dma_wait3A_683 = arith.constant 0 : i32
      %dma_wait3A_684 = tpu.memref_slice %arg2[%dma_wait3A_682, %dma_wait3A_683] : memref<10000x128xf32, #tpu.memory_space<hbm>> -> memref<10000x128xf32, #tpu.memory_space<hbm>>
      tpu.wait_indirect_dma semaphore(%arg17 : memref<!tpu.dma_semaphore, #tpu.memory_space<semaphore_mem>>) src(%dma_wait3A_684 : memref<10000x128xf32, #tpu.memory_space<hbm>>) dst(%dma_wait3A_678 : memref<50x128xf32, #tpu.memory_space<vmem>>)
      %dma_start3A_685 = arith.constant 0 : i32
      %dma_start3A_686 = arith.constant 1 : i32
      %dma_start3A_687 = arith.constant 0 : i32
      %dma_start3A_688 = arith.constant 0 : i32
      %dma_start3A_689 = arith.constant 0 : i32
      %dma_start3A_690 = tpu.memref_slice %arg9[%dma_start3A_685, %dma_start3A_688, %dma_start3A_689] : memref<5x50x128xf32, #tpu.memory_space<vmem>> -> memref<1x50x128xf32, #tpu.memory_space<vmem>>
      %dma_start3A_691 = tpu.memref_squeeze %dma_start3A_690 : memref<1x50x128xf32, #tpu.memory_space<vmem>> -> memref<50x128xf32, #tpu.memory_space<vmem>>
      %dma_start3A_692 = arith.constant 0 : i32
      %dma_start3A_693 = tpu.memref_slice %arg8[%dma_start3A_686, %dma_start3A_687, %dma_start3A_692] : memref<5x5x50xi32, #tpu.memory_space<vmem>> -> memref<1x1x50xi32, #tpu.memory_space<vmem>>
      %dma_start3A_694 = tpu.memref_squeeze %dma_start3A_693 : memref<1x1x50xi32, #tpu.memory_space<vmem>> -> memref<50xi32, #tpu.memory_space<vmem>>
      %dma_start3A_695 = arith.constant 0 : i32
      %dma_start3A_696 = arith.constant 0 : i32
      %dma_start3A_697 = tpu.memref_slice %arg10[%dma_start3A_695, %dma_start3A_696] : memref<10112x128xf32, #tpu.memory_space<vmem_shared>> -> memref<10112x128xf32, #tpu.memory_space<vmem_shared>>
      tpu.enqueue_indirect_dma source(%dma_start3A_691 : memref<50x128xf32, #tpu.memory_space<vmem>>) target(%dma_start3A_697 : memref<10112x128xf32, #tpu.memory_space<vmem_shared>>) offsets(%dma_start3A_694 : memref<50xi32, #tpu.memory_space<vmem>>) semaphore(%arg22 : memref<!tpu.dma_semaphore, #tpu.memory_space<semaphore_mem>>) {add = true}
      %dma_wait3A_698 = arith.constant 1 : i32
      %dma_wait3A_699 = arith.constant 1 : i32
      %dma_wait3A_700 = arith.constant 1 : i32
      %dma_wait3A_701 = arith.constant 0 : i32
      %dma_wait3A_702 = arith.constant 0 : i32
      %dma_wait3A_703 = tpu.memref_slice %arg9[%dma_wait3A_700, %dma_wait3A_701, %dma_wait3A_702] : memref<5x50x128xf32, #tpu.memory_space<vmem>> -> memref<1x50x128xf32, #tpu.memory_space<vmem>>
      %dma_wait3A_704 = tpu.memref_squeeze %dma_wait3A_703 : memref<1x50x128xf32, #tpu.memory_space<vmem>> -> memref<50x128xf32, #tpu.memory_space<vmem>>
      %dma_wait3A_705 = arith.constant 0 : i32
      %dma_wait3A_706 = tpu.memref_slice %arg7[%dma_wait3A_698, %dma_wait3A_699, %dma_wait3A_705] : memref<5x5x50xi32, #tpu.memory_space<vmem>> -> memref<1x1x50xi32, #tpu.memory_space<vmem>>
      %dma_wait3A_707 = tpu.memref_squeeze %dma_wait3A_706 : memref<1x1x50xi32, #tpu.memory_space<vmem>> -> memref<50xi32, #tpu.memory_space<vmem>>
      %dma_wait3A_708 = arith.constant 0 : i32
      %dma_wait3A_709 = arith.constant 0 : i32
      %dma_wait3A_710 = tpu.memref_slice %arg2[%dma_wait3A_708, %dma_wait3A_709] : memref<10000x128xf32, #tpu.memory_space<hbm>> -> memref<10000x128xf32, #tpu.memory_space<hbm>>
      tpu.wait_indirect_dma semaphore(%arg18 : memref<!tpu.dma_semaphore, #tpu.memory_space<semaphore_mem>>) src(%dma_wait3A_710 : memref<10000x128xf32, #tpu.memory_space<hbm>>) dst(%dma_wait3A_704 : memref<50x128xf32, #tpu.memory_space<vmem>>)
      %dma_start3A_711 = arith.constant 1 : i32
      %dma_start3A_712 = arith.constant 1 : i32
      %dma_start3A_713 = arith.constant 1 : i32
      %dma_start3A_714 = arith.constant 0 : i32
      %dma_start3A_715 = arith.constant 0 : i32
      %dma_start3A_716 = tpu.memref_slice %arg9[%dma_start3A_711, %dma_start3A_714, %dma_start3A_715] : memref<5x50x128xf32, #tpu.memory_space<vmem>> -> memref<1x50x128xf32, #tpu.memory_space<vmem>>
      %dma_start3A_717 = tpu.memref_squeeze %dma_start3A_716 : memref<1x50x128xf32, #tpu.memory_space<vmem>> -> memref<50x128xf32, #tpu.memory_space<vmem>>
      %dma_start3A_718 = arith.constant 0 : i32
      %dma_start3A_719 = tpu.memref_slice %arg8[%dma_start3A_712, %dma_start3A_713, %dma_start3A_718] : memref<5x5x50xi32, #tpu.memory_space<vmem>> -> memref<1x1x50xi32, #tpu.memory_space<vmem>>
      %dma_start3A_720 = tpu.memref_squeeze %dma_start3A_719 : memref<1x1x50xi32, #tpu.memory_space<vmem>> -> memref<50xi32, #tpu.memory_space<vmem>>
      %dma_start3A_721 = arith.constant 0 : i32
      %dma_start3A_722 = arith.constant 0 : i32
      %dma_start3A_723 = tpu.memref_slice %arg10[%dma_start3A_721, %dma_start3A_722] : memref<10112x128xf32, #tpu.memory_space<vmem_shared>> -> memref<10112x128xf32, #tpu.memory_space<vmem_shared>>
      tpu.enqueue_indirect_dma source(%dma_start3A_717 : memref<50x128xf32, #tpu.memory_space<vmem>>) target(%dma_start3A_723 : memref<10112x128xf32, #tpu.memory_space<vmem_shared>>) offsets(%dma_start3A_720 : memref<50xi32, #tpu.memory_space<vmem>>) semaphore(%arg23 : memref<!tpu.dma_semaphore, #tpu.memory_space<semaphore_mem>>) {add = true}
      %dma_wait3A_724 = arith.constant 1 : i32
      %dma_wait3A_725 = arith.constant 2 : i32
      %dma_wait3A_726 = arith.constant 2 : i32
      %dma_wait3A_727 = arith.constant 0 : i32
      %dma_wait3A_728 = arith.constant 0 : i32
      %dma_wait3A_729 = tpu.memref_slice %arg9[%dma_wait3A_726, %dma_wait3A_727, %dma_wait3A_728] : memref<5x50x128xf32, #tpu.memory_space<vmem>> -> memref<1x50x128xf32, #tpu.memory_space<vmem>>
      %dma_wait3A_730 = tpu.memref_squeeze %dma_wait3A_729 : memref<1x50x128xf32, #tpu.memory_space<vmem>> -> memref<50x128xf32, #tpu.memory_space<vmem>>
      %dma_wait3A_731 = arith.constant 0 : i32
      %dma_wait3A_732 = tpu.memref_slice %arg7[%dma_wait3A_724, %dma_wait3A_725, %dma_wait3A_731] : memref<5x5x50xi32, #tpu.memory_space<vmem>> -> memref<1x1x50xi32, #tpu.memory_space<vmem>>
      %dma_wait3A_733 = tpu.memref_squeeze %dma_wait3A_732 : memref<1x1x50xi32, #tpu.memory_space<vmem>> -> memref<50xi32, #tpu.memory_space<vmem>>
      %dma_wait3A_734 = arith.constant 0 : i32
      %dma_wait3A_735 = arith.constant 0 : i32
      %dma_wait3A_736 = tpu.memref_slice %arg2[%dma_wait3A_734, %dma_wait3A_735] : memref<10000x128xf32, #tpu.memory_space<hbm>> -> memref<10000x128xf32, #tpu.memory_space<hbm>>
      tpu.wait_indirect_dma semaphore(%arg19 : memref<!tpu.dma_semaphore, #tpu.memory_space<semaphore_mem>>) src(%dma_wait3A_736 : memref<10000x128xf32, #tpu.memory_space<hbm>>) dst(%dma_wait3A_730 : memref<50x128xf32, #tpu.memory_space<vmem>>)
      %dma_start3A_737 = arith.constant 2 : i32
      %dma_start3A_738 = arith.constant 1 : i32
      %dma_start3A_739 = arith.constant 2 : i32
      %dma_start3A_740 = arith.constant 0 : i32
      %dma_start3A_741 = arith.constant 0 : i32
      %dma_start3A_742 = tpu.memref_slice %arg9[%dma_start3A_737, %dma_start3A_740, %dma_start3A_741] : memref<5x50x128xf32, #tpu.memory_space<vmem>> -> memref<1x50x128xf32, #tpu.memory_space<vmem>>
      %dma_start3A_743 = tpu.memref_squeeze %dma_start3A_742 : memref<1x50x128xf32, #tpu.memory_space<vmem>> -> memref<50x128xf32, #tpu.memory_space<vmem>>
      %dma_start3A_744 = arith.constant 0 : i32
      %dma_start3A_745 = tpu.memref_slice %arg8[%dma_start3A_738, %dma_start3A_739, %dma_start3A_744] : memref<5x5x50xi32, #tpu.memory_space<vmem>> -> memref<1x1x50xi32, #tpu.memory_space<vmem>>
      %dma_start3A_746 = tpu.memref_squeeze %dma_start3A_745 : memref<1x1x50xi32, #tpu.memory_space<vmem>> -> memref<50xi32, #tpu.memory_space<vmem>>
      %dma_start3A_747 = arith.constant 0 : i32
      %dma_start3A_748 = arith.constant 0 : i32
      %dma_start3A_749 = tpu.memref_slice %arg10[%dma_start3A_747, %dma_start3A_748] : memref<10112x128xf32, #tpu.memory_space<vmem_shared>> -> memref<10112x128xf32, #tpu.memory_space<vmem_shared>>
      tpu.enqueue_indirect_dma source(%dma_start3A_743 : memref<50x128xf32, #tpu.memory_space<vmem>>) target(%dma_start3A_749 : memref<10112x128xf32, #tpu.memory_space<vmem_shared>>) offsets(%dma_start3A_746 : memref<50xi32, #tpu.memory_space<vmem>>) semaphore(%arg24 : memref<!tpu.dma_semaphore, #tpu.memory_space<semaphore_mem>>) {add = true}
      %dma_wait3A_750 = arith.constant 1 : i32
      %dma_wait3A_751 = arith.constant 3 : i32
      %dma_wait3A_752 = arith.constant 3 : i32
      %dma_wait3A_753 = arith.constant 0 : i32
      %dma_wait3A_754 = arith.constant 0 : i32
      %dma_wait3A_755 = tpu.memref_slice %arg9[%dma_wait3A_752, %dma_wait3A_753, %dma_wait3A_754] : memref<5x50x128xf32, #tpu.memory_space<vmem>> -> memref<1x50x128xf32, #tpu.memory_space<vmem>>
      %dma_wait3A_756 = tpu.memref_squeeze %dma_wait3A_755 : memref<1x50x128xf32, #tpu.memory_space<vmem>> -> memref<50x128xf32, #tpu.memory_space<vmem>>
      %dma_wait3A_757 = arith.constant 0 : i32
      %dma_wait3A_758 = tpu.memref_slice %arg7[%dma_wait3A_750, %dma_wait3A_751, %dma_wait3A_757] : memref<5x5x50xi32, #tpu.memory_space<vmem>> -> memref<1x1x50xi32, #tpu.memory_space<vmem>>
      %dma_wait3A_759 = tpu.memref_squeeze %dma_wait3A_758 : memref<1x1x50xi32, #tpu.memory_space<vmem>> -> memref<50xi32, #tpu.memory_space<vmem>>
      %dma_wait3A_760 = arith.constant 0 : i32
      %dma_wait3A_761 = arith.constant 0 : i32
      %dma_wait3A_762 = tpu.memref_slice %arg2[%dma_wait3A_760, %dma_wait3A_761] : memref<10000x128xf32, #tpu.memory_space<hbm>> -> memref<10000x128xf32, #tpu.memory_space<hbm>>
      tpu.wait_indirect_dma semaphore(%arg20 : memref<!tpu.dma_semaphore, #tpu.memory_space<semaphore_mem>>) src(%dma_wait3A_762 : memref<10000x128xf32, #tpu.memory_space<hbm>>) dst(%dma_wait3A_756 : memref<50x128xf32, #tpu.memory_space<vmem>>)
      %dma_start3A_763 = arith.constant 3 : i32
      %dma_start3A_764 = arith.constant 1 : i32
      %dma_start3A_765 = arith.constant 3 : i32
      %dma_start3A_766 = arith.constant 0 : i32
      %dma_start3A_767 = arith.constant 0 : i32
      %dma_start3A_768 = tpu.memref_slice %arg9[%dma_start3A_763, %dma_start3A_766, %dma_start3A_767] : memref<5x50x128xf32, #tpu.memory_space<vmem>> -> memref<1x50x128xf32, #tpu.memory_space<vmem>>
      %dma_start3A_769 = tpu.memref_squeeze %dma_start3A_768 : memref<1x50x128xf32, #tpu.memory_space<vmem>> -> memref<50x128xf32, #tpu.memory_space<vmem>>
      %dma_start3A_770 = arith.constant 0 : i32
      %dma_start3A_771 = tpu.memref_slice %arg8[%dma_start3A_764, %dma_start3A_765, %dma_start3A_770] : memref<5x5x50xi32, #tpu.memory_space<vmem>> -> memref<1x1x50xi32, #tpu.memory_space<vmem>>
      %dma_start3A_772 = tpu.memref_squeeze %dma_start3A_771 : memref<1x1x50xi32, #tpu.memory_space<vmem>> -> memref<50xi32, #tpu.memory_space<vmem>>
      %dma_start3A_773 = arith.constant 0 : i32
      %dma_start3A_774 = arith.constant 0 : i32
      %dma_start3A_775 = tpu.memref_slice %arg10[%dma_start3A_773, %dma_start3A_774] : memref<10112x128xf32, #tpu.memory_space<vmem_shared>> -> memref<10112x128xf32, #tpu.memory_space<vmem_shared>>
      tpu.enqueue_indirect_dma source(%dma_start3A_769 : memref<50x128xf32, #tpu.memory_space<vmem>>) target(%dma_start3A_775 : memref<10112x128xf32, #tpu.memory_space<vmem_shared>>) offsets(%dma_start3A_772 : memref<50xi32, #tpu.memory_space<vmem>>) semaphore(%arg25 : memref<!tpu.dma_semaphore, #tpu.memory_space<semaphore_mem>>) {add = true}
      %dma_wait3A_776 = arith.constant 1 : i32
      %dma_wait3A_777 = arith.constant 4 : i32
      %dma_wait3A_778 = arith.constant 4 : i32
      %dma_wait3A_779 = arith.constant 0 : i32
      %dma_wait3A_780 = arith.constant 0 : i32
      %dma_wait3A_781 = tpu.memref_slice %arg9[%dma_wait3A_778, %dma_wait3A_779, %dma_wait3A_780] : memref<5x50x128xf32, #tpu.memory_space<vmem>> -> memref<1x50x128xf32, #tpu.memory_space<vmem>>
      %dma_wait3A_782 = tpu.memref_squeeze %dma_wait3A_781 : memref<1x50x128xf32, #tpu.memory_space<vmem>> -> memref<50x128xf32, #tpu.memory_space<vmem>>
      %dma_wait3A_783 = arith.constant 0 : i32
      %dma_wait3A_784 = tpu.memref_slice %arg7[%dma_wait3A_776, %dma_wait3A_777, %dma_wait3A_783] : memref<5x5x50xi32, #tpu.memory_space<vmem>> -> memref<1x1x50xi32, #tpu.memory_space<vmem>>
      %dma_wait3A_785 = tpu.memref_squeeze %dma_wait3A_784 : memref<1x1x50xi32, #tpu.memory_space<vmem>> -> memref<50xi32, #tpu.memory_space<vmem>>
      %dma_wait3A_786 = arith.constant 0 : i32
      %dma_wait3A_787 = arith.constant 0 : i32
      %dma_wait3A_788 = tpu.memref_slice %arg2[%dma_wait3A_786, %dma_wait3A_787] : memref<10000x128xf32, #tpu.memory_space<hbm>> -> memref<10000x128xf32, #tpu.memory_space<hbm>>
      tpu.wait_indirect_dma semaphore(%arg21 : memref<!tpu.dma_semaphore, #tpu.memory_space<semaphore_mem>>) src(%dma_wait3A_788 : memref<10000x128xf32, #tpu.memory_space<hbm>>) dst(%dma_wait3A_782 : memref<50x128xf32, #tpu.memory_space<vmem>>)
      %dma_start3A_789 = arith.constant 4 : i32
      %dma_start3A_790 = arith.constant 1 : i32
      %dma_start3A_791 = arith.constant 4 : i32
      %dma_start3A_792 = arith.constant 0 : i32
      %dma_start3A_793 = arith.constant 0 : i32
      %dma_start3A_794 = tpu.memref_slice %arg9[%dma_start3A_789, %dma_start3A_792, %dma_start3A_793] : memref<5x50x128xf32, #tpu.memory_space<vmem>> -> memref<1x50x128xf32, #tpu.memory_space<vmem>>
      %dma_start3A_795 = tpu.memref_squeeze %dma_start3A_794 : memref<1x50x128xf32, #tpu.memory_space<vmem>> -> memref<50x128xf32, #tpu.memory_space<vmem>>
      %dma_start3A_796 = arith.constant 0 : i32
      %dma_start3A_797 = tpu.memref_slice %arg8[%dma_start3A_790, %dma_start3A_791, %dma_start3A_796] : memref<5x5x50xi32, #tpu.memory_space<vmem>> -> memref<1x1x50xi32, #tpu.memory_space<vmem>>
      %dma_start3A_798 = tpu.memref_squeeze %dma_start3A_797 : memref<1x1x50xi32, #tpu.memory_space<vmem>> -> memref<50xi32, #tpu.memory_space<vmem>>
      %dma_start3A_799 = arith.constant 0 : i32
      %dma_start3A_800 = arith.constant 0 : i32
      %dma_start3A_801 = tpu.memref_slice %arg10[%dma_start3A_799, %dma_start3A_800] : memref<10112x128xf32, #tpu.memory_space<vmem_shared>> -> memref<10112x128xf32, #tpu.memory_space<vmem_shared>>
      tpu.enqueue_indirect_dma source(%dma_start3A_795 : memref<50x128xf32, #tpu.memory_space<vmem>>) target(%dma_start3A_801 : memref<10112x128xf32, #tpu.memory_space<vmem_shared>>) offsets(%dma_start3A_798 : memref<50xi32, #tpu.memory_space<vmem>>) semaphore(%arg26 : memref<!tpu.dma_semaphore, #tpu.memory_space<semaphore_mem>>) {add = true}
      %lt3A = arith.constant 7 : i32
      %lt3A_802 = arith.cmpi slt, %scan3A_224, %lt3A : i32
      %convert_element_type3A_803 = arith.extui %lt3A_802 : i1 to i32
      %cond3A_804 = arith.constant 0 : i32
      %cond3A_805 = arith.cmpi ne, %convert_element_type3A_803, %cond3A_804 : i32
      scf.if %cond3A_805 {
        %add3A_1709 = arith.constant 4 : i32
        %add3A_1710 = arith.addi %mul3A_226, %add3A_1709 : i32
        %add3A_1711 = arith.constant 1 : i32
        %add3A_1712 = arith.addi %add3A_1710, %add3A_1711 : i32
        %dma_start3A_1713 = arith.constant 0 : i32
        %dma_start3A_1714 = arith.constant 0 : i32
        %dma_start3A_1715 = arith.constant 0 : i32
        %dma_start3A_1716 = tpu.memref_slice %arg7[%dma_start3A_1713, %dma_start3A_1714, %dma_start3A_1715] : memref<5x5x50xi32, #tpu.memory_space<vmem>> -> memref<1x5x50xi32, #tpu.memory_space<vmem>>
        %dma_start3A_1717 = tpu.memref_squeeze %dma_start3A_1716 : memref<1x5x50xi32, #tpu.memory_space<vmem>> -> memref<5x50xi32, #tpu.memory_space<vmem>>
        %dma_start3A_1718 = arith.constant 0 : i32
        %dma_start3A_1719 = arith.constant 0 : i32
        %dma_start3A_1720 = tpu.memref_slice %arg3[%add3A, %add3A_1712, %dma_start3A_1718, %dma_start3A_1719] : memref<32x40x5x50xi32, #tpu.memory_space<hbm>> -> memref<1x1x5x50xi32, #tpu.memory_space<hbm>>
        %dma_start3A_1721 = tpu.memref_squeeze %dma_start3A_1720 : memref<1x1x5x50xi32, #tpu.memory_space<hbm>> -> memref<5x50xi32, #tpu.memory_space<hbm>>
        %dma_start3A_1722 = arith.constant 0 : i32
        %dma_start3A_1723 = arith.constant 0 : i32
        %dma_start3A_1724 = tpu.memref_slice %arg7[%dma_start3A_1713, %dma_start3A_1722, %dma_start3A_1723] : memref<5x5x50xi32, #tpu.memory_space<vmem>> -> memref<1x5x50xi32, #tpu.memory_space<vmem>>
        %dma_start3A_1725 = tpu.memref_squeeze %dma_start3A_1724 : memref<1x5x50xi32, #tpu.memory_space<vmem>> -> memref<5x50xi32, #tpu.memory_space<vmem>>
        %dma_start3A_1726 = arith.constant 0 : i32
        %dma_start3A_1727 = arith.constant 0 : i32
        %dma_start3A_1728 = tpu.memref_slice %arg3[%add3A, %add3A_1712, %dma_start3A_1726, %dma_start3A_1727] : memref<32x40x5x50xi32, #tpu.memory_space<hbm>> -> memref<1x1x5x50xi32, #tpu.memory_space<hbm>>
        %dma_start3A_1729 = tpu.memref_squeeze %dma_start3A_1728 : memref<1x1x5x50xi32, #tpu.memory_space<hbm>> -> memref<5x50xi32, #tpu.memory_space<hbm>>
        tpu.enqueue_dma source(%dma_start3A_1729 : memref<5x50xi32, #tpu.memory_space<hbm>>) target(%dma_start3A_1725 : memref<5x50xi32, #tpu.memory_space<vmem>>) target_semaphore(%arg12 : memref<!tpu.dma_semaphore, #tpu.memory_space<semaphore_mem>>)
        %dma_start3A_1730 = arith.constant 0 : i32
        %dma_start3A_1731 = arith.constant 0 : i32
        %dma_start3A_1732 = arith.constant 0 : i32
        %dma_start3A_1733 = tpu.memref_slice %arg8[%dma_start3A_1730, %dma_start3A_1731, %dma_start3A_1732] : memref<5x5x50xi32, #tpu.memory_space<vmem>> -> memref<1x5x50xi32, #tpu.memory_space<vmem>>
        %dma_start3A_1734 = tpu.memref_squeeze %dma_start3A_1733 : memref<1x5x50xi32, #tpu.memory_space<vmem>> -> memref<5x50xi32, #tpu.memory_space<vmem>>
        %dma_start3A_1735 = arith.constant 0 : i32
        %dma_start3A_1736 = arith.constant 0 : i32
        %dma_start3A_1737 = tpu.memref_slice %arg4[%add3A, %add3A_1712, %dma_start3A_1735, %dma_start3A_1736] : memref<32x40x5x50xi32, #tpu.memory_space<hbm>> -> memref<1x1x5x50xi32, #tpu.memory_space<hbm>>
        %dma_start3A_1738 = tpu.memref_squeeze %dma_start3A_1737 : memref<1x1x5x50xi32, #tpu.memory_space<hbm>> -> memref<5x50xi32, #tpu.memory_space<hbm>>
        %dma_start3A_1739 = arith.constant 0 : i32
        %dma_start3A_1740 = arith.constant 0 : i32
        %dma_start3A_1741 = tpu.memref_slice %arg8[%dma_start3A_1730, %dma_start3A_1739, %dma_start3A_1740] : memref<5x5x50xi32, #tpu.memory_space<vmem>> -> memref<1x5x50xi32, #tpu.memory_space<vmem>>
        %dma_start3A_1742 = tpu.memref_squeeze %dma_start3A_1741 : memref<1x5x50xi32, #tpu.memory_space<vmem>> -> memref<5x50xi32, #tpu.memory_space<vmem>>
        %dma_start3A_1743 = arith.constant 0 : i32
        %dma_start3A_1744 = arith.constant 0 : i32
        %dma_start3A_1745 = tpu.memref_slice %arg4[%add3A, %add3A_1712, %dma_start3A_1743, %dma_start3A_1744] : memref<32x40x5x50xi32, #tpu.memory_space<hbm>> -> memref<1x1x5x50xi32, #tpu.memory_space<hbm>>
        %dma_start3A_1746 = tpu.memref_squeeze %dma_start3A_1745 : memref<1x1x5x50xi32, #tpu.memory_space<hbm>> -> memref<5x50xi32, #tpu.memory_space<hbm>>
        tpu.enqueue_dma source(%dma_start3A_1746 : memref<5x50xi32, #tpu.memory_space<hbm>>) target(%dma_start3A_1742 : memref<5x50xi32, #tpu.memory_space<vmem>>) target_semaphore(%arg12 : memref<!tpu.dma_semaphore, #tpu.memory_space<semaphore_mem>>)
      } else {
      }
      %add3A_806 = arith.constant 2 : i32
      %add3A_807 = arith.addi %mul3A_226, %add3A_806 : i32
      %dma_wait3A_808 = arith.constant 2 : i32
      %dma_wait3A_809 = arith.constant 0 : i32
      %dma_wait3A_810 = arith.constant 0 : i32
      %dma_wait3A_811 = tpu.memref_slice %arg7[%dma_wait3A_808, %dma_wait3A_809, %dma_wait3A_810] : memref<5x5x50xi32, #tpu.memory_space<vmem>> -> memref<1x5x50xi32, #tpu.memory_space<vmem>>
      %dma_wait3A_812 = tpu.memref_squeeze %dma_wait3A_811 : memref<1x5x50xi32, #tpu.memory_space<vmem>> -> memref<5x50xi32, #tpu.memory_space<vmem>>
      %dma_wait3A_813 = arith.constant 0 : i32
      %dma_wait3A_814 = arith.constant 0 : i32
      %dma_wait3A_815 = tpu.memref_slice %arg3[%add3A, %add3A_807, %dma_wait3A_813, %dma_wait3A_814] : memref<32x40x5x50xi32, #tpu.memory_space<hbm>> -> memref<1x1x5x50xi32, #tpu.memory_space<hbm>>
      %dma_wait3A_816 = tpu.memref_squeeze %dma_wait3A_815 : memref<1x1x5x50xi32, #tpu.memory_space<hbm>> -> memref<5x50xi32, #tpu.memory_space<hbm>>
      %dma_wait3A_817 = arith.constant 0 : i32
      %dma_wait3A_818 = arith.constant 0 : i32
      %dma_wait3A_819 = tpu.memref_slice %arg7[%dma_wait3A_808, %dma_wait3A_817, %dma_wait3A_818] : memref<5x5x50xi32, #tpu.memory_space<vmem>> -> memref<1x5x50xi32, #tpu.memory_space<vmem>>
      %dma_wait3A_820 = tpu.memref_squeeze %dma_wait3A_819 : memref<1x5x50xi32, #tpu.memory_space<vmem>> -> memref<5x50xi32, #tpu.memory_space<vmem>>
      %dma_wait3A_821 = arith.constant 0 : i32
      %dma_wait3A_822 = arith.constant 0 : i32
      %dma_wait3A_823 = tpu.memref_slice %arg3[%add3A, %add3A_807, %dma_wait3A_821, %dma_wait3A_822] : memref<32x40x5x50xi32, #tpu.memory_space<hbm>> -> memref<1x1x5x50xi32, #tpu.memory_space<hbm>>
      %dma_wait3A_824 = tpu.memref_squeeze %dma_wait3A_823 : memref<1x1x5x50xi32, #tpu.memory_space<hbm>> -> memref<5x50xi32, #tpu.memory_space<hbm>>
      tpu.wait_dma2 semaphore(%arg14 : memref<!tpu.dma_semaphore, #tpu.memory_space<semaphore_mem>>) src(%dma_wait3A_824 : memref<5x50xi32, #tpu.memory_space<hbm>>) dst(%dma_wait3A_820 : memref<5x50xi32, #tpu.memory_space<vmem>>)
      %dma_wait3A_825 = arith.constant 2 : i32
      %dma_wait3A_826 = arith.constant 0 : i32
      %dma_wait3A_827 = arith.constant 0 : i32
      %dma_wait3A_828 = tpu.memref_slice %arg8[%dma_wait3A_825, %dma_wait3A_826, %dma_wait3A_827] : memref<5x5x50xi32, #tpu.memory_space<vmem>> -> memref<1x5x50xi32, #tpu.memory_space<vmem>>
      %dma_wait3A_829 = tpu.memref_squeeze %dma_wait3A_828 : memref<1x5x50xi32, #tpu.memory_space<vmem>> -> memref<5x50xi32, #tpu.memory_space<vmem>>
      %dma_wait3A_830 = arith.constant 0 : i32
      %dma_wait3A_831 = arith.constant 0 : i32
      %dma_wait3A_832 = tpu.memref_slice %arg4[%add3A, %add3A_807, %dma_wait3A_830, %dma_wait3A_831] : memref<32x40x5x50xi32, #tpu.memory_space<hbm>> -> memref<1x1x5x50xi32, #tpu.memory_space<hbm>>
      %dma_wait3A_833 = tpu.memref_squeeze %dma_wait3A_832 : memref<1x1x5x50xi32, #tpu.memory_space<hbm>> -> memref<5x50xi32, #tpu.memory_space<hbm>>
      %dma_wait3A_834 = arith.constant 0 : i32
      %dma_wait3A_835 = arith.constant 0 : i32
      %dma_wait3A_836 = tpu.memref_slice %arg8[%dma_wait3A_825, %dma_wait3A_834, %dma_wait3A_835] : memref<5x5x50xi32, #tpu.memory_space<vmem>> -> memref<1x5x50xi32, #tpu.memory_space<vmem>>
      %dma_wait3A_837 = tpu.memref_squeeze %dma_wait3A_836 : memref<1x5x50xi32, #tpu.memory_space<vmem>> -> memref<5x50xi32, #tpu.memory_space<vmem>>
      %dma_wait3A_838 = arith.constant 0 : i32
      %dma_wait3A_839 = arith.constant 0 : i32
      %dma_wait3A_840 = tpu.memref_slice %arg4[%add3A, %add3A_807, %dma_wait3A_838, %dma_wait3A_839] : memref<32x40x5x50xi32, #tpu.memory_space<hbm>> -> memref<1x1x5x50xi32, #tpu.memory_space<hbm>>
      %dma_wait3A_841 = tpu.memref_squeeze %dma_wait3A_840 : memref<1x1x5x50xi32, #tpu.memory_space<hbm>> -> memref<5x50xi32, #tpu.memory_space<hbm>>
      tpu.wait_dma2 semaphore(%arg14 : memref<!tpu.dma_semaphore, #tpu.memory_space<semaphore_mem>>) src(%dma_wait3A_841 : memref<5x50xi32, #tpu.memory_space<hbm>>) dst(%dma_wait3A_837 : memref<5x50xi32, #tpu.memory_space<vmem>>)
      %dma_wait3A_842 = arith.constant 0 : i32
      %dma_wait3A_843 = arith.constant 0 : i32
      %dma_wait3A_844 = arith.constant 0 : i32
      %dma_wait3A_845 = arith.constant 0 : i32
      %dma_wait3A_846 = arith.constant 0 : i32
      %dma_wait3A_847 = tpu.memref_slice %arg9[%dma_wait3A_842, %dma_wait3A_845, %dma_wait3A_846] : memref<5x50x128xf32, #tpu.memory_space<vmem>> -> memref<1x50x128xf32, #tpu.memory_space<vmem>>
      %dma_wait3A_848 = tpu.memref_squeeze %dma_wait3A_847 : memref<1x50x128xf32, #tpu.memory_space<vmem>> -> memref<50x128xf32, #tpu.memory_space<vmem>>
      %dma_wait3A_849 = arith.constant 0 : i32
      %dma_wait3A_850 = tpu.memref_slice %arg8[%dma_wait3A_843, %dma_wait3A_844, %dma_wait3A_849] : memref<5x5x50xi32, #tpu.memory_space<vmem>> -> memref<1x1x50xi32, #tpu.memory_space<vmem>>
      %dma_wait3A_851 = tpu.memref_squeeze %dma_wait3A_850 : memref<1x1x50xi32, #tpu.memory_space<vmem>> -> memref<50xi32, #tpu.memory_space<vmem>>
      %dma_wait3A_852 = arith.constant 0 : i32
      %dma_wait3A_853 = arith.constant 0 : i32
      %dma_wait3A_854 = tpu.memref_slice %arg10[%dma_wait3A_852, %dma_wait3A_853] : memref<10112x128xf32, #tpu.memory_space<vmem_shared>> -> memref<10112x128xf32, #tpu.memory_space<vmem_shared>>
      tpu.wait_indirect_dma semaphore(%arg22 : memref<!tpu.dma_semaphore, #tpu.memory_space<semaphore_mem>>) src(%dma_wait3A_848 : memref<50x128xf32, #tpu.memory_space<vmem>>) dst(%dma_wait3A_854 : memref<10112x128xf32, #tpu.memory_space<vmem_shared>>)
      %dma_start3A_855 = arith.constant 2 : i32
      %dma_start3A_856 = arith.constant 0 : i32
      %dma_start3A_857 = arith.constant 0 : i32
      %dma_start3A_858 = arith.constant 0 : i32
      %dma_start3A_859 = arith.constant 0 : i32
      %dma_start3A_860 = tpu.memref_slice %arg9[%dma_start3A_857, %dma_start3A_858, %dma_start3A_859] : memref<5x50x128xf32, #tpu.memory_space<vmem>> -> memref<1x50x128xf32, #tpu.memory_space<vmem>>
      %dma_start3A_861 = tpu.memref_squeeze %dma_start3A_860 : memref<1x50x128xf32, #tpu.memory_space<vmem>> -> memref<50x128xf32, #tpu.memory_space<vmem>>
      %dma_start3A_862 = arith.constant 0 : i32
      %dma_start3A_863 = tpu.memref_slice %arg7[%dma_start3A_855, %dma_start3A_856, %dma_start3A_862] : memref<5x5x50xi32, #tpu.memory_space<vmem>> -> memref<1x1x50xi32, #tpu.memory_space<vmem>>
      %dma_start3A_864 = tpu.memref_squeeze %dma_start3A_863 : memref<1x1x50xi32, #tpu.memory_space<vmem>> -> memref<50xi32, #tpu.memory_space<vmem>>
      %dma_start3A_865 = arith.constant 0 : i32
      %dma_start3A_866 = arith.constant 0 : i32
      %dma_start3A_867 = tpu.memref_slice %arg2[%dma_start3A_865, %dma_start3A_866] : memref<10000x128xf32, #tpu.memory_space<hbm>> -> memref<10000x128xf32, #tpu.memory_space<hbm>>
      tpu.enqueue_indirect_dma source(%dma_start3A_867 : memref<10000x128xf32, #tpu.memory_space<hbm>>) target(%dma_start3A_861 : memref<50x128xf32, #tpu.memory_space<vmem>>) offsets(%dma_start3A_864 : memref<50xi32, #tpu.memory_space<vmem>>) semaphore(%arg17 : memref<!tpu.dma_semaphore, #tpu.memory_space<semaphore_mem>>)
      %dma_wait3A_868 = arith.constant 1 : i32
      %dma_wait3A_869 = arith.constant 0 : i32
      %dma_wait3A_870 = arith.constant 1 : i32
      %dma_wait3A_871 = arith.constant 0 : i32
      %dma_wait3A_872 = arith.constant 0 : i32
      %dma_wait3A_873 = tpu.memref_slice %arg9[%dma_wait3A_868, %dma_wait3A_871, %dma_wait3A_872] : memref<5x50x128xf32, #tpu.memory_space<vmem>> -> memref<1x50x128xf32, #tpu.memory_space<vmem>>
      %dma_wait3A_874 = tpu.memref_squeeze %dma_wait3A_873 : memref<1x50x128xf32, #tpu.memory_space<vmem>> -> memref<50x128xf32, #tpu.memory_space<vmem>>
      %dma_wait3A_875 = arith.constant 0 : i32
      %dma_wait3A_876 = tpu.memref_slice %arg8[%dma_wait3A_869, %dma_wait3A_870, %dma_wait3A_875] : memref<5x5x50xi32, #tpu.memory_space<vmem>> -> memref<1x1x50xi32, #tpu.memory_space<vmem>>
      %dma_wait3A_877 = tpu.memref_squeeze %dma_wait3A_876 : memref<1x1x50xi32, #tpu.memory_space<vmem>> -> memref<50xi32, #tpu.memory_space<vmem>>
      %dma_wait3A_878 = arith.constant 0 : i32
      %dma_wait3A_879 = arith.constant 0 : i32
      %dma_wait3A_880 = tpu.memref_slice %arg10[%dma_wait3A_878, %dma_wait3A_879] : memref<10112x128xf32, #tpu.memory_space<vmem_shared>> -> memref<10112x128xf32, #tpu.memory_space<vmem_shared>>
      tpu.wait_indirect_dma semaphore(%arg23 : memref<!tpu.dma_semaphore, #tpu.memory_space<semaphore_mem>>) src(%dma_wait3A_874 : memref<50x128xf32, #tpu.memory_space<vmem>>) dst(%dma_wait3A_880 : memref<10112x128xf32, #tpu.memory_space<vmem_shared>>)
      %dma_start3A_881 = arith.constant 2 : i32
      %dma_start3A_882 = arith.constant 1 : i32
      %dma_start3A_883 = arith.constant 1 : i32
      %dma_start3A_884 = arith.constant 0 : i32
      %dma_start3A_885 = arith.constant 0 : i32
      %dma_start3A_886 = tpu.memref_slice %arg9[%dma_start3A_883, %dma_start3A_884, %dma_start3A_885] : memref<5x50x128xf32, #tpu.memory_space<vmem>> -> memref<1x50x128xf32, #tpu.memory_space<vmem>>
      %dma_start3A_887 = tpu.memref_squeeze %dma_start3A_886 : memref<1x50x128xf32, #tpu.memory_space<vmem>> -> memref<50x128xf32, #tpu.memory_space<vmem>>
      %dma_start3A_888 = arith.constant 0 : i32
      %dma_start3A_889 = tpu.memref_slice %arg7[%dma_start3A_881, %dma_start3A_882, %dma_start3A_888] : memref<5x5x50xi32, #tpu.memory_space<vmem>> -> memref<1x1x50xi32, #tpu.memory_space<vmem>>
      %dma_start3A_890 = tpu.memref_squeeze %dma_start3A_889 : memref<1x1x50xi32, #tpu.memory_space<vmem>> -> memref<50xi32, #tpu.memory_space<vmem>>
      %dma_start3A_891 = arith.constant 0 : i32
      %dma_start3A_892 = arith.constant 0 : i32
      %dma_start3A_893 = tpu.memref_slice %arg2[%dma_start3A_891, %dma_start3A_892] : memref<10000x128xf32, #tpu.memory_space<hbm>> -> memref<10000x128xf32, #tpu.memory_space<hbm>>
      tpu.enqueue_indirect_dma source(%dma_start3A_893 : memref<10000x128xf32, #tpu.memory_space<hbm>>) target(%dma_start3A_887 : memref<50x128xf32, #tpu.memory_space<vmem>>) offsets(%dma_start3A_890 : memref<50xi32, #tpu.memory_space<vmem>>) semaphore(%arg18 : memref<!tpu.dma_semaphore, #tpu.memory_space<semaphore_mem>>)
      %dma_wait3A_894 = arith.constant 2 : i32
      %dma_wait3A_895 = arith.constant 0 : i32
      %dma_wait3A_896 = arith.constant 2 : i32
      %dma_wait3A_897 = arith.constant 0 : i32
      %dma_wait3A_898 = arith.constant 0 : i32
      %dma_wait3A_899 = tpu.memref_slice %arg9[%dma_wait3A_894, %dma_wait3A_897, %dma_wait3A_898] : memref<5x50x128xf32, #tpu.memory_space<vmem>> -> memref<1x50x128xf32, #tpu.memory_space<vmem>>
      %dma_wait3A_900 = tpu.memref_squeeze %dma_wait3A_899 : memref<1x50x128xf32, #tpu.memory_space<vmem>> -> memref<50x128xf32, #tpu.memory_space<vmem>>
      %dma_wait3A_901 = arith.constant 0 : i32
      %dma_wait3A_902 = tpu.memref_slice %arg8[%dma_wait3A_895, %dma_wait3A_896, %dma_wait3A_901] : memref<5x5x50xi32, #tpu.memory_space<vmem>> -> memref<1x1x50xi32, #tpu.memory_space<vmem>>
      %dma_wait3A_903 = tpu.memref_squeeze %dma_wait3A_902 : memref<1x1x50xi32, #tpu.memory_space<vmem>> -> memref<50xi32, #tpu.memory_space<vmem>>
      %dma_wait3A_904 = arith.constant 0 : i32
      %dma_wait3A_905 = arith.constant 0 : i32
      %dma_wait3A_906 = tpu.memref_slice %arg10[%dma_wait3A_904, %dma_wait3A_905] : memref<10112x128xf32, #tpu.memory_space<vmem_shared>> -> memref<10112x128xf32, #tpu.memory_space<vmem_shared>>
      tpu.wait_indirect_dma semaphore(%arg24 : memref<!tpu.dma_semaphore, #tpu.memory_space<semaphore_mem>>) src(%dma_wait3A_900 : memref<50x128xf32, #tpu.memory_space<vmem>>) dst(%dma_wait3A_906 : memref<10112x128xf32, #tpu.memory_space<vmem_shared>>)
      %dma_start3A_907 = arith.constant 2 : i32
      %dma_start3A_908 = arith.constant 2 : i32
      %dma_start3A_909 = arith.constant 2 : i32
      %dma_start3A_910 = arith.constant 0 : i32
      %dma_start3A_911 = arith.constant 0 : i32
      %dma_start3A_912 = tpu.memref_slice %arg9[%dma_start3A_909, %dma_start3A_910, %dma_start3A_911] : memref<5x50x128xf32, #tpu.memory_space<vmem>> -> memref<1x50x128xf32, #tpu.memory_space<vmem>>
      %dma_start3A_913 = tpu.memref_squeeze %dma_start3A_912 : memref<1x50x128xf32, #tpu.memory_space<vmem>> -> memref<50x128xf32, #tpu.memory_space<vmem>>
      %dma_start3A_914 = arith.constant 0 : i32
      %dma_start3A_915 = tpu.memref_slice %arg7[%dma_start3A_907, %dma_start3A_908, %dma_start3A_914] : memref<5x5x50xi32, #tpu.memory_space<vmem>> -> memref<1x1x50xi32, #tpu.memory_space<vmem>>
      %dma_start3A_916 = tpu.memref_squeeze %dma_start3A_915 : memref<1x1x50xi32, #tpu.memory_space<vmem>> -> memref<50xi32, #tpu.memory_space<vmem>>
      %dma_start3A_917 = arith.constant 0 : i32
      %dma_start3A_918 = arith.constant 0 : i32
      %dma_start3A_919 = tpu.memref_slice %arg2[%dma_start3A_917, %dma_start3A_918] : memref<10000x128xf32, #tpu.memory_space<hbm>> -> memref<10000x128xf32, #tpu.memory_space<hbm>>
      tpu.enqueue_indirect_dma source(%dma_start3A_919 : memref<10000x128xf32, #tpu.memory_space<hbm>>) target(%dma_start3A_913 : memref<50x128xf32, #tpu.memory_space<vmem>>) offsets(%dma_start3A_916 : memref<50xi32, #tpu.memory_space<vmem>>) semaphore(%arg19 : memref<!tpu.dma_semaphore, #tpu.memory_space<semaphore_mem>>)
      %dma_wait3A_920 = arith.constant 3 : i32
      %dma_wait3A_921 = arith.constant 0 : i32
      %dma_wait3A_922 = arith.constant 3 : i32
      %dma_wait3A_923 = arith.constant 0 : i32
      %dma_wait3A_924 = arith.constant 0 : i32
      %dma_wait3A_925 = tpu.memref_slice %arg9[%dma_wait3A_920, %dma_wait3A_923, %dma_wait3A_924] : memref<5x50x128xf32, #tpu.memory_space<vmem>> -> memref<1x50x128xf32, #tpu.memory_space<vmem>>
      %dma_wait3A_926 = tpu.memref_squeeze %dma_wait3A_925 : memref<1x50x128xf32, #tpu.memory_space<vmem>> -> memref<50x128xf32, #tpu.memory_space<vmem>>
      %dma_wait3A_927 = arith.constant 0 : i32
      %dma_wait3A_928 = tpu.memref_slice %arg8[%dma_wait3A_921, %dma_wait3A_922, %dma_wait3A_927] : memref<5x5x50xi32, #tpu.memory_space<vmem>> -> memref<1x1x50xi32, #tpu.memory_space<vmem>>
      %dma_wait3A_929 = tpu.memref_squeeze %dma_wait3A_928 : memref<1x1x50xi32, #tpu.memory_space<vmem>> -> memref<50xi32, #tpu.memory_space<vmem>>
      %dma_wait3A_930 = arith.constant 0 : i32
      %dma_wait3A_931 = arith.constant 0 : i32
      %dma_wait3A_932 = tpu.memref_slice %arg10[%dma_wait3A_930, %dma_wait3A_931] : memref<10112x128xf32, #tpu.memory_space<vmem_shared>> -> memref<10112x128xf32, #tpu.memory_space<vmem_shared>>
      tpu.wait_indirect_dma semaphore(%arg25 : memref<!tpu.dma_semaphore, #tpu.memory_space<semaphore_mem>>) src(%dma_wait3A_926 : memref<50x128xf32, #tpu.memory_space<vmem>>) dst(%dma_wait3A_932 : memref<10112x128xf32, #tpu.memory_space<vmem_shared>>)
      %dma_start3A_933 = arith.constant 2 : i32
      %dma_start3A_934 = arith.constant 3 : i32
      %dma_start3A_935 = arith.constant 3 : i32
      %dma_start3A_936 = arith.constant 0 : i32
      %dma_start3A_937 = arith.constant 0 : i32
      %dma_start3A_938 = tpu.memref_slice %arg9[%dma_start3A_935, %dma_start3A_936, %dma_start3A_937] : memref<5x50x128xf32, #tpu.memory_space<vmem>> -> memref<1x50x128xf32, #tpu.memory_space<vmem>>
      %dma_start3A_939 = tpu.memref_squeeze %dma_start3A_938 : memref<1x50x128xf32, #tpu.memory_space<vmem>> -> memref<50x128xf32, #tpu.memory_space<vmem>>
      %dma_start3A_940 = arith.constant 0 : i32
      %dma_start3A_941 = tpu.memref_slice %arg7[%dma_start3A_933, %dma_start3A_934, %dma_start3A_940] : memref<5x5x50xi32, #tpu.memory_space<vmem>> -> memref<1x1x50xi32, #tpu.memory_space<vmem>>
      %dma_start3A_942 = tpu.memref_squeeze %dma_start3A_941 : memref<1x1x50xi32, #tpu.memory_space<vmem>> -> memref<50xi32, #tpu.memory_space<vmem>>
      %dma_start3A_943 = arith.constant 0 : i32
      %dma_start3A_944 = arith.constant 0 : i32
      %dma_start3A_945 = tpu.memref_slice %arg2[%dma_start3A_943, %dma_start3A_944] : memref<10000x128xf32, #tpu.memory_space<hbm>> -> memref<10000x128xf32, #tpu.memory_space<hbm>>
      tpu.enqueue_indirect_dma source(%dma_start3A_945 : memref<10000x128xf32, #tpu.memory_space<hbm>>) target(%dma_start3A_939 : memref<50x128xf32, #tpu.memory_space<vmem>>) offsets(%dma_start3A_942 : memref<50xi32, #tpu.memory_space<vmem>>) semaphore(%arg20 : memref<!tpu.dma_semaphore, #tpu.memory_space<semaphore_mem>>)
      %dma_wait3A_946 = arith.constant 4 : i32
      %dma_wait3A_947 = arith.constant 0 : i32
      %dma_wait3A_948 = arith.constant 4 : i32
      %dma_wait3A_949 = arith.constant 0 : i32
      %dma_wait3A_950 = arith.constant 0 : i32
      %dma_wait3A_951 = tpu.memref_slice %arg9[%dma_wait3A_946, %dma_wait3A_949, %dma_wait3A_950] : memref<5x50x128xf32, #tpu.memory_space<vmem>> -> memref<1x50x128xf32, #tpu.memory_space<vmem>>
      %dma_wait3A_952 = tpu.memref_squeeze %dma_wait3A_951 : memref<1x50x128xf32, #tpu.memory_space<vmem>> -> memref<50x128xf32, #tpu.memory_space<vmem>>
      %dma_wait3A_953 = arith.constant 0 : i32
      %dma_wait3A_954 = tpu.memref_slice %arg8[%dma_wait3A_947, %dma_wait3A_948, %dma_wait3A_953] : memref<5x5x50xi32, #tpu.memory_space<vmem>> -> memref<1x1x50xi32, #tpu.memory_space<vmem>>
      %dma_wait3A_955 = tpu.memref_squeeze %dma_wait3A_954 : memref<1x1x50xi32, #tpu.memory_space<vmem>> -> memref<50xi32, #tpu.memory_space<vmem>>
      %dma_wait3A_956 = arith.constant 0 : i32
      %dma_wait3A_957 = arith.constant 0 : i32
      %dma_wait3A_958 = tpu.memref_slice %arg10[%dma_wait3A_956, %dma_wait3A_957] : memref<10112x128xf32, #tpu.memory_space<vmem_shared>> -> memref<10112x128xf32, #tpu.memory_space<vmem_shared>>
      tpu.wait_indirect_dma semaphore(%arg26 : memref<!tpu.dma_semaphore, #tpu.memory_space<semaphore_mem>>) src(%dma_wait3A_952 : memref<50x128xf32, #tpu.memory_space<vmem>>) dst(%dma_wait3A_958 : memref<10112x128xf32, #tpu.memory_space<vmem_shared>>)
      %dma_start3A_959 = arith.constant 2 : i32
      %dma_start3A_960 = arith.constant 4 : i32
      %dma_start3A_961 = arith.constant 4 : i32
      %dma_start3A_962 = arith.constant 0 : i32
      %dma_start3A_963 = arith.constant 0 : i32
      %dma_start3A_964 = tpu.memref_slice %arg9[%dma_start3A_961, %dma_start3A_962, %dma_start3A_963] : memref<5x50x128xf32, #tpu.memory_space<vmem>> -> memref<1x50x128xf32, #tpu.memory_space<vmem>>
      %dma_start3A_965 = tpu.memref_squeeze %dma_start3A_964 : memref<1x50x128xf32, #tpu.memory_space<vmem>> -> memref<50x128xf32, #tpu.memory_space<vmem>>
      %dma_start3A_966 = arith.constant 0 : i32
      %dma_start3A_967 = tpu.memref_slice %arg7[%dma_start3A_959, %dma_start3A_960, %dma_start3A_966] : memref<5x5x50xi32, #tpu.memory_space<vmem>> -> memref<1x1x50xi32, #tpu.memory_space<vmem>>
      %dma_start3A_968 = tpu.memref_squeeze %dma_start3A_967 : memref<1x1x50xi32, #tpu.memory_space<vmem>> -> memref<50xi32, #tpu.memory_space<vmem>>
      %dma_start3A_969 = arith.constant 0 : i32
      %dma_start3A_970 = arith.constant 0 : i32
      %dma_start3A_971 = tpu.memref_slice %arg2[%dma_start3A_969, %dma_start3A_970] : memref<10000x128xf32, #tpu.memory_space<hbm>> -> memref<10000x128xf32, #tpu.memory_space<hbm>>
      tpu.enqueue_indirect_dma source(%dma_start3A_971 : memref<10000x128xf32, #tpu.memory_space<hbm>>) target(%dma_start3A_965 : memref<50x128xf32, #tpu.memory_space<vmem>>) offsets(%dma_start3A_968 : memref<50xi32, #tpu.memory_space<vmem>>) semaphore(%arg21 : memref<!tpu.dma_semaphore, #tpu.memory_space<semaphore_mem>>)
      %dma_wait3A_972 = arith.constant 2 : i32
      %dma_wait3A_973 = arith.constant 0 : i32
      %dma_wait3A_974 = arith.constant 0 : i32
      %dma_wait3A_975 = arith.constant 0 : i32
      %dma_wait3A_976 = arith.constant 0 : i32
      %dma_wait3A_977 = tpu.memref_slice %arg9[%dma_wait3A_974, %dma_wait3A_975, %dma_wait3A_976] : memref<5x50x128xf32, #tpu.memory_space<vmem>> -> memref<1x50x128xf32, #tpu.memory_space<vmem>>
      %dma_wait3A_978 = tpu.memref_squeeze %dma_wait3A_977 : memref<1x50x128xf32, #tpu.memory_space<vmem>> -> memref<50x128xf32, #tpu.memory_space<vmem>>
      %dma_wait3A_979 = arith.constant 0 : i32
      %dma_wait3A_980 = tpu.memref_slice %arg7[%dma_wait3A_972, %dma_wait3A_973, %dma_wait3A_979] : memref<5x5x50xi32, #tpu.memory_space<vmem>> -> memref<1x1x50xi32, #tpu.memory_space<vmem>>
      %dma_wait3A_981 = tpu.memref_squeeze %dma_wait3A_980 : memref<1x1x50xi32, #tpu.memory_space<vmem>> -> memref<50xi32, #tpu.memory_space<vmem>>
      %dma_wait3A_982 = arith.constant 0 : i32
      %dma_wait3A_983 = arith.constant 0 : i32
      %dma_wait3A_984 = tpu.memref_slice %arg2[%dma_wait3A_982, %dma_wait3A_983] : memref<10000x128xf32, #tpu.memory_space<hbm>> -> memref<10000x128xf32, #tpu.memory_space<hbm>>
      tpu.wait_indirect_dma semaphore(%arg17 : memref<!tpu.dma_semaphore, #tpu.memory_space<semaphore_mem>>) src(%dma_wait3A_984 : memref<10000x128xf32, #tpu.memory_space<hbm>>) dst(%dma_wait3A_978 : memref<50x128xf32, #tpu.memory_space<vmem>>)
      %dma_start3A_985 = arith.constant 0 : i32
      %dma_start3A_986 = arith.constant 2 : i32
      %dma_start3A_987 = arith.constant 0 : i32
      %dma_start3A_988 = arith.constant 0 : i32
      %dma_start3A_989 = arith.constant 0 : i32
      %dma_start3A_990 = tpu.memref_slice %arg9[%dma_start3A_985, %dma_start3A_988, %dma_start3A_989] : memref<5x50x128xf32, #tpu.memory_space<vmem>> -> memref<1x50x128xf32, #tpu.memory_space<vmem>>
      %dma_start3A_991 = tpu.memref_squeeze %dma_start3A_990 : memref<1x50x128xf32, #tpu.memory_space<vmem>> -> memref<50x128xf32, #tpu.memory_space<vmem>>
      %dma_start3A_992 = arith.constant 0 : i32
      %dma_start3A_993 = tpu.memref_slice %arg8[%dma_start3A_986, %dma_start3A_987, %dma_start3A_992] : memref<5x5x50xi32, #tpu.memory_space<vmem>> -> memref<1x1x50xi32, #tpu.memory_space<vmem>>
      %dma_start3A_994 = tpu.memref_squeeze %dma_start3A_993 : memref<1x1x50xi32, #tpu.memory_space<vmem>> -> memref<50xi32, #tpu.memory_space<vmem>>
      %dma_start3A_995 = arith.constant 0 : i32
      %dma_start3A_996 = arith.constant 0 : i32
      %dma_start3A_997 = tpu.memref_slice %arg10[%dma_start3A_995, %dma_start3A_996] : memref<10112x128xf32, #tpu.memory_space<vmem_shared>> -> memref<10112x128xf32, #tpu.memory_space<vmem_shared>>
      tpu.enqueue_indirect_dma source(%dma_start3A_991 : memref<50x128xf32, #tpu.memory_space<vmem>>) target(%dma_start3A_997 : memref<10112x128xf32, #tpu.memory_space<vmem_shared>>) offsets(%dma_start3A_994 : memref<50xi32, #tpu.memory_space<vmem>>) semaphore(%arg22 : memref<!tpu.dma_semaphore, #tpu.memory_space<semaphore_mem>>) {add = true}
      %dma_wait3A_998 = arith.constant 2 : i32
      %dma_wait3A_999 = arith.constant 1 : i32
      %dma_wait3A_1000 = arith.constant 1 : i32
      %dma_wait3A_1001 = arith.constant 0 : i32
      %dma_wait3A_1002 = arith.constant 0 : i32
      %dma_wait3A_1003 = tpu.memref_slice %arg9[%dma_wait3A_1000, %dma_wait3A_1001, %dma_wait3A_1002] : memref<5x50x128xf32, #tpu.memory_space<vmem>> -> memref<1x50x128xf32, #tpu.memory_space<vmem>>
      %dma_wait3A_1004 = tpu.memref_squeeze %dma_wait3A_1003 : memref<1x50x128xf32, #tpu.memory_space<vmem>> -> memref<50x128xf32, #tpu.memory_space<vmem>>
      %dma_wait3A_1005 = arith.constant 0 : i32
      %dma_wait3A_1006 = tpu.memref_slice %arg7[%dma_wait3A_998, %dma_wait3A_999, %dma_wait3A_1005] : memref<5x5x50xi32, #tpu.memory_space<vmem>> -> memref<1x1x50xi32, #tpu.memory_space<vmem>>
      %dma_wait3A_1007 = tpu.memref_squeeze %dma_wait3A_1006 : memref<1x1x50xi32, #tpu.memory_space<vmem>> -> memref<50xi32, #tpu.memory_space<vmem>>
      %dma_wait3A_1008 = arith.constant 0 : i32
      %dma_wait3A_1009 = arith.constant 0 : i32
      %dma_wait3A_1010 = tpu.memref_slice %arg2[%dma_wait3A_1008, %dma_wait3A_1009] : memref<10000x128xf32, #tpu.memory_space<hbm>> -> memref<10000x128xf32, #tpu.memory_space<hbm>>
      tpu.wait_indirect_dma semaphore(%arg18 : memref<!tpu.dma_semaphore, #tpu.memory_space<semaphore_mem>>) src(%dma_wait3A_1010 : memref<10000x128xf32, #tpu.memory_space<hbm>>) dst(%dma_wait3A_1004 : memref<50x128xf32, #tpu.memory_space<vmem>>)
      %dma_start3A_1011 = arith.constant 1 : i32
      %dma_start3A_1012 = arith.constant 2 : i32
      %dma_start3A_1013 = arith.constant 1 : i32
      %dma_start3A_1014 = arith.constant 0 : i32
      %dma_start3A_1015 = arith.constant 0 : i32
      %dma_start3A_1016 = tpu.memref_slice %arg9[%dma_start3A_1011, %dma_start3A_1014, %dma_start3A_1015] : memref<5x50x128xf32, #tpu.memory_space<vmem>> -> memref<1x50x128xf32, #tpu.memory_space<vmem>>
      %dma_start3A_1017 = tpu.memref_squeeze %dma_start3A_1016 : memref<1x50x128xf32, #tpu.memory_space<vmem>> -> memref<50x128xf32, #tpu.memory_space<vmem>>
      %dma_start3A_1018 = arith.constant 0 : i32
      %dma_start3A_1019 = tpu.memref_slice %arg8[%dma_start3A_1012, %dma_start3A_1013, %dma_start3A_1018] : memref<5x5x50xi32, #tpu.memory_space<vmem>> -> memref<1x1x50xi32, #tpu.memory_space<vmem>>
      %dma_start3A_1020 = tpu.memref_squeeze %dma_start3A_1019 : memref<1x1x50xi32, #tpu.memory_space<vmem>> -> memref<50xi32, #tpu.memory_space<vmem>>
      %dma_start3A_1021 = arith.constant 0 : i32
      %dma_start3A_1022 = arith.constant 0 : i32
      %dma_start3A_1023 = tpu.memref_slice %arg10[%dma_start3A_1021, %dma_start3A_1022] : memref<10112x128xf32, #tpu.memory_space<vmem_shared>> -> memref<10112x128xf32, #tpu.memory_space<vmem_shared>>
      tpu.enqueue_indirect_dma source(%dma_start3A_1017 : memref<50x128xf32, #tpu.memory_space<vmem>>) target(%dma_start3A_1023 : memref<10112x128xf32, #tpu.memory_space<vmem_shared>>) offsets(%dma_start3A_1020 : memref<50xi32, #tpu.memory_space<vmem>>) semaphore(%arg23 : memref<!tpu.dma_semaphore, #tpu.memory_space<semaphore_mem>>) {add = true}
      %dma_wait3A_1024 = arith.constant 2 : i32
      %dma_wait3A_1025 = arith.constant 2 : i32
      %dma_wait3A_1026 = arith.constant 2 : i32
      %dma_wait3A_1027 = arith.constant 0 : i32
      %dma_wait3A_1028 = arith.constant 0 : i32
      %dma_wait3A_1029 = tpu.memref_slice %arg9[%dma_wait3A_1026, %dma_wait3A_1027, %dma_wait3A_1028] : memref<5x50x128xf32, #tpu.memory_space<vmem>> -> memref<1x50x128xf32, #tpu.memory_space<vmem>>
      %dma_wait3A_1030 = tpu.memref_squeeze %dma_wait3A_1029 : memref<1x50x128xf32, #tpu.memory_space<vmem>> -> memref<50x128xf32, #tpu.memory_space<vmem>>
      %dma_wait3A_1031 = arith.constant 0 : i32
      %dma_wait3A_1032 = tpu.memref_slice %arg7[%dma_wait3A_1024, %dma_wait3A_1025, %dma_wait3A_1031] : memref<5x5x50xi32, #tpu.memory_space<vmem>> -> memref<1x1x50xi32, #tpu.memory_space<vmem>>
      %dma_wait3A_1033 = tpu.memref_squeeze %dma_wait3A_1032 : memref<1x1x50xi32, #tpu.memory_space<vmem>> -> memref<50xi32, #tpu.memory_space<vmem>>
      %dma_wait3A_1034 = arith.constant 0 : i32
      %dma_wait3A_1035 = arith.constant 0 : i32
      %dma_wait3A_1036 = tpu.memref_slice %arg2[%dma_wait3A_1034, %dma_wait3A_1035] : memref<10000x128xf32, #tpu.memory_space<hbm>> -> memref<10000x128xf32, #tpu.memory_space<hbm>>
      tpu.wait_indirect_dma semaphore(%arg19 : memref<!tpu.dma_semaphore, #tpu.memory_space<semaphore_mem>>) src(%dma_wait3A_1036 : memref<10000x128xf32, #tpu.memory_space<hbm>>) dst(%dma_wait3A_1030 : memref<50x128xf32, #tpu.memory_space<vmem>>)
      %dma_start3A_1037 = arith.constant 2 : i32
      %dma_start3A_1038 = arith.constant 2 : i32
      %dma_start3A_1039 = arith.constant 2 : i32
      %dma_start3A_1040 = arith.constant 0 : i32
      %dma_start3A_1041 = arith.constant 0 : i32
      %dma_start3A_1042 = tpu.memref_slice %arg9[%dma_start3A_1037, %dma_start3A_1040, %dma_start3A_1041] : memref<5x50x128xf32, #tpu.memory_space<vmem>> -> memref<1x50x128xf32, #tpu.memory_space<vmem>>
      %dma_start3A_1043 = tpu.memref_squeeze %dma_start3A_1042 : memref<1x50x128xf32, #tpu.memory_space<vmem>> -> memref<50x128xf32, #tpu.memory_space<vmem>>
      %dma_start3A_1044 = arith.constant 0 : i32
      %dma_start3A_1045 = tpu.memref_slice %arg8[%dma_start3A_1038, %dma_start3A_1039, %dma_start3A_1044] : memref<5x5x50xi32, #tpu.memory_space<vmem>> -> memref<1x1x50xi32, #tpu.memory_space<vmem>>
      %dma_start3A_1046 = tpu.memref_squeeze %dma_start3A_1045 : memref<1x1x50xi32, #tpu.memory_space<vmem>> -> memref<50xi32, #tpu.memory_space<vmem>>
      %dma_start3A_1047 = arith.constant 0 : i32
      %dma_start3A_1048 = arith.constant 0 : i32
      %dma_start3A_1049 = tpu.memref_slice %arg10[%dma_start3A_1047, %dma_start3A_1048] : memref<10112x128xf32, #tpu.memory_space<vmem_shared>> -> memref<10112x128xf32, #tpu.memory_space<vmem_shared>>
      tpu.enqueue_indirect_dma source(%dma_start3A_1043 : memref<50x128xf32, #tpu.memory_space<vmem>>) target(%dma_start3A_1049 : memref<10112x128xf32, #tpu.memory_space<vmem_shared>>) offsets(%dma_start3A_1046 : memref<50xi32, #tpu.memory_space<vmem>>) semaphore(%arg24 : memref<!tpu.dma_semaphore, #tpu.memory_space<semaphore_mem>>) {add = true}
      %dma_wait3A_1050 = arith.constant 2 : i32
      %dma_wait3A_1051 = arith.constant 3 : i32
      %dma_wait3A_1052 = arith.constant 3 : i32
      %dma_wait3A_1053 = arith.constant 0 : i32
      %dma_wait3A_1054 = arith.constant 0 : i32
      %dma_wait3A_1055 = tpu.memref_slice %arg9[%dma_wait3A_1052, %dma_wait3A_1053, %dma_wait3A_1054] : memref<5x50x128xf32, #tpu.memory_space<vmem>> -> memref<1x50x128xf32, #tpu.memory_space<vmem>>
      %dma_wait3A_1056 = tpu.memref_squeeze %dma_wait3A_1055 : memref<1x50x128xf32, #tpu.memory_space<vmem>> -> memref<50x128xf32, #tpu.memory_space<vmem>>
      %dma_wait3A_1057 = arith.constant 0 : i32
      %dma_wait3A_1058 = tpu.memref_slice %arg7[%dma_wait3A_1050, %dma_wait3A_1051, %dma_wait3A_1057] : memref<5x5x50xi32, #tpu.memory_space<vmem>> -> memref<1x1x50xi32, #tpu.memory_space<vmem>>
      %dma_wait3A_1059 = tpu.memref_squeeze %dma_wait3A_1058 : memref<1x1x50xi32, #tpu.memory_space<vmem>> -> memref<50xi32, #tpu.memory_space<vmem>>
      %dma_wait3A_1060 = arith.constant 0 : i32
      %dma_wait3A_1061 = arith.constant 0 : i32
      %dma_wait3A_1062 = tpu.memref_slice %arg2[%dma_wait3A_1060, %dma_wait3A_1061] : memref<10000x128xf32, #tpu.memory_space<hbm>> -> memref<10000x128xf32, #tpu.memory_space<hbm>>
      tpu.wait_indirect_dma semaphore(%arg20 : memref<!tpu.dma_semaphore, #tpu.memory_space<semaphore_mem>>) src(%dma_wait3A_1062 : memref<10000x128xf32, #tpu.memory_space<hbm>>) dst(%dma_wait3A_1056 : memref<50x128xf32, #tpu.memory_space<vmem>>)
      %dma_start3A_1063 = arith.constant 3 : i32
      %dma_start3A_1064 = arith.constant 2 : i32
      %dma_start3A_1065 = arith.constant 3 : i32
      %dma_start3A_1066 = arith.constant 0 : i32
      %dma_start3A_1067 = arith.constant 0 : i32
      %dma_start3A_1068 = tpu.memref_slice %arg9[%dma_start3A_1063, %dma_start3A_1066, %dma_start3A_1067] : memref<5x50x128xf32, #tpu.memory_space<vmem>> -> memref<1x50x128xf32, #tpu.memory_space<vmem>>
      %dma_start3A_1069 = tpu.memref_squeeze %dma_start3A_1068 : memref<1x50x128xf32, #tpu.memory_space<vmem>> -> memref<50x128xf32, #tpu.memory_space<vmem>>
      %dma_start3A_1070 = arith.constant 0 : i32
      %dma_start3A_1071 = tpu.memref_slice %arg8[%dma_start3A_1064, %dma_start3A_1065, %dma_start3A_1070] : memref<5x5x50xi32, #tpu.memory_space<vmem>> -> memref<1x1x50xi32, #tpu.memory_space<vmem>>
      %dma_start3A_1072 = tpu.memref_squeeze %dma_start3A_1071 : memref<1x1x50xi32, #tpu.memory_space<vmem>> -> memref<50xi32, #tpu.memory_space<vmem>>
      %dma_start3A_1073 = arith.constant 0 : i32
      %dma_start3A_1074 = arith.constant 0 : i32
      %dma_start3A_1075 = tpu.memref_slice %arg10[%dma_start3A_1073, %dma_start3A_1074] : memref<10112x128xf32, #tpu.memory_space<vmem_shared>> -> memref<10112x128xf32, #tpu.memory_space<vmem_shared>>
      tpu.enqueue_indirect_dma source(%dma_start3A_1069 : memref<50x128xf32, #tpu.memory_space<vmem>>) target(%dma_start3A_1075 : memref<10112x128xf32, #tpu.memory_space<vmem_shared>>) offsets(%dma_start3A_1072 : memref<50xi32, #tpu.memory_space<vmem>>) semaphore(%arg25 : memref<!tpu.dma_semaphore, #tpu.memory_space<semaphore_mem>>) {add = true}
      %dma_wait3A_1076 = arith.constant 2 : i32
      %dma_wait3A_1077 = arith.constant 4 : i32
      %dma_wait3A_1078 = arith.constant 4 : i32
      %dma_wait3A_1079 = arith.constant 0 : i32
      %dma_wait3A_1080 = arith.constant 0 : i32
      %dma_wait3A_1081 = tpu.memref_slice %arg9[%dma_wait3A_1078, %dma_wait3A_1079, %dma_wait3A_1080] : memref<5x50x128xf32, #tpu.memory_space<vmem>> -> memref<1x50x128xf32, #tpu.memory_space<vmem>>
      %dma_wait3A_1082 = tpu.memref_squeeze %dma_wait3A_1081 : memref<1x50x128xf32, #tpu.memory_space<vmem>> -> memref<50x128xf32, #tpu.memory_space<vmem>>
      %dma_wait3A_1083 = arith.constant 0 : i32
      %dma_wait3A_1084 = tpu.memref_slice %arg7[%dma_wait3A_1076, %dma_wait3A_1077, %dma_wait3A_1083] : memref<5x5x50xi32, #tpu.memory_space<vmem>> -> memref<1x1x50xi32, #tpu.memory_space<vmem>>
      %dma_wait3A_1085 = tpu.memref_squeeze %dma_wait3A_1084 : memref<1x1x50xi32, #tpu.memory_space<vmem>> -> memref<50xi32, #tpu.memory_space<vmem>>
      %dma_wait3A_1086 = arith.constant 0 : i32
      %dma_wait3A_1087 = arith.constant 0 : i32
      %dma_wait3A_1088 = tpu.memref_slice %arg2[%dma_wait3A_1086, %dma_wait3A_1087] : memref<10000x128xf32, #tpu.memory_space<hbm>> -> memref<10000x128xf32, #tpu.memory_space<hbm>>
      tpu.wait_indirect_dma semaphore(%arg21 : memref<!tpu.dma_semaphore, #tpu.memory_space<semaphore_mem>>) src(%dma_wait3A_1088 : memref<10000x128xf32, #tpu.memory_space<hbm>>) dst(%dma_wait3A_1082 : memref<50x128xf32, #tpu.memory_space<vmem>>)
      %dma_start3A_1089 = arith.constant 4 : i32
      %dma_start3A_1090 = arith.constant 2 : i32
      %dma_start3A_1091 = arith.constant 4 : i32
      %dma_start3A_1092 = arith.constant 0 : i32
      %dma_start3A_1093 = arith.constant 0 : i32
      %dma_start3A_1094 = tpu.memref_slice %arg9[%dma_start3A_1089, %dma_start3A_1092, %dma_start3A_1093] : memref<5x50x128xf32, #tpu.memory_space<vmem>> -> memref<1x50x128xf32, #tpu.memory_space<vmem>>
      %dma_start3A_1095 = tpu.memref_squeeze %dma_start3A_1094 : memref<1x50x128xf32, #tpu.memory_space<vmem>> -> memref<50x128xf32, #tpu.memory_space<vmem>>
      %dma_start3A_1096 = arith.constant 0 : i32
      %dma_start3A_1097 = tpu.memref_slice %arg8[%dma_start3A_1090, %dma_start3A_1091, %dma_start3A_1096] : memref<5x5x50xi32, #tpu.memory_space<vmem>> -> memref<1x1x50xi32, #tpu.memory_space<vmem>>
      %dma_start3A_1098 = tpu.memref_squeeze %dma_start3A_1097 : memref<1x1x50xi32, #tpu.memory_space<vmem>> -> memref<50xi32, #tpu.memory_space<vmem>>
      %dma_start3A_1099 = arith.constant 0 : i32
      %dma_start3A_1100 = arith.constant 0 : i32
      %dma_start3A_1101 = tpu.memref_slice %arg10[%dma_start3A_1099, %dma_start3A_1100] : memref<10112x128xf32, #tpu.memory_space<vmem_shared>> -> memref<10112x128xf32, #tpu.memory_space<vmem_shared>>
      tpu.enqueue_indirect_dma source(%dma_start3A_1095 : memref<50x128xf32, #tpu.memory_space<vmem>>) target(%dma_start3A_1101 : memref<10112x128xf32, #tpu.memory_space<vmem_shared>>) offsets(%dma_start3A_1098 : memref<50xi32, #tpu.memory_space<vmem>>) semaphore(%arg26 : memref<!tpu.dma_semaphore, #tpu.memory_space<semaphore_mem>>) {add = true}
      %lt3A_1102 = arith.constant 7 : i32
      %lt3A_1103 = arith.cmpi slt, %scan3A_224, %lt3A_1102 : i32
      %convert_element_type3A_1104 = arith.extui %lt3A_1103 : i1 to i32
      %cond3A_1105 = arith.constant 0 : i32
      %cond3A_1106 = arith.cmpi ne, %convert_element_type3A_1104, %cond3A_1105 : i32
      scf.if %cond3A_1106 {
        %add3A_1709 = arith.constant 4 : i32
        %add3A_1710 = arith.addi %mul3A_226, %add3A_1709 : i32
        %add3A_1711 = arith.constant 2 : i32
        %add3A_1712 = arith.addi %add3A_1710, %add3A_1711 : i32
        %dma_start3A_1713 = arith.constant 1 : i32
        %dma_start3A_1714 = arith.constant 0 : i32
        %dma_start3A_1715 = arith.constant 0 : i32
        %dma_start3A_1716 = tpu.memref_slice %arg7[%dma_start3A_1713, %dma_start3A_1714, %dma_start3A_1715] : memref<5x5x50xi32, #tpu.memory_space<vmem>> -> memref<1x5x50xi32, #tpu.memory_space<vmem>>
        %dma_start3A_1717 = tpu.memref_squeeze %dma_start3A_1716 : memref<1x5x50xi32, #tpu.memory_space<vmem>> -> memref<5x50xi32, #tpu.memory_space<vmem>>
        %dma_start3A_1718 = arith.constant 0 : i32
        %dma_start3A_1719 = arith.constant 0 : i32
        %dma_start3A_1720 = tpu.memref_slice %arg3[%add3A, %add3A_1712, %dma_start3A_1718, %dma_start3A_1719] : memref<32x40x5x50xi32, #tpu.memory_space<hbm>> -> memref<1x1x5x50xi32, #tpu.memory_space<hbm>>
        %dma_start3A_1721 = tpu.memref_squeeze %dma_start3A_1720 : memref<1x1x5x50xi32, #tpu.memory_space<hbm>> -> memref<5x50xi32, #tpu.memory_space<hbm>>
        %dma_start3A_1722 = arith.constant 0 : i32
        %dma_start3A_1723 = arith.constant 0 : i32
        %dma_start3A_1724 = tpu.memref_slice %arg7[%dma_start3A_1713, %dma_start3A_1722, %dma_start3A_1723] : memref<5x5x50xi32, #tpu.memory_space<vmem>> -> memref<1x5x50xi32, #tpu.memory_space<vmem>>
        %dma_start3A_1725 = tpu.memref_squeeze %dma_start3A_1724 : memref<1x5x50xi32, #tpu.memory_space<vmem>> -> memref<5x50xi32, #tpu.memory_space<vmem>>
        %dma_start3A_1726 = arith.constant 0 : i32
        %dma_start3A_1727 = arith.constant 0 : i32
        %dma_start3A_1728 = tpu.memref_slice %arg3[%add3A, %add3A_1712, %dma_start3A_1726, %dma_start3A_1727] : memref<32x40x5x50xi32, #tpu.memory_space<hbm>> -> memref<1x1x5x50xi32, #tpu.memory_space<hbm>>
        %dma_start3A_1729 = tpu.memref_squeeze %dma_start3A_1728 : memref<1x1x5x50xi32, #tpu.memory_space<hbm>> -> memref<5x50xi32, #tpu.memory_space<hbm>>
        tpu.enqueue_dma source(%dma_start3A_1729 : memref<5x50xi32, #tpu.memory_space<hbm>>) target(%dma_start3A_1725 : memref<5x50xi32, #tpu.memory_space<vmem>>) target_semaphore(%arg13 : memref<!tpu.dma_semaphore, #tpu.memory_space<semaphore_mem>>)
        %dma_start3A_1730 = arith.constant 1 : i32
        %dma_start3A_1731 = arith.constant 0 : i32
        %dma_start3A_1732 = arith.constant 0 : i32
        %dma_start3A_1733 = tpu.memref_slice %arg8[%dma_start3A_1730, %dma_start3A_1731, %dma_start3A_1732] : memref<5x5x50xi32, #tpu.memory_space<vmem>> -> memref<1x5x50xi32, #tpu.memory_space<vmem>>
        %dma_start3A_1734 = tpu.memref_squeeze %dma_start3A_1733 : memref<1x5x50xi32, #tpu.memory_space<vmem>> -> memref<5x50xi32, #tpu.memory_space<vmem>>
        %dma_start3A_1735 = arith.constant 0 : i32
        %dma_start3A_1736 = arith.constant 0 : i32
        %dma_start3A_1737 = tpu.memref_slice %arg4[%add3A, %add3A_1712, %dma_start3A_1735, %dma_start3A_1736] : memref<32x40x5x50xi32, #tpu.memory_space<hbm>> -> memref<1x1x5x50xi32, #tpu.memory_space<hbm>>
        %dma_start3A_1738 = tpu.memref_squeeze %dma_start3A_1737 : memref<1x1x5x50xi32, #tpu.memory_space<hbm>> -> memref<5x50xi32, #tpu.memory_space<hbm>>
        %dma_start3A_1739 = arith.constant 0 : i32
        %dma_start3A_1740 = arith.constant 0 : i32
        %dma_start3A_1741 = tpu.memref_slice %arg8[%dma_start3A_1730, %dma_start3A_1739, %dma_start3A_1740] : memref<5x5x50xi32, #tpu.memory_space<vmem>> -> memref<1x5x50xi32, #tpu.memory_space<vmem>>
        %dma_start3A_1742 = tpu.memref_squeeze %dma_start3A_1741 : memref<1x5x50xi32, #tpu.memory_space<vmem>> -> memref<5x50xi32, #tpu.memory_space<vmem>>
        %dma_start3A_1743 = arith.constant 0 : i32
        %dma_start3A_1744 = arith.constant 0 : i32
        %dma_start3A_1745 = tpu.memref_slice %arg4[%add3A, %add3A_1712, %dma_start3A_1743, %dma_start3A_1744] : memref<32x40x5x50xi32, #tpu.memory_space<hbm>> -> memref<1x1x5x50xi32, #tpu.memory_space<hbm>>
        %dma_start3A_1746 = tpu.memref_squeeze %dma_start3A_1745 : memref<1x1x5x50xi32, #tpu.memory_space<hbm>> -> memref<5x50xi32, #tpu.memory_space<hbm>>
        tpu.enqueue_dma source(%dma_start3A_1746 : memref<5x50xi32, #tpu.memory_space<hbm>>) target(%dma_start3A_1742 : memref<5x50xi32, #tpu.memory_space<vmem>>) target_semaphore(%arg13 : memref<!tpu.dma_semaphore, #tpu.memory_space<semaphore_mem>>)
      } else {
      }
      %add3A_1107 = arith.constant 3 : i32
      %add3A_1108 = arith.addi %mul3A_226, %add3A_1107 : i32
      %dma_wait3A_1109 = arith.constant 3 : i32
      %dma_wait3A_1110 = arith.constant 0 : i32
      %dma_wait3A_1111 = arith.constant 0 : i32
      %dma_wait3A_1112 = tpu.memref_slice %arg7[%dma_wait3A_1109, %dma_wait3A_1110, %dma_wait3A_1111] : memref<5x5x50xi32, #tpu.memory_space<vmem>> -> memref<1x5x50xi32, #tpu.memory_space<vmem>>
      %dma_wait3A_1113 = tpu.memref_squeeze %dma_wait3A_1112 : memref<1x5x50xi32, #tpu.memory_space<vmem>> -> memref<5x50xi32, #tpu.memory_space<vmem>>
      %dma_wait3A_1114 = arith.constant 0 : i32
      %dma_wait3A_1115 = arith.constant 0 : i32
      %dma_wait3A_1116 = tpu.memref_slice %arg3[%add3A, %add3A_1108, %dma_wait3A_1114, %dma_wait3A_1115] : memref<32x40x5x50xi32, #tpu.memory_space<hbm>> -> memref<1x1x5x50xi32, #tpu.memory_space<hbm>>
      %dma_wait3A_1117 = tpu.memref_squeeze %dma_wait3A_1116 : memref<1x1x5x50xi32, #tpu.memory_space<hbm>> -> memref<5x50xi32, #tpu.memory_space<hbm>>
      %dma_wait3A_1118 = arith.constant 0 : i32
      %dma_wait3A_1119 = arith.constant 0 : i32
      %dma_wait3A_1120 = tpu.memref_slice %arg7[%dma_wait3A_1109, %dma_wait3A_1118, %dma_wait3A_1119] : memref<5x5x50xi32, #tpu.memory_space<vmem>> -> memref<1x5x50xi32, #tpu.memory_space<vmem>>
      %dma_wait3A_1121 = tpu.memref_squeeze %dma_wait3A_1120 : memref<1x5x50xi32, #tpu.memory_space<vmem>> -> memref<5x50xi32, #tpu.memory_space<vmem>>
      %dma_wait3A_1122 = arith.constant 0 : i32
      %dma_wait3A_1123 = arith.constant 0 : i32
      %dma_wait3A_1124 = tpu.memref_slice %arg3[%add3A, %add3A_1108, %dma_wait3A_1122, %dma_wait3A_1123] : memref<32x40x5x50xi32, #tpu.memory_space<hbm>> -> memref<1x1x5x50xi32, #tpu.memory_space<hbm>>
      %dma_wait3A_1125 = tpu.memref_squeeze %dma_wait3A_1124 : memref<1x1x5x50xi32, #tpu.memory_space<hbm>> -> memref<5x50xi32, #tpu.memory_space<hbm>>
      tpu.wait_dma2 semaphore(%arg15 : memref<!tpu.dma_semaphore, #tpu.memory_space<semaphore_mem>>) src(%dma_wait3A_1125 : memref<5x50xi32, #tpu.memory_space<hbm>>) dst(%dma_wait3A_1121 : memref<5x50xi32, #tpu.memory_space<vmem>>)
      %dma_wait3A_1126 = arith.constant 3 : i32
      %dma_wait3A_1127 = arith.constant 0 : i32
      %dma_wait3A_1128 = arith.constant 0 : i32
      %dma_wait3A_1129 = tpu.memref_slice %arg8[%dma_wait3A_1126, %dma_wait3A_1127, %dma_wait3A_1128] : memref<5x5x50xi32, #tpu.memory_space<vmem>> -> memref<1x5x50xi32, #tpu.memory_space<vmem>>
      %dma_wait3A_1130 = tpu.memref_squeeze %dma_wait3A_1129 : memref<1x5x50xi32, #tpu.memory_space<vmem>> -> memref<5x50xi32, #tpu.memory_space<vmem>>
      %dma_wait3A_1131 = arith.constant 0 : i32
      %dma_wait3A_1132 = arith.constant 0 : i32
      %dma_wait3A_1133 = tpu.memref_slice %arg4[%add3A, %add3A_1108, %dma_wait3A_1131, %dma_wait3A_1132] : memref<32x40x5x50xi32, #tpu.memory_space<hbm>> -> memref<1x1x5x50xi32, #tpu.memory_space<hbm>>
      %dma_wait3A_1134 = tpu.memref_squeeze %dma_wait3A_1133 : memref<1x1x5x50xi32, #tpu.memory_space<hbm>> -> memref<5x50xi32, #tpu.memory_space<hbm>>
      %dma_wait3A_1135 = arith.constant 0 : i32
      %dma_wait3A_1136 = arith.constant 0 : i32
      %dma_wait3A_1137 = tpu.memref_slice %arg8[%dma_wait3A_1126, %dma_wait3A_1135, %dma_wait3A_1136] : memref<5x5x50xi32, #tpu.memory_space<vmem>> -> memref<1x5x50xi32, #tpu.memory_space<vmem>>
      %dma_wait3A_1138 = tpu.memref_squeeze %dma_wait3A_1137 : memref<1x5x50xi32, #tpu.memory_space<vmem>> -> memref<5x50xi32, #tpu.memory_space<vmem>>
      %dma_wait3A_1139 = arith.constant 0 : i32
      %dma_wait3A_1140 = arith.constant 0 : i32
      %dma_wait3A_1141 = tpu.memref_slice %arg4[%add3A, %add3A_1108, %dma_wait3A_1139, %dma_wait3A_1140] : memref<32x40x5x50xi32, #tpu.memory_space<hbm>> -> memref<1x1x5x50xi32, #tpu.memory_space<hbm>>
      %dma_wait3A_1142 = tpu.memref_squeeze %dma_wait3A_1141 : memref<1x1x5x50xi32, #tpu.memory_space<hbm>> -> memref<5x50xi32, #tpu.memory_space<hbm>>
      tpu.wait_dma2 semaphore(%arg15 : memref<!tpu.dma_semaphore, #tpu.memory_space<semaphore_mem>>) src(%dma_wait3A_1142 : memref<5x50xi32, #tpu.memory_space<hbm>>) dst(%dma_wait3A_1138 : memref<5x50xi32, #tpu.memory_space<vmem>>)
      %dma_wait3A_1143 = arith.constant 0 : i32
      %dma_wait3A_1144 = arith.constant 0 : i32
      %dma_wait3A_1145 = arith.constant 0 : i32
      %dma_wait3A_1146 = arith.constant 0 : i32
      %dma_wait3A_1147 = arith.constant 0 : i32
      %dma_wait3A_1148 = tpu.memref_slice %arg9[%dma_wait3A_1143, %dma_wait3A_1146, %dma_wait3A_1147] : memref<5x50x128xf32, #tpu.memory_space<vmem>> -> memref<1x50x128xf32, #tpu.memory_space<vmem>>
      %dma_wait3A_1149 = tpu.memref_squeeze %dma_wait3A_1148 : memref<1x50x128xf32, #tpu.memory_space<vmem>> -> memref<50x128xf32, #tpu.memory_space<vmem>>
      %dma_wait3A_1150 = arith.constant 0 : i32
      %dma_wait3A_1151 = tpu.memref_slice %arg8[%dma_wait3A_1144, %dma_wait3A_1145, %dma_wait3A_1150] : memref<5x5x50xi32, #tpu.memory_space<vmem>> -> memref<1x1x50xi32, #tpu.memory_space<vmem>>
      %dma_wait3A_1152 = tpu.memref_squeeze %dma_wait3A_1151 : memref<1x1x50xi32, #tpu.memory_space<vmem>> -> memref<50xi32, #tpu.memory_space<vmem>>
      %dma_wait3A_1153 = arith.constant 0 : i32
      %dma_wait3A_1154 = arith.constant 0 : i32
      %dma_wait3A_1155 = tpu.memref_slice %arg10[%dma_wait3A_1153, %dma_wait3A_1154] : memref<10112x128xf32, #tpu.memory_space<vmem_shared>> -> memref<10112x128xf32, #tpu.memory_space<vmem_shared>>
      tpu.wait_indirect_dma semaphore(%arg22 : memref<!tpu.dma_semaphore, #tpu.memory_space<semaphore_mem>>) src(%dma_wait3A_1149 : memref<50x128xf32, #tpu.memory_space<vmem>>) dst(%dma_wait3A_1155 : memref<10112x128xf32, #tpu.memory_space<vmem_shared>>)
      %dma_start3A_1156 = arith.constant 3 : i32
      %dma_start3A_1157 = arith.constant 0 : i32
      %dma_start3A_1158 = arith.constant 0 : i32
      %dma_start3A_1159 = arith.constant 0 : i32
      %dma_start3A_1160 = arith.constant 0 : i32
      %dma_start3A_1161 = tpu.memref_slice %arg9[%dma_start3A_1158, %dma_start3A_1159, %dma_start3A_1160] : memref<5x50x128xf32, #tpu.memory_space<vmem>> -> memref<1x50x128xf32, #tpu.memory_space<vmem>>
      %dma_start3A_1162 = tpu.memref_squeeze %dma_start3A_1161 : memref<1x50x128xf32, #tpu.memory_space<vmem>> -> memref<50x128xf32, #tpu.memory_space<vmem>>
      %dma_start3A_1163 = arith.constant 0 : i32
      %dma_start3A_1164 = tpu.memref_slice %arg7[%dma_start3A_1156, %dma_start3A_1157, %dma_start3A_1163] : memref<5x5x50xi32, #tpu.memory_space<vmem>> -> memref<1x1x50xi32, #tpu.memory_space<vmem>>
      %dma_start3A_1165 = tpu.memref_squeeze %dma_start3A_1164 : memref<1x1x50xi32, #tpu.memory_space<vmem>> -> memref<50xi32, #tpu.memory_space<vmem>>
      %dma_start3A_1166 = arith.constant 0 : i32
      %dma_start3A_1167 = arith.constant 0 : i32
      %dma_start3A_1168 = tpu.memref_slice %arg2[%dma_start3A_1166, %dma_start3A_1167] : memref<10000x128xf32, #tpu.memory_space<hbm>> -> memref<10000x128xf32, #tpu.memory_space<hbm>>
      tpu.enqueue_indirect_dma source(%dma_start3A_1168 : memref<10000x128xf32, #tpu.memory_space<hbm>>) target(%dma_start3A_1162 : memref<50x128xf32, #tpu.memory_space<vmem>>) offsets(%dma_start3A_1165 : memref<50xi32, #tpu.memory_space<vmem>>) semaphore(%arg17 : memref<!tpu.dma_semaphore, #tpu.memory_space<semaphore_mem>>)
      %dma_wait3A_1169 = arith.constant 1 : i32
      %dma_wait3A_1170 = arith.constant 0 : i32
      %dma_wait3A_1171 = arith.constant 1 : i32
      %dma_wait3A_1172 = arith.constant 0 : i32
      %dma_wait3A_1173 = arith.constant 0 : i32
      %dma_wait3A_1174 = tpu.memref_slice %arg9[%dma_wait3A_1169, %dma_wait3A_1172, %dma_wait3A_1173] : memref<5x50x128xf32, #tpu.memory_space<vmem>> -> memref<1x50x128xf32, #tpu.memory_space<vmem>>
      %dma_wait3A_1175 = tpu.memref_squeeze %dma_wait3A_1174 : memref<1x50x128xf32, #tpu.memory_space<vmem>> -> memref<50x128xf32, #tpu.memory_space<vmem>>
      %dma_wait3A_1176 = arith.constant 0 : i32
      %dma_wait3A_1177 = tpu.memref_slice %arg8[%dma_wait3A_1170, %dma_wait3A_1171, %dma_wait3A_1176] : memref<5x5x50xi32, #tpu.memory_space<vmem>> -> memref<1x1x50xi32, #tpu.memory_space<vmem>>
      %dma_wait3A_1178 = tpu.memref_squeeze %dma_wait3A_1177 : memref<1x1x50xi32, #tpu.memory_space<vmem>> -> memref<50xi32, #tpu.memory_space<vmem>>
      %dma_wait3A_1179 = arith.constant 0 : i32
      %dma_wait3A_1180 = arith.constant 0 : i32
      %dma_wait3A_1181 = tpu.memref_slice %arg10[%dma_wait3A_1179, %dma_wait3A_1180] : memref<10112x128xf32, #tpu.memory_space<vmem_shared>> -> memref<10112x128xf32, #tpu.memory_space<vmem_shared>>
      tpu.wait_indirect_dma semaphore(%arg23 : memref<!tpu.dma_semaphore, #tpu.memory_space<semaphore_mem>>) src(%dma_wait3A_1175 : memref<50x128xf32, #tpu.memory_space<vmem>>) dst(%dma_wait3A_1181 : memref<10112x128xf32, #tpu.memory_space<vmem_shared>>)
      %dma_start3A_1182 = arith.constant 3 : i32
      %dma_start3A_1183 = arith.constant 1 : i32
      %dma_start3A_1184 = arith.constant 1 : i32
      %dma_start3A_1185 = arith.constant 0 : i32
      %dma_start3A_1186 = arith.constant 0 : i32
      %dma_start3A_1187 = tpu.memref_slice %arg9[%dma_start3A_1184, %dma_start3A_1185, %dma_start3A_1186] : memref<5x50x128xf32, #tpu.memory_space<vmem>> -> memref<1x50x128xf32, #tpu.memory_space<vmem>>
      %dma_start3A_1188 = tpu.memref_squeeze %dma_start3A_1187 : memref<1x50x128xf32, #tpu.memory_space<vmem>> -> memref<50x128xf32, #tpu.memory_space<vmem>>
      %dma_start3A_1189 = arith.constant 0 : i32
      %dma_start3A_1190 = tpu.memref_slice %arg7[%dma_start3A_1182, %dma_start3A_1183, %dma_start3A_1189] : memref<5x5x50xi32, #tpu.memory_space<vmem>> -> memref<1x1x50xi32, #tpu.memory_space<vmem>>
      %dma_start3A_1191 = tpu.memref_squeeze %dma_start3A_1190 : memref<1x1x50xi32, #tpu.memory_space<vmem>> -> memref<50xi32, #tpu.memory_space<vmem>>
      %dma_start3A_1192 = arith.constant 0 : i32
      %dma_start3A_1193 = arith.constant 0 : i32
      %dma_start3A_1194 = tpu.memref_slice %arg2[%dma_start3A_1192, %dma_start3A_1193] : memref<10000x128xf32, #tpu.memory_space<hbm>> -> memref<10000x128xf32, #tpu.memory_space<hbm>>
      tpu.enqueue_indirect_dma source(%dma_start3A_1194 : memref<10000x128xf32, #tpu.memory_space<hbm>>) target(%dma_start3A_1188 : memref<50x128xf32, #tpu.memory_space<vmem>>) offsets(%dma_start3A_1191 : memref<50xi32, #tpu.memory_space<vmem>>) semaphore(%arg18 : memref<!tpu.dma_semaphore, #tpu.memory_space<semaphore_mem>>)
      %dma_wait3A_1195 = arith.constant 2 : i32
      %dma_wait3A_1196 = arith.constant 0 : i32
      %dma_wait3A_1197 = arith.constant 2 : i32
      %dma_wait3A_1198 = arith.constant 0 : i32
      %dma_wait3A_1199 = arith.constant 0 : i32
      %dma_wait3A_1200 = tpu.memref_slice %arg9[%dma_wait3A_1195, %dma_wait3A_1198, %dma_wait3A_1199] : memref<5x50x128xf32, #tpu.memory_space<vmem>> -> memref<1x50x128xf32, #tpu.memory_space<vmem>>
      %dma_wait3A_1201 = tpu.memref_squeeze %dma_wait3A_1200 : memref<1x50x128xf32, #tpu.memory_space<vmem>> -> memref<50x128xf32, #tpu.memory_space<vmem>>
      %dma_wait3A_1202 = arith.constant 0 : i32
      %dma_wait3A_1203 = tpu.memref_slice %arg8[%dma_wait3A_1196, %dma_wait3A_1197, %dma_wait3A_1202] : memref<5x5x50xi32, #tpu.memory_space<vmem>> -> memref<1x1x50xi32, #tpu.memory_space<vmem>>
      %dma_wait3A_1204 = tpu.memref_squeeze %dma_wait3A_1203 : memref<1x1x50xi32, #tpu.memory_space<vmem>> -> memref<50xi32, #tpu.memory_space<vmem>>
      %dma_wait3A_1205 = arith.constant 0 : i32
      %dma_wait3A_1206 = arith.constant 0 : i32
      %dma_wait3A_1207 = tpu.memref_slice %arg10[%dma_wait3A_1205, %dma_wait3A_1206] : memref<10112x128xf32, #tpu.memory_space<vmem_shared>> -> memref<10112x128xf32, #tpu.memory_space<vmem_shared>>
      tpu.wait_indirect_dma semaphore(%arg24 : memref<!tpu.dma_semaphore, #tpu.memory_space<semaphore_mem>>) src(%dma_wait3A_1201 : memref<50x128xf32, #tpu.memory_space<vmem>>) dst(%dma_wait3A_1207 : memref<10112x128xf32, #tpu.memory_space<vmem_shared>>)
      %dma_start3A_1208 = arith.constant 3 : i32
      %dma_start3A_1209 = arith.constant 2 : i32
      %dma_start3A_1210 = arith.constant 2 : i32
      %dma_start3A_1211 = arith.constant 0 : i32
      %dma_start3A_1212 = arith.constant 0 : i32
      %dma_start3A_1213 = tpu.memref_slice %arg9[%dma_start3A_1210, %dma_start3A_1211, %dma_start3A_1212] : memref<5x50x128xf32, #tpu.memory_space<vmem>> -> memref<1x50x128xf32, #tpu.memory_space<vmem>>
      %dma_start3A_1214 = tpu.memref_squeeze %dma_start3A_1213 : memref<1x50x128xf32, #tpu.memory_space<vmem>> -> memref<50x128xf32, #tpu.memory_space<vmem>>
      %dma_start3A_1215 = arith.constant 0 : i32
      %dma_start3A_1216 = tpu.memref_slice %arg7[%dma_start3A_1208, %dma_start3A_1209, %dma_start3A_1215] : memref<5x5x50xi32, #tpu.memory_space<vmem>> -> memref<1x1x50xi32, #tpu.memory_space<vmem>>
      %dma_start3A_1217 = tpu.memref_squeeze %dma_start3A_1216 : memref<1x1x50xi32, #tpu.memory_space<vmem>> -> memref<50xi32, #tpu.memory_space<vmem>>
      %dma_start3A_1218 = arith.constant 0 : i32
      %dma_start3A_1219 = arith.constant 0 : i32
      %dma_start3A_1220 = tpu.memref_slice %arg2[%dma_start3A_1218, %dma_start3A_1219] : memref<10000x128xf32, #tpu.memory_space<hbm>> -> memref<10000x128xf32, #tpu.memory_space<hbm>>
      tpu.enqueue_indirect_dma source(%dma_start3A_1220 : memref<10000x128xf32, #tpu.memory_space<hbm>>) target(%dma_start3A_1214 : memref<50x128xf32, #tpu.memory_space<vmem>>) offsets(%dma_start3A_1217 : memref<50xi32, #tpu.memory_space<vmem>>) semaphore(%arg19 : memref<!tpu.dma_semaphore, #tpu.memory_space<semaphore_mem>>)
      %dma_wait3A_1221 = arith.constant 3 : i32
      %dma_wait3A_1222 = arith.constant 0 : i32
      %dma_wait3A_1223 = arith.constant 3 : i32
      %dma_wait3A_1224 = arith.constant 0 : i32
      %dma_wait3A_1225 = arith.constant 0 : i32
      %dma_wait3A_1226 = tpu.memref_slice %arg9[%dma_wait3A_1221, %dma_wait3A_1224, %dma_wait3A_1225] : memref<5x50x128xf32, #tpu.memory_space<vmem>> -> memref<1x50x128xf32, #tpu.memory_space<vmem>>
      %dma_wait3A_1227 = tpu.memref_squeeze %dma_wait3A_1226 : memref<1x50x128xf32, #tpu.memory_space<vmem>> -> memref<50x128xf32, #tpu.memory_space<vmem>>
      %dma_wait3A_1228 = arith.constant 0 : i32
      %dma_wait3A_1229 = tpu.memref_slice %arg8[%dma_wait3A_1222, %dma_wait3A_1223, %dma_wait3A_1228] : memref<5x5x50xi32, #tpu.memory_space<vmem>> -> memref<1x1x50xi32, #tpu.memory_space<vmem>>
      %dma_wait3A_1230 = tpu.memref_squeeze %dma_wait3A_1229 : memref<1x1x50xi32, #tpu.memory_space<vmem>> -> memref<50xi32, #tpu.memory_space<vmem>>
      %dma_wait3A_1231 = arith.constant 0 : i32
      %dma_wait3A_1232 = arith.constant 0 : i32
      %dma_wait3A_1233 = tpu.memref_slice %arg10[%dma_wait3A_1231, %dma_wait3A_1232] : memref<10112x128xf32, #tpu.memory_space<vmem_shared>> -> memref<10112x128xf32, #tpu.memory_space<vmem_shared>>
      tpu.wait_indirect_dma semaphore(%arg25 : memref<!tpu.dma_semaphore, #tpu.memory_space<semaphore_mem>>) src(%dma_wait3A_1227 : memref<50x128xf32, #tpu.memory_space<vmem>>) dst(%dma_wait3A_1233 : memref<10112x128xf32, #tpu.memory_space<vmem_shared>>)
      %dma_start3A_1234 = arith.constant 3 : i32
      %dma_start3A_1235 = arith.constant 3 : i32
      %dma_start3A_1236 = arith.constant 3 : i32
      %dma_start3A_1237 = arith.constant 0 : i32
      %dma_start3A_1238 = arith.constant 0 : i32
      %dma_start3A_1239 = tpu.memref_slice %arg9[%dma_start3A_1236, %dma_start3A_1237, %dma_start3A_1238] : memref<5x50x128xf32, #tpu.memory_space<vmem>> -> memref<1x50x128xf32, #tpu.memory_space<vmem>>
      %dma_start3A_1240 = tpu.memref_squeeze %dma_start3A_1239 : memref<1x50x128xf32, #tpu.memory_space<vmem>> -> memref<50x128xf32, #tpu.memory_space<vmem>>
      %dma_start3A_1241 = arith.constant 0 : i32
      %dma_start3A_1242 = tpu.memref_slice %arg7[%dma_start3A_1234, %dma_start3A_1235, %dma_start3A_1241] : memref<5x5x50xi32, #tpu.memory_space<vmem>> -> memref<1x1x50xi32, #tpu.memory_space<vmem>>
      %dma_start3A_1243 = tpu.memref_squeeze %dma_start3A_1242 : memref<1x1x50xi32, #tpu.memory_space<vmem>> -> memref<50xi32, #tpu.memory_space<vmem>>
      %dma_start3A_1244 = arith.constant 0 : i32
      %dma_start3A_1245 = arith.constant 0 : i32
      %dma_start3A_1246 = tpu.memref_slice %arg2[%dma_start3A_1244, %dma_start3A_1245] : memref<10000x128xf32, #tpu.memory_space<hbm>> -> memref<10000x128xf32, #tpu.memory_space<hbm>>
      tpu.enqueue_indirect_dma source(%dma_start3A_1246 : memref<10000x128xf32, #tpu.memory_space<hbm>>) target(%dma_start3A_1240 : memref<50x128xf32, #tpu.memory_space<vmem>>) offsets(%dma_start3A_1243 : memref<50xi32, #tpu.memory_space<vmem>>) semaphore(%arg20 : memref<!tpu.dma_semaphore, #tpu.memory_space<semaphore_mem>>)
      %dma_wait3A_1247 = arith.constant 4 : i32
      %dma_wait3A_1248 = arith.constant 0 : i32
      %dma_wait3A_1249 = arith.constant 4 : i32
      %dma_wait3A_1250 = arith.constant 0 : i32
      %dma_wait3A_1251 = arith.constant 0 : i32
      %dma_wait3A_1252 = tpu.memref_slice %arg9[%dma_wait3A_1247, %dma_wait3A_1250, %dma_wait3A_1251] : memref<5x50x128xf32, #tpu.memory_space<vmem>> -> memref<1x50x128xf32, #tpu.memory_space<vmem>>
      %dma_wait3A_1253 = tpu.memref_squeeze %dma_wait3A_1252 : memref<1x50x128xf32, #tpu.memory_space<vmem>> -> memref<50x128xf32, #tpu.memory_space<vmem>>
      %dma_wait3A_1254 = arith.constant 0 : i32
      %dma_wait3A_1255 = tpu.memref_slice %arg8[%dma_wait3A_1248, %dma_wait3A_1249, %dma_wait3A_1254] : memref<5x5x50xi32, #tpu.memory_space<vmem>> -> memref<1x1x50xi32, #tpu.memory_space<vmem>>
      %dma_wait3A_1256 = tpu.memref_squeeze %dma_wait3A_1255 : memref<1x1x50xi32, #tpu.memory_space<vmem>> -> memref<50xi32, #tpu.memory_space<vmem>>
      %dma_wait3A_1257 = arith.constant 0 : i32
      %dma_wait3A_1258 = arith.constant 0 : i32
      %dma_wait3A_1259 = tpu.memref_slice %arg10[%dma_wait3A_1257, %dma_wait3A_1258] : memref<10112x128xf32, #tpu.memory_space<vmem_shared>> -> memref<10112x128xf32, #tpu.memory_space<vmem_shared>>
      tpu.wait_indirect_dma semaphore(%arg26 : memref<!tpu.dma_semaphore, #tpu.memory_space<semaphore_mem>>) src(%dma_wait3A_1253 : memref<50x128xf32, #tpu.memory_space<vmem>>) dst(%dma_wait3A_1259 : memref<10112x128xf32, #tpu.memory_space<vmem_shared>>)
      %dma_start3A_1260 = arith.constant 3 : i32
      %dma_start3A_1261 = arith.constant 4 : i32
      %dma_start3A_1262 = arith.constant 4 : i32
      %dma_start3A_1263 = arith.constant 0 : i32
      %dma_start3A_1264 = arith.constant 0 : i32
      %dma_start3A_1265 = tpu.memref_slice %arg9[%dma_start3A_1262, %dma_start3A_1263, %dma_start3A_1264] : memref<5x50x128xf32, #tpu.memory_space<vmem>> -> memref<1x50x128xf32, #tpu.memory_space<vmem>>
      %dma_start3A_1266 = tpu.memref_squeeze %dma_start3A_1265 : memref<1x50x128xf32, #tpu.memory_space<vmem>> -> memref<50x128xf32, #tpu.memory_space<vmem>>
      %dma_start3A_1267 = arith.constant 0 : i32
      %dma_start3A_1268 = tpu.memref_slice %arg7[%dma_start3A_1260, %dma_start3A_1261, %dma_start3A_1267] : memref<5x5x50xi32, #tpu.memory_space<vmem>> -> memref<1x1x50xi32, #tpu.memory_space<vmem>>
      %dma_start3A_1269 = tpu.memref_squeeze %dma_start3A_1268 : memref<1x1x50xi32, #tpu.memory_space<vmem>> -> memref<50xi32, #tpu.memory_space<vmem>>
      %dma_start3A_1270 = arith.constant 0 : i32
      %dma_start3A_1271 = arith.constant 0 : i32
      %dma_start3A_1272 = tpu.memref_slice %arg2[%dma_start3A_1270, %dma_start3A_1271] : memref<10000x128xf32, #tpu.memory_space<hbm>> -> memref<10000x128xf32, #tpu.memory_space<hbm>>
      tpu.enqueue_indirect_dma source(%dma_start3A_1272 : memref<10000x128xf32, #tpu.memory_space<hbm>>) target(%dma_start3A_1266 : memref<50x128xf32, #tpu.memory_space<vmem>>) offsets(%dma_start3A_1269 : memref<50xi32, #tpu.memory_space<vmem>>) semaphore(%arg21 : memref<!tpu.dma_semaphore, #tpu.memory_space<semaphore_mem>>)
      %dma_wait3A_1273 = arith.constant 3 : i32
      %dma_wait3A_1274 = arith.constant 0 : i32
      %dma_wait3A_1275 = arith.constant 0 : i32
      %dma_wait3A_1276 = arith.constant 0 : i32
      %dma_wait3A_1277 = arith.constant 0 : i32
      %dma_wait3A_1278 = tpu.memref_slice %arg9[%dma_wait3A_1275, %dma_wait3A_1276, %dma_wait3A_1277] : memref<5x50x128xf32, #tpu.memory_space<vmem>> -> memref<1x50x128xf32, #tpu.memory_space<vmem>>
      %dma_wait3A_1279 = tpu.memref_squeeze %dma_wait3A_1278 : memref<1x50x128xf32, #tpu.memory_space<vmem>> -> memref<50x128xf32, #tpu.memory_space<vmem>>
      %dma_wait3A_1280 = arith.constant 0 : i32
      %dma_wait3A_1281 = tpu.memref_slice %arg7[%dma_wait3A_1273, %dma_wait3A_1274, %dma_wait3A_1280] : memref<5x5x50xi32, #tpu.memory_space<vmem>> -> memref<1x1x50xi32, #tpu.memory_space<vmem>>
      %dma_wait3A_1282 = tpu.memref_squeeze %dma_wait3A_1281 : memref<1x1x50xi32, #tpu.memory_space<vmem>> -> memref<50xi32, #tpu.memory_space<vmem>>
      %dma_wait3A_1283 = arith.constant 0 : i32
      %dma_wait3A_1284 = arith.constant 0 : i32
      %dma_wait3A_1285 = tpu.memref_slice %arg2[%dma_wait3A_1283, %dma_wait3A_1284] : memref<10000x128xf32, #tpu.memory_space<hbm>> -> memref<10000x128xf32, #tpu.memory_space<hbm>>
      tpu.wait_indirect_dma semaphore(%arg17 : memref<!tpu.dma_semaphore, #tpu.memory_space<semaphore_mem>>) src(%dma_wait3A_1285 : memref<10000x128xf32, #tpu.memory_space<hbm>>) dst(%dma_wait3A_1279 : memref<50x128xf32, #tpu.memory_space<vmem>>)
      %dma_start3A_1286 = arith.constant 0 : i32
      %dma_start3A_1287 = arith.constant 3 : i32
      %dma_start3A_1288 = arith.constant 0 : i32
      %dma_start3A_1289 = arith.constant 0 : i32
      %dma_start3A_1290 = arith.constant 0 : i32
      %dma_start3A_1291 = tpu.memref_slice %arg9[%dma_start3A_1286, %dma_start3A_1289, %dma_start3A_1290] : memref<5x50x128xf32, #tpu.memory_space<vmem>> -> memref<1x50x128xf32, #tpu.memory_space<vmem>>
      %dma_start3A_1292 = tpu.memref_squeeze %dma_start3A_1291 : memref<1x50x128xf32, #tpu.memory_space<vmem>> -> memref<50x128xf32, #tpu.memory_space<vmem>>
      %dma_start3A_1293 = arith.constant 0 : i32
      %dma_start3A_1294 = tpu.memref_slice %arg8[%dma_start3A_1287, %dma_start3A_1288, %dma_start3A_1293] : memref<5x5x50xi32, #tpu.memory_space<vmem>> -> memref<1x1x50xi32, #tpu.memory_space<vmem>>
      %dma_start3A_1295 = tpu.memref_squeeze %dma_start3A_1294 : memref<1x1x50xi32, #tpu.memory_space<vmem>> -> memref<50xi32, #tpu.memory_space<vmem>>
      %dma_start3A_1296 = arith.constant 0 : i32
      %dma_start3A_1297 = arith.constant 0 : i32
      %dma_start3A_1298 = tpu.memref_slice %arg10[%dma_start3A_1296, %dma_start3A_1297] : memref<10112x128xf32, #tpu.memory_space<vmem_shared>> -> memref<10112x128xf32, #tpu.memory_space<vmem_shared>>
      tpu.enqueue_indirect_dma source(%dma_start3A_1292 : memref<50x128xf32, #tpu.memory_space<vmem>>) target(%dma_start3A_1298 : memref<10112x128xf32, #tpu.memory_space<vmem_shared>>) offsets(%dma_start3A_1295 : memref<50xi32, #tpu.memory_space<vmem>>) semaphore(%arg22 : memref<!tpu.dma_semaphore, #tpu.memory_space<semaphore_mem>>) {add = true}
      %dma_wait3A_1299 = arith.constant 3 : i32
      %dma_wait3A_1300 = arith.constant 1 : i32
      %dma_wait3A_1301 = arith.constant 1 : i32
      %dma_wait3A_1302 = arith.constant 0 : i32
      %dma_wait3A_1303 = arith.constant 0 : i32
      %dma_wait3A_1304 = tpu.memref_slice %arg9[%dma_wait3A_1301, %dma_wait3A_1302, %dma_wait3A_1303] : memref<5x50x128xf32, #tpu.memory_space<vmem>> -> memref<1x50x128xf32, #tpu.memory_space<vmem>>
      %dma_wait3A_1305 = tpu.memref_squeeze %dma_wait3A_1304 : memref<1x50x128xf32, #tpu.memory_space<vmem>> -> memref<50x128xf32, #tpu.memory_space<vmem>>
      %dma_wait3A_1306 = arith.constant 0 : i32
      %dma_wait3A_1307 = tpu.memref_slice %arg7[%dma_wait3A_1299, %dma_wait3A_1300, %dma_wait3A_1306] : memref<5x5x50xi32, #tpu.memory_space<vmem>> -> memref<1x1x50xi32, #tpu.memory_space<vmem>>
      %dma_wait3A_1308 = tpu.memref_squeeze %dma_wait3A_1307 : memref<1x1x50xi32, #tpu.memory_space<vmem>> -> memref<50xi32, #tpu.memory_space<vmem>>
      %dma_wait3A_1309 = arith.constant 0 : i32
      %dma_wait3A_1310 = arith.constant 0 : i32
      %dma_wait3A_1311 = tpu.memref_slice %arg2[%dma_wait3A_1309, %dma_wait3A_1310] : memref<10000x128xf32, #tpu.memory_space<hbm>> -> memref<10000x128xf32, #tpu.memory_space<hbm>>
      tpu.wait_indirect_dma semaphore(%arg18 : memref<!tpu.dma_semaphore, #tpu.memory_space<semaphore_mem>>) src(%dma_wait3A_1311 : memref<10000x128xf32, #tpu.memory_space<hbm>>) dst(%dma_wait3A_1305 : memref<50x128xf32, #tpu.memory_space<vmem>>)
      %dma_start3A_1312 = arith.constant 1 : i32
      %dma_start3A_1313 = arith.constant 3 : i32
      %dma_start3A_1314 = arith.constant 1 : i32
      %dma_start3A_1315 = arith.constant 0 : i32
      %dma_start3A_1316 = arith.constant 0 : i32
      %dma_start3A_1317 = tpu.memref_slice %arg9[%dma_start3A_1312, %dma_start3A_1315, %dma_start3A_1316] : memref<5x50x128xf32, #tpu.memory_space<vmem>> -> memref<1x50x128xf32, #tpu.memory_space<vmem>>
      %dma_start3A_1318 = tpu.memref_squeeze %dma_start3A_1317 : memref<1x50x128xf32, #tpu.memory_space<vmem>> -> memref<50x128xf32, #tpu.memory_space<vmem>>
      %dma_start3A_1319 = arith.constant 0 : i32
      %dma_start3A_1320 = tpu.memref_slice %arg8[%dma_start3A_1313, %dma_start3A_1314, %dma_start3A_1319] : memref<5x5x50xi32, #tpu.memory_space<vmem>> -> memref<1x1x50xi32, #tpu.memory_space<vmem>>
      %dma_start3A_1321 = tpu.memref_squeeze %dma_start3A_1320 : memref<1x1x50xi32, #tpu.memory_space<vmem>> -> memref<50xi32, #tpu.memory_space<vmem>>
      %dma_start3A_1322 = arith.constant 0 : i32
      %dma_start3A_1323 = arith.constant 0 : i32
      %dma_start3A_1324 = tpu.memref_slice %arg10[%dma_start3A_1322, %dma_start3A_1323] : memref<10112x128xf32, #tpu.memory_space<vmem_shared>> -> memref<10112x128xf32, #tpu.memory_space<vmem_shared>>
      tpu.enqueue_indirect_dma source(%dma_start3A_1318 : memref<50x128xf32, #tpu.memory_space<vmem>>) target(%dma_start3A_1324 : memref<10112x128xf32, #tpu.memory_space<vmem_shared>>) offsets(%dma_start3A_1321 : memref<50xi32, #tpu.memory_space<vmem>>) semaphore(%arg23 : memref<!tpu.dma_semaphore, #tpu.memory_space<semaphore_mem>>) {add = true}
      %dma_wait3A_1325 = arith.constant 3 : i32
      %dma_wait3A_1326 = arith.constant 2 : i32
      %dma_wait3A_1327 = arith.constant 2 : i32
      %dma_wait3A_1328 = arith.constant 0 : i32
      %dma_wait3A_1329 = arith.constant 0 : i32
      %dma_wait3A_1330 = tpu.memref_slice %arg9[%dma_wait3A_1327, %dma_wait3A_1328, %dma_wait3A_1329] : memref<5x50x128xf32, #tpu.memory_space<vmem>> -> memref<1x50x128xf32, #tpu.memory_space<vmem>>
      %dma_wait3A_1331 = tpu.memref_squeeze %dma_wait3A_1330 : memref<1x50x128xf32, #tpu.memory_space<vmem>> -> memref<50x128xf32, #tpu.memory_space<vmem>>
      %dma_wait3A_1332 = arith.constant 0 : i32
      %dma_wait3A_1333 = tpu.memref_slice %arg7[%dma_wait3A_1325, %dma_wait3A_1326, %dma_wait3A_1332] : memref<5x5x50xi32, #tpu.memory_space<vmem>> -> memref<1x1x50xi32, #tpu.memory_space<vmem>>
      %dma_wait3A_1334 = tpu.memref_squeeze %dma_wait3A_1333 : memref<1x1x50xi32, #tpu.memory_space<vmem>> -> memref<50xi32, #tpu.memory_space<vmem>>
      %dma_wait3A_1335 = arith.constant 0 : i32
      %dma_wait3A_1336 = arith.constant 0 : i32
      %dma_wait3A_1337 = tpu.memref_slice %arg2[%dma_wait3A_1335, %dma_wait3A_1336] : memref<10000x128xf32, #tpu.memory_space<hbm>> -> memref<10000x128xf32, #tpu.memory_space<hbm>>
      tpu.wait_indirect_dma semaphore(%arg19 : memref<!tpu.dma_semaphore, #tpu.memory_space<semaphore_mem>>) src(%dma_wait3A_1337 : memref<10000x128xf32, #tpu.memory_space<hbm>>) dst(%dma_wait3A_1331 : memref<50x128xf32, #tpu.memory_space<vmem>>)
      %dma_start3A_1338 = arith.constant 2 : i32
      %dma_start3A_1339 = arith.constant 3 : i32
      %dma_start3A_1340 = arith.constant 2 : i32
      %dma_start3A_1341 = arith.constant 0 : i32
      %dma_start3A_1342 = arith.constant 0 : i32
      %dma_start3A_1343 = tpu.memref_slice %arg9[%dma_start3A_1338, %dma_start3A_1341, %dma_start3A_1342] : memref<5x50x128xf32, #tpu.memory_space<vmem>> -> memref<1x50x128xf32, #tpu.memory_space<vmem>>
      %dma_start3A_1344 = tpu.memref_squeeze %dma_start3A_1343 : memref<1x50x128xf32, #tpu.memory_space<vmem>> -> memref<50x128xf32, #tpu.memory_space<vmem>>
      %dma_start3A_1345 = arith.constant 0 : i32
      %dma_start3A_1346 = tpu.memref_slice %arg8[%dma_start3A_1339, %dma_start3A_1340, %dma_start3A_1345] : memref<5x5x50xi32, #tpu.memory_space<vmem>> -> memref<1x1x50xi32, #tpu.memory_space<vmem>>
      %dma_start3A_1347 = tpu.memref_squeeze %dma_start3A_1346 : memref<1x1x50xi32, #tpu.memory_space<vmem>> -> memref<50xi32, #tpu.memory_space<vmem>>
      %dma_start3A_1348 = arith.constant 0 : i32
      %dma_start3A_1349 = arith.constant 0 : i32
      %dma_start3A_1350 = tpu.memref_slice %arg10[%dma_start3A_1348, %dma_start3A_1349] : memref<10112x128xf32, #tpu.memory_space<vmem_shared>> -> memref<10112x128xf32, #tpu.memory_space<vmem_shared>>
      tpu.enqueue_indirect_dma source(%dma_start3A_1344 : memref<50x128xf32, #tpu.memory_space<vmem>>) target(%dma_start3A_1350 : memref<10112x128xf32, #tpu.memory_space<vmem_shared>>) offsets(%dma_start3A_1347 : memref<50xi32, #tpu.memory_space<vmem>>) semaphore(%arg24 : memref<!tpu.dma_semaphore, #tpu.memory_space<semaphore_mem>>) {add = true}
      %dma_wait3A_1351 = arith.constant 3 : i32
      %dma_wait3A_1352 = arith.constant 3 : i32
      %dma_wait3A_1353 = arith.constant 3 : i32
      %dma_wait3A_1354 = arith.constant 0 : i32
      %dma_wait3A_1355 = arith.constant 0 : i32
      %dma_wait3A_1356 = tpu.memref_slice %arg9[%dma_wait3A_1353, %dma_wait3A_1354, %dma_wait3A_1355] : memref<5x50x128xf32, #tpu.memory_space<vmem>> -> memref<1x50x128xf32, #tpu.memory_space<vmem>>
      %dma_wait3A_1357 = tpu.memref_squeeze %dma_wait3A_1356 : memref<1x50x128xf32, #tpu.memory_space<vmem>> -> memref<50x128xf32, #tpu.memory_space<vmem>>
      %dma_wait3A_1358 = arith.constant 0 : i32
      %dma_wait3A_1359 = tpu.memref_slice %arg7[%dma_wait3A_1351, %dma_wait3A_1352, %dma_wait3A_1358] : memref<5x5x50xi32, #tpu.memory_space<vmem>> -> memref<1x1x50xi32, #tpu.memory_space<vmem>>
      %dma_wait3A_1360 = tpu.memref_squeeze %dma_wait3A_1359 : memref<1x1x50xi32, #tpu.memory_space<vmem>> -> memref<50xi32, #tpu.memory_space<vmem>>
      %dma_wait3A_1361 = arith.constant 0 : i32
      %dma_wait3A_1362 = arith.constant 0 : i32
      %dma_wait3A_1363 = tpu.memref_slice %arg2[%dma_wait3A_1361, %dma_wait3A_1362] : memref<10000x128xf32, #tpu.memory_space<hbm>> -> memref<10000x128xf32, #tpu.memory_space<hbm>>
      tpu.wait_indirect_dma semaphore(%arg20 : memref<!tpu.dma_semaphore, #tpu.memory_space<semaphore_mem>>) src(%dma_wait3A_1363 : memref<10000x128xf32, #tpu.memory_space<hbm>>) dst(%dma_wait3A_1357 : memref<50x128xf32, #tpu.memory_space<vmem>>)
      %dma_start3A_1364 = arith.constant 3 : i32
      %dma_start3A_1365 = arith.constant 3 : i32
      %dma_start3A_1366 = arith.constant 3 : i32
      %dma_start3A_1367 = arith.constant 0 : i32
      %dma_start3A_1368 = arith.constant 0 : i32
      %dma_start3A_1369 = tpu.memref_slice %arg9[%dma_start3A_1364, %dma_start3A_1367, %dma_start3A_1368] : memref<5x50x128xf32, #tpu.memory_space<vmem>> -> memref<1x50x128xf32, #tpu.memory_space<vmem>>
      %dma_start3A_1370 = tpu.memref_squeeze %dma_start3A_1369 : memref<1x50x128xf32, #tpu.memory_space<vmem>> -> memref<50x128xf32, #tpu.memory_space<vmem>>
      %dma_start3A_1371 = arith.constant 0 : i32
      %dma_start3A_1372 = tpu.memref_slice %arg8[%dma_start3A_1365, %dma_start3A_1366, %dma_start3A_1371] : memref<5x5x50xi32, #tpu.memory_space<vmem>> -> memref<1x1x50xi32, #tpu.memory_space<vmem>>
      %dma_start3A_1373 = tpu.memref_squeeze %dma_start3A_1372 : memref<1x1x50xi32, #tpu.memory_space<vmem>> -> memref<50xi32, #tpu.memory_space<vmem>>
      %dma_start3A_1374 = arith.constant 0 : i32
      %dma_start3A_1375 = arith.constant 0 : i32
      %dma_start3A_1376 = tpu.memref_slice %arg10[%dma_start3A_1374, %dma_start3A_1375] : memref<10112x128xf32, #tpu.memory_space<vmem_shared>> -> memref<10112x128xf32, #tpu.memory_space<vmem_shared>>
      tpu.enqueue_indirect_dma source(%dma_start3A_1370 : memref<50x128xf32, #tpu.memory_space<vmem>>) target(%dma_start3A_1376 : memref<10112x128xf32, #tpu.memory_space<vmem_shared>>) offsets(%dma_start3A_1373 : memref<50xi32, #tpu.memory_space<vmem>>) semaphore(%arg25 : memref<!tpu.dma_semaphore, #tpu.memory_space<semaphore_mem>>) {add = true}
      %dma_wait3A_1377 = arith.constant 3 : i32
      %dma_wait3A_1378 = arith.constant 4 : i32
      %dma_wait3A_1379 = arith.constant 4 : i32
      %dma_wait3A_1380 = arith.constant 0 : i32
      %dma_wait3A_1381 = arith.constant 0 : i32
      %dma_wait3A_1382 = tpu.memref_slice %arg9[%dma_wait3A_1379, %dma_wait3A_1380, %dma_wait3A_1381] : memref<5x50x128xf32, #tpu.memory_space<vmem>> -> memref<1x50x128xf32, #tpu.memory_space<vmem>>
      %dma_wait3A_1383 = tpu.memref_squeeze %dma_wait3A_1382 : memref<1x50x128xf32, #tpu.memory_space<vmem>> -> memref<50x128xf32, #tpu.memory_space<vmem>>
      %dma_wait3A_1384 = arith.constant 0 : i32
      %dma_wait3A_1385 = tpu.memref_slice %arg7[%dma_wait3A_1377, %dma_wait3A_1378, %dma_wait3A_1384] : memref<5x5x50xi32, #tpu.memory_space<vmem>> -> memref<1x1x50xi32, #tpu.memory_space<vmem>>
      %dma_wait3A_1386 = tpu.memref_squeeze %dma_wait3A_1385 : memref<1x1x50xi32, #tpu.memory_space<vmem>> -> memref<50xi32, #tpu.memory_space<vmem>>
      %dma_wait3A_1387 = arith.constant 0 : i32
      %dma_wait3A_1388 = arith.constant 0 : i32
      %dma_wait3A_1389 = tpu.memref_slice %arg2[%dma_wait3A_1387, %dma_wait3A_1388] : memref<10000x128xf32, #tpu.memory_space<hbm>> -> memref<10000x128xf32, #tpu.memory_space<hbm>>
      tpu.wait_indirect_dma semaphore(%arg21 : memref<!tpu.dma_semaphore, #tpu.memory_space<semaphore_mem>>) src(%dma_wait3A_1389 : memref<10000x128xf32, #tpu.memory_space<hbm>>) dst(%dma_wait3A_1383 : memref<50x128xf32, #tpu.memory_space<vmem>>)
      %dma_start3A_1390 = arith.constant 4 : i32
      %dma_start3A_1391 = arith.constant 3 : i32
      %dma_start3A_1392 = arith.constant 4 : i32
      %dma_start3A_1393 = arith.constant 0 : i32
      %dma_start3A_1394 = arith.constant 0 : i32
      %dma_start3A_1395 = tpu.memref_slice %arg9[%dma_start3A_1390, %dma_start3A_1393, %dma_start3A_1394] : memref<5x50x128xf32, #tpu.memory_space<vmem>> -> memref<1x50x128xf32, #tpu.memory_space<vmem>>
      %dma_start3A_1396 = tpu.memref_squeeze %dma_start3A_1395 : memref<1x50x128xf32, #tpu.memory_space<vmem>> -> memref<50x128xf32, #tpu.memory_space<vmem>>
      %dma_start3A_1397 = arith.constant 0 : i32
      %dma_start3A_1398 = tpu.memref_slice %arg8[%dma_start3A_1391, %dma_start3A_1392, %dma_start3A_1397] : memref<5x5x50xi32, #tpu.memory_space<vmem>> -> memref<1x1x50xi32, #tpu.memory_space<vmem>>
      %dma_start3A_1399 = tpu.memref_squeeze %dma_start3A_1398 : memref<1x1x50xi32, #tpu.memory_space<vmem>> -> memref<50xi32, #tpu.memory_space<vmem>>
      %dma_start3A_1400 = arith.constant 0 : i32
      %dma_start3A_1401 = arith.constant 0 : i32
      %dma_start3A_1402 = tpu.memref_slice %arg10[%dma_start3A_1400, %dma_start3A_1401] : memref<10112x128xf32, #tpu.memory_space<vmem_shared>> -> memref<10112x128xf32, #tpu.memory_space<vmem_shared>>
      tpu.enqueue_indirect_dma source(%dma_start3A_1396 : memref<50x128xf32, #tpu.memory_space<vmem>>) target(%dma_start3A_1402 : memref<10112x128xf32, #tpu.memory_space<vmem_shared>>) offsets(%dma_start3A_1399 : memref<50xi32, #tpu.memory_space<vmem>>) semaphore(%arg26 : memref<!tpu.dma_semaphore, #tpu.memory_space<semaphore_mem>>) {add = true}
      %lt3A_1403 = arith.constant 7 : i32
      %lt3A_1404 = arith.cmpi slt, %scan3A_224, %lt3A_1403 : i32
      %convert_element_type3A_1405 = arith.extui %lt3A_1404 : i1 to i32
      %cond3A_1406 = arith.constant 0 : i32
      %cond3A_1407 = arith.cmpi ne, %convert_element_type3A_1405, %cond3A_1406 : i32
      scf.if %cond3A_1407 {
        %add3A_1709 = arith.constant 4 : i32
        %add3A_1710 = arith.addi %mul3A_226, %add3A_1709 : i32
        %add3A_1711 = arith.constant 3 : i32
        %add3A_1712 = arith.addi %add3A_1710, %add3A_1711 : i32
        %dma_start3A_1713 = arith.constant 2 : i32
        %dma_start3A_1714 = arith.constant 0 : i32
        %dma_start3A_1715 = arith.constant 0 : i32
        %dma_start3A_1716 = tpu.memref_slice %arg7[%dma_start3A_1713, %dma_start3A_1714, %dma_start3A_1715] : memref<5x5x50xi32, #tpu.memory_space<vmem>> -> memref<1x5x50xi32, #tpu.memory_space<vmem>>
        %dma_start3A_1717 = tpu.memref_squeeze %dma_start3A_1716 : memref<1x5x50xi32, #tpu.memory_space<vmem>> -> memref<5x50xi32, #tpu.memory_space<vmem>>
        %dma_start3A_1718 = arith.constant 0 : i32
        %dma_start3A_1719 = arith.constant 0 : i32
        %dma_start3A_1720 = tpu.memref_slice %arg3[%add3A, %add3A_1712, %dma_start3A_1718, %dma_start3A_1719] : memref<32x40x5x50xi32, #tpu.memory_space<hbm>> -> memref<1x1x5x50xi32, #tpu.memory_space<hbm>>
        %dma_start3A_1721 = tpu.memref_squeeze %dma_start3A_1720 : memref<1x1x5x50xi32, #tpu.memory_space<hbm>> -> memref<5x50xi32, #tpu.memory_space<hbm>>
        %dma_start3A_1722 = arith.constant 0 : i32
        %dma_start3A_1723 = arith.constant 0 : i32
        %dma_start3A_1724 = tpu.memref_slice %arg7[%dma_start3A_1713, %dma_start3A_1722, %dma_start3A_1723] : memref<5x5x50xi32, #tpu.memory_space<vmem>> -> memref<1x5x50xi32, #tpu.memory_space<vmem>>
        %dma_start3A_1725 = tpu.memref_squeeze %dma_start3A_1724 : memref<1x5x50xi32, #tpu.memory_space<vmem>> -> memref<5x50xi32, #tpu.memory_space<vmem>>
        %dma_start3A_1726 = arith.constant 0 : i32
        %dma_start3A_1727 = arith.constant 0 : i32
        %dma_start3A_1728 = tpu.memref_slice %arg3[%add3A, %add3A_1712, %dma_start3A_1726, %dma_start3A_1727] : memref<32x40x5x50xi32, #tpu.memory_space<hbm>> -> memref<1x1x5x50xi32, #tpu.memory_space<hbm>>
        %dma_start3A_1729 = tpu.memref_squeeze %dma_start3A_1728 : memref<1x1x5x50xi32, #tpu.memory_space<hbm>> -> memref<5x50xi32, #tpu.memory_space<hbm>>
        tpu.enqueue_dma source(%dma_start3A_1729 : memref<5x50xi32, #tpu.memory_space<hbm>>) target(%dma_start3A_1725 : memref<5x50xi32, #tpu.memory_space<vmem>>) target_semaphore(%arg14 : memref<!tpu.dma_semaphore, #tpu.memory_space<semaphore_mem>>)
        %dma_start3A_1730 = arith.constant 2 : i32
        %dma_start3A_1731 = arith.constant 0 : i32
        %dma_start3A_1732 = arith.constant 0 : i32
        %dma_start3A_1733 = tpu.memref_slice %arg8[%dma_start3A_1730, %dma_start3A_1731, %dma_start3A_1732] : memref<5x5x50xi32, #tpu.memory_space<vmem>> -> memref<1x5x50xi32, #tpu.memory_space<vmem>>
        %dma_start3A_1734 = tpu.memref_squeeze %dma_start3A_1733 : memref<1x5x50xi32, #tpu.memory_space<vmem>> -> memref<5x50xi32, #tpu.memory_space<vmem>>
        %dma_start3A_1735 = arith.constant 0 : i32
        %dma_start3A_1736 = arith.constant 0 : i32
        %dma_start3A_1737 = tpu.memref_slice %arg4[%add3A, %add3A_1712, %dma_start3A_1735, %dma_start3A_1736] : memref<32x40x5x50xi32, #tpu.memory_space<hbm>> -> memref<1x1x5x50xi32, #tpu.memory_space<hbm>>
        %dma_start3A_1738 = tpu.memref_squeeze %dma_start3A_1737 : memref<1x1x5x50xi32, #tpu.memory_space<hbm>> -> memref<5x50xi32, #tpu.memory_space<hbm>>
        %dma_start3A_1739 = arith.constant 0 : i32
        %dma_start3A_1740 = arith.constant 0 : i32
        %dma_start3A_1741 = tpu.memref_slice %arg8[%dma_start3A_1730, %dma_start3A_1739, %dma_start3A_1740] : memref<5x5x50xi32, #tpu.memory_space<vmem>> -> memref<1x5x50xi32, #tpu.memory_space<vmem>>
        %dma_start3A_1742 = tpu.memref_squeeze %dma_start3A_1741 : memref<1x5x50xi32, #tpu.memory_space<vmem>> -> memref<5x50xi32, #tpu.memory_space<vmem>>
        %dma_start3A_1743 = arith.constant 0 : i32
        %dma_start3A_1744 = arith.constant 0 : i32
        %dma_start3A_1745 = tpu.memref_slice %arg4[%add3A, %add3A_1712, %dma_start3A_1743, %dma_start3A_1744] : memref<32x40x5x50xi32, #tpu.memory_space<hbm>> -> memref<1x1x5x50xi32, #tpu.memory_space<hbm>>
        %dma_start3A_1746 = tpu.memref_squeeze %dma_start3A_1745 : memref<1x1x5x50xi32, #tpu.memory_space<hbm>> -> memref<5x50xi32, #tpu.memory_space<hbm>>
        tpu.enqueue_dma source(%dma_start3A_1746 : memref<5x50xi32, #tpu.memory_space<hbm>>) target(%dma_start3A_1742 : memref<5x50xi32, #tpu.memory_space<vmem>>) target_semaphore(%arg14 : memref<!tpu.dma_semaphore, #tpu.memory_space<semaphore_mem>>)
      } else {
      }
      %add3A_1408 = arith.constant 4 : i32
      %add3A_1409 = arith.addi %mul3A_226, %add3A_1408 : i32
      %dma_wait3A_1410 = arith.constant 4 : i32
      %dma_wait3A_1411 = arith.constant 0 : i32
      %dma_wait3A_1412 = arith.constant 0 : i32
      %dma_wait3A_1413 = tpu.memref_slice %arg7[%dma_wait3A_1410, %dma_wait3A_1411, %dma_wait3A_1412] : memref<5x5x50xi32, #tpu.memory_space<vmem>> -> memref<1x5x50xi32, #tpu.memory_space<vmem>>
      %dma_wait3A_1414 = tpu.memref_squeeze %dma_wait3A_1413 : memref<1x5x50xi32, #tpu.memory_space<vmem>> -> memref<5x50xi32, #tpu.memory_space<vmem>>
      %dma_wait3A_1415 = arith.constant 0 : i32
      %dma_wait3A_1416 = arith.constant 0 : i32
      %dma_wait3A_1417 = tpu.memref_slice %arg3[%add3A, %add3A_1409, %dma_wait3A_1415, %dma_wait3A_1416] : memref<32x40x5x50xi32, #tpu.memory_space<hbm>> -> memref<1x1x5x50xi32, #tpu.memory_space<hbm>>
      %dma_wait3A_1418 = tpu.memref_squeeze %dma_wait3A_1417 : memref<1x1x5x50xi32, #tpu.memory_space<hbm>> -> memref<5x50xi32, #tpu.memory_space<hbm>>
      %dma_wait3A_1419 = arith.constant 0 : i32
      %dma_wait3A_1420 = arith.constant 0 : i32
      %dma_wait3A_1421 = tpu.memref_slice %arg7[%dma_wait3A_1410, %dma_wait3A_1419, %dma_wait3A_1420] : memref<5x5x50xi32, #tpu.memory_space<vmem>> -> memref<1x5x50xi32, #tpu.memory_space<vmem>>
      %dma_wait3A_1422 = tpu.memref_squeeze %dma_wait3A_1421 : memref<1x5x50xi32, #tpu.memory_space<vmem>> -> memref<5x50xi32, #tpu.memory_space<vmem>>
      %dma_wait3A_1423 = arith.constant 0 : i32
      %dma_wait3A_1424 = arith.constant 0 : i32
      %dma_wait3A_1425 = tpu.memref_slice %arg3[%add3A, %add3A_1409, %dma_wait3A_1423, %dma_wait3A_1424] : memref<32x40x5x50xi32, #tpu.memory_space<hbm>> -> memref<1x1x5x50xi32, #tpu.memory_space<hbm>>
      %dma_wait3A_1426 = tpu.memref_squeeze %dma_wait3A_1425 : memref<1x1x5x50xi32, #tpu.memory_space<hbm>> -> memref<5x50xi32, #tpu.memory_space<hbm>>
      tpu.wait_dma2 semaphore(%arg16 : memref<!tpu.dma_semaphore, #tpu.memory_space<semaphore_mem>>) src(%dma_wait3A_1426 : memref<5x50xi32, #tpu.memory_space<hbm>>) dst(%dma_wait3A_1422 : memref<5x50xi32, #tpu.memory_space<vmem>>)
      %dma_wait3A_1427 = arith.constant 4 : i32
      %dma_wait3A_1428 = arith.constant 0 : i32
      %dma_wait3A_1429 = arith.constant 0 : i32
      %dma_wait3A_1430 = tpu.memref_slice %arg8[%dma_wait3A_1427, %dma_wait3A_1428, %dma_wait3A_1429] : memref<5x5x50xi32, #tpu.memory_space<vmem>> -> memref<1x5x50xi32, #tpu.memory_space<vmem>>
      %dma_wait3A_1431 = tpu.memref_squeeze %dma_wait3A_1430 : memref<1x5x50xi32, #tpu.memory_space<vmem>> -> memref<5x50xi32, #tpu.memory_space<vmem>>
      %dma_wait3A_1432 = arith.constant 0 : i32
      %dma_wait3A_1433 = arith.constant 0 : i32
      %dma_wait3A_1434 = tpu.memref_slice %arg4[%add3A, %add3A_1409, %dma_wait3A_1432, %dma_wait3A_1433] : memref<32x40x5x50xi32, #tpu.memory_space<hbm>> -> memref<1x1x5x50xi32, #tpu.memory_space<hbm>>
      %dma_wait3A_1435 = tpu.memref_squeeze %dma_wait3A_1434 : memref<1x1x5x50xi32, #tpu.memory_space<hbm>> -> memref<5x50xi32, #tpu.memory_space<hbm>>
      %dma_wait3A_1436 = arith.constant 0 : i32
      %dma_wait3A_1437 = arith.constant 0 : i32
      %dma_wait3A_1438 = tpu.memref_slice %arg8[%dma_wait3A_1427, %dma_wait3A_1436, %dma_wait3A_1437] : memref<5x5x50xi32, #tpu.memory_space<vmem>> -> memref<1x5x50xi32, #tpu.memory_space<vmem>>
      %dma_wait3A_1439 = tpu.memref_squeeze %dma_wait3A_1438 : memref<1x5x50xi32, #tpu.memory_space<vmem>> -> memref<5x50xi32, #tpu.memory_space<vmem>>
      %dma_wait3A_1440 = arith.constant 0 : i32
      %dma_wait3A_1441 = arith.constant 0 : i32
      %dma_wait3A_1442 = tpu.memref_slice %arg4[%add3A, %add3A_1409, %dma_wait3A_1440, %dma_wait3A_1441] : memref<32x40x5x50xi32, #tpu.memory_space<hbm>> -> memref<1x1x5x50xi32, #tpu.memory_space<hbm>>
      %dma_wait3A_1443 = tpu.memref_squeeze %dma_wait3A_1442 : memref<1x1x5x50xi32, #tpu.memory_space<hbm>> -> memref<5x50xi32, #tpu.memory_space<hbm>>
      tpu.wait_dma2 semaphore(%arg16 : memref<!tpu.dma_semaphore, #tpu.memory_space<semaphore_mem>>) src(%dma_wait3A_1443 : memref<5x50xi32, #tpu.memory_space<hbm>>) dst(%dma_wait3A_1439 : memref<5x50xi32, #tpu.memory_space<vmem>>)
      %dma_wait3A_1444 = arith.constant 0 : i32
      %dma_wait3A_1445 = arith.constant 0 : i32
      %dma_wait3A_1446 = arith.constant 0 : i32
      %dma_wait3A_1447 = arith.constant 0 : i32
      %dma_wait3A_1448 = arith.constant 0 : i32
      %dma_wait3A_1449 = tpu.memref_slice %arg9[%dma_wait3A_1444, %dma_wait3A_1447, %dma_wait3A_1448] : memref<5x50x128xf32, #tpu.memory_space<vmem>> -> memref<1x50x128xf32, #tpu.memory_space<vmem>>
      %dma_wait3A_1450 = tpu.memref_squeeze %dma_wait3A_1449 : memref<1x50x128xf32, #tpu.memory_space<vmem>> -> memref<50x128xf32, #tpu.memory_space<vmem>>
      %dma_wait3A_1451 = arith.constant 0 : i32
      %dma_wait3A_1452 = tpu.memref_slice %arg8[%dma_wait3A_1445, %dma_wait3A_1446, %dma_wait3A_1451] : memref<5x5x50xi32, #tpu.memory_space<vmem>> -> memref<1x1x50xi32, #tpu.memory_space<vmem>>
      %dma_wait3A_1453 = tpu.memref_squeeze %dma_wait3A_1452 : memref<1x1x50xi32, #tpu.memory_space<vmem>> -> memref<50xi32, #tpu.memory_space<vmem>>
      %dma_wait3A_1454 = arith.constant 0 : i32
      %dma_wait3A_1455 = arith.constant 0 : i32
      %dma_wait3A_1456 = tpu.memref_slice %arg10[%dma_wait3A_1454, %dma_wait3A_1455] : memref<10112x128xf32, #tpu.memory_space<vmem_shared>> -> memref<10112x128xf32, #tpu.memory_space<vmem_shared>>
      tpu.wait_indirect_dma semaphore(%arg22 : memref<!tpu.dma_semaphore, #tpu.memory_space<semaphore_mem>>) src(%dma_wait3A_1450 : memref<50x128xf32, #tpu.memory_space<vmem>>) dst(%dma_wait3A_1456 : memref<10112x128xf32, #tpu.memory_space<vmem_shared>>)
      %dma_start3A_1457 = arith.constant 4 : i32
      %dma_start3A_1458 = arith.constant 0 : i32
      %dma_start3A_1459 = arith.constant 0 : i32
      %dma_start3A_1460 = arith.constant 0 : i32
      %dma_start3A_1461 = arith.constant 0 : i32
      %dma_start3A_1462 = tpu.memref_slice %arg9[%dma_start3A_1459, %dma_start3A_1460, %dma_start3A_1461] : memref<5x50x128xf32, #tpu.memory_space<vmem>> -> memref<1x50x128xf32, #tpu.memory_space<vmem>>
      %dma_start3A_1463 = tpu.memref_squeeze %dma_start3A_1462 : memref<1x50x128xf32, #tpu.memory_space<vmem>> -> memref<50x128xf32, #tpu.memory_space<vmem>>
      %dma_start3A_1464 = arith.constant 0 : i32
      %dma_start3A_1465 = tpu.memref_slice %arg7[%dma_start3A_1457, %dma_start3A_1458, %dma_start3A_1464] : memref<5x5x50xi32, #tpu.memory_space<vmem>> -> memref<1x1x50xi32, #tpu.memory_space<vmem>>
      %dma_start3A_1466 = tpu.memref_squeeze %dma_start3A_1465 : memref<1x1x50xi32, #tpu.memory_space<vmem>> -> memref<50xi32, #tpu.memory_space<vmem>>
      %dma_start3A_1467 = arith.constant 0 : i32
      %dma_start3A_1468 = arith.constant 0 : i32
      %dma_start3A_1469 = tpu.memref_slice %arg2[%dma_start3A_1467, %dma_start3A_1468] : memref<10000x128xf32, #tpu.memory_space<hbm>> -> memref<10000x128xf32, #tpu.memory_space<hbm>>
      tpu.enqueue_indirect_dma source(%dma_start3A_1469 : memref<10000x128xf32, #tpu.memory_space<hbm>>) target(%dma_start3A_1463 : memref<50x128xf32, #tpu.memory_space<vmem>>) offsets(%dma_start3A_1466 : memref<50xi32, #tpu.memory_space<vmem>>) semaphore(%arg17 : memref<!tpu.dma_semaphore, #tpu.memory_space<semaphore_mem>>)
      %dma_wait3A_1470 = arith.constant 1 : i32
      %dma_wait3A_1471 = arith.constant 0 : i32
      %dma_wait3A_1472 = arith.constant 1 : i32
      %dma_wait3A_1473 = arith.constant 0 : i32
      %dma_wait3A_1474 = arith.constant 0 : i32
      %dma_wait3A_1475 = tpu.memref_slice %arg9[%dma_wait3A_1470, %dma_wait3A_1473, %dma_wait3A_1474] : memref<5x50x128xf32, #tpu.memory_space<vmem>> -> memref<1x50x128xf32, #tpu.memory_space<vmem>>
      %dma_wait3A_1476 = tpu.memref_squeeze %dma_wait3A_1475 : memref<1x50x128xf32, #tpu.memory_space<vmem>> -> memref<50x128xf32, #tpu.memory_space<vmem>>
      %dma_wait3A_1477 = arith.constant 0 : i32
      %dma_wait3A_1478 = tpu.memref_slice %arg8[%dma_wait3A_1471, %dma_wait3A_1472, %dma_wait3A_1477] : memref<5x5x50xi32, #tpu.memory_space<vmem>> -> memref<1x1x50xi32, #tpu.memory_space<vmem>>
      %dma_wait3A_1479 = tpu.memref_squeeze %dma_wait3A_1478 : memref<1x1x50xi32, #tpu.memory_space<vmem>> -> memref<50xi32, #tpu.memory_space<vmem>>
      %dma_wait3A_1480 = arith.constant 0 : i32
      %dma_wait3A_1481 = arith.constant 0 : i32
      %dma_wait3A_1482 = tpu.memref_slice %arg10[%dma_wait3A_1480, %dma_wait3A_1481] : memref<10112x128xf32, #tpu.memory_space<vmem_shared>> -> memref<10112x128xf32, #tpu.memory_space<vmem_shared>>
      tpu.wait_indirect_dma semaphore(%arg23 : memref<!tpu.dma_semaphore, #tpu.memory_space<semaphore_mem>>) src(%dma_wait3A_1476 : memref<50x128xf32, #tpu.memory_space<vmem>>) dst(%dma_wait3A_1482 : memref<10112x128xf32, #tpu.memory_space<vmem_shared>>)
      %dma_start3A_1483 = arith.constant 4 : i32
      %dma_start3A_1484 = arith.constant 1 : i32
      %dma_start3A_1485 = arith.constant 1 : i32
      %dma_start3A_1486 = arith.constant 0 : i32
      %dma_start3A_1487 = arith.constant 0 : i32
      %dma_start3A_1488 = tpu.memref_slice %arg9[%dma_start3A_1485, %dma_start3A_1486, %dma_start3A_1487] : memref<5x50x128xf32, #tpu.memory_space<vmem>> -> memref<1x50x128xf32, #tpu.memory_space<vmem>>
      %dma_start3A_1489 = tpu.memref_squeeze %dma_start3A_1488 : memref<1x50x128xf32, #tpu.memory_space<vmem>> -> memref<50x128xf32, #tpu.memory_space<vmem>>
      %dma_start3A_1490 = arith.constant 0 : i32
      %dma_start3A_1491 = tpu.memref_slice %arg7[%dma_start3A_1483, %dma_start3A_1484, %dma_start3A_1490] : memref<5x5x50xi32, #tpu.memory_space<vmem>> -> memref<1x1x50xi32, #tpu.memory_space<vmem>>
      %dma_start3A_1492 = tpu.memref_squeeze %dma_start3A_1491 : memref<1x1x50xi32, #tpu.memory_space<vmem>> -> memref<50xi32, #tpu.memory_space<vmem>>
      %dma_start3A_1493 = arith.constant 0 : i32
      %dma_start3A_1494 = arith.constant 0 : i32
      %dma_start3A_1495 = tpu.memref_slice %arg2[%dma_start3A_1493, %dma_start3A_1494] : memref<10000x128xf32, #tpu.memory_space<hbm>> -> memref<10000x128xf32, #tpu.memory_space<hbm>>
      tpu.enqueue_indirect_dma source(%dma_start3A_1495 : memref<10000x128xf32, #tpu.memory_space<hbm>>) target(%dma_start3A_1489 : memref<50x128xf32, #tpu.memory_space<vmem>>) offsets(%dma_start3A_1492 : memref<50xi32, #tpu.memory_space<vmem>>) semaphore(%arg18 : memref<!tpu.dma_semaphore, #tpu.memory_space<semaphore_mem>>)
      %dma_wait3A_1496 = arith.constant 2 : i32
      %dma_wait3A_1497 = arith.constant 0 : i32
      %dma_wait3A_1498 = arith.constant 2 : i32
      %dma_wait3A_1499 = arith.constant 0 : i32
      %dma_wait3A_1500 = arith.constant 0 : i32
      %dma_wait3A_1501 = tpu.memref_slice %arg9[%dma_wait3A_1496, %dma_wait3A_1499, %dma_wait3A_1500] : memref<5x50x128xf32, #tpu.memory_space<vmem>> -> memref<1x50x128xf32, #tpu.memory_space<vmem>>
      %dma_wait3A_1502 = tpu.memref_squeeze %dma_wait3A_1501 : memref<1x50x128xf32, #tpu.memory_space<vmem>> -> memref<50x128xf32, #tpu.memory_space<vmem>>
      %dma_wait3A_1503 = arith.constant 0 : i32
      %dma_wait3A_1504 = tpu.memref_slice %arg8[%dma_wait3A_1497, %dma_wait3A_1498, %dma_wait3A_1503] : memref<5x5x50xi32, #tpu.memory_space<vmem>> -> memref<1x1x50xi32, #tpu.memory_space<vmem>>
      %dma_wait3A_1505 = tpu.memref_squeeze %dma_wait3A_1504 : memref<1x1x50xi32, #tpu.memory_space<vmem>> -> memref<50xi32, #tpu.memory_space<vmem>>
      %dma_wait3A_1506 = arith.constant 0 : i32
      %dma_wait3A_1507 = arith.constant 0 : i32
      %dma_wait3A_1508 = tpu.memref_slice %arg10[%dma_wait3A_1506, %dma_wait3A_1507] : memref<10112x128xf32, #tpu.memory_space<vmem_shared>> -> memref<10112x128xf32, #tpu.memory_space<vmem_shared>>
      tpu.wait_indirect_dma semaphore(%arg24 : memref<!tpu.dma_semaphore, #tpu.memory_space<semaphore_mem>>) src(%dma_wait3A_1502 : memref<50x128xf32, #tpu.memory_space<vmem>>) dst(%dma_wait3A_1508 : memref<10112x128xf32, #tpu.memory_space<vmem_shared>>)
      %dma_start3A_1509 = arith.constant 4 : i32
      %dma_start3A_1510 = arith.constant 2 : i32
      %dma_start3A_1511 = arith.constant 2 : i32
      %dma_start3A_1512 = arith.constant 0 : i32
      %dma_start3A_1513 = arith.constant 0 : i32
      %dma_start3A_1514 = tpu.memref_slice %arg9[%dma_start3A_1511, %dma_start3A_1512, %dma_start3A_1513] : memref<5x50x128xf32, #tpu.memory_space<vmem>> -> memref<1x50x128xf32, #tpu.memory_space<vmem>>
      %dma_start3A_1515 = tpu.memref_squeeze %dma_start3A_1514 : memref<1x50x128xf32, #tpu.memory_space<vmem>> -> memref<50x128xf32, #tpu.memory_space<vmem>>
      %dma_start3A_1516 = arith.constant 0 : i32
      %dma_start3A_1517 = tpu.memref_slice %arg7[%dma_start3A_1509, %dma_start3A_1510, %dma_start3A_1516] : memref<5x5x50xi32, #tpu.memory_space<vmem>> -> memref<1x1x50xi32, #tpu.memory_space<vmem>>
      %dma_start3A_1518 = tpu.memref_squeeze %dma_start3A_1517 : memref<1x1x50xi32, #tpu.memory_space<vmem>> -> memref<50xi32, #tpu.memory_space<vmem>>
      %dma_start3A_1519 = arith.constant 0 : i32
      %dma_start3A_1520 = arith.constant 0 : i32
      %dma_start3A_1521 = tpu.memref_slice %arg2[%dma_start3A_1519, %dma_start3A_1520] : memref<10000x128xf32, #tpu.memory_space<hbm>> -> memref<10000x128xf32, #tpu.memory_space<hbm>>
      tpu.enqueue_indirect_dma source(%dma_start3A_1521 : memref<10000x128xf32, #tpu.memory_space<hbm>>) target(%dma_start3A_1515 : memref<50x128xf32, #tpu.memory_space<vmem>>) offsets(%dma_start3A_1518 : memref<50xi32, #tpu.memory_space<vmem>>) semaphore(%arg19 : memref<!tpu.dma_semaphore, #tpu.memory_space<semaphore_mem>>)
      %dma_wait3A_1522 = arith.constant 3 : i32
      %dma_wait3A_1523 = arith.constant 0 : i32
      %dma_wait3A_1524 = arith.constant 3 : i32
      %dma_wait3A_1525 = arith.constant 0 : i32
      %dma_wait3A_1526 = arith.constant 0 : i32
      %dma_wait3A_1527 = tpu.memref_slice %arg9[%dma_wait3A_1522, %dma_wait3A_1525, %dma_wait3A_1526] : memref<5x50x128xf32, #tpu.memory_space<vmem>> -> memref<1x50x128xf32, #tpu.memory_space<vmem>>
      %dma_wait3A_1528 = tpu.memref_squeeze %dma_wait3A_1527 : memref<1x50x128xf32, #tpu.memory_space<vmem>> -> memref<50x128xf32, #tpu.memory_space<vmem>>
      %dma_wait3A_1529 = arith.constant 0 : i32
      %dma_wait3A_1530 = tpu.memref_slice %arg8[%dma_wait3A_1523, %dma_wait3A_1524, %dma_wait3A_1529] : memref<5x5x50xi32, #tpu.memory_space<vmem>> -> memref<1x1x50xi32, #tpu.memory_space<vmem>>
      %dma_wait3A_1531 = tpu.memref_squeeze %dma_wait3A_1530 : memref<1x1x50xi32, #tpu.memory_space<vmem>> -> memref<50xi32, #tpu.memory_space<vmem>>
      %dma_wait3A_1532 = arith.constant 0 : i32
      %dma_wait3A_1533 = arith.constant 0 : i32
      %dma_wait3A_1534 = tpu.memref_slice %arg10[%dma_wait3A_1532, %dma_wait3A_1533] : memref<10112x128xf32, #tpu.memory_space<vmem_shared>> -> memref<10112x128xf32, #tpu.memory_space<vmem_shared>>
      tpu.wait_indirect_dma semaphore(%arg25 : memref<!tpu.dma_semaphore, #tpu.memory_space<semaphore_mem>>) src(%dma_wait3A_1528 : memref<50x128xf32, #tpu.memory_space<vmem>>) dst(%dma_wait3A_1534 : memref<10112x128xf32, #tpu.memory_space<vmem_shared>>)
      %dma_start3A_1535 = arith.constant 4 : i32
      %dma_start3A_1536 = arith.constant 3 : i32
      %dma_start3A_1537 = arith.constant 3 : i32
      %dma_start3A_1538 = arith.constant 0 : i32
      %dma_start3A_1539 = arith.constant 0 : i32
      %dma_start3A_1540 = tpu.memref_slice %arg9[%dma_start3A_1537, %dma_start3A_1538, %dma_start3A_1539] : memref<5x50x128xf32, #tpu.memory_space<vmem>> -> memref<1x50x128xf32, #tpu.memory_space<vmem>>
      %dma_start3A_1541 = tpu.memref_squeeze %dma_start3A_1540 : memref<1x50x128xf32, #tpu.memory_space<vmem>> -> memref<50x128xf32, #tpu.memory_space<vmem>>
      %dma_start3A_1542 = arith.constant 0 : i32
      %dma_start3A_1543 = tpu.memref_slice %arg7[%dma_start3A_1535, %dma_start3A_1536, %dma_start3A_1542] : memref<5x5x50xi32, #tpu.memory_space<vmem>> -> memref<1x1x50xi32, #tpu.memory_space<vmem>>
      %dma_start3A_1544 = tpu.memref_squeeze %dma_start3A_1543 : memref<1x1x50xi32, #tpu.memory_space<vmem>> -> memref<50xi32, #tpu.memory_space<vmem>>
      %dma_start3A_1545 = arith.constant 0 : i32
      %dma_start3A_1546 = arith.constant 0 : i32
      %dma_start3A_1547 = tpu.memref_slice %arg2[%dma_start3A_1545, %dma_start3A_1546] : memref<10000x128xf32, #tpu.memory_space<hbm>> -> memref<10000x128xf32, #tpu.memory_space<hbm>>
      tpu.enqueue_indirect_dma source(%dma_start3A_1547 : memref<10000x128xf32, #tpu.memory_space<hbm>>) target(%dma_start3A_1541 : memref<50x128xf32, #tpu.memory_space<vmem>>) offsets(%dma_start3A_1544 : memref<50xi32, #tpu.memory_space<vmem>>) semaphore(%arg20 : memref<!tpu.dma_semaphore, #tpu.memory_space<semaphore_mem>>)
      %dma_wait3A_1548 = arith.constant 4 : i32
      %dma_wait3A_1549 = arith.constant 0 : i32
      %dma_wait3A_1550 = arith.constant 4 : i32
      %dma_wait3A_1551 = arith.constant 0 : i32
      %dma_wait3A_1552 = arith.constant 0 : i32
      %dma_wait3A_1553 = tpu.memref_slice %arg9[%dma_wait3A_1548, %dma_wait3A_1551, %dma_wait3A_1552] : memref<5x50x128xf32, #tpu.memory_space<vmem>> -> memref<1x50x128xf32, #tpu.memory_space<vmem>>
      %dma_wait3A_1554 = tpu.memref_squeeze %dma_wait3A_1553 : memref<1x50x128xf32, #tpu.memory_space<vmem>> -> memref<50x128xf32, #tpu.memory_space<vmem>>
      %dma_wait3A_1555 = arith.constant 0 : i32
      %dma_wait3A_1556 = tpu.memref_slice %arg8[%dma_wait3A_1549, %dma_wait3A_1550, %dma_wait3A_1555] : memref<5x5x50xi32, #tpu.memory_space<vmem>> -> memref<1x1x50xi32, #tpu.memory_space<vmem>>
      %dma_wait3A_1557 = tpu.memref_squeeze %dma_wait3A_1556 : memref<1x1x50xi32, #tpu.memory_space<vmem>> -> memref<50xi32, #tpu.memory_space<vmem>>
      %dma_wait3A_1558 = arith.constant 0 : i32
      %dma_wait3A_1559 = arith.constant 0 : i32
      %dma_wait3A_1560 = tpu.memref_slice %arg10[%dma_wait3A_1558, %dma_wait3A_1559] : memref<10112x128xf32, #tpu.memory_space<vmem_shared>> -> memref<10112x128xf32, #tpu.memory_space<vmem_shared>>
      tpu.wait_indirect_dma semaphore(%arg26 : memref<!tpu.dma_semaphore, #tpu.memory_space<semaphore_mem>>) src(%dma_wait3A_1554 : memref<50x128xf32, #tpu.memory_space<vmem>>) dst(%dma_wait3A_1560 : memref<10112x128xf32, #tpu.memory_space<vmem_shared>>)
      %dma_start3A_1561 = arith.constant 4 : i32
      %dma_start3A_1562 = arith.constant 4 : i32
      %dma_start3A_1563 = arith.constant 4 : i32
      %dma_start3A_1564 = arith.constant 0 : i32
      %dma_start3A_1565 = arith.constant 0 : i32
      %dma_start3A_1566 = tpu.memref_slice %arg9[%dma_start3A_1563, %dma_start3A_1564, %dma_start3A_1565] : memref<5x50x128xf32, #tpu.memory_space<vmem>> -> memref<1x50x128xf32, #tpu.memory_space<vmem>>
      %dma_start3A_1567 = tpu.memref_squeeze %dma_start3A_1566 : memref<1x50x128xf32, #tpu.memory_space<vmem>> -> memref<50x128xf32, #tpu.memory_space<vmem>>
      %dma_start3A_1568 = arith.constant 0 : i32
      %dma_start3A_1569 = tpu.memref_slice %arg7[%dma_start3A_1561, %dma_start3A_1562, %dma_start3A_1568] : memref<5x5x50xi32, #tpu.memory_space<vmem>> -> memref<1x1x50xi32, #tpu.memory_space<vmem>>
      %dma_start3A_1570 = tpu.memref_squeeze %dma_start3A_1569 : memref<1x1x50xi32, #tpu.memory_space<vmem>> -> memref<50xi32, #tpu.memory_space<vmem>>
      %dma_start3A_1571 = arith.constant 0 : i32
      %dma_start3A_1572 = arith.constant 0 : i32
      %dma_start3A_1573 = tpu.memref_slice %arg2[%dma_start3A_1571, %dma_start3A_1572] : memref<10000x128xf32, #tpu.memory_space<hbm>> -> memref<10000x128xf32, #tpu.memory_space<hbm>>
      tpu.enqueue_indirect_dma source(%dma_start3A_1573 : memref<10000x128xf32, #tpu.memory_space<hbm>>) target(%dma_start3A_1567 : memref<50x128xf32, #tpu.memory_space<vmem>>) offsets(%dma_start3A_1570 : memref<50xi32, #tpu.memory_space<vmem>>) semaphore(%arg21 : memref<!tpu.dma_semaphore, #tpu.memory_space<semaphore_mem>>)
      %dma_wait3A_1574 = arith.constant 4 : i32
      %dma_wait3A_1575 = arith.constant 0 : i32
      %dma_wait3A_1576 = arith.constant 0 : i32
      %dma_wait3A_1577 = arith.constant 0 : i32
      %dma_wait3A_1578 = arith.constant 0 : i32
      %dma_wait3A_1579 = tpu.memref_slice %arg9[%dma_wait3A_1576, %dma_wait3A_1577, %dma_wait3A_1578] : memref<5x50x128xf32, #tpu.memory_space<vmem>> -> memref<1x50x128xf32, #tpu.memory_space<vmem>>
      %dma_wait3A_1580 = tpu.memref_squeeze %dma_wait3A_1579 : memref<1x50x128xf32, #tpu.memory_space<vmem>> -> memref<50x128xf32, #tpu.memory_space<vmem>>
      %dma_wait3A_1581 = arith.constant 0 : i32
      %dma_wait3A_1582 = tpu.memref_slice %arg7[%dma_wait3A_1574, %dma_wait3A_1575, %dma_wait3A_1581] : memref<5x5x50xi32, #tpu.memory_space<vmem>> -> memref<1x1x50xi32, #tpu.memory_space<vmem>>
      %dma_wait3A_1583 = tpu.memref_squeeze %dma_wait3A_1582 : memref<1x1x50xi32, #tpu.memory_space<vmem>> -> memref<50xi32, #tpu.memory_space<vmem>>
      %dma_wait3A_1584 = arith.constant 0 : i32
      %dma_wait3A_1585 = arith.constant 0 : i32
      %dma_wait3A_1586 = tpu.memref_slice %arg2[%dma_wait3A_1584, %dma_wait3A_1585] : memref<10000x128xf32, #tpu.memory_space<hbm>> -> memref<10000x128xf32, #tpu.memory_space<hbm>>
      tpu.wait_indirect_dma semaphore(%arg17 : memref<!tpu.dma_semaphore, #tpu.memory_space<semaphore_mem>>) src(%dma_wait3A_1586 : memref<10000x128xf32, #tpu.memory_space<hbm>>) dst(%dma_wait3A_1580 : memref<50x128xf32, #tpu.memory_space<vmem>>)
      %dma_start3A_1587 = arith.constant 0 : i32
      %dma_start3A_1588 = arith.constant 4 : i32
      %dma_start3A_1589 = arith.constant 0 : i32
      %dma_start3A_1590 = arith.constant 0 : i32
      %dma_start3A_1591 = arith.constant 0 : i32
      %dma_start3A_1592 = tpu.memref_slice %arg9[%dma_start3A_1587, %dma_start3A_1590, %dma_start3A_1591] : memref<5x50x128xf32, #tpu.memory_space<vmem>> -> memref<1x50x128xf32, #tpu.memory_space<vmem>>
      %dma_start3A_1593 = tpu.memref_squeeze %dma_start3A_1592 : memref<1x50x128xf32, #tpu.memory_space<vmem>> -> memref<50x128xf32, #tpu.memory_space<vmem>>
      %dma_start3A_1594 = arith.constant 0 : i32
      %dma_start3A_1595 = tpu.memref_slice %arg8[%dma_start3A_1588, %dma_start3A_1589, %dma_start3A_1594] : memref<5x5x50xi32, #tpu.memory_space<vmem>> -> memref<1x1x50xi32, #tpu.memory_space<vmem>>
      %dma_start3A_1596 = tpu.memref_squeeze %dma_start3A_1595 : memref<1x1x50xi32, #tpu.memory_space<vmem>> -> memref<50xi32, #tpu.memory_space<vmem>>
      %dma_start3A_1597 = arith.constant 0 : i32
      %dma_start3A_1598 = arith.constant 0 : i32
      %dma_start3A_1599 = tpu.memref_slice %arg10[%dma_start3A_1597, %dma_start3A_1598] : memref<10112x128xf32, #tpu.memory_space<vmem_shared>> -> memref<10112x128xf32, #tpu.memory_space<vmem_shared>>
      tpu.enqueue_indirect_dma source(%dma_start3A_1593 : memref<50x128xf32, #tpu.memory_space<vmem>>) target(%dma_start3A_1599 : memref<10112x128xf32, #tpu.memory_space<vmem_shared>>) offsets(%dma_start3A_1596 : memref<50xi32, #tpu.memory_space<vmem>>) semaphore(%arg22 : memref<!tpu.dma_semaphore, #tpu.memory_space<semaphore_mem>>) {add = true}
      %dma_wait3A_1600 = arith.constant 4 : i32
      %dma_wait3A_1601 = arith.constant 1 : i32
      %dma_wait3A_1602 = arith.constant 1 : i32
      %dma_wait3A_1603 = arith.constant 0 : i32
      %dma_wait3A_1604 = arith.constant 0 : i32
      %dma_wait3A_1605 = tpu.memref_slice %arg9[%dma_wait3A_1602, %dma_wait3A_1603, %dma_wait3A_1604] : memref<5x50x128xf32, #tpu.memory_space<vmem>> -> memref<1x50x128xf32, #tpu.memory_space<vmem>>
      %dma_wait3A_1606 = tpu.memref_squeeze %dma_wait3A_1605 : memref<1x50x128xf32, #tpu.memory_space<vmem>> -> memref<50x128xf32, #tpu.memory_space<vmem>>
      %dma_wait3A_1607 = arith.constant 0 : i32
      %dma_wait3A_1608 = tpu.memref_slice %arg7[%dma_wait3A_1600, %dma_wait3A_1601, %dma_wait3A_1607] : memref<5x5x50xi32, #tpu.memory_space<vmem>> -> memref<1x1x50xi32, #tpu.memory_space<vmem>>
      %dma_wait3A_1609 = tpu.memref_squeeze %dma_wait3A_1608 : memref<1x1x50xi32, #tpu.memory_space<vmem>> -> memref<50xi32, #tpu.memory_space<vmem>>
      %dma_wait3A_1610 = arith.constant 0 : i32
      %dma_wait3A_1611 = arith.constant 0 : i32
      %dma_wait3A_1612 = tpu.memref_slice %arg2[%dma_wait3A_1610, %dma_wait3A_1611] : memref<10000x128xf32, #tpu.memory_space<hbm>> -> memref<10000x128xf32, #tpu.memory_space<hbm>>
      tpu.wait_indirect_dma semaphore(%arg18 : memref<!tpu.dma_semaphore, #tpu.memory_space<semaphore_mem>>) src(%dma_wait3A_1612 : memref<10000x128xf32, #tpu.memory_space<hbm>>) dst(%dma_wait3A_1606 : memref<50x128xf32, #tpu.memory_space<vmem>>)
      %dma_start3A_1613 = arith.constant 1 : i32
      %dma_start3A_1614 = arith.constant 4 : i32
      %dma_start3A_1615 = arith.constant 1 : i32
      %dma_start3A_1616 = arith.constant 0 : i32
      %dma_start3A_1617 = arith.constant 0 : i32
      %dma_start3A_1618 = tpu.memref_slice %arg9[%dma_start3A_1613, %dma_start3A_1616, %dma_start3A_1617] : memref<5x50x128xf32, #tpu.memory_space<vmem>> -> memref<1x50x128xf32, #tpu.memory_space<vmem>>
      %dma_start3A_1619 = tpu.memref_squeeze %dma_start3A_1618 : memref<1x50x128xf32, #tpu.memory_space<vmem>> -> memref<50x128xf32, #tpu.memory_space<vmem>>
      %dma_start3A_1620 = arith.constant 0 : i32
      %dma_start3A_1621 = tpu.memref_slice %arg8[%dma_start3A_1614, %dma_start3A_1615, %dma_start3A_1620] : memref<5x5x50xi32, #tpu.memory_space<vmem>> -> memref<1x1x50xi32, #tpu.memory_space<vmem>>
      %dma_start3A_1622 = tpu.memref_squeeze %dma_start3A_1621 : memref<1x1x50xi32, #tpu.memory_space<vmem>> -> memref<50xi32, #tpu.memory_space<vmem>>
      %dma_start3A_1623 = arith.constant 0 : i32
      %dma_start3A_1624 = arith.constant 0 : i32
      %dma_start3A_1625 = tpu.memref_slice %arg10[%dma_start3A_1623, %dma_start3A_1624] : memref<10112x128xf32, #tpu.memory_space<vmem_shared>> -> memref<10112x128xf32, #tpu.memory_space<vmem_shared>>
      tpu.enqueue_indirect_dma source(%dma_start3A_1619 : memref<50x128xf32, #tpu.memory_space<vmem>>) target(%dma_start3A_1625 : memref<10112x128xf32, #tpu.memory_space<vmem_shared>>) offsets(%dma_start3A_1622 : memref<50xi32, #tpu.memory_space<vmem>>) semaphore(%arg23 : memref<!tpu.dma_semaphore, #tpu.memory_space<semaphore_mem>>) {add = true}
      %dma_wait3A_1626 = arith.constant 4 : i32
      %dma_wait3A_1627 = arith.constant 2 : i32
      %dma_wait3A_1628 = arith.constant 2 : i32
      %dma_wait3A_1629 = arith.constant 0 : i32
      %dma_wait3A_1630 = arith.constant 0 : i32
      %dma_wait3A_1631 = tpu.memref_slice %arg9[%dma_wait3A_1628, %dma_wait3A_1629, %dma_wait3A_1630] : memref<5x50x128xf32, #tpu.memory_space<vmem>> -> memref<1x50x128xf32, #tpu.memory_space<vmem>>
      %dma_wait3A_1632 = tpu.memref_squeeze %dma_wait3A_1631 : memref<1x50x128xf32, #tpu.memory_space<vmem>> -> memref<50x128xf32, #tpu.memory_space<vmem>>
      %dma_wait3A_1633 = arith.constant 0 : i32
      %dma_wait3A_1634 = tpu.memref_slice %arg7[%dma_wait3A_1626, %dma_wait3A_1627, %dma_wait3A_1633] : memref<5x5x50xi32, #tpu.memory_space<vmem>> -> memref<1x1x50xi32, #tpu.memory_space<vmem>>
      %dma_wait3A_1635 = tpu.memref_squeeze %dma_wait3A_1634 : memref<1x1x50xi32, #tpu.memory_space<vmem>> -> memref<50xi32, #tpu.memory_space<vmem>>
      %dma_wait3A_1636 = arith.constant 0 : i32
      %dma_wait3A_1637 = arith.constant 0 : i32
      %dma_wait3A_1638 = tpu.memref_slice %arg2[%dma_wait3A_1636, %dma_wait3A_1637] : memref<10000x128xf32, #tpu.memory_space<hbm>> -> memref<10000x128xf32, #tpu.memory_space<hbm>>
      tpu.wait_indirect_dma semaphore(%arg19 : memref<!tpu.dma_semaphore, #tpu.memory_space<semaphore_mem>>) src(%dma_wait3A_1638 : memref<10000x128xf32, #tpu.memory_space<hbm>>) dst(%dma_wait3A_1632 : memref<50x128xf32, #tpu.memory_space<vmem>>)
      %dma_start3A_1639 = arith.constant 2 : i32
      %dma_start3A_1640 = arith.constant 4 : i32
      %dma_start3A_1641 = arith.constant 2 : i32
      %dma_start3A_1642 = arith.constant 0 : i32
      %dma_start3A_1643 = arith.constant 0 : i32
      %dma_start3A_1644 = tpu.memref_slice %arg9[%dma_start3A_1639, %dma_start3A_1642, %dma_start3A_1643] : memref<5x50x128xf32, #tpu.memory_space<vmem>> -> memref<1x50x128xf32, #tpu.memory_space<vmem>>
      %dma_start3A_1645 = tpu.memref_squeeze %dma_start3A_1644 : memref<1x50x128xf32, #tpu.memory_space<vmem>> -> memref<50x128xf32, #tpu.memory_space<vmem>>
      %dma_start3A_1646 = arith.constant 0 : i32
      %dma_start3A_1647 = tpu.memref_slice %arg8[%dma_start3A_1640, %dma_start3A_1641, %dma_start3A_1646] : memref<5x5x50xi32, #tpu.memory_space<vmem>> -> memref<1x1x50xi32, #tpu.memory_space<vmem>>
      %dma_start3A_1648 = tpu.memref_squeeze %dma_start3A_1647 : memref<1x1x50xi32, #tpu.memory_space<vmem>> -> memref<50xi32, #tpu.memory_space<vmem>>
      %dma_start3A_1649 = arith.constant 0 : i32
      %dma_start3A_1650 = arith.constant 0 : i32
      %dma_start3A_1651 = tpu.memref_slice %arg10[%dma_start3A_1649, %dma_start3A_1650] : memref<10112x128xf32, #tpu.memory_space<vmem_shared>> -> memref<10112x128xf32, #tpu.memory_space<vmem_shared>>
      tpu.enqueue_indirect_dma source(%dma_start3A_1645 : memref<50x128xf32, #tpu.memory_space<vmem>>) target(%dma_start3A_1651 : memref<10112x128xf32, #tpu.memory_space<vmem_shared>>) offsets(%dma_start3A_1648 : memref<50xi32, #tpu.memory_space<vmem>>) semaphore(%arg24 : memref<!tpu.dma_semaphore, #tpu.memory_space<semaphore_mem>>) {add = true}
      %dma_wait3A_1652 = arith.constant 4 : i32
      %dma_wait3A_1653 = arith.constant 3 : i32
      %dma_wait3A_1654 = arith.constant 3 : i32
      %dma_wait3A_1655 = arith.constant 0 : i32
      %dma_wait3A_1656 = arith.constant 0 : i32
      %dma_wait3A_1657 = tpu.memref_slice %arg9[%dma_wait3A_1654, %dma_wait3A_1655, %dma_wait3A_1656] : memref<5x50x128xf32, #tpu.memory_space<vmem>> -> memref<1x50x128xf32, #tpu.memory_space<vmem>>
      %dma_wait3A_1658 = tpu.memref_squeeze %dma_wait3A_1657 : memref<1x50x128xf32, #tpu.memory_space<vmem>> -> memref<50x128xf32, #tpu.memory_space<vmem>>
      %dma_wait3A_1659 = arith.constant 0 : i32
      %dma_wait3A_1660 = tpu.memref_slice %arg7[%dma_wait3A_1652, %dma_wait3A_1653, %dma_wait3A_1659] : memref<5x5x50xi32, #tpu.memory_space<vmem>> -> memref<1x1x50xi32, #tpu.memory_space<vmem>>
      %dma_wait3A_1661 = tpu.memref_squeeze %dma_wait3A_1660 : memref<1x1x50xi32, #tpu.memory_space<vmem>> -> memref<50xi32, #tpu.memory_space<vmem>>
      %dma_wait3A_1662 = arith.constant 0 : i32
      %dma_wait3A_1663 = arith.constant 0 : i32
      %dma_wait3A_1664 = tpu.memref_slice %arg2[%dma_wait3A_1662, %dma_wait3A_1663] : memref<10000x128xf32, #tpu.memory_space<hbm>> -> memref<10000x128xf32, #tpu.memory_space<hbm>>
      tpu.wait_indirect_dma semaphore(%arg20 : memref<!tpu.dma_semaphore, #tpu.memory_space<semaphore_mem>>) src(%dma_wait3A_1664 : memref<10000x128xf32, #tpu.memory_space<hbm>>) dst(%dma_wait3A_1658 : memref<50x128xf32, #tpu.memory_space<vmem>>)
      %dma_start3A_1665 = arith.constant 3 : i32
      %dma_start3A_1666 = arith.constant 4 : i32
      %dma_start3A_1667 = arith.constant 3 : i32
      %dma_start3A_1668 = arith.constant 0 : i32
      %dma_start3A_1669 = arith.constant 0 : i32
      %dma_start3A_1670 = tpu.memref_slice %arg9[%dma_start3A_1665, %dma_start3A_1668, %dma_start3A_1669] : memref<5x50x128xf32, #tpu.memory_space<vmem>> -> memref<1x50x128xf32, #tpu.memory_space<vmem>>
      %dma_start3A_1671 = tpu.memref_squeeze %dma_start3A_1670 : memref<1x50x128xf32, #tpu.memory_space<vmem>> -> memref<50x128xf32, #tpu.memory_space<vmem>>
      %dma_start3A_1672 = arith.constant 0 : i32
      %dma_start3A_1673 = tpu.memref_slice %arg8[%dma_start3A_1666, %dma_start3A_1667, %dma_start3A_1672] : memref<5x5x50xi32, #tpu.memory_space<vmem>> -> memref<1x1x50xi32, #tpu.memory_space<vmem>>
      %dma_start3A_1674 = tpu.memref_squeeze %dma_start3A_1673 : memref<1x1x50xi32, #tpu.memory_space<vmem>> -> memref<50xi32, #tpu.memory_space<vmem>>
      %dma_start3A_1675 = arith.constant 0 : i32
      %dma_start3A_1676 = arith.constant 0 : i32
      %dma_start3A_1677 = tpu.memref_slice %arg10[%dma_start3A_1675, %dma_start3A_1676] : memref<10112x128xf32, #tpu.memory_space<vmem_shared>> -> memref<10112x128xf32, #tpu.memory_space<vmem_shared>>
      tpu.enqueue_indirect_dma source(%dma_start3A_1671 : memref<50x128xf32, #tpu.memory_space<vmem>>) target(%dma_start3A_1677 : memref<10112x128xf32, #tpu.memory_space<vmem_shared>>) offsets(%dma_start3A_1674 : memref<50xi32, #tpu.memory_space<vmem>>) semaphore(%arg25 : memref<!tpu.dma_semaphore, #tpu.memory_space<semaphore_mem>>) {add = true}
      %dma_wait3A_1678 = arith.constant 4 : i32
      %dma_wait3A_1679 = arith.constant 4 : i32
      %dma_wait3A_1680 = arith.constant 4 : i32
      %dma_wait3A_1681 = arith.constant 0 : i32
      %dma_wait3A_1682 = arith.constant 0 : i32
      %dma_wait3A_1683 = tpu.memref_slice %arg9[%dma_wait3A_1680, %dma_wait3A_1681, %dma_wait3A_1682] : memref<5x50x128xf32, #tpu.memory_space<vmem>> -> memref<1x50x128xf32, #tpu.memory_space<vmem>>
      %dma_wait3A_1684 = tpu.memref_squeeze %dma_wait3A_1683 : memref<1x50x128xf32, #tpu.memory_space<vmem>> -> memref<50x128xf32, #tpu.memory_space<vmem>>
      %dma_wait3A_1685 = arith.constant 0 : i32
      %dma_wait3A_1686 = tpu.memref_slice %arg7[%dma_wait3A_1678, %dma_wait3A_1679, %dma_wait3A_1685] : memref<5x5x50xi32, #tpu.memory_space<vmem>> -> memref<1x1x50xi32, #tpu.memory_space<vmem>>
      %dma_wait3A_1687 = tpu.memref_squeeze %dma_wait3A_1686 : memref<1x1x50xi32, #tpu.memory_space<vmem>> -> memref<50xi32, #tpu.memory_space<vmem>>
      %dma_wait3A_1688 = arith.constant 0 : i32
      %dma_wait3A_1689 = arith.constant 0 : i32
      %dma_wait3A_1690 = tpu.memref_slice %arg2[%dma_wait3A_1688, %dma_wait3A_1689] : memref<10000x128xf32, #tpu.memory_space<hbm>> -> memref<10000x128xf32, #tpu.memory_space<hbm>>
      tpu.wait_indirect_dma semaphore(%arg21 : memref<!tpu.dma_semaphore, #tpu.memory_space<semaphore_mem>>) src(%dma_wait3A_1690 : memref<10000x128xf32, #tpu.memory_space<hbm>>) dst(%dma_wait3A_1684 : memref<50x128xf32, #tpu.memory_space<vmem>>)
      %dma_start3A_1691 = arith.constant 4 : i32
      %dma_start3A_1692 = arith.constant 4 : i32
      %dma_start3A_1693 = arith.constant 4 : i32
      %dma_start3A_1694 = arith.constant 0 : i32
      %dma_start3A_1695 = arith.constant 0 : i32
      %dma_start3A_1696 = tpu.memref_slice %arg9[%dma_start3A_1691, %dma_start3A_1694, %dma_start3A_1695] : memref<5x50x128xf32, #tpu.memory_space<vmem>> -> memref<1x50x128xf32, #tpu.memory_space<vmem>>
      %dma_start3A_1697 = tpu.memref_squeeze %dma_start3A_1696 : memref<1x50x128xf32, #tpu.memory_space<vmem>> -> memref<50x128xf32, #tpu.memory_space<vmem>>
      %dma_start3A_1698 = arith.constant 0 : i32
      %dma_start3A_1699 = tpu.memref_slice %arg8[%dma_start3A_1692, %dma_start3A_1693, %dma_start3A_1698] : memref<5x5x50xi32, #tpu.memory_space<vmem>> -> memref<1x1x50xi32, #tpu.memory_space<vmem>>
      %dma_start3A_1700 = tpu.memref_squeeze %dma_start3A_1699 : memref<1x1x50xi32, #tpu.memory_space<vmem>> -> memref<50xi32, #tpu.memory_space<vmem>>
      %dma_start3A_1701 = arith.constant 0 : i32
      %dma_start3A_1702 = arith.constant 0 : i32
      %dma_start3A_1703 = tpu.memref_slice %arg10[%dma_start3A_1701, %dma_start3A_1702] : memref<10112x128xf32, #tpu.memory_space<vmem_shared>> -> memref<10112x128xf32, #tpu.memory_space<vmem_shared>>
      tpu.enqueue_indirect_dma source(%dma_start3A_1697 : memref<50x128xf32, #tpu.memory_space<vmem>>) target(%dma_start3A_1703 : memref<10112x128xf32, #tpu.memory_space<vmem_shared>>) offsets(%dma_start3A_1700 : memref<50xi32, #tpu.memory_space<vmem>>) semaphore(%arg26 : memref<!tpu.dma_semaphore, #tpu.memory_space<semaphore_mem>>) {add = true}
      %lt3A_1704 = arith.constant 7 : i32
      %lt3A_1705 = arith.cmpi slt, %scan3A_224, %lt3A_1704 : i32
      %convert_element_type3A_1706 = arith.extui %lt3A_1705 : i1 to i32
      %cond3A_1707 = arith.constant 0 : i32
      %cond3A_1708 = arith.cmpi ne, %convert_element_type3A_1706, %cond3A_1707 : i32
      scf.if %cond3A_1708 {
        %add3A_1709 = arith.constant 8 : i32
        %add3A_1710 = arith.addi %mul3A_226, %add3A_1709 : i32
        %dma_start3A_1711 = arith.constant 3 : i32
        %dma_start3A_1712 = arith.constant 0 : i32
        %dma_start3A_1713 = arith.constant 0 : i32
        %dma_start3A_1714 = tpu.memref_slice %arg7[%dma_start3A_1711, %dma_start3A_1712, %dma_start3A_1713] : memref<5x5x50xi32, #tpu.memory_space<vmem>> -> memref<1x5x50xi32, #tpu.memory_space<vmem>>
        %dma_start3A_1715 = tpu.memref_squeeze %dma_start3A_1714 : memref<1x5x50xi32, #tpu.memory_space<vmem>> -> memref<5x50xi32, #tpu.memory_space<vmem>>
        %dma_start3A_1716 = arith.constant 0 : i32
        %dma_start3A_1717 = arith.constant 0 : i32
        %dma_start3A_1718 = tpu.memref_slice %arg3[%add3A, %add3A_1710, %dma_start3A_1716, %dma_start3A_1717] : memref<32x40x5x50xi32, #tpu.memory_space<hbm>> -> memref<1x1x5x50xi32, #tpu.memory_space<hbm>>
        %dma_start3A_1719 = tpu.memref_squeeze %dma_start3A_1718 : memref<1x1x5x50xi32, #tpu.memory_space<hbm>> -> memref<5x50xi32, #tpu.memory_space<hbm>>
        %dma_start3A_1720 = arith.constant 0 : i32
        %dma_start3A_1721 = arith.constant 0 : i32
        %dma_start3A_1722 = tpu.memref_slice %arg7[%dma_start3A_1711, %dma_start3A_1720, %dma_start3A_1721] : memref<5x5x50xi32, #tpu.memory_space<vmem>> -> memref<1x5x50xi32, #tpu.memory_space<vmem>>
        %dma_start3A_1723 = tpu.memref_squeeze %dma_start3A_1722 : memref<1x5x50xi32, #tpu.memory_space<vmem>> -> memref<5x50xi32, #tpu.memory_space<vmem>>
        %dma_start3A_1724 = arith.constant 0 : i32
        %dma_start3A_1725 = arith.constant 0 : i32
        %dma_start3A_1726 = tpu.memref_slice %arg3[%add3A, %add3A_1710, %dma_start3A_1724, %dma_start3A_1725] : memref<32x40x5x50xi32, #tpu.memory_space<hbm>> -> memref<1x1x5x50xi32, #tpu.memory_space<hbm>>
        %dma_start3A_1727 = tpu.memref_squeeze %dma_start3A_1726 : memref<1x1x5x50xi32, #tpu.memory_space<hbm>> -> memref<5x50xi32, #tpu.memory_space<hbm>>
        tpu.enqueue_dma source(%dma_start3A_1727 : memref<5x50xi32, #tpu.memory_space<hbm>>) target(%dma_start3A_1723 : memref<5x50xi32, #tpu.memory_space<vmem>>) target_semaphore(%arg15 : memref<!tpu.dma_semaphore, #tpu.memory_space<semaphore_mem>>)
        %dma_start3A_1728 = arith.constant 3 : i32
        %dma_start3A_1729 = arith.constant 0 : i32
        %dma_start3A_1730 = arith.constant 0 : i32
        %dma_start3A_1731 = tpu.memref_slice %arg8[%dma_start3A_1728, %dma_start3A_1729, %dma_start3A_1730] : memref<5x5x50xi32, #tpu.memory_space<vmem>> -> memref<1x5x50xi32, #tpu.memory_space<vmem>>
        %dma_start3A_1732 = tpu.memref_squeeze %dma_start3A_1731 : memref<1x5x50xi32, #tpu.memory_space<vmem>> -> memref<5x50xi32, #tpu.memory_space<vmem>>
        %dma_start3A_1733 = arith.constant 0 : i32
        %dma_start3A_1734 = arith.constant 0 : i32
        %dma_start3A_1735 = tpu.memref_slice %arg4[%add3A, %add3A_1710, %dma_start3A_1733, %dma_start3A_1734] : memref<32x40x5x50xi32, #tpu.memory_space<hbm>> -> memref<1x1x5x50xi32, #tpu.memory_space<hbm>>
        %dma_start3A_1736 = tpu.memref_squeeze %dma_start3A_1735 : memref<1x1x5x50xi32, #tpu.memory_space<hbm>> -> memref<5x50xi32, #tpu.memory_space<hbm>>
        %dma_start3A_1737 = arith.constant 0 : i32
        %dma_start3A_1738 = arith.constant 0 : i32
        %dma_start3A_1739 = tpu.memref_slice %arg8[%dma_start3A_1728, %dma_start3A_1737, %dma_start3A_1738] : memref<5x5x50xi32, #tpu.memory_space<vmem>> -> memref<1x5x50xi32, #tpu.memory_space<vmem>>
        %dma_start3A_1740 = tpu.memref_squeeze %dma_start3A_1739 : memref<1x5x50xi32, #tpu.memory_space<vmem>> -> memref<5x50xi32, #tpu.memory_space<vmem>>
        %dma_start3A_1741 = arith.constant 0 : i32
        %dma_start3A_1742 = arith.constant 0 : i32
        %dma_start3A_1743 = tpu.memref_slice %arg4[%add3A, %add3A_1710, %dma_start3A_1741, %dma_start3A_1742] : memref<32x40x5x50xi32, #tpu.memory_space<hbm>> -> memref<1x1x5x50xi32, #tpu.memory_space<hbm>>
        %dma_start3A_1744 = tpu.memref_squeeze %dma_start3A_1743 : memref<1x1x5x50xi32, #tpu.memory_space<hbm>> -> memref<5x50xi32, #tpu.memory_space<hbm>>
        tpu.enqueue_dma source(%dma_start3A_1744 : memref<5x50xi32, #tpu.memory_space<hbm>>) target(%dma_start3A_1740 : memref<5x50xi32, #tpu.memory_space<vmem>>) target_semaphore(%arg15 : memref<!tpu.dma_semaphore, #tpu.memory_space<semaphore_mem>>)
      } else {
      }
    }
    %scan3A_157 = arith.constant 8 : i32
    %dma_wait3A_158 = arith.constant 0 : i32
    %dma_wait3A_159 = arith.constant 0 : i32
    %dma_wait3A_160 = arith.constant 0 : i32
    %dma_wait3A_161 = arith.constant 0 : i32
    %dma_wait3A_162 = arith.constant 0 : i32
    %dma_wait3A_163 = tpu.memref_slice %arg9[%dma_wait3A_158, %dma_wait3A_161, %dma_wait3A_162] : memref<5x50x128xf32, #tpu.memory_space<vmem>> -> memref<1x50x128xf32, #tpu.memory_space<vmem>>
    %dma_wait3A_164 = tpu.memref_squeeze %dma_wait3A_163 : memref<1x50x128xf32, #tpu.memory_space<vmem>> -> memref<50x128xf32, #tpu.memory_space<vmem>>
    %dma_wait3A_165 = arith.constant 0 : i32
    %dma_wait3A_166 = tpu.memref_slice %arg8[%dma_wait3A_159, %dma_wait3A_160, %dma_wait3A_165] : memref<5x5x50xi32, #tpu.memory_space<vmem>> -> memref<1x1x50xi32, #tpu.memory_space<vmem>>
    %dma_wait3A_167 = tpu.memref_squeeze %dma_wait3A_166 : memref<1x1x50xi32, #tpu.memory_space<vmem>> -> memref<50xi32, #tpu.memory_space<vmem>>
    %dma_wait3A_168 = arith.constant 0 : i32
    %dma_wait3A_169 = arith.constant 0 : i32
    %dma_wait3A_170 = tpu.memref_slice %arg10[%dma_wait3A_168, %dma_wait3A_169] : memref<10112x128xf32, #tpu.memory_space<vmem_shared>> -> memref<10112x128xf32, #tpu.memory_space<vmem_shared>>
    tpu.wait_indirect_dma semaphore(%arg22 : memref<!tpu.dma_semaphore, #tpu.memory_space<semaphore_mem>>) src(%dma_wait3A_164 : memref<50x128xf32, #tpu.memory_space<vmem>>) dst(%dma_wait3A_170 : memref<10112x128xf32, #tpu.memory_space<vmem_shared>>)
    %dma_wait3A_171 = arith.constant 1 : i32
    %dma_wait3A_172 = arith.constant 0 : i32
    %dma_wait3A_173 = arith.constant 1 : i32
    %dma_wait3A_174 = arith.constant 0 : i32
    %dma_wait3A_175 = arith.constant 0 : i32
    %dma_wait3A_176 = tpu.memref_slice %arg9[%dma_wait3A_171, %dma_wait3A_174, %dma_wait3A_175] : memref<5x50x128xf32, #tpu.memory_space<vmem>> -> memref<1x50x128xf32, #tpu.memory_space<vmem>>
    %dma_wait3A_177 = tpu.memref_squeeze %dma_wait3A_176 : memref<1x50x128xf32, #tpu.memory_space<vmem>> -> memref<50x128xf32, #tpu.memory_space<vmem>>
    %dma_wait3A_178 = arith.constant 0 : i32
    %dma_wait3A_179 = tpu.memref_slice %arg8[%dma_wait3A_172, %dma_wait3A_173, %dma_wait3A_178] : memref<5x5x50xi32, #tpu.memory_space<vmem>> -> memref<1x1x50xi32, #tpu.memory_space<vmem>>
    %dma_wait3A_180 = tpu.memref_squeeze %dma_wait3A_179 : memref<1x1x50xi32, #tpu.memory_space<vmem>> -> memref<50xi32, #tpu.memory_space<vmem>>
    %dma_wait3A_181 = arith.constant 0 : i32
    %dma_wait3A_182 = arith.constant 0 : i32
    %dma_wait3A_183 = tpu.memref_slice %arg10[%dma_wait3A_181, %dma_wait3A_182] : memref<10112x128xf32, #tpu.memory_space<vmem_shared>> -> memref<10112x128xf32, #tpu.memory_space<vmem_shared>>
    tpu.wait_indirect_dma semaphore(%arg23 : memref<!tpu.dma_semaphore, #tpu.memory_space<semaphore_mem>>) src(%dma_wait3A_177 : memref<50x128xf32, #tpu.memory_space<vmem>>) dst(%dma_wait3A_183 : memref<10112x128xf32, #tpu.memory_space<vmem_shared>>)
    %dma_wait3A_184 = arith.constant 2 : i32
    %dma_wait3A_185 = arith.constant 0 : i32
    %dma_wait3A_186 = arith.constant 2 : i32
    %dma_wait3A_187 = arith.constant 0 : i32
    %dma_wait3A_188 = arith.constant 0 : i32
    %dma_wait3A_189 = tpu.memref_slice %arg9[%dma_wait3A_184, %dma_wait3A_187, %dma_wait3A_188] : memref<5x50x128xf32, #tpu.memory_space<vmem>> -> memref<1x50x128xf32, #tpu.memory_space<vmem>>
    %dma_wait3A_190 = tpu.memref_squeeze %dma_wait3A_189 : memref<1x50x128xf32, #tpu.memory_space<vmem>> -> memref<50x128xf32, #tpu.memory_space<vmem>>
    %dma_wait3A_191 = arith.constant 0 : i32
    %dma_wait3A_192 = tpu.memref_slice %arg8[%dma_wait3A_185, %dma_wait3A_186, %dma_wait3A_191] : memref<5x5x50xi32, #tpu.memory_space<vmem>> -> memref<1x1x50xi32, #tpu.memory_space<vmem>>
    %dma_wait3A_193 = tpu.memref_squeeze %dma_wait3A_192 : memref<1x1x50xi32, #tpu.memory_space<vmem>> -> memref<50xi32, #tpu.memory_space<vmem>>
    %dma_wait3A_194 = arith.constant 0 : i32
    %dma_wait3A_195 = arith.constant 0 : i32
    %dma_wait3A_196 = tpu.memref_slice %arg10[%dma_wait3A_194, %dma_wait3A_195] : memref<10112x128xf32, #tpu.memory_space<vmem_shared>> -> memref<10112x128xf32, #tpu.memory_space<vmem_shared>>
    tpu.wait_indirect_dma semaphore(%arg24 : memref<!tpu.dma_semaphore, #tpu.memory_space<semaphore_mem>>) src(%dma_wait3A_190 : memref<50x128xf32, #tpu.memory_space<vmem>>) dst(%dma_wait3A_196 : memref<10112x128xf32, #tpu.memory_space<vmem_shared>>)
    %dma_wait3A_197 = arith.constant 3 : i32
    %dma_wait3A_198 = arith.constant 0 : i32
    %dma_wait3A_199 = arith.constant 3 : i32
    %dma_wait3A_200 = arith.constant 0 : i32
    %dma_wait3A_201 = arith.constant 0 : i32
    %dma_wait3A_202 = tpu.memref_slice %arg9[%dma_wait3A_197, %dma_wait3A_200, %dma_wait3A_201] : memref<5x50x128xf32, #tpu.memory_space<vmem>> -> memref<1x50x128xf32, #tpu.memory_space<vmem>>
    %dma_wait3A_203 = tpu.memref_squeeze %dma_wait3A_202 : memref<1x50x128xf32, #tpu.memory_space<vmem>> -> memref<50x128xf32, #tpu.memory_space<vmem>>
    %dma_wait3A_204 = arith.constant 0 : i32
    %dma_wait3A_205 = tpu.memref_slice %arg8[%dma_wait3A_198, %dma_wait3A_199, %dma_wait3A_204] : memref<5x5x50xi32, #tpu.memory_space<vmem>> -> memref<1x1x50xi32, #tpu.memory_space<vmem>>
    %dma_wait3A_206 = tpu.memref_squeeze %dma_wait3A_205 : memref<1x1x50xi32, #tpu.memory_space<vmem>> -> memref<50xi32, #tpu.memory_space<vmem>>
    %dma_wait3A_207 = arith.constant 0 : i32
    %dma_wait3A_208 = arith.constant 0 : i32
    %dma_wait3A_209 = tpu.memref_slice %arg10[%dma_wait3A_207, %dma_wait3A_208] : memref<10112x128xf32, #tpu.memory_space<vmem_shared>> -> memref<10112x128xf32, #tpu.memory_space<vmem_shared>>
    tpu.wait_indirect_dma semaphore(%arg25 : memref<!tpu.dma_semaphore, #tpu.memory_space<semaphore_mem>>) src(%dma_wait3A_203 : memref<50x128xf32, #tpu.memory_space<vmem>>) dst(%dma_wait3A_209 : memref<10112x128xf32, #tpu.memory_space<vmem_shared>>)
    %dma_wait3A_210 = arith.constant 4 : i32
    %dma_wait3A_211 = arith.constant 0 : i32
    %dma_wait3A_212 = arith.constant 4 : i32
    %dma_wait3A_213 = arith.constant 0 : i32
    %dma_wait3A_214 = arith.constant 0 : i32
    %dma_wait3A_215 = tpu.memref_slice %arg9[%dma_wait3A_210, %dma_wait3A_213, %dma_wait3A_214] : memref<5x50x128xf32, #tpu.memory_space<vmem>> -> memref<1x50x128xf32, #tpu.memory_space<vmem>>
    %dma_wait3A_216 = tpu.memref_squeeze %dma_wait3A_215 : memref<1x50x128xf32, #tpu.memory_space<vmem>> -> memref<50x128xf32, #tpu.memory_space<vmem>>
    %dma_wait3A_217 = arith.constant 0 : i32
    %dma_wait3A_218 = tpu.memref_slice %arg8[%dma_wait3A_211, %dma_wait3A_212, %dma_wait3A_217] : memref<5x5x50xi32, #tpu.memory_space<vmem>> -> memref<1x1x50xi32, #tpu.memory_space<vmem>>
    %dma_wait3A_219 = tpu.memref_squeeze %dma_wait3A_218 : memref<1x1x50xi32, #tpu.memory_space<vmem>> -> memref<50xi32, #tpu.memory_space<vmem>>
    %dma_wait3A_220 = arith.constant 0 : i32
    %dma_wait3A_221 = arith.constant 0 : i32
    %dma_wait3A_222 = tpu.memref_slice %arg10[%dma_wait3A_220, %dma_wait3A_221] : memref<10112x128xf32, #tpu.memory_space<vmem_shared>> -> memref<10112x128xf32, #tpu.memory_space<vmem_shared>>
    tpu.wait_indirect_dma semaphore(%arg26 : memref<!tpu.dma_semaphore, #tpu.memory_space<semaphore_mem>>) src(%dma_wait3A_216 : memref<50x128xf32, #tpu.memory_space<vmem>>) dst(%dma_wait3A_222 : memref<10112x128xf32, #tpu.memory_space<vmem_shared>>)
    %barrier3A_223 = arith.constant 0 : index
    tpu.barrier barrier_id(%barrier3A_223)
    "tpu.region"() ({
      %run_scoped3A = tpu.sem_alloc : memref<!tpu.dma_semaphore, #tpu.memory_space<semaphore_mem>>
      %dma_start3A_224 = arith.constant 0 : i32
      %dma_start3A_225 = tpu.memref_slice %arg6[%arg0, %mul3A_2, %dma_start3A_224] : memref<2x10112x128xf32, #tpu.memory_space<hbm>> -> memref<1x632x128xf32, #tpu.memory_space<hbm>>
      %dma_start3A_226 = tpu.memref_squeeze %dma_start3A_225 : memref<1x632x128xf32, #tpu.memory_space<hbm>> -> memref<632x128xf32, #tpu.memory_space<hbm>>
      %dma_start3A_227 = arith.constant 0 : i32
      %dma_start3A_228 = tpu.memref_slice %arg10[%mul3A_2, %dma_start3A_227] : memref<10112x128xf32, #tpu.memory_space<vmem_shared>> -> memref<632x128xf32, #tpu.memory_space<vmem_shared>>
      tpu.enqueue_dma source(%dma_start3A_228 : memref<632x128xf32, #tpu.memory_space<vmem_shared>>) target(%dma_start3A_226 : memref<632x128xf32, #tpu.memory_space<hbm>>) target_semaphore(%run_scoped3A : memref<!tpu.dma_semaphore, #tpu.memory_space<semaphore_mem>>)
      %dma_wait3A_229 = arith.constant 0 : i32
      %dma_wait3A_230 = tpu.memref_slice %arg6[%arg0, %mul3A_2, %dma_wait3A_229] : memref<2x10112x128xf32, #tpu.memory_space<hbm>> -> memref<1x632x128xf32, #tpu.memory_space<hbm>>
      %dma_wait3A_231 = tpu.memref_squeeze %dma_wait3A_230 : memref<1x632x128xf32, #tpu.memory_space<hbm>> -> memref<632x128xf32, #tpu.memory_space<hbm>>
      %dma_wait3A_232 = arith.constant 0 : i32
      %dma_wait3A_233 = tpu.memref_slice %arg10[%mul3A_2, %dma_wait3A_232] : memref<10112x128xf32, #tpu.memory_space<vmem_shared>> -> memref<632x128xf32, #tpu.memory_space<vmem_shared>>
      tpu.wait_dma2 semaphore(%run_scoped3A : memref<!tpu.dma_semaphore, #tpu.memory_space<semaphore_mem>>) src(%dma_wait3A_233 : memref<632x128xf32, #tpu.memory_space<vmem_shared>>) dst(%dma_wait3A_231 : memref<632x128xf32, #tpu.memory_space<hbm>>)
      tpu.yield
    }) : () -> ()
    return
  }
}

module attributes {stable_mosaic.version = 14 : i64} {
  func.func @_tc_a_body(%arg0: memref<10000x128xf32, #tpu.memory_space<vmem>>, %arg1: memref<128x128xf32, #tpu.memory_space<vmem>>, %arg2: memref<10000x1xf32, #tpu.memory_space<vmem>>, %arg3: memref<10000x1xf32, #tpu.memory_space<vmem>>, %arg4: memref<10000x128xf32, #tpu.memory_space<vmem>>, %arg5: memref<10000x128xf32, #tpu.memory_space<vmem>>, %arg6: memref<10000x1xf32, #tpu.memory_space<vmem>>) attributes {dimension_semantics = [], scalar_prefetch = 0 : i64, scratch_operands = 0 : i64, tpu.core_type = #tpu.core_type<tc>} {
    %get3A = arith.constant 0 : index
    %get3A_0 = arith.constant 0 : index
    %get3A_1 = vector.load %arg0[%get3A, %get3A_0] : memref<10000x128xf32, #tpu.memory_space<vmem>>, vector<10000x128xf32>
    %get3A_2 = arith.constant 0 : index
    %get3A_3 = arith.constant 0 : index
    %get3A_4 = vector.load %arg1[%get3A_2, %get3A_3] : memref<128x128xf32, #tpu.memory_space<vmem>>, vector<128x128xf32>
    %dot_general3A = arith.constant dense<0.000000e+00> : vector<10000x128xf32>
    %dot_general3A_5 = tpu.matmul %get3A_1, %get3A_4, %dot_general3A {dimension_numbers = #tpu.dot_dimension_numbers<[1], [0], [0], [1], [0, 0, 1, 1], [], []>, transpose_lhs_hint = false} : vector<10000x128xf32>, vector<128x128xf32>, vector<10000x128xf32> -> vector<10000x128xf32>
    %get3A_6 = arith.constant 0 : index
    %get3A_7 = arith.constant 0 : index
    %get3A_8 = vector.load %arg2[%get3A_6, %get3A_7] : memref<10000x1xf32, #tpu.memory_space<vmem>>, vector<10000x1xf32>
    %get3A_9 = arith.constant 0 : index
    %get3A_10 = arith.constant 0 : index
    %get3A_11 = vector.load %arg3[%get3A_9, %get3A_10] : memref<10000x1xf32, #tpu.memory_space<vmem>>, vector<10000x1xf32>
    %add3A = arith.addf %get3A_8, %get3A_11 : vector<10000x1xf32>
    %add3A_12 = arith.constant 1.000000e+00 : f32
    %add3A_13 = vector.broadcast %add3A_12 : f32 to vector<10000x1xf32>
    %add3A_14 = arith.addf %add3A, %add3A_13 : vector<10000x1xf32>
    %rsqrt3A = math.rsqrt %add3A_14 : vector<10000x1xf32>
    %swap3A = arith.constant 0 : index
    %swap3A_15 = arith.constant 0 : index
    %swap3A_16 = vector.load %arg4[%swap3A, %swap3A_15] : memref<10000x128xf32, #tpu.memory_space<vmem>>, vector<10000x128xf32>
    tpu.vector_store %arg4[%swap3A, %swap3A_15], %dot_general3A_5 {strides = array<i32>} : memref<10000x128xf32, #tpu.memory_space<vmem>>, vector<10000x128xf32>,
    %mul3A = vector.broadcast %rsqrt3A : vector<10000x1xf32> to vector<10000x128xf32>
    %mul3A_17 = arith.mulf %dot_general3A_5, %mul3A : vector<10000x128xf32>
    %swap3A_18 = arith.constant 0 : index
    %swap3A_19 = arith.constant 0 : index
    %swap3A_20 = vector.load %arg5[%swap3A_18, %swap3A_19] : memref<10000x128xf32, #tpu.memory_space<vmem>>, vector<10000x128xf32>
    tpu.vector_store %arg5[%swap3A_18, %swap3A_19], %mul3A_17 {strides = array<i32>} : memref<10000x128xf32, #tpu.memory_space<vmem>>, vector<10000x128xf32>,
    %swap3A_21 = arith.constant 0 : index
    %swap3A_22 = arith.constant 0 : index
    %swap3A_23 = vector.load %arg6[%swap3A_21, %swap3A_22] : memref<10000x1xf32, #tpu.memory_space<vmem>>, vector<10000x1xf32>
    tpu.vector_store %arg6[%swap3A_21, %swap3A_22], %rsqrt3A {strides = array<i32>} : memref<10000x1xf32, #tpu.memory_space<vmem>>, vector<10000x1xf32>,
    return
  }
}

module attributes {stable_mosaic.version = 14 : i64} {
  func.func @_tc_mid_body(%arg0: memref<2x10112x128xf32, #tpu.memory_space<vmem>>, %arg1: memref<10000x128xf32, #tpu.memory_space<vmem>>, %arg2: memref<10000x1xf32, #tpu.memory_space<vmem>>, %arg3: memref<128xf32, #tpu.memory_space<vmem>>, %arg4: memref<128x128xf32, #tpu.memory_space<vmem>>, %arg5: memref<10000x128xf32, #tpu.memory_space<vmem>>, %arg6: memref<10000x128xf32, #tpu.memory_space<vmem>>, %arg7: memref<10000x128xf32, #tpu.memory_space<vmem>>) attributes {dimension_semantics = [], scalar_prefetch = 0 : i64, scratch_operands = 0 : i64, tpu.core_type = #tpu.core_type<tc>} {
    %get3A = arith.constant 0 : index
    %get3A_0 = arith.constant 0 : index
    %get3A_1 = vector.load %arg2[%get3A, %get3A_0] : memref<10000x1xf32, #tpu.memory_space<vmem>>, vector<10000x1xf32>
    %get3A_2 = arith.constant 0 : index
    %get3A_3 = arith.constant 0 : index
    %get3A_4 = arith.constant 0 : index
    %get3A_5 = vector.load %arg0[%get3A_2, %get3A_3, %get3A_4] : memref<2x10112x128xf32, #tpu.memory_space<vmem>>, vector<1x10000x128xf32>
    %get3A_6 = vector.shape_cast %get3A_5 : vector<1x10000x128xf32> to vector<10000x128xf32>
    %get3A_7 = arith.constant 1 : index
    %get3A_8 = arith.constant 0 : index
    %get3A_9 = arith.constant 0 : index
    %get3A_10 = vector.load %arg0[%get3A_7, %get3A_8, %get3A_9] : memref<2x10112x128xf32, #tpu.memory_space<vmem>>, vector<1x10000x128xf32>
    %get3A_11 = vector.shape_cast %get3A_10 : vector<1x10000x128xf32> to vector<10000x128xf32>
    %add3A = arith.addf %get3A_6, %get3A_11 : vector<10000x128xf32>
    %get3A_12 = arith.constant 0 : index
    %get3A_13 = arith.constant 0 : index
    %get3A_14 = vector.load %arg1[%get3A_12, %get3A_13] : memref<10000x128xf32, #tpu.memory_space<vmem>>, vector<10000x128xf32>
    %mul3A = vector.broadcast %get3A_1 : vector<10000x1xf32> to vector<10000x128xf32>
    %mul3A_15 = arith.mulf %mul3A, %get3A_14 : vector<10000x128xf32>
    %add3A_16 = arith.addf %add3A, %mul3A_15 : vector<10000x128xf32>
    %mul3A_17 = vector.broadcast %get3A_1 : vector<10000x1xf32> to vector<10000x128xf32>
    %mul3A_18 = arith.mulf %mul3A_17, %add3A_16 : vector<10000x128xf32>
    %get3A_19 = arith.constant 0 : index
    %get3A_20 = vector.load %arg3[%get3A_19] : memref<128xf32, #tpu.memory_space<vmem>>, vector<128xf32>
    %broadcast_in_dim3A = vector.shape_cast %get3A_20 : vector<128xf32> to vector<1x128xf32>
    %add3A_21 = vector.broadcast %broadcast_in_dim3A : vector<1x128xf32> to vector<10000x128xf32>
    %add3A_22 = arith.addf %mul3A_18, %add3A_21 : vector<10000x128xf32>
    %swap3A = arith.constant 0 : index
    %swap3A_23 = arith.constant 0 : index
    %swap3A_24 = vector.load %arg7[%swap3A, %swap3A_23] : memref<10000x128xf32, #tpu.memory_space<vmem>>, vector<10000x128xf32>
    tpu.vector_store %arg7[%swap3A, %swap3A_23], %add3A_22 {strides = array<i32>} : memref<10000x128xf32, #tpu.memory_space<vmem>>, vector<10000x128xf32>,
    %max3A = arith.constant 0.000000e+00 : f32
    %max3A_25 = vector.broadcast %max3A : f32 to vector<10000x128xf32>
    %max3A_26 = arith.maximumf %add3A_22, %max3A_25 : vector<10000x128xf32>
    %get3A_27 = arith.constant 0 : index
    %get3A_28 = arith.constant 0 : index
    %get3A_29 = vector.load %arg4[%get3A_27, %get3A_28] : memref<128x128xf32, #tpu.memory_space<vmem>>, vector<128x128xf32>
    %dot_general3A = arith.constant dense<0.000000e+00> : vector<10000x128xf32>
    %dot_general3A_30 = tpu.matmul %max3A_26, %get3A_29, %dot_general3A {dimension_numbers = #tpu.dot_dimension_numbers<[1], [0], [0], [1], [0, 0, 1, 1], [], []>, transpose_lhs_hint = false} : vector<10000x128xf32>, vector<128x128xf32>, vector<10000x128xf32> -> vector<10000x128xf32>
    %swap3A_31 = arith.constant 0 : index
    %swap3A_32 = arith.constant 0 : index
    %swap3A_33 = vector.load %arg5[%swap3A_31, %swap3A_32] : memref<10000x128xf32, #tpu.memory_space<vmem>>, vector<10000x128xf32>
    tpu.vector_store %arg5[%swap3A_31, %swap3A_32], %dot_general3A_30 {strides = array<i32>} : memref<10000x128xf32, #tpu.memory_space<vmem>>, vector<10000x128xf32>,
    %mul3A_34 = vector.broadcast %get3A_1 : vector<10000x1xf32> to vector<10000x128xf32>
    %mul3A_35 = arith.mulf %dot_general3A_30, %mul3A_34 : vector<10000x128xf32>
    %swap3A_36 = arith.constant 0 : index
    %swap3A_37 = arith.constant 0 : index
    %swap3A_38 = vector.load %arg6[%swap3A_36, %swap3A_37] : memref<10000x128xf32, #tpu.memory_space<vmem>>, vector<10000x128xf32>
    tpu.vector_store %arg6[%swap3A_36, %swap3A_37], %mul3A_35 {strides = array<i32>} : memref<10000x128xf32, #tpu.memory_space<vmem>>, vector<10000x128xf32>,
    return
  }
}

</mosaic_0001>

<sc_bundles>
// kernel: closed_call.16.cloned.1.call-start
scs
__scs_entry_jumppad:
0x0: {  	(pc) =	sbr.rel $0x88, $3  }
0x1: {  	(tag) =	ssettag $0x0;
	lr =	simm.s32 $0x1  }
0x2: {  	[smem:$0x3F9B] =	sst lr;
	_ =	strace $0xD0000000  }
0x3: {  	_ = 	snop  }
0x4: {  	_ = 	snop  }
0x5: {  	_ = 	snop  }
0x6: {  	_ = 	snop  }
0x7: {  	_ = 	snop  }
__scs_overlays_trampoline_lowered:
0x8: {  	[smem:$0x3FAA] =	sst s0  }
0x9: {  	[smem:$0x3FAB] =	sst s1  }
0xa: {  	[smem:$0x3FAC] =	sst s2  }
0xb: {  	[smem:$0x3FAD] =	sst s3  }
0xc: {  	[smem:$0x3FAE] =	sst s4  }
0xd: {  	[smem:$0x3FAF] =	sst s5  }
0xe: {  	[smem:$0x3FB0] =	sst s6  }
0xf: {  	[smem:$0x3FB1] =	sst s7  }
0x10: {  	[smem:$0x3FB2] =	sst s8  }
0x11: {  	[smem:$0x3FB3] =	sst s9;
	s0 =	simm.s32 @!p0 $0x0  }
0x12: {  	s1 =	sld [smem:$0x3F99];
	s0 =	simm.s32 @p0 $0x1  }
0x13: {  	[smem:$0x3FB4] =	sst s0;
	s0 =	simm.s32 @!p1 $0x0  }
0x14: {  	s2 =	sld [smem:$0x3F98];
	s0 =	simm.s32 @p1 $0x1  }
0x15: {  	[smem:$0x3FB5] =	sst s0;
	s0 =	simm.s32 @!p2 $0x0  }
0x16: {  	s3 =	sld [smem:$0x3FDB];
	s0 =	simm.s32 @p2 $0x1  }
0x17: {  	s4 =	simm.s32 $0x1BF5;
	[smem:$0x3FB7] =	sst s0  }
0x18: {  	s0 =	sld [smem:$0x3F9A];
	_ =	swait.ge [sflag:s4], $0x0  }
0x19: {  	s7 =	sld [smem:$0x3F9B]  }
0x1a: {  	s8 =	sadd.s32 $0xFFFFE003, lr  }
0x1b: {  	s9 =	sadd.s32 $0xFFFFFEF7, lr;
	s5 =	simm.s32 $0xFFFFFFFF;
	p2 =	slt.u32 s8, $0xFFFFF086  }
0x1c: {  	p1 =	slt.u32 s9, $0xF7A;
	s5 =	simm.s32 @!p2 $0x0  }
0x1d: {  	s5 =	simm.s32 @p1 $0x1;
	p0 =	seq.s32 s7, s2  }
0x1e: {  	s7 =	smul.u32 @!p0 $0xF7A, s2;
	p2 =	seq.s32 @!p0 s5, $0x0  }
0x1f: {  	s9 =	smul.u32 $0xF7A, s1;
	s8 =	simm.s32 @!p0 $0x1BF5;
	p2 =	por !p2, p0  }
0x20: {  	[sflag:s8] =	ssyncset.s32 @!p0 $0xFFFFF086;
	s6 =	sadd.s32 @!p0 s3, s7;
	s7 =	simm.s32 @!p0 $0x108  }
0x21: {  	s3 =	sadd.s32 s3, s9;
	s6 =	sadd.s32 @!p0 $0x88, s6;
	s7 =	simm.s32 @p2 $0x1082  }
0x22: {  	[simem:s7], [sflag:s8] =	dma.local @!p0 [hbm:s6], $0xF7A  }
0x23: {  	s9 =	sor.u32 $0xD0000000, s2;
	s6 =	simm.s32 $0x108;
	_ =	swait.ge @!p0 [sflag:s8], $0x0  }
0x24: {  	s3 =	sadd.s32 $0x88, s3;
	s6 =	simm.s32 @!p1 $0x1082;
	[sflag:s4] =	ssyncset.s32 $0xFFFFF086  }
0x25: {  	[simem:s6], [sflag:s4] =	dma.local [hbm:s3], $0xF7A  }
0x26: {  	[smem:$0x3F9B] =	sst s1;
	(tag) =	ssettag s2;
	_ =	strace s9  }
0x27: {  	s1 =	sld [smem:$0x3FAB]  }
0x28: {  	s2 =	sld [smem:$0x3FAC]  }
0x29: {  	s4 =	sld [smem:$0x3FAE]  }
0x2a: {  	p0 =	seq.s32 s5, $0x0;
	s5 =	sld [smem:$0x3FAF]  }
0x2b: {  	s6 =	sld [smem:$0x3FB0]  }
0x2c: {  	s7 =	sld [smem:$0x3FB1]  }
0x2d: {  	s3 =	simm.s32 $0x108;
	s8 =	sld [smem:$0x3FB2]  }
0x2e: {  	s3 =	simm.s32 @!p0 $0x1082;
	s9 =	sld [smem:$0x3FB3]  }
0x2f: {  	lr =	sadd.s32 s0, s3;
	s0 =	sld [smem:$0x3FAA]  }
0x30: {  	s3 =	sld [smem:$0x3FAD]  }
0x31: {  	[smem:$0x3FB6] =	sst s10  }
0x32: {  	s10 =	sld [smem:$0x3FB4];
	_ =	sdelay $0x3  }
0x33: {  	p0 =	seq.s32 s10, $0x1;
	s10 =	sld [smem:$0x3FB6];
	_ =	sdelay $0x3  }
0x34: {  	[smem:$0x3FB6] =	sst s10  }
0x35: {  	s10 =	sld [smem:$0x3FB5];
	_ =	sdelay $0x3  }
0x36: {  	p1 =	seq.s32 s10, $0x1;
	s10 =	sld [smem:$0x3FB6];
	_ =	sdelay $0x3  }
0x37: {  	[smem:$0x3FB6] =	sst s10  }
0x38: {  	s10 =	sld [smem:$0x3FB7]  }
0x39: {  	_ = 	snop;
	(pc) =	sbr.ind lr, $3  }
0x3a: {  	_ = 	snop  }
0x3b: {  	_ = 	snop  }
0x3c: {  	p2 =	seq.s32 s10, $0x1;
	s10 =	sld [smem:$0x3FB6]  }
0x3d: {  	_ =	shalt  }
0x3e: {  	_ =	shalt  }
0x3f: {  	_ =	shalt  }
0x40: {  	_ =	shalt  }
0x41: {  	_ =	shalt  }
0x42: {  	_ =	shalt  }
0x43: {  	_ =	shalt  }
0x44: {  	_ =	shalt  }
0x45: {  	_ =	shalt  }
0x46: {  	_ =	shalt  }
0x47: {  	_ =	shalt  }
0x48: {  	_ =	shalt  }
0x49: {  	_ =	shalt  }
0x4a: {  	_ =	shalt  }
0x4b: {  	_ =	shalt  }
0x4c: {  	_ =	shalt  }
0x4d: {  	_ =	shalt  }
0x4e: {  	_ =	shalt  }
0x4f: {  	_ =	shalt  }
0x50: {  	_ =	shalt  }
0x51: {  	_ =	shalt  }
0x52: {  	_ =	shalt  }
0x53: {  	_ =	shalt  }
0x54: {  	_ =	shalt  }
0x55: {  	_ =	shalt  }
0x56: {  	_ =	shalt  }
0x57: {  	_ =	shalt  }
0x58: {  	_ =	shalt  }
0x59: {  	_ =	shalt  }
0x5a: {  	_ =	shalt  }
0x5b: {  	_ =	shalt  }
0x5c: {  	_ =	shalt  }
0x5d: {  	_ =	shalt  }
0x5e: {  	_ =	shalt  }
0x5f: {  	_ =	shalt  }
0x60: {  	_ =	shalt  }
0x61: {  	_ =	shalt  }
0x62: {  	_ =	shalt  }
0x63: {  	_ =	shalt  }
0x64: {  	_ =	shalt  }
0x65: {  	_ =	shalt  }
0x66: {  	_ =	shalt  }
0x67: {  	_ =	shalt  }
0x68: {  	_ =	shalt  }
0x69: {  	_ =	shalt  }
0x6a: {  	_ =	shalt  }
0x6b: {  	_ =	shalt  }
0x6c: {  	_ =	shalt  }
0x6d: {  	_ =	shalt  }
0x6e: {  	_ =	shalt  }
0x6f: {  	_ =	shalt  }
0x70: {  	_ =	shalt  }
0x71: {  	_ =	shalt  }
0x72: {  	_ =	shalt  }
0x73: {  	_ =	shalt  }
0x74: {  	_ =	shalt  }
0x75: {  	_ =	shalt  }
0x76: {  	_ =	shalt  }
0x77: {  	_ =	shalt  }
0x78: {  	_ =	shalt  }
0x79: {  	_ =	shalt  }
0x7a: {  	_ =	shalt  }
0x7b: {  	_ =	shalt  }
0x7c: {  	_ =	shalt  }
0x7d: {  	_ =	shalt  }
0x7e: {  	_ =	shalt  }
0x7f: {  	_ =	shalt  }
0x80: {  	_ =	shalt  }
0x81: {  	_ =	shalt  }
0x82: {  	_ =	shalt  }
0x83: {  	_ =	shalt  }
0x84: {  	_ =	shalt  }
0x85: {  	_ =	shalt  }
0x86: {  	_ =	shalt  }
0x87: {  	_ =	shalt  }
.Lfunc_end0:
.L_simem_size_0:
called_computation_lowered:
.L_overlay_start_0:
0x88: {  	s2 =	sld [smem:$0x3FD9]  }
0x89: {  	s3 =	sld [smem:$0x3FFE];
	_ =	sdelay $0x1  }
0x8a: {  	s1 =	srdreg.scid  }
0x8b: {  	s0 =	sand.u32 $0x1, s1  }
0x8c: {  	s16 =	sshll.u32 s0, $0xA;
	s2 =	sadd.s32 s3, s2  }
0x8d: {  	s2 =	sadd.s32 s2, s16  }
0x8e: {  	[smem:$0x3FC2] =	sst s2  }
0x8f: {  	_ = 	snop  }
0x90: {  	(tm) =	ssettm $0x1  }
0x91: {  	s17 =	sld [smem:$0x3FFB];
	_ =	sdelay $0x3  }
0x92: {  	_ =	strace s17  }
0x93: {  	s2 =	sld [smem:$0x3FFC];
	_ =	sdelay $0x3  }
0x94: {  	_ =	strace s2  }
0x95: {  	s2 =	sld [smem:$0x3FFD];
	_ =	sdelay $0x3  }
0x96: {  	_ =	strace s2  }
0x97: {  	_ =	strace $0x8FFFFFFF  }
0x98: {  	s18 =	sld [smem:$0x3FDB];
	_ =	sdelay $0x1  }
0x99: {  	s19 =	simm.s32 $_scs_section_size  }
0x9a: {  	s4 =	simm.s32 $_size__tile_overlayer_lowered;
	s5 =	simm.s32 $_tile_overlayer_lowered  }
0x9b: {  	s22 =	simm.s32 $0x1BFF;
	s21 =	sshll.u32 s5, $0x1;
	s2 =	sadd.s32 s19, s18  }
0x9c: {  	s6 =	simm.s32 $0x0;
	s20 =	sshll.u32 s4, $0x1;
	s4 =	sadd.s32 s21, s2  }
0x9d: {  	[timem:s6], [sflag:s22] =	dma.local [hbm:s4], s20  }
0x9e: {  	_ =	swait.ge [sflag:s22], s20  }
0x9f: {  	s3 =	ssub.s32 $0x0, s20;
	[sflag:s22] =	ssyncset.done $0x0  }
0xa0: {  	[sflag:s22] =	ssyncadd.s32 s3;
	_ =	sdelay $0x1  }
0xa1: {  	s23 =	simm.s32 $0x1B8B  }
0xa2: {  	_ =	swait.ge [sflag:s23], $0x1  }
0xa3: {  	[sflag:s23] =	ssyncset.done $0x0  }
0xa4: {  	s25 =	simm.s32 $0x1B8E;
	s24 =	sld [smem:$0x3FFE];
	[sflag:s23] =	ssyncadd.s32 $0xFFFFFFFF  }
0xa5: {  	s26 =	simm.s32 $execute0_lowered;
	[smem:$0x3FD2] =	sst s25  }
0xa6: {  	s4 =	sshll.u32 s26, $0x1;
	_ =	strace $0x80000049;
	[dreg:$0x1] =	wrdreg $0xFFFFFFFF  }
0xa7: {  	s28 =	simm.s32 $_size_execute0_lowered;
	s2 =	sadd.s32 s2, s4;
	[dreg:$0x0] =	wrdreg $0x0  }
0xa8: {  	s4 =	sshll.u32 s28, $0x1;
	[dreg:$0x2] =	wrdreg s2  }
0xa9: {  	[dreg:$0x3] =	wrdreg s4  }
0xaa: {  	[dreg:$0x4] =	wrdreg $0xC0  }
0xab: {  	_ =	task [dreg:s6], $0x5FFFF  }
0xac: {  	[dreg:$0x1] =	wrdreg $0xFFFFFFFF  }
0xad: {  	[dreg:$0x0] =	wrdreg $0x60  }
0xae: {  	[dreg:$0x2] =	wrdreg s24  }
0xaf: {  	[dreg:$0x3] =	wrdreg $0xB4000  }
0xb0: {  	[dreg:$0x4] =	wrdreg $0x9  }
0xb1: {  	_ =	task.clear_ibuf [dreg:s6], $0x5FFFF;
	_ =	strace $0x90000049  }
0xb2: {  	s29 =	simm.s32 $0x9;
	_ =	strace $0x8000004B  }
0xb3: {  	_ =	swait.ge [sflag:s29], $0x1  }
0xb4: {  	[sflag:s29] =	ssyncadd.s32 $0xFFFFFFFF  }
0xb5: {  	_ =	strace $0x9000004B  }
0xb6: {  	_ =	sfence  }
0xb7: {  	s30 =	sld [smem:$0x0];
	_ =	sdelay $0x2  }
0xb8: {  	s31 =	sshll.u32 s1, $0xD;
	s1 =	sshrl.u32 s1, $0x2  }
0xb9: {  	s3 =	sand.u32 $0x4000, s31;
	s1 =	sadd.s32 s1, s30  }
0xba: {  	s0 =	sor.u32 s3, s0;
	s1 =	sshll.u32 s1, $0x11  }
0xbb: {  	s0 =	sor.u32 s1, s0  }
0xbc: {  	s0 =	sadd.s32 $0x8F2B, s0  }
0xbd: {  	[sflag:s0] =	ssyncadd.remote.s32 $0x1  }
0xbe: {  	_ =	sfence.sel $0xFFFF  }
0xbf: {  	[dreg:$0x0] =	wrdreg $0xFFFFFFFF;
	(pc) =	sbr.abs _section_cstart, $3  }
0xc0: {  	[dreg:$0x1] =	wrdreg $0xFFFFFFFF  }
0xc1: {  	_ =	task.clear_ibuf [dreg:s6], $0x2FFFF;
	_ =	strace $0x9FFFFFFF  }
0xc2: {  	(tm) =	ssettm $0x7FFFFFFF  }
0xc3: {  	_ =	shalt  }
tec
execute0_lowered:
.L_overlay_start_1:
0x0: {  	(tag) =	ssettag $0x1  }
0x1: {  	s0 =	srdreg.scid;
	s1 =	rddreg [dreg:$0x0]  }
0x2: {  	s2 =	rddreg [dreg:$0x1];
	s12 =	stileid.u32;
	s3 =	simm.s32 $0x0  }
0x3: {  	s29 =	simm.s32 $0x4400;
	s30 =	simm.s32 $0xA;
	s28 =	simm.s32 $0xB  }
0x4: {  	s31 =	simm.s32 $0x3;
	s0 =	sand.u32 $0x1, s0;
	s10 =	smul.u32 $0xA000, s12  }
0x5: {  	s5 =	sadd.s32 $0xA0C00, s1;
	s7 =	sadd.s32 $0x2800, s1;
	s8 =	smul.u32 $0x13C000, s0  }
0x6: {  	s4 =	sshll.u32 s0, $0x4;
	s6 =	ssub.s32 $0x2, s0;
	s0 =	smul.u32 $0xA0000, s0  }
0x7: {  	[smem:$0x7FF] =	sst s3;
	s4 =	sor.u32 s12, s4;
	s9 =	sshrl.u32 s6, $0x1  }
0x8: {  	s4 =	smul.u32 $0xA000, s4;
	s6 =	ssub.s32 s6, s9;
	s0 =	sadd.s32 s10, s0  }
0x9: {  	s23 =	sadd.s32 $0x2000, s0;
	s25 =	sor.u32 $0x1C00, s0;
	s13 =	sor.u32 $0x1800, s0  }
0xa: {  	s15 =	sor.u32 $0x1400, s0;
	s0 =	sor.u32 $0x1000, s0;
	s4 =	sshrl.u32 s4, $0x3  }
0xb: {  	s10 =	sshrl.u32 s25, $0x3;
	s14 =	sshrl.u32 s13, $0x3;
	s17 =	sadd.s32 s5, s4  }
0xc: {  	s0 =	sshrl.u32 s0, $0x3;
	s11 =	sadd.s32 s7, s4;
	[dreg:$0x3] =	wrdreg s17  }
0xd: {  	s18 =	sor.u32 $0x80, s4;
	s16 =	sadd.s32 s14, s7;
	[dreg:$0x4] =	wrdreg s11  }
0xe: {  	s25 =	sshll.u32 s12, $0x6;
	s19 =	sadd.s32 s5, s18;
	[dreg:$0xf] =	wrdreg s16  }
0xf: {  	s20 =	sor.u32 $0x100, s4;
	s9 =	sadd.s32 s7, s18;
	[dreg:$0x5] =	wrdreg s19  }
0x10: {  	s13 =	simm.s32 $0xE;
	s21 =	sadd.s32 s5, s20;
	[dreg:$0x6] =	wrdreg s9  }
0x11: {  	s4 =	sor.u32 $0x180, s4;
	s22 =	sadd.s32 s7, s20;
	[dreg:$0x7] =	wrdreg s21  }
0x12: {  	s24 =	sadd.s32 s5, s4;
	s4 =	sadd.s32 s7, s4;
	[dreg:$0x8] =	wrdreg s22  }
0x13: {  	s11 =	sadd.s32 s10, s7;
	s20 =	smul.u32 $0x13C00, s12;
	[dreg:$0x9] =	wrdreg s24  }
0x14: {  	s16 =	simm.s32 $0x4;
	s9 =	sshrl.u32 s23, $0x3;
	[dreg:$0xa] =	wrdreg s4  }
0x15: {  	[dreg:$0xd] =	wrdreg s11;
	s4 =	sadd.s32 s10, s5;
	s19 =	sadd.s32 s0, s7  }
0x16: {  	s0 =	sadd.s32 s0, s5;
	s21 =	smul.u32 $0x4F000, s12;
	[dreg:$0xe] =	wrdreg s4  }
0x17: {  	s11 =	simm.s32 $0x9800;
	s10 =	simm.s32 $0x6000;
	[dreg:$0x13] =	wrdreg s19  }
0x18: {  	s12 =	simm.s32 $0xD;
	s26 =	sadd.s32 s9, s7;
	[dreg:$0x14] =	wrdreg s0  }
0x19: {  	s9 =	sadd.s32 s9, s5;
	s4 =	sadd.s32 s14, s5;
	[dreg:$0xb] =	wrdreg s26  }
0x1a: {  	s22 =	sadd.s32 s20, s8;
	s8 =	simm.s32 $0x2;
	[dreg:$0xc] =	wrdreg s9  }
0x1b: {  	s14 =	simm.s32 $0xF;
	s9 =	sshrl.u32 s15, $0x3;
	[dreg:$0x10] =	wrdreg s4  }
0x1c: {  	s4 =	sshrl.u32 s20, $0x3;
	s0 =	sshrl.u32 s21, $0x2;
	s26 =	smax.u32 s6, $0x1  }
0x1d: {  	s6 =	simm.s32 $0xC00;
	s15 =	simm.s32 $0x10;
	s17 =	sadd.s32 s9, s7  }
0x1e: {  	s18 =	sadd.s32 s9, s5;
	s4 =	sadd.s32 s4, s1;
	s5 =	sshrl.u32 s22, $0x3  }
0x1f: {  	s22 =	sadd.s32 $0x79A00, s1;
	s0 =	sadd.s32 s0, s2;
	[dreg:$0x11] =	wrdreg s17  }
0x20: {  	s9 =	simm.s32 $0x32;
	s7 =	simm.s32 $0x0;
	[dreg:$0x12] =	wrdreg s18  }
0x21: {  	s5 =	sadd.s32 s5, s1;
	s23 =	sadd.s32 $0xC8C00, s4;
	s4 =	simm.s32 $0x2000  }
0x22: {  	s1 =	simm.s32 $0xC;
	_ =	strace $0x8000004A;
	[dreg:$0x15] =	wrdreg s0  }
.Ltmp0:
0x23: {  	s17 =	simm.s32 $0x5;
	[dreg:$0x16] =	wrdreg s23;
	(pc) =	sbr.rel .LBB2_1-.Ltmp0, $4  }
0x24: {  	s18 =	simm.s32 $0x6;
	s24 =	sadd.s32 $0xF0400, s5;
	[dreg:$0x19] =	wrdreg s26  }
0x25: {  	[dreg:$0x18] =	wrdreg s25;
	s0 =	sor.u32 $0x1C01, s25;
	s23 =	simm.s32 $0x7  }
0x26: {  	s25 =	simm.s32 $0x8;
	s26 =	simm.s32 $0x9;
	[dreg:$0x17] =	wrdreg s24  }
0x27: {  	[dreg:$0x1a] =	wrdreg s0;
	s24 =	simm.s32 $0x2800;
	s0 =	simm.s32 $0x7C00  }
.LBB2_4:
0x28: {  	_ =	swait.ge [sflag:s1], $0x1900  }
0x29: {  	[sflag:s1] =	ssyncset.done $0x0  }
0x2a: {  	[sflag:s1] =	ssyncadd.s32 $0xFFFFE700  }
0x2b: {  	_ =	swait.ge [sflag:s12], $0x1900  }
0x2c: {  	[sflag:s12] =	ssyncset.done $0x0  }
0x2d: {  	[sflag:s12] =	ssyncadd.s32 $0xFFFFE700  }
0x2e: {  	_ =	swait.ge [sflag:s13], $0x1900  }
0x2f: {  	[sflag:s13] =	ssyncset.done $0x0  }
0x30: {  	[sflag:s13] =	ssyncadd.s32 $0xFFFFE700  }
0x31: {  	_ =	swait.ge [sflag:s14], $0x1900  }
0x32: {  	[sflag:s14] =	ssyncset.done $0x0  }
0x33: {  	[sflag:s14] =	ssyncadd.s32 $0xFFFFE700  }
0x34: {  	_ =	swait.ge [sflag:s15], $0x1900  }
0x35: {  	[sflag:s15] =	ssyncset.done $0x0  }
0x36: {  	[sflag:s15] =	ssyncadd.s32 $0xFFFFE700  }
0x37: {  	[bflag:$0x0] =	sbarrier.arrive $0xFFFF  }
0x38: {  	s5 =	rddreg [dreg:$0x18]  }
0x39: {  	s19 =	rddreg [dreg:$0x17]  }
0x3a: {  	s20 =	simm.s32 $0x11;
	s4 =	rddreg [dreg:$0x1c];
	s5 =	sor.u32 $0x1C11, s5  }
0x3b: {  	[hbm:s19], [sflag:s5] =	dma.local [spmem:s4], $0x2780  }
0x3c: {  	_ =	swait.ge [sflag:s20], $0x2780  }
0x3d: {  	s7 =	rddreg [dreg:$0x1b]  }
0x3e: {  	s21 =	rddreg [dreg:$0x19];
	s7 =	sadd.s32 $0x1, s7  }
0x3f: {  	p0 =	sne.s32 s7, s21  }
.Ltmp1:
0x40: {  	_ = 	snop;
	(pc) =	sbr.rel @!p0 .LBB2_5-.Ltmp1, $3  }
0x41: {  	_ =	sdelay $0x1  }
0x42: {  	[sflag:s20] =	ssyncset.done $0x0  }
0x43: {  	s6 =	simm.s32 $0xC00;
	s4 =	simm.s32 $0x2000;
	[sflag:s20] =	ssyncadd.s32 $0xFFFFD880  }
.LBB2_1:
0x44: {  	[dreg:$0x1b] =	wrdreg s7  }
0x45: {  	s5 =	rddreg [dreg:$0x15]  }
0x46: {  	s20 =	rddreg [dreg:$0x16]  }
0x47: {  	s19 =	rddreg [dreg:$0x1a];
	s5 =	sshrl.u32 s5, $0x3  }
0x48: {  	[dreg:$0x1c] =	wrdreg s5  }
0x49: {  	[spmem:s5], [sflag:s19] =	dma.local [hbm:s20], $0x2780  }
0x4a: {  	s5 =	rddreg [dreg:$0x3]  }
0x4b: {  	[tilespmem:s3], [sflag:$0x2] =	stream.linear.gather [hbm4b:s5+s3], $0x280, $0x38;
	[tilespmem:$0x1F000] =	vst v63  }
0x4c: {  	s7 =	simm.s32 $0x1400;
	s21 =	rddreg [dreg:$0x4]  }
0x4d: {  	[tilespmem:s7], [sflag:$0x2] =	stream.linear.gather [hbm4b:s21+s3], $0x280, $0x38;
	[tilespmem:$0x1F000] =	vst v63  }
0x4e: {  	s20 =	simm.s32 $0x400;
	s19 =	rddreg [dreg:$0x5]  }
0x4f: {  	[tilespmem:s20], [sflag:$0x3] =	stream.linear.gather [hbm4b:s19+s3], $0x280, $0x38;
	[tilespmem:$0x1F000] =	vst v63  }
0x50: {  	s21 =	rddreg [dreg:$0x6];
	s7 =	simm.s32 $0x1800  }
0x51: {  	[tilespmem:s7], [sflag:$0x3] =	stream.linear.gather [hbm4b:s21+s3], $0x280, $0x38;
	[tilespmem:$0x1F000] =	vst v63  }
0x52: {  	s19 =	rddreg [dreg:$0x7];
	s20 =	simm.s32 $0x800  }
0x53: {  	[tilespmem:s20], [sflag:$0x4] =	stream.linear.gather [hbm4b:s19+s3], $0x280, $0x38;
	[tilespmem:$0x1F000] =	vst v63  }
0x54: {  	s21 =	rddreg [dreg:$0x8];
	s7 =	simm.s32 $0x1C00  }
0x55: {  	[tilespmem:s7], [sflag:$0x4] =	stream.linear.gather [hbm4b:s21+s3], $0x280, $0x38;
	[tilespmem:$0x1F000] =	vst v63  }
0x56: {  	s19 =	rddreg [dreg:$0x9]  }
0x57: {  	[tilespmem:s6], [sflag:$0x5] =	stream.linear.gather [hbm4b:s19+s3], $0x280, $0x38;
	[tilespmem:$0x1F000] =	vst v63  }
0x58: {  	s20 =	rddreg [dreg:$0xa];
	s21 =	simm.s32 $0x1  }
0x59: {  	[tilespmem:s4], [sflag:$0x5] =	stream.linear.gather [hbm4b:s20+s3], $0x280, $0x38;
	[tilespmem:$0x1F000] =	vst v63  }
0x5a: {  	_ =	swait.ge [sflag:s21], $0x2780  }
0x5b: {  	[sflag:s21] =	ssyncset.done $0x0  }
0x5c: {  	[sflag:s21] =	ssyncadd.s32 $0xFFFFD880  }
0x5d: {  	s19 =	simm.s32 $0x0;
	s4 =	simm.s32 $0x2000;
	[bflag:$0x0] =	sbarrier.arrive $0xFFFF  }
.LBB2_2:
0x5e: {  	_ =	swait.ge [sflag:s8], $0x280  }
0x5f: {  	[sflag:s8] =	ssyncset.done $0x0  }
0x60: {  	[sflag:s8] =	ssyncadd.s32 $0xFFFFFD80  }
0x61: {  	_ =	swait.ge [sflag:s8], $0x280  }
0x62: {  	p0 =	sne.s32 s19, $0x0;
	[sflag:s8] =	ssyncset.done $0x0  }
0x63: {  	s20 =	simm.s32 @p0 $0xC;
	[sflag:s8] =	ssyncadd.s32 $0xFFFFFD80  }
0x64: {  	_ =	swait.ge @p0 [sflag:s20], $0x1900  }
0x65: {  	s21 =	simm.s32 @p0 $0x0;
	[sflag:s20] =	ssyncset.done @p0 $0x0  }
0x66: {  	s5 =	simm.s32 @p0 $0x2800;
	[sflag:s20] =	ssyncadd.s32 @p0 $0xFFFFE700;
	s20 =	simm.s32 @p0 $0x32  }
0x67: {  	[tilespmem:s5], [sflag:$0x7] =	stream.indirect.gather @p0 [hbm4b:s22+s20], $0x80, s21, s20, $0xb8;
	[tilespmem:$0x1F000] =	vst v63  }
0x68: {  	s5 =	simm.s32 @p0 $0xD  }
0x69: {  	_ =	swait.ge @p0 [sflag:s5], $0x1900  }
0x6a: {  	[sflag:s5] =	ssyncset.done @p0 $0x0  }
0x6b: {  	s21 =	simm.s32 @p0 $0x4400;
	[sflag:s5] =	ssyncadd.s32 @p0 $0xFFFFE700;
	s5 =	simm.s32 @p0 $0x80  }
0x6c: {  	[tilespmem:s21], [sflag:$0x8] =	stream.indirect.gather @p0 [hbm4b:s22+s20], $0x80, s5, s20, $0xb8;
	[tilespmem:$0x1F000] =	vst v63  }
0x6d: {  	s5 =	simm.s32 @p0 $0xE  }
0x6e: {  	_ =	swait.ge @p0 [sflag:s5], $0x1900  }
0x6f: {  	[sflag:s5] =	ssyncset.done @p0 $0x0  }
0x70: {  	s21 =	simm.s32 @p0 $0x6000;
	[sflag:s5] =	ssyncadd.s32 @p0 $0xFFFFE700;
	s5 =	simm.s32 @p0 $0x100  }
0x71: {  	[tilespmem:s21], [sflag:$0x9] =	stream.indirect.gather @p0 [hbm4b:s22+s20], $0x80, s5, s20, $0xb8;
	[tilespmem:$0x1F000] =	vst v63  }
0x72: {  	s5 =	simm.s32 @p0 $0xF  }
0x73: {  	_ =	swait.ge @p0 [sflag:s5], $0x1900  }
0x74: {  	[sflag:s5] =	ssyncset.done @p0 $0x0  }
0x75: {  	s21 =	simm.s32 @p0 $0x7C00;
	[sflag:s5] =	ssyncadd.s32 @p0 $0xFFFFE700;
	s5 =	simm.s32 @p0 $0x180  }
0x76: {  	[tilespmem:s21], [sflag:$0xA] =	stream.indirect.gather @p0 [hbm4b:s22+s20], $0x80, s5, s20, $0xb8;
	[tilespmem:$0x1F000] =	vst v63  }
0x77: {  	s5 =	simm.s32 @p0 $0x10  }
0x78: {  	_ =	swait.ge @p0 [sflag:s5], $0x1900  }
0x79: {  	s20 =	simm.s32 @!p0 $0x0;
	[sflag:s5] =	ssyncset.done @p0 $0x0  }
0x7a: {  	s21 =	simm.s32 @!p0 $0x2800;
	[sflag:s5] =	ssyncadd.s32 @p0 $0xFFFFE700;
	s5 =	simm.s32 @!p0 $0x32  }
0x7b: {  	[tilespmem:s21], [sflag:$0x7] =	stream.indirect.gather @!p0 [hbm4b:s22+s5], $0x80, s20, s5, $0xb8;
	[tilespmem:$0x1F000] =	vst v63  }
0x7c: {  	s20 =	simm.s32 @!p0 $0x80;
	s21 =	simm.s32 @!p0 $0x4400  }
0x7d: {  	[tilespmem:s21], [sflag:$0x8] =	stream.indirect.gather @!p0 [hbm4b:s22+s5], $0x80, s20, s5, $0xb8;
	[tilespmem:$0x1F000] =	vst v63  }
0x7e: {  	s20 =	simm.s32 @!p0 $0x100;
	s21 =	simm.s32 @!p0 $0x6000  }
0x7f: {  	[tilespmem:s21], [sflag:$0x9] =	stream.indirect.gather @!p0 [hbm4b:s22+s5], $0x80, s20, s5, $0xb8;
	[tilespmem:$0x1F000] =	vst v63  }
0x80: {  	s20 =	simm.s32 @!p0 $0x180;
	s21 =	simm.s32 @!p0 $0x7C00  }
0x81: {  	[tilespmem:s21], [sflag:$0xA] =	stream.indirect.gather @!p0 [hbm4b:s22+s5], $0x80, s20, s5, $0xb8;
	[tilespmem:$0x1F000] =	vst v63  }
0x82: {  	s21 =	simm.s32 $0x200  }
0x83: {  	[tilespmem:s11], [sflag:$0xB] =	stream.indirect.gather [hbm4b:s22+s9], $0x80, s21, s9, $0xb8;
	[tilespmem:$0x1F000] =	vst v63  }
0x84: {  	_ =	swait.ge [sflag:s23], $0x1900  }
0x85: {  	[sflag:s23] =	ssyncset.done $0x0  }
0x86: {  	s6 =	simm.s32 $0x1400;
	[sflag:s23] =	ssyncadd.s32 $0xFFFFE700  }
0x87: {  	[spmem:s2] =	stream.indirect.scatter.add.f32 [tilespmem:s24], [sflag:$0xC], $0x80, s6, s9, $0xb8;
	[tilespmem:$0x1F000] =	vst v63  }
0x88: {  	_ =	swait.ge [sflag:s25], $0x1900  }
0x89: {  	[sflag:s25] =	ssyncset.done $0x0  }
0x8a: {  	s7 =	simm.s32 $0x1480;
	[sflag:s25] =	ssyncadd.s32 $0xFFFFE700  }
0x8b: {  	[spmem:s2] =	stream.indirect.scatter.add.f32 [tilespmem:s29], [sflag:$0xD], $0x80, s7, s9, $0xb8;
	[tilespmem:$0x1F000] =	vst v63  }
0x8c: {  	_ =	swait.ge [sflag:s26], $0x1900  }
0x8d: {  	[sflag:s26] =	ssyncset.done $0x0  }
0x8e: {  	s20 =	simm.s32 $0x1500;
	[sflag:s26] =	ssyncadd.s32 $0xFFFFE700  }
0x8f: {  	[spmem:s2] =	stream.indirect.scatter.add.f32 [tilespmem:s10], [sflag:$0xE], $0x80, s20, s9, $0xb8;
	[tilespmem:$0x1F000] =	vst v63  }
0x90: {  	_ =	swait.ge [sflag:s30], $0x1900  }
0x91: {  	[sflag:s30] =	ssyncset.done $0x0  }
0x92: {  	s21 =	simm.s32 $0x1580;
	[sflag:s30] =	ssyncadd.s32 $0xFFFFE700  }
0x93: {  	[spmem:s2] =	stream.indirect.scatter.add.f32 [tilespmem:s0], [sflag:$0xF], $0x80, s21, s9, $0xb8;
	[tilespmem:$0x1F000] =	vst v63  }
0x94: {  	_ =	swait.ge [sflag:s28], $0x1900  }
0x95: {  	[sflag:s28] =	ssyncset.done $0x0  }
0x96: {  	s6 =	simm.s32 $0x1600;
	s7 =	rddreg [dreg:$0x14];
	[sflag:s28] =	ssyncadd.s32 $0xFFFFE700  }
0x97: {  	[spmem:s2] =	stream.indirect.scatter.add.f32 [tilespmem:s11], [sflag:$0x10], $0x80, s6, s9, $0xb8;
	[tilespmem:$0x1F000] =	vst v63  }
0x98: {  	s20 =	rddreg [dreg:$0x13];
	s5 =	sadd.s32 s19, s7;
	s7 =	simm.s32 $0x1000  }
0x99: {  	[tilespmem:s7], [sflag:$0x6] =	stream.linear.gather [hbm4b:s5+s3], $0x280, $0x38;
	[tilespmem:$0x1F000] =	vst v63  }
0x9a: {  	s6 =	simm.s32 $0x2400;
	s5 =	sadd.s32 s19, s20  }
0x9b: {  	[tilespmem:s6], [sflag:$0x6] =	stream.linear.gather [hbm4b:s5+s3], $0x280, $0x38;
	[tilespmem:$0x1F000] =	vst v63  }
0x9c: {  	_ =	swait.ge [sflag:s31], $0x280  }
0x9d: {  	[sflag:s31] =	ssyncset.done $0x0  }
0x9e: {  	[sflag:s31] =	ssyncadd.s32 $0xFFFFFD80  }
0x9f: {  	_ =	swait.ge [sflag:s31], $0x280  }
0xa0: {  	[sflag:s31] =	ssyncset.done $0x0  }
0xa1: {  	[sflag:s31] =	ssyncadd.s32 $0xFFFFFD80  }
0xa2: {  	_ =	swait.ge [sflag:s1], $0x1900  }
0xa3: {  	[sflag:s1] =	ssyncset.done $0x0  }
0xa4: {  	s21 =	simm.s32 $0x400;
	[sflag:s1] =	ssyncadd.s32 $0xFFFFE700  }
0xa5: {  	[tilespmem:s24], [sflag:$0x7] =	stream.indirect.gather [hbm4b:s22+s9], $0x80, s21, s9, $0xb8;
	[tilespmem:$0x1F000] =	vst v63  }
0xa6: {  	_ =	swait.ge [sflag:s12], $0x1900  }
0xa7: {  	[sflag:s12] =	ssyncset.done $0x0  }
0xa8: {  	s20 =	simm.s32 $0x480;
	[sflag:s12] =	ssyncadd.s32 $0xFFFFE700  }
0xa9: {  	[tilespmem:s29], [sflag:$0x8] =	stream.indirect.gather [hbm4b:s22+s9], $0x80, s20, s9, $0xb8;
	[tilespmem:$0x1F000] =	vst v63  }
0xaa: {  	_ =	swait.ge [sflag:s13], $0x1900  }
0xab: {  	[sflag:s13] =	ssyncset.done $0x0  }
0xac: {  	s21 =	simm.s32 $0x500;
	[sflag:s13] =	ssyncadd.s32 $0xFFFFE700  }
0xad: {  	[tilespmem:s10], [sflag:$0x9] =	stream.indirect.gather [hbm4b:s22+s9], $0x80, s21, s9, $0xb8;
	[tilespmem:$0x1F000] =	vst v63  }
0xae: {  	_ =	swait.ge [sflag:s14], $0x1900  }
0xaf: {  	[sflag:s14] =	ssyncset.done $0x0  }
0xb0: {  	s20 =	simm.s32 $0x580;
	[sflag:s14] =	ssyncadd.s32 $0xFFFFE700  }
0xb1: {  	[tilespmem:s0], [sflag:$0xA] =	stream.indirect.gather [hbm4b:s22+s9], $0x80, s20, s9, $0xb8;
	[tilespmem:$0x1F000] =	vst v63  }
0xb2: {  	_ =	swait.ge [sflag:s15], $0x1900  }
0xb3: {  	[sflag:s15] =	ssyncset.done $0x0  }
0xb4: {  	s21 =	simm.s32 $0x600;
	[sflag:s15] =	ssyncadd.s32 $0xFFFFE700  }
0xb5: {  	[tilespmem:s11], [sflag:$0xB] =	stream.indirect.gather [hbm4b:s22+s9], $0x80, s21, s9, $0xb8;
	[tilespmem:$0x1F000] =	vst v63  }
0xb6: {  	_ =	swait.ge [sflag:s23], $0x1900  }
0xb7: {  	[sflag:s23] =	ssyncset.done $0x0  }
0xb8: {  	s20 =	simm.s32 $0x1800;
	[sflag:s23] =	ssyncadd.s32 $0xFFFFE700  }
0xb9: {  	[spmem:s2] =	stream.indirect.scatter.add.f32 [tilespmem:s24], [sflag:$0xC], $0x80, s20, s9, $0xb8;
	[tilespmem:$0x1F000] =	vst v63  }
0xba: {  	_ =	swait.ge [sflag:s25], $0x1900  }
0xbb: {  	[sflag:s25] =	ssyncset.done $0x0  }
0xbc: {  	s21 =	simm.s32 $0x1880;
	[sflag:s25] =	ssyncadd.s32 $0xFFFFE700  }
0xbd: {  	[spmem:s2] =	stream.indirect.scatter.add.f32 [tilespmem:s29], [sflag:$0xD], $0x80, s21, s9, $0xb8;
	[tilespmem:$0x1F000] =	vst v63  }
0xbe: {  	_ =	swait.ge [sflag:s26], $0x1900  }
0xbf: {  	[sflag:s26] =	ssyncset.done $0x0  }
0xc0: {  	s20 =	simm.s32 $0x1900;
	[sflag:s26] =	ssyncadd.s32 $0xFFFFE700  }
0xc1: {  	[spmem:s2] =	stream.indirect.scatter.add.f32 [tilespmem:s10], [sflag:$0xE], $0x80, s20, s9, $0xb8;
	[tilespmem:$0x1F000] =	vst v63  }
0xc2: {  	_ =	swait.ge [sflag:s30], $0x1900  }
0xc3: {  	[sflag:s30] =	ssyncset.done $0x0  }
0xc4: {  	s21 =	simm.s32 $0x1980;
	[sflag:s30] =	ssyncadd.s32 $0xFFFFE700  }
0xc5: {  	[spmem:s2] =	stream.indirect.scatter.add.f32 [tilespmem:s0], [sflag:$0xF], $0x80, s21, s9, $0xb8;
	[tilespmem:$0x1F000] =	vst v63  }
0xc6: {  	_ =	swait.ge [sflag:s28], $0x1900  }
0xc7: {  	p0 =	seq.s32 s19, $0x1180;
	[sflag:s28] =	ssyncset.done $0x0  }
0xc8: {  	s20 =	simm.s32 $0x1A00;
	s5 =	rddreg [dreg:$0x12];
	[sflag:s28] =	ssyncadd.s32 $0xFFFFE700  }
0xc9: {  	[spmem:s2] =	stream.indirect.scatter.add.f32 [tilespmem:s11], [sflag:$0x10], $0x80, s20, s9, $0xb8;
	[tilespmem:$0x1F000] =	vst v63  }
0xca: {  	s5 =	sadd.s32 @!p0 s19, s5;
	s20 =	simm.s32 @!p0 $0x0  }
0xcb: {  	[tilespmem:s20], [sflag:$0x2] =	stream.linear.gather @!p0 [hbm4b:s5+s20], $0x280, $0x38;
	[tilespmem:$0x1F000] =	vst v63  }
0xcc: {  	s5 =	rddreg [dreg:$0x11]  }
0xcd: {  	s21 =	simm.s32 @!p0 $0x1400;
	s5 =	sadd.s32 @!p0 s19, s5  }
0xce: {  	[tilespmem:s21], [sflag:$0x2] =	stream.linear.gather @!p0 [hbm4b:s5+s20], $0x280, $0x38;
	[tilespmem:$0x1F000] =	vst v63  }
0xcf: {  	_ =	swait.ge [sflag:s16], $0x280  }
0xd0: {  	[sflag:s16] =	ssyncset.done $0x0  }
0xd1: {  	[sflag:s16] =	ssyncadd.s32 $0xFFFFFD80  }
0xd2: {  	_ =	swait.ge [sflag:s16], $0x280  }
0xd3: {  	[sflag:s16] =	ssyncset.done $0x0  }
0xd4: {  	[sflag:s16] =	ssyncadd.s32 $0xFFFFFD80  }
0xd5: {  	_ =	swait.ge [sflag:s1], $0x1900  }
0xd6: {  	[sflag:s1] =	ssyncset.done $0x0  }
0xd7: {  	s21 =	simm.s32 $0x800;
	[sflag:s1] =	ssyncadd.s32 $0xFFFFE700  }
0xd8: {  	[tilespmem:s24], [sflag:$0x7] =	stream.indirect.gather [hbm4b:s22+s9], $0x80, s21, s9, $0xb8;
	[tilespmem:$0x1F000] =	vst v63  }
0xd9: {  	_ =	swait.ge [sflag:s12], $0x1900  }
0xda: {  	[sflag:s12] =	ssyncset.done $0x0  }
0xdb: {  	s21 =	simm.s32 $0x880;
	[sflag:s12] =	ssyncadd.s32 $0xFFFFE700  }
0xdc: {  	[tilespmem:s29], [sflag:$0x8] =	stream.indirect.gather [hbm4b:s22+s9], $0x80, s21, s9, $0xb8;
	[tilespmem:$0x1F000] =	vst v63  }
0xdd: {  	_ =	swait.ge [sflag:s13], $0x1900  }
0xde: {  	[sflag:s13] =	ssyncset.done $0x0  }
0xdf: {  	s21 =	simm.s32 $0x900;
	[sflag:s13] =	ssyncadd.s32 $0xFFFFE700  }
0xe0: {  	[tilespmem:s10], [sflag:$0x9] =	stream.indirect.gather [hbm4b:s22+s9], $0x80, s21, s9, $0xb8;
	[tilespmem:$0x1F000] =	vst v63  }
0xe1: {  	_ =	swait.ge [sflag:s14], $0x1900  }
0xe2: {  	[sflag:s14] =	ssyncset.done $0x0  }
0xe3: {  	s21 =	simm.s32 $0x980;
	[sflag:s14] =	ssyncadd.s32 $0xFFFFE700  }
0xe4: {  	[tilespmem:s0], [sflag:$0xA] =	stream.indirect.gather [hbm4b:s22+s9], $0x80, s21, s9, $0xb8;
	[tilespmem:$0x1F000] =	vst v63  }
0xe5: {  	_ =	swait.ge [sflag:s15], $0x1900  }
0xe6: {  	[sflag:s15] =	ssyncset.done $0x0  }
0xe7: {  	s21 =	simm.s32 $0xA00;
	[sflag:s15] =	ssyncadd.s32 $0xFFFFE700  }
0xe8: {  	[tilespmem:s11], [sflag:$0xB] =	stream.indirect.gather [hbm4b:s22+s9], $0x80, s21, s9, $0xb8;
	[tilespmem:$0x1F000] =	vst v63  }
0xe9: {  	_ =	swait.ge [sflag:s23], $0x1900  }
0xea: {  	[sflag:s23] =	ssyncset.done $0x0  }
0xeb: {  	s21 =	simm.s32 $0x1C00;
	[sflag:s23] =	ssyncadd.s32 $0xFFFFE700  }
0xec: {  	[spmem:s2] =	stream.indirect.scatter.add.f32 [tilespmem:s24], [sflag:$0xC], $0x80, s21, s9, $0xb8;
	[tilespmem:$0x1F000] =	vst v63  }
0xed: {  	_ =	swait.ge [sflag:s25], $0x1900  }
0xee: {  	[sflag:s25] =	ssyncset.done $0x0  }
0xef: {  	s21 =	simm.s32 $0x1C80;
	[sflag:s25] =	ssyncadd.s32 $0xFFFFE700  }
0xf0: {  	[spmem:s2] =	stream.indirect.scatter.add.f32 [tilespmem:s29], [sflag:$0xD], $0x80, s21, s9, $0xb8;
	[tilespmem:$0x1F000] =	vst v63  }
0xf1: {  	_ =	swait.ge [sflag:s26], $0x1900  }
0xf2: {  	[sflag:s26] =	ssyncset.done $0x0  }
0xf3: {  	s21 =	simm.s32 $0x1D00;
	[sflag:s26] =	ssyncadd.s32 $0xFFFFE700  }
0xf4: {  	[spmem:s2] =	stream.indirect.scatter.add.f32 [tilespmem:s10], [sflag:$0xE], $0x80, s21, s9, $0xb8;
	[tilespmem:$0x1F000] =	vst v63  }
0xf5: {  	_ =	swait.ge [sflag:s30], $0x1900  }
0xf6: {  	[sflag:s30] =	ssyncset.done $0x0  }
0xf7: {  	s21 =	simm.s32 $0x1D80;
	[sflag:s30] =	ssyncadd.s32 $0xFFFFE700  }
0xf8: {  	[spmem:s2] =	stream.indirect.scatter.add.f32 [tilespmem:s0], [sflag:$0xF], $0x80, s21, s9, $0xb8;
	[tilespmem:$0x1F000] =	vst v63  }
0xf9: {  	_ =	swait.ge [sflag:s28], $0x1900  }
0xfa: {  	[sflag:s28] =	ssyncset.done $0x0  }
0xfb: {  	s21 =	simm.s32 $0x1E00;
	s5 =	rddreg [dreg:$0x10];
	[sflag:s28] =	ssyncadd.s32 $0xFFFFE700  }
0xfc: {  	[spmem:s2] =	stream.indirect.scatter.add.f32 [tilespmem:s11], [sflag:$0x10], $0x80, s21, s9, $0xb8;
	[tilespmem:$0x1F000] =	vst v63  }
0xfd: {  	s5 =	sadd.s32 @!p0 s19, s5;
	s21 =	simm.s32 @!p0 $0x400  }
0xfe: {  	[tilespmem:s21], [sflag:$0x3] =	stream.linear.gather @!p0 [hbm4b:s5+s20], $0x280, $0x38;
	[tilespmem:$0x1F000] =	vst v63  }
0xff: {  	s5 =	rddreg [dreg:$0xf]  }
0x100: {  	s21 =	simm.s32 @!p0 $0x1800;
	s5 =	sadd.s32 @!p0 s19, s5  }
0x101: {  	[tilespmem:s21], [sflag:$0x3] =	stream.linear.gather @!p0 [hbm4b:s5+s20], $0x280, $0x38;
	[tilespmem:$0x1F000] =	vst v63  }
0x102: {  	_ =	swait.ge [sflag:s17], $0x280  }
0x103: {  	[sflag:s17] =	ssyncset.done $0x0  }
0x104: {  	[sflag:s17] =	ssyncadd.s32 $0xFFFFFD80  }
0x105: {  	_ =	swait.ge [sflag:s17], $0x280  }
0x106: {  	[sflag:s17] =	ssyncset.done $0x0  }
0x107: {  	[sflag:s17] =	ssyncadd.s32 $0xFFFFFD80  }
0x108: {  	_ =	swait.ge [sflag:s1], $0x1900  }
0x109: {  	[sflag:s1] =	ssyncset.done $0x0  }
0x10a: {  	s21 =	simm.s32 $0xC00;
	[sflag:s1] =	ssyncadd.s32 $0xFFFFE700  }
0x10b: {  	[tilespmem:s24], [sflag:$0x7] =	stream.indirect.gather [hbm4b:s22+s9], $0x80, s21, s9, $0xb8;
	[tilespmem:$0x1F000] =	vst v63  }
0x10c: {  	_ =	swait.ge [sflag:s12], $0x1900  }
0x10d: {  	[sflag:s12] =	ssyncset.done $0x0  }
0x10e: {  	s21 =	simm.s32 $0xC80;
	[sflag:s12] =	ssyncadd.s32 $0xFFFFE700  }
0x10f: {  	[tilespmem:s29], [sflag:$0x8] =	stream.indirect.gather [hbm4b:s22+s9], $0x80, s21, s9, $0xb8;
	[tilespmem:$0x1F000] =	vst v63  }
0x110: {  	_ =	swait.ge [sflag:s13], $0x1900  }
0x111: {  	[sflag:s13] =	ssyncset.done $0x0  }
0x112: {  	s21 =	simm.s32 $0xD00;
	[sflag:s13] =	ssyncadd.s32 $0xFFFFE700  }
0x113: {  	[tilespmem:s10], [sflag:$0x9] =	stream.indirect.gather [hbm4b:s22+s9], $0x80, s21, s9, $0xb8;
	[tilespmem:$0x1F000] =	vst v63  }
0x114: {  	_ =	swait.ge [sflag:s14], $0x1900  }
0x115: {  	[sflag:s14] =	ssyncset.done $0x0  }
0x116: {  	s21 =	simm.s32 $0xD80;
	[sflag:s14] =	ssyncadd.s32 $0xFFFFE700  }
0x117: {  	[tilespmem:s0], [sflag:$0xA] =	stream.indirect.gather [hbm4b:s22+s9], $0x80, s21, s9, $0xb8;
	[tilespmem:$0x1F000] =	vst v63  }
0x118: {  	_ =	swait.ge [sflag:s15], $0x1900  }
0x119: {  	[sflag:s15] =	ssyncset.done $0x0  }
0x11a: {  	s21 =	simm.s32 $0xE00;
	[sflag:s15] =	ssyncadd.s32 $0xFFFFE700  }
0x11b: {  	[tilespmem:s11], [sflag:$0xB] =	stream.indirect.gather [hbm4b:s22+s9], $0x80, s21, s9, $0xb8;
	[tilespmem:$0x1F000] =	vst v63  }
0x11c: {  	_ =	swait.ge [sflag:s23], $0x1900  }
0x11d: {  	[sflag:s23] =	ssyncset.done $0x0  }
0x11e: {  	[sflag:s23] =	ssyncadd.s32 $0xFFFFE700  }
0x11f: {  	[spmem:s2] =	stream.indirect.scatter.add.f32 [tilespmem:s24], [sflag:$0xC], $0x80, s4, s9, $0xb8;
	[tilespmem:$0x1F000] =	vst v63  }
0x120: {  	_ =	swait.ge [sflag:s25], $0x1900  }
0x121: {  	[sflag:s25] =	ssyncset.done $0x0  }
0x122: {  	s21 =	simm.s32 $0x2080;
	[sflag:s25] =	ssyncadd.s32 $0xFFFFE700  }
0x123: {  	[spmem:s2] =	stream.indirect.scatter.add.f32 [tilespmem:s29], [sflag:$0xD], $0x80, s21, s9, $0xb8;
	[tilespmem:$0x1F000] =	vst v63  }
0x124: {  	_ =	swait.ge [sflag:s26], $0x1900  }
0x125: {  	[sflag:s26] =	ssyncset.done $0x0  }
0x126: {  	s21 =	simm.s32 $0x2100;
	[sflag:s26] =	ssyncadd.s32 $0xFFFFE700  }
0x127: {  	[spmem:s2] =	stream.indirect.scatter.add.f32 [tilespmem:s10], [sflag:$0xE], $0x80, s21, s9, $0xb8;
	[tilespmem:$0x1F000] =	vst v63  }
0x128: {  	_ =	swait.ge [sflag:s30], $0x1900  }
0x129: {  	[sflag:s30] =	ssyncset.done $0x0  }
0x12a: {  	s21 =	simm.s32 $0x2180;
	[sflag:s30] =	ssyncadd.s32 $0xFFFFE700  }
0x12b: {  	[spmem:s2] =	stream.indirect.scatter.add.f32 [tilespmem:s0], [sflag:$0xF], $0x80, s21, s9, $0xb8;
	[tilespmem:$0x1F000] =	vst v63  }
0x12c: {  	_ =	swait.ge [sflag:s28], $0x1900  }
0x12d: {  	[sflag:s28] =	ssyncset.done $0x0  }
0x12e: {  	s21 =	simm.s32 $0x2200;
	s5 =	rddreg [dreg:$0xe];
	[sflag:s28] =	ssyncadd.s32 $0xFFFFE700  }
0x12f: {  	[spmem:s2] =	stream.indirect.scatter.add.f32 [tilespmem:s11], [sflag:$0x10], $0x80, s21, s9, $0xb8;
	[tilespmem:$0x1F000] =	vst v63  }
0x130: {  	s5 =	sadd.s32 @!p0 s19, s5;
	s21 =	simm.s32 @!p0 $0x800  }
0x131: {  	[tilespmem:s21], [sflag:$0x4] =	stream.linear.gather @!p0 [hbm4b:s5+s20], $0x280, $0x38;
	[tilespmem:$0x1F000] =	vst v63  }
0x132: {  	s5 =	rddreg [dreg:$0xd]  }
0x133: {  	s21 =	simm.s32 @!p0 $0x1C00;
	s5 =	sadd.s32 @!p0 s19, s5  }
0x134: {  	[tilespmem:s21], [sflag:$0x4] =	stream.linear.gather @!p0 [hbm4b:s5+s20], $0x280, $0x38;
	[tilespmem:$0x1F000] =	vst v63  }
0x135: {  	_ =	swait.ge [sflag:s18], $0x280  }
0x136: {  	[sflag:s18] =	ssyncset.done $0x0  }
0x137: {  	[sflag:s18] =	ssyncadd.s32 $0xFFFFFD80  }
0x138: {  	_ =	swait.ge [sflag:s18], $0x280  }
0x139: {  	[sflag:s18] =	ssyncset.done $0x0  }
0x13a: {  	[sflag:s18] =	ssyncadd.s32 $0xFFFFFD80  }
0x13b: {  	_ =	swait.ge [sflag:s1], $0x1900  }
0x13c: {  	[sflag:s1] =	ssyncset.done $0x0  }
0x13d: {  	[sflag:s1] =	ssyncadd.s32 $0xFFFFE700  }
0x13e: {  	[tilespmem:s24], [sflag:$0x7] =	stream.indirect.gather [hbm4b:s22+s9], $0x80, s7, s9, $0xb8;
	[tilespmem:$0x1F000] =	vst v63  }
0x13f: {  	_ =	swait.ge [sflag:s12], $0x1900  }
0x140: {  	[sflag:s12] =	ssyncset.done $0x0  }
0x141: {  	s21 =	simm.s32 $0x1080;
	[sflag:s12] =	ssyncadd.s32 $0xFFFFE700  }
0x142: {  	[tilespmem:s29], [sflag:$0x8] =	stream.indirect.gather [hbm4b:s22+s9], $0x80, s21, s9, $0xb8;
	[tilespmem:$0x1F000] =	vst v63  }
0x143: {  	_ =	swait.ge [sflag:s13], $0x1900  }
0x144: {  	[sflag:s13] =	ssyncset.done $0x0  }
0x145: {  	s7 =	simm.s32 $0x1100;
	[sflag:s13] =	ssyncadd.s32 $0xFFFFE700  }
0x146: {  	[tilespmem:s10], [sflag:$0x9] =	stream.indirect.gather [hbm4b:s22+s9], $0x80, s7, s9, $0xb8;
	[tilespmem:$0x1F000] =	vst v63  }
0x147: {  	_ =	swait.ge [sflag:s14], $0x1900  }
0x148: {  	[sflag:s14] =	ssyncset.done $0x0  }
0x149: {  	s20 =	simm.s32 $0x1180;
	[sflag:s14] =	ssyncadd.s32 $0xFFFFE700  }
0x14a: {  	[tilespmem:s0], [sflag:$0xA] =	stream.indirect.gather [hbm4b:s22+s9], $0x80, s20, s9, $0xb8;
	[tilespmem:$0x1F000] =	vst v63  }
0x14b: {  	_ =	swait.ge [sflag:s15], $0x1900  }
0x14c: {  	[sflag:s15] =	ssyncset.done $0x0  }
0x14d: {  	s21 =	simm.s32 $0x1200;
	[sflag:s15] =	ssyncadd.s32 $0xFFFFE700  }
0x14e: {  	[tilespmem:s11], [sflag:$0xB] =	stream.indirect.gather [hbm4b:s22+s9], $0x80, s21, s9, $0xb8;
	[tilespmem:$0x1F000] =	vst v63  }
0x14f: {  	_ =	swait.ge [sflag:s23], $0x1900  }
0x150: {  	[sflag:s23] =	ssyncset.done $0x0  }
0x151: {  	[sflag:s23] =	ssyncadd.s32 $0xFFFFE700  }
0x152: {  	[spmem:s2] =	stream.indirect.scatter.add.f32 [tilespmem:s24], [sflag:$0xC], $0x80, s6, s9, $0xb8;
	[tilespmem:$0x1F000] =	vst v63  }
0x153: {  	_ =	swait.ge [sflag:s25], $0x1900  }
0x154: {  	[sflag:s25] =	ssyncset.done $0x0  }
0x155: {  	s6 =	simm.s32 $0x2480;
	[sflag:s25] =	ssyncadd.s32 $0xFFFFE700  }
0x156: {  	[spmem:s2] =	stream.indirect.scatter.add.f32 [tilespmem:s29], [sflag:$0xD], $0x80, s6, s9, $0xb8;
	[tilespmem:$0x1F000] =	vst v63  }
0x157: {  	_ =	swait.ge [sflag:s26], $0x1900  }
0x158: {  	[sflag:s26] =	ssyncset.done $0x0  }
0x159: {  	s7 =	simm.s32 $0x2500;
	[sflag:s26] =	ssyncadd.s32 $0xFFFFE700  }
0x15a: {  	[spmem:s2] =	stream.indirect.scatter.add.f32 [tilespmem:s10], [sflag:$0xE], $0x80, s7, s9, $0xb8;
	[tilespmem:$0x1F000] =	vst v63  }
0x15b: {  	_ =	swait.ge [sflag:s30], $0x1900  }
0x15c: {  	[sflag:s30] =	ssyncset.done $0x0  }
0x15d: {  	s20 =	simm.s32 $0x2580;
	[sflag:s30] =	ssyncadd.s32 $0xFFFFE700  }
0x15e: {  	[spmem:s2] =	stream.indirect.scatter.add.f32 [tilespmem:s0], [sflag:$0xF], $0x80, s20, s9, $0xb8;
	[tilespmem:$0x1F000] =	vst v63  }
.Ltmp2:
0x15f: {  	_ = 	snop;
	(pc) =	sbr.rel @p0 .LBB2_4-.Ltmp2, $4  }
0x160: {  	_ =	swait.ge [sflag:s28], $0x1900  }
0x161: {  	[sflag:s28] =	ssyncset.done $0x0  }
0x162: {  	s21 =	simm.s32 $0x2600;
	[sflag:s28] =	ssyncadd.s32 $0xFFFFE700  }
0x163: {  	[spmem:s2] =	stream.indirect.scatter.add.f32 [tilespmem:s11], [sflag:$0x10], $0x80, s21, s9, $0xb8;
	[tilespmem:$0x1F000] =	vst v63  }
.Ltmp3:
0x164: {  	s5 =	rddreg [dreg:$0xc];
	(pc) =	sbr.rel .LBB2_2-.Ltmp3, $4  }
0x165: {  	s6 =	simm.s32 $0xC00;
	s21 =	rddreg [dreg:$0xb];
	s5 =	sadd.s32 s19, s5  }
0x166: {  	[tilespmem:s6], [sflag:$0x5] =	stream.linear.gather [hbm4b:s5+s3], $0x280, $0x38;
	[tilespmem:$0x1F000] =	vst v63  }
0x167: {  	s5 =	sadd.s32 s19, s21;
	s19 =	sadd.s32 $0x280, s19  }
0x168: {  	[tilespmem:s4], [sflag:$0x5] =	stream.linear.gather [hbm4b:s5+s3], $0x280, $0x38;
	[tilespmem:$0x1F000] =	vst v63  }
.LBB2_5:
0x169: {  	_ =	sfence.sel $0x180000  }
0x16a: {  	[bflag:$0x0] =	sbarrier.arrive $0xFFFF  }
0x16b: {  	_ =	strace $0x9000004A  }
0x16c: {  	s0 =	stileid.u32;
	[bflag:$0x2] =	sbarrier.arrive $0xFFFF  }
0x16d: {  	p0 =	sne.s32 s0, $0x0;
	s0 =	rddreg [dreg:$0x2]  }
0x16e: {  	s0 =	sadd.s32 @!p0 $0x100000, s0  }
0x16f: {  	[sflag:s0] =	ssyncadd.tile.s32 @!p0 $0x1;
	_ =	shalt  }
.Lfunc_end2:
_tile_overlayer_lowered:
.L_overlay_start_2:
0x170: {  	(tag) =	ssettag $0x2  }
0x171: {  	s0 =	rddreg [dreg:$0x0];
	s2 =	stileid.u32  }
0x172: {  	s1 =	rddreg [dreg:$0x1];
	p0 =	sne.s32 s2, $0x0  }
0x173: {  	s3 =	rddreg [dreg:$0x2];
	[bflag:$0x3] =	sbarrier.arrive $0xFFFF;
	s2 =	simm.s32 @!p0 $0x1C11  }
0x174: {  	[timem:s3], [sflag:s2] =	dma.local @!p0 [hbm:s0], s1  }
0x175: {  	s0 =	simm.s32 @!p0 $0x11  }
0x176: {  	_ =	swait.ge @!p0 [sflag:s0], s1  }
0x177: {  	s1 =	ssub.s32 @!p0 $0x0, s1;
	[sflag:s0] =	ssyncset.done @!p0 $0x0  }
0x178: {  	[sflag:s0] =	ssyncadd.s32 @!p0 s1  }
0x179: {  	[bflag:$0x3] =	sbarrier.arrive $0xFFFF  }
0x17a: {  	_ =	shalt  }

// kernel: kernel.4.cloned.1.call-start
scs
__scs_entry_jumppad:
0x0: {  	(pc) =	sbr.rel $0x88, $3  }
0x1: {  	(tag) =	ssettag $0x0;
	lr =	simm.s32 $0x1  }
0x2: {  	[smem:$0x3F9B] =	sst lr;
	_ =	strace $0xD0000000  }
0x3: {  	_ = 	snop  }
0x4: {  	_ = 	snop  }
0x5: {  	_ = 	snop  }
0x6: {  	_ = 	snop  }
0x7: {  	_ = 	snop  }
__scs_overlays_trampoline_lowered:
0x8: {  	[smem:$0x3FAA] =	sst s0  }
0x9: {  	[smem:$0x3FAB] =	sst s1  }
0xa: {  	[smem:$0x3FAC] =	sst s2  }
0xb: {  	[smem:$0x3FAD] =	sst s3  }
0xc: {  	[smem:$0x3FAE] =	sst s4  }
0xd: {  	[smem:$0x3FAF] =	sst s5  }
0xe: {  	[smem:$0x3FB0] =	sst s6  }
0xf: {  	[smem:$0x3FB1] =	sst s7  }
0x10: {  	[smem:$0x3FB2] =	sst s8  }
0x11: {  	[smem:$0x3FB3] =	sst s9;
	s0 =	simm.s32 @!p0 $0x0  }
0x12: {  	s1 =	sld [smem:$0x3F99];
	s0 =	simm.s32 @p0 $0x1  }
0x13: {  	[smem:$0x3FB4] =	sst s0;
	s0 =	simm.s32 @!p1 $0x0  }
0x14: {  	s2 =	sld [smem:$0x3F98];
	s0 =	simm.s32 @p1 $0x1  }
0x15: {  	[smem:$0x3FB5] =	sst s0;
	s0 =	simm.s32 @!p2 $0x0  }
0x16: {  	s3 =	sld [smem:$0x3FDB];
	s0 =	simm.s32 @p2 $0x1  }
0x17: {  	s4 =	simm.s32 $0x1BF5;
	[smem:$0x3FB7] =	sst s0  }
0x18: {  	s0 =	sld [smem:$0x3F9A];
	_ =	swait.ge [sflag:s4], $0x0  }
0x19: {  	s7 =	sld [smem:$0x3F9B]  }
0x1a: {  	s8 =	sadd.s32 $0xFFFFE003, lr  }
0x1b: {  	s9 =	sadd.s32 $0xFFFFFEF7, lr;
	s5 =	simm.s32 $0xFFFFFFFF;
	p2 =	slt.u32 s8, $0xFFFFF086  }
0x1c: {  	p1 =	slt.u32 s9, $0xF7A;
	s5 =	simm.s32 @!p2 $0x0  }
0x1d: {  	s5 =	simm.s32 @p1 $0x1;
	p0 =	seq.s32 s7, s2  }
0x1e: {  	s7 =	smul.u32 @!p0 $0xF7A, s2;
	p2 =	seq.s32 @!p0 s5, $0x0  }
0x1f: {  	s9 =	smul.u32 $0xF7A, s1;
	s8 =	simm.s32 @!p0 $0x1BF5;
	p2 =	por !p2, p0  }
0x20: {  	[sflag:s8] =	ssyncset.s32 @!p0 $0xFFFFF086;
	s6 =	sadd.s32 @!p0 s3, s7;
	s7 =	simm.s32 @!p0 $0x108  }
0x21: {  	s3 =	sadd.s32 s3, s9;
	s6 =	sadd.s32 @!p0 $0x88, s6;
	s7 =	simm.s32 @p2 $0x1082  }
0x22: {  	[simem:s7], [sflag:s8] =	dma.local @!p0 [hbm:s6], $0xF7A  }
0x23: {  	s9 =	sor.u32 $0xD0000000, s2;
	s6 =	simm.s32 $0x108;
	_ =	swait.ge @!p0 [sflag:s8], $0x0  }
0x24: {  	s3 =	sadd.s32 $0x88, s3;
	s6 =	simm.s32 @!p1 $0x1082;
	[sflag:s4] =	ssyncset.s32 $0xFFFFF086  }
0x25: {  	[simem:s6], [sflag:s4] =	dma.local [hbm:s3], $0xF7A  }
0x26: {  	[smem:$0x3F9B] =	sst s1;
	(tag) =	ssettag s2;
	_ =	strace s9  }
0x27: {  	s1 =	sld [smem:$0x3FAB]  }
0x28: {  	s2 =	sld [smem:$0x3FAC]  }
0x29: {  	s4 =	sld [smem:$0x3FAE]  }
0x2a: {  	p0 =	seq.s32 s5, $0x0;
	s5 =	sld [smem:$0x3FAF]  }
0x2b: {  	s6 =	sld [smem:$0x3FB0]  }
0x2c: {  	s7 =	sld [smem:$0x3FB1]  }
0x2d: {  	s3 =	simm.s32 $0x108;
	s8 =	sld [smem:$0x3FB2]  }
0x2e: {  	s3 =	simm.s32 @!p0 $0x1082;
	s9 =	sld [smem:$0x3FB3]  }
0x2f: {  	lr =	sadd.s32 s0, s3;
	s0 =	sld [smem:$0x3FAA]  }
0x30: {  	s3 =	sld [smem:$0x3FAD]  }
0x31: {  	[smem:$0x3FB6] =	sst s10  }
0x32: {  	s10 =	sld [smem:$0x3FB4];
	_ =	sdelay $0x3  }
0x33: {  	p0 =	seq.s32 s10, $0x1;
	s10 =	sld [smem:$0x3FB6];
	_ =	sdelay $0x3  }
0x34: {  	[smem:$0x3FB6] =	sst s10  }
0x35: {  	s10 =	sld [smem:$0x3FB5];
	_ =	sdelay $0x3  }
0x36: {  	p1 =	seq.s32 s10, $0x1;
	s10 =	sld [smem:$0x3FB6];
	_ =	sdelay $0x3  }
0x37: {  	[smem:$0x3FB6] =	sst s10  }
0x38: {  	s10 =	sld [smem:$0x3FB7]  }
0x39: {  	_ = 	snop;
	(pc) =	sbr.ind lr, $3  }
0x3a: {  	_ = 	snop  }
0x3b: {  	_ = 	snop  }
0x3c: {  	p2 =	seq.s32 s10, $0x1;
	s10 =	sld [smem:$0x3FB6]  }
0x3d: {  	_ =	shalt  }
0x3e: {  	_ =	shalt  }
0x3f: {  	_ =	shalt  }
0x40: {  	_ =	shalt  }
0x41: {  	_ =	shalt  }
0x42: {  	_ =	shalt  }
0x43: {  	_ =	shalt  }
0x44: {  	_ =	shalt  }
0x45: {  	_ =	shalt  }
0x46: {  	_ =	shalt  }
0x47: {  	_ =	shalt  }
0x48: {  	_ =	shalt  }
0x49: {  	_ =	shalt  }
0x4a: {  	_ =	shalt  }
0x4b: {  	_ =	shalt  }
0x4c: {  	_ =	shalt  }
0x4d: {  	_ =	shalt  }
0x4e: {  	_ =	shalt  }
0x4f: {  	_ =	shalt  }
0x50: {  	_ =	shalt  }
0x51: {  	_ =	shalt  }
0x52: {  	_ =	shalt  }
0x53: {  	_ =	shalt  }
0x54: {  	_ =	shalt  }
0x55: {  	_ =	shalt  }
0x56: {  	_ =	shalt  }
0x57: {  	_ =	shalt  }
0x58: {  	_ =	shalt  }
0x59: {  	_ =	shalt  }
0x5a: {  	_ =	shalt  }
0x5b: {  	_ =	shalt  }
0x5c: {  	_ =	shalt  }
0x5d: {  	_ =	shalt  }
0x5e: {  	_ =	shalt  }
0x5f: {  	_ =	shalt  }
0x60: {  	_ =	shalt  }
0x61: {  	_ =	shalt  }
0x62: {  	_ =	shalt  }
0x63: {  	_ =	shalt  }
0x64: {  	_ =	shalt  }
0x65: {  	_ =	shalt  }
0x66: {  	_ =	shalt  }
0x67: {  	_ =	shalt  }
0x68: {  	_ =	shalt  }
0x69: {  	_ =	shalt  }
0x6a: {  	_ =	shalt  }
0x6b: {  	_ =	shalt  }
0x6c: {  	_ =	shalt  }
0x6d: {  	_ =	shalt  }
0x6e: {  	_ =	shalt  }
0x6f: {  	_ =	shalt  }
0x70: {  	_ =	shalt  }
0x71: {  	_ =	shalt  }
0x72: {  	_ =	shalt  }
0x73: {  	_ =	shalt  }
0x74: {  	_ =	shalt  }
0x75: {  	_ =	shalt  }
0x76: {  	_ =	shalt  }
0x77: {  	_ =	shalt  }
0x78: {  	_ =	shalt  }
0x79: {  	_ =	shalt  }
0x7a: {  	_ =	shalt  }
0x7b: {  	_ =	shalt  }
0x7c: {  	_ =	shalt  }
0x7d: {  	_ =	shalt  }
0x7e: {  	_ =	shalt  }
0x7f: {  	_ =	shalt  }
0x80: {  	_ =	shalt  }
0x81: {  	_ =	shalt  }
0x82: {  	_ =	shalt  }
0x83: {  	_ =	shalt  }
0x84: {  	_ =	shalt  }
0x85: {  	_ =	shalt  }
0x86: {  	_ =	shalt  }
0x87: {  	_ =	shalt  }
.Lfunc_end0:
.L_simem_size_0:
called_computation.1_lowered:
.L_overlay_start_0:
0x88: {  	s2 =	sld [smem:$0x3FD9]  }
0x89: {  	s3 =	sld [smem:$0x3FFE];
	_ =	sdelay $0x1  }
0x8a: {  	s1 =	srdreg.scid  }
0x8b: {  	s0 =	sand.u32 $0x1, s1  }
0x8c: {  	s17 =	sshll.u32 s0, $0xA;
	s2 =	sadd.s32 s3, s2  }
0x8d: {  	s2 =	sadd.s32 s2, s17  }
0x8e: {  	[smem:$0x3FC2] =	sst s2  }
0x8f: {  	_ = 	snop  }
0x90: {  	s2 =	sld [smem:$0x3FD0];
	(tm) =	ssettm $0x1  }
0x91: {  	s18 =	sld [smem:$0x3FFB];
	_ =	sdelay $0x3  }
0x92: {  	_ =	strace s18  }
0x93: {  	s3 =	sld [smem:$0x3FFC];
	_ =	sdelay $0x3  }
0x94: {  	_ =	strace s3  }
0x95: {  	s3 =	sld [smem:$0x3FFD];
	_ =	sdelay $0x3  }
0x96: {  	_ =	strace s3  }
0x97: {  	_ =	strace $0x8FFFFFFF  }
0x98: {  	s19 =	sld [smem:$0x3FDB];
	_ =	sdelay $0x1  }
0x99: {  	s4 =	simm.s32 $_scs_section_size  }
0x9a: {  	s5 =	simm.s32 $_size__tile_overlayer_lowered;
	s6 =	simm.s32 $_tile_overlayer_lowered  }
0x9b: {  	s22 =	simm.s32 $0x1BFF;
	s21 =	sshll.u32 s6, $0x1;
	s3 =	sadd.s32 s4, s19  }
0x9c: {  	s7 =	simm.s32 $0x0;
	s20 =	sshll.u32 s5, $0x1;
	s5 =	sadd.s32 s21, s3  }
0x9d: {  	[timem:s7], [sflag:s22] =	dma.local [hbm:s5], s20  }
0x9e: {  	_ =	swait.ge [sflag:s22], s20  }
0x9f: {  	s4 =	ssub.s32 $0x0, s20;
	[sflag:s22] =	ssyncset.done $0x0  }
0xa0: {  	[sflag:s22] =	ssyncadd.s32 s4;
	_ =	sdelay $0x1  }
0xa1: {  	s23 =	simm.s32 $0x1B8B  }
0xa2: {  	_ =	swait.ge [sflag:s23], $0x1  }
0xa3: {  	[sflag:s23] =	ssyncset.done $0x0  }
0xa4: {  	s25 =	simm.s32 $0x1B8E;
	s24 =	sld [smem:$0x3FFE];
	[sflag:s23] =	ssyncadd.s32 $0xFFFFFFFF  }
0xa5: {  	s26 =	simm.s32 $execute0_lowered;
	[smem:$0x3FD2] =	sst s25  }
0xa6: {  	s5 =	sshll.u32 s26, $0x1;
	_ =	strace $0x80000046;
	[dreg:$0x1] =	wrdreg $0xFFFFFFFF  }
0xa7: {  	s28 =	simm.s32 $_size_execute0_lowered;
	s3 =	sadd.s32 s3, s5;
	[dreg:$0x0] =	wrdreg $0x0  }
0xa8: {  	s5 =	sshll.u32 s28, $0x1;
	[dreg:$0x2] =	wrdreg s3  }
0xa9: {  	[dreg:$0x3] =	wrdreg s5  }
0xaa: {  	[dreg:$0x4] =	wrdreg $0xC0  }
0xab: {  	_ =	task [dreg:s7], $0x5FFFF  }
0xac: {  	[dreg:$0x1] =	wrdreg $0xFFFFFFFF  }
0xad: {  	[dreg:$0x0] =	wrdreg $0x60  }
0xae: {  	[dreg:$0x2] =	wrdreg s24  }
0xaf: {  	[dreg:$0x3] =	wrdreg s2  }
0xb0: {  	[dreg:$0x4] =	wrdreg $0x14800  }
0xb1: {  	[dreg:$0x5] =	wrdreg $0x9  }
0xb2: {  	_ =	task.clear_ibuf [dreg:s7], $0x6FFFF;
	_ =	strace $0x90000046  }
0xb3: {  	s29 =	simm.s32 $0x9;
	_ =	strace $0x80000048  }
0xb4: {  	_ =	swait.ge [sflag:s29], $0x1  }
0xb5: {  	[sflag:s29] =	ssyncadd.s32 $0xFFFFFFFF  }
0xb6: {  	_ =	strace $0x90000048  }
0xb7: {  	_ =	sfence  }
0xb8: {  	s30 =	sld [smem:$0x0];
	_ =	sdelay $0x2  }
0xb9: {  	s31 =	sshll.u32 s1, $0xD;
	s1 =	sshrl.u32 s1, $0x2  }
0xba: {  	s3 =	sand.u32 $0x4000, s31;
	s1 =	sadd.s32 s1, s30  }
0xbb: {  	s0 =	sor.u32 s3, s0;
	s1 =	sshll.u32 s1, $0x11  }
0xbc: {  	s0 =	sor.u32 s1, s0  }
0xbd: {  	s0 =	sadd.s32 $0x8F2B, s0  }
0xbe: {  	[sflag:s0] =	ssyncadd.remote.s32 $0x1  }
0xbf: {  	_ =	sfence.sel $0xFFFF  }
0xc0: {  	[dreg:$0x0] =	wrdreg $0xFFFFFFFF;
	(pc) =	sbr.abs _section_cstart, $3  }
0xc1: {  	[dreg:$0x1] =	wrdreg $0xFFFFFFFF  }
0xc2: {  	_ =	task.clear_ibuf [dreg:s7], $0x2FFFF;
	_ =	strace $0x9FFFFFFF  }
0xc3: {  	(tm) =	ssettm $0x7FFFFFFF  }
tec
execute0_lowered:
.L_overlay_start_1:
0x0: {  	(tag) =	ssettag $0x1  }
0x1: {  	s0 =	rddreg [dreg:$0x0]  }
0x2: {  	s2 =	rddreg [dreg:$0x2];
	s1 =	srdreg.scid  }
0x3: {  	s3 =	simm.s32 $0x0;
	s8 =	stileid.u32;
	s28 =	simm.s32 $0x1000  }
0x4: {  	s29 =	simm.s32 $0x2;
	s30 =	simm.s32 $0x6;
	s31 =	simm.s32 $0x7  }
0x5: {  	s10 =	simm.s32 $0x3;
	s11 =	simm.s32 $0x1180;
	s12 =	simm.s32 $0x1200  }
0x6: {  	s1 =	sand.u32 $0x1, s1;
	[smem:$0x7FF] =	sst s3;
	s5 =	sadd.s32 $0x2800, s0  }
0x7: {  	s7 =	sadd.s32 $0x2A800, s0;
	s16 =	sadd.s32 $0x2AA00, s0;
	s0 =	sadd.s32 $0x2B000, s0  }
0x8: {  	p0 =	seq.s32 s8, $0x0;
	_ =	strace $0x80000047;
	[dreg:$0x4] =	wrdreg s7  }
0x9: {  	s22 =	smul.u32 $0xA000, s8;
	s4 =	sshll.u32 s1, $0x4;
	[dreg:$0x5] =	wrdreg s16  }
0xa: {  	s6 =	ssub.s32 $0x2, s1;
	[dreg:$0x6] =	wrdreg s0;
	s20 =	smul.u32 $0xA0000, s1  }
0xb: {  	p1 =	seq.s32 s1, $0x1;
	s1 =	sor.u32 s1, s8;
	s4 =	sor.u32 s8, s4  }
0xc: {  	s17 =	sshrl.u32 s6, $0x1;
	p0 =	por !p0, !p1;
	s4 =	smul.u32 $0xA000, s4  }
0xd: {  	p1 =	sne.s32 s8, $0x0;
	p2 =	sne.s32 s1, $0x0;
	s18 =	ssub.s32 s6, s17  }
0xe: {  	s1 =	simm.s32 $0x8;
	s0 =	smax.u32 s18, $0x1;
	s4 =	sshrl.u32 s4, $0x3  }
0xf: {  	p0 =	por !p0, !p0;
	[dreg:$0xb] =	wrdreg s0;
	s19 =	sadd.s32 s5, s4  }
0x10: {  	s4 =	sadd.s32 s22, s20;
	s20 =	simm.s32 $0x4;
	s22 =	simm.s32 $0xD80  }
0x11: {  	s21 =	sadd.s32 $0x80, s19;
	s9 =	sadd.s32 $0x100, s19;
	[dreg:$0x7] =	wrdreg s19  }
0x12: {  	s7 =	sadd.s32 $0x180, s19;
	s23 =	sadd.s32 $0x2000, s4;
	s6 =	sor.u32 $0x1C00, s4  }
0x13: {  	s24 =	sor.u32 $0x1800, s4;
	s26 =	sor.u32 $0x1400, s4;
	[dreg:$0x8] =	wrdreg s21  }
0x14: {  	s4 =	sor.u32 $0x1000, s4;
	s19 =	simm.s32 $0x1400;
	[dreg:$0x9] =	wrdreg s9  }
0x15: {  	[dreg:$0xa] =	wrdreg s7;
	s0 =	sshrl.u32 s23, $0x3;
	s6 =	sshrl.u32 s6, $0x3  }
0x16: {  	s25 =	sshrl.u32 s24, $0x3;
	s4 =	sshrl.u32 s4, $0x3;
	s23 =	simm.s32 $0xC00  }
0x17: {  	s24 =	simm.s32 $0x1;
	s7 =	simm.s32 $0xA;
	s9 =	simm.s32 $0x1100  }
.Ltmp0:
0x18: {  	s21 =	simm.s32 $0x0;
	s13 =	sadd.s32 s0, s5;
	(pc) =	sbr.rel .LBB2_1-.Ltmp0, $4  }
0x19: {  	s14 =	sadd.s32 s6, s5;
	s15 =	sadd.s32 s25, s5;
	s0 =	sshrl.u32 s26, $0x3  }
0x1a: {  	s17 =	sadd.s32 s4, s5;
	s25 =	simm.s32 $0x32;
	s4 =	simm.s32 $0x5  }
0x1b: {  	s6 =	simm.s32 $0x1080;
	s16 =	sadd.s32 s0, s5;
	s0 =	sshrl.u32 @!p1 s2, $0x3  }
0x1c: {  	s5 =	simm.s32 $0x9;
	[dreg:$0xc] =	wrdreg s0;
	s0 =	simm.s32 $0xE00  }
.LBB2_4:
0x1d: {  	_ =	swait.ge [sflag:s30], $0x32  }
0x1e: {  	[sflag:s30] =	ssyncset.done $0x0  }
0x1f: {  	[sflag:s30] =	ssyncadd.s32 $0xFFFFFFCE  }
0x20: {  	_ =	swait.ge [sflag:s31], $0x32  }
0x21: {  	[sflag:s31] =	ssyncset.done $0x0  }
0x22: {  	[sflag:s31] =	ssyncadd.s32 $0xFFFFFFCE  }
0x23: {  	_ =	swait.ge [sflag:s1], $0x32  }
0x24: {  	[sflag:s1] =	ssyncset.done $0x0  }
0x25: {  	[sflag:s1] =	ssyncadd.s32 $0xFFFFFFCE  }
0x26: {  	_ =	swait.ge [sflag:s5], $0x32  }
0x27: {  	[sflag:s5] =	ssyncset.done $0x0  }
0x28: {  	[sflag:s5] =	ssyncadd.s32 $0xFFFFFFCE  }
0x29: {  	_ =	swait.ge [sflag:s7], $0x32  }
0x2a: {  	[sflag:s7] =	ssyncset.done $0x0  }
0x2b: {  	s8 =	stileid.u32;
	[sflag:s7] =	ssyncadd.s32 $0xFFFFFFCE  }
0x2c: {  	s8 =	sshll.u32 @!p2 s8, $0x6;
	[bflag:$0x0] =	sbarrier.arrive $0xFFFF  }
0x2d: {  	s18 =	sshrl.u32 @!p2 s2, $0x3;
	s8 =	sor.u32 @!p2 $0x1C0B, s8;
	s21 =	rddreg [dreg:$0x5]  }
0x2e: {  	[hbm:s21], [sflag:s8] =	dma.local @!p2 [spmem:s18], $0x4F0  }
0x2f: {  	s8 =	simm.s32 @!p2 $0xB  }
0x30: {  	_ =	swait.ge @!p2 [sflag:s8], $0x4F0  }
0x31: {  	s18 =	simm.s32 @p0 $0x1C0B;
	[sflag:s8] =	ssyncset.done @!p2 $0x0  }
0x32: {  	s21 =	rddreg [dreg:$0x6];
	[sflag:s8] =	ssyncadd.s32 @!p2 $0xFFFFFB10;
	s8 =	sshrl.u32 @p0 s2, $0x3  }
0x33: {  	[hbm:s21], [sflag:s18] =	dma.local @p0 [spmem:s8], $0x4F0  }
0x34: {  	s8 =	simm.s32 @p0 $0xB  }
0x35: {  	_ =	swait.ge @p0 [sflag:s8], $0x4F0  }
0x36: {  	s18 =	rddreg [dreg:$0xd]  }
0x37: {  	s26 =	rddreg [dreg:$0xb];
	s21 =	sadd.s32 $0x1, s18  }
0x38: {  	p3 =	sne.s32 s21, s26  }
.Ltmp1:
0x39: {  	_ = 	snop;
	(pc) =	sbr.rel @!p3 .LBB2_5-.Ltmp1, $3  }
0x3a: {  	_ =	sdelay $0x1  }
0x3b: {  	[sflag:s8] =	ssyncset.done @p0 $0x0  }
0x3c: {  	[sflag:s8] =	ssyncadd.s32 @p0 $0xFFFFFB10  }
.LBB2_1:
0x3d: {  	[dreg:$0xd] =	wrdreg s21  }
0x3e: {  	s18 =	rddreg [dreg:$0x1]  }
0x3f: {  	s8 =	simm.s32 @!p1 $0x1C0B;
	s21 =	rddreg [dreg:$0xc]  }
0x40: {  	[spmem:s21], [sflag:s8] =	dma.local @!p1 [hbm:s18], $0x4F0  }
0x41: {  	s8 =	simm.s32 @!p1 $0xB  }
0x42: {  	_ =	swait.ge @!p1 [sflag:s8], $0x4F0  }
0x43: {  	[sflag:s8] =	ssyncset.done @!p1 $0x0  }
0x44: {  	s26 =	simm.s32 $0xB;
	s21 =	rddreg [dreg:$0x4];
	[sflag:s8] =	ssyncadd.s32 @!p1 $0xFFFFFB10  }
0x45: {  	[tilespmem:s19], [sflag:$0xB] =	stream.linear.gather [hbm4b:s21+s3], $0x80, $0x38;
	[tilespmem:$0x16F8] =	vst v63  }
0x46: {  	_ =	swait.ge [sflag:s26], $0x80  }
0x47: {  	[sflag:s26] =	ssyncset.done $0x0  }
0x48: {  	s18 =	rddreg [dreg:$0x7];
	[sflag:s26] =	ssyncadd.s32 $0xFFFFFF80  }
0x49: {  	[tilespmem:s3], [sflag:$0x1] =	stream.linear.gather [hbm4b:s18+s3], $0x280, $0x38;
	[tilespmem:$0x16F8] =	vst v63  }
0x4a: {  	s21 =	rddreg [dreg:$0x8];
	s26 =	simm.s32 $0x400  }
0x4b: {  	[tilespmem:s26], [sflag:$0x2] =	stream.linear.gather [hbm4b:s21+s3], $0x280, $0x38;
	[tilespmem:$0x16F8] =	vst v63  }
0x4c: {  	s18 =	rddreg [dreg:$0x9];
	s21 =	simm.s32 $0x800  }
0x4d: {  	[tilespmem:s21], [sflag:$0x3] =	stream.linear.gather [hbm4b:s18+s3], $0x280, $0x38;
	[tilespmem:$0x16F8] =	vst v63  }
0x4e: {  	s26 =	rddreg [dreg:$0xa]  }
0x4f: {  	[tilespmem:s23], [sflag:$0x4] =	stream.linear.gather [hbm4b:s26+s3], $0x280, $0x38;
	[tilespmem:$0x16F8] =	vst v63  }
0x50: {  	s8 =	simm.s32 $0x0;
	[bflag:$0x0] =	sbarrier.arrive $0xFFFF  }
.LBB2_2:
0x51: {  	_ =	swait.ge [sflag:s24], $0x280  }
0x52: {  	p3 =	sne.s32 s8, $0x0;
	[sflag:s24] =	ssyncset.done $0x0  }
0x53: {  	s18 =	simm.s32 @p3 $0x6;
	[sflag:s24] =	ssyncadd.s32 $0xFFFFFD80  }
0x54: {  	_ =	swait.ge @p3 [sflag:s18], $0x32  }
0x55: {  	s26 =	simm.s32 @p3 $0x0;
	[sflag:s18] =	ssyncset.done @p3 $0x0  }
0x56: {  	s21 =	simm.s32 @p3 $0x1400;
	[sflag:s18] =	ssyncadd.s32 @p3 $0xFFFFFFCE;
	s18 =	simm.s32 @p3 $0x32  }
0x57: {  	[spmem:s2] =	stream.indirect.scatter.add.f32 @p3 [tilespmem:s21], [sflag:$0x6], $0x1, s26, s18, $0xb8;
	[tilespmem:$0x16F8] =	vst v63  }
0x58: {  	s26 =	simm.s32 @p3 $0x7  }
0x59: {  	_ =	swait.ge @p3 [sflag:s26], $0x32  }
0x5a: {  	[sflag:s26] =	ssyncset.done @p3 $0x0  }
0x5b: {  	[sflag:s26] =	ssyncadd.s32 @p3 $0xFFFFFFCE;
	s26 =	simm.s32 @p3 $0x80  }
0x5c: {  	[spmem:s2] =	stream.indirect.scatter.add.f32 @p3 [tilespmem:s21], [sflag:$0x7], $0x1, s26, s18, $0xb8;
	[tilespmem:$0x16F8] =	vst v63  }
0x5d: {  	s26 =	simm.s32 @p3 $0x8  }
0x5e: {  	_ =	swait.ge @p3 [sflag:s26], $0x32  }
0x5f: {  	[sflag:s26] =	ssyncset.done @p3 $0x0  }
0x60: {  	[sflag:s26] =	ssyncadd.s32 @p3 $0xFFFFFFCE;
	s26 =	simm.s32 @p3 $0x100  }
0x61: {  	[spmem:s2] =	stream.indirect.scatter.add.f32 @p3 [tilespmem:s21], [sflag:$0x8], $0x1, s26, s18, $0xb8;
	[tilespmem:$0x16F8] =	vst v63  }
0x62: {  	s26 =	simm.s32 @p3 $0x9  }
0x63: {  	_ =	swait.ge @p3 [sflag:s26], $0x32  }
0x64: {  	[sflag:s26] =	ssyncset.done @p3 $0x0  }
0x65: {  	[sflag:s26] =	ssyncadd.s32 @p3 $0xFFFFFFCE;
	s26 =	simm.s32 @p3 $0x180  }
0x66: {  	[spmem:s2] =	stream.indirect.scatter.add.f32 @p3 [tilespmem:s21], [sflag:$0x9], $0x1, s26, s18, $0xb8;
	[tilespmem:$0x16F8] =	vst v63  }
0x67: {  	s18 =	simm.s32 @p3 $0xA  }
0x68: {  	_ =	swait.ge @p3 [sflag:s18], $0x32  }
0x69: {  	s21 =	simm.s32 @!p3 $0x0;
	[sflag:s18] =	ssyncset.done @p3 $0x0  }
0x6a: {  	s26 =	simm.s32 @!p3 $0x1400;
	[sflag:s18] =	ssyncadd.s32 @p3 $0xFFFFFFCE;
	s18 =	simm.s32 @!p3 $0x32  }
0x6b: {  	[spmem:s2] =	stream.indirect.scatter.add.f32 @!p3 [tilespmem:s26], [sflag:$0x6], $0x1, s21, s18, $0xb8;
	[tilespmem:$0x16F8] =	vst v63  }
0x6c: {  	s21 =	simm.s32 @!p3 $0x80  }
0x6d: {  	[spmem:s2] =	stream.indirect.scatter.add.f32 @!p3 [tilespmem:s26], [sflag:$0x7], $0x1, s21, s18, $0xb8;
	[tilespmem:$0x16F8] =	vst v63  }
0x6e: {  	s21 =	simm.s32 @!p3 $0x100  }
0x6f: {  	[spmem:s2] =	stream.indirect.scatter.add.f32 @!p3 [tilespmem:s26], [sflag:$0x8], $0x1, s21, s18, $0xb8;
	[tilespmem:$0x16F8] =	vst v63  }
0x70: {  	s21 =	simm.s32 @!p3 $0x180  }
0x71: {  	[spmem:s2] =	stream.indirect.scatter.add.f32 @!p3 [tilespmem:s26], [sflag:$0x9], $0x1, s21, s18, $0xb8;
	[tilespmem:$0x16F8] =	vst v63  }
0x72: {  	s21 =	simm.s32 $0x200  }
0x73: {  	[spmem:s2] =	stream.indirect.scatter.add.f32 [tilespmem:s19], [sflag:$0xA], $0x1, s21, s25, $0xb8;
	[tilespmem:$0x16F8] =	vst v63  }
0x74: {  	s26 =	sadd.s32 s8, s17  }
0x75: {  	[tilespmem:s28], [sflag:$0x5] =	stream.linear.gather [hbm4b:s26+s3], $0x280, $0x38;
	[tilespmem:$0x16F8] =	vst v63  }
0x76: {  	_ =	swait.ge [sflag:s29], $0x280  }
0x77: {  	[sflag:s29] =	ssyncset.done $0x0  }
0x78: {  	[sflag:s29] =	ssyncadd.s32 $0xFFFFFD80  }
0x79: {  	_ =	swait.ge [sflag:s30], $0x32  }
0x7a: {  	[sflag:s30] =	ssyncset.done $0x0  }
0x7b: {  	s21 =	simm.s32 $0x400;
	[sflag:s30] =	ssyncadd.s32 $0xFFFFFFCE  }
0x7c: {  	[spmem:s2] =	stream.indirect.scatter.add.f32 [tilespmem:s19], [sflag:$0x6], $0x1, s21, s25, $0xb8;
	[tilespmem:$0x16F8] =	vst v63  }
0x7d: {  	_ =	swait.ge [sflag:s31], $0x32  }
0x7e: {  	[sflag:s31] =	ssyncset.done $0x0  }
0x7f: {  	s26 =	simm.s32 $0x480;
	[sflag:s31] =	ssyncadd.s32 $0xFFFFFFCE  }
0x80: {  	[spmem:s2] =	stream.indirect.scatter.add.f32 [tilespmem:s19], [sflag:$0x7], $0x1, s26, s25, $0xb8;
	[tilespmem:$0x16F8] =	vst v63  }
0x81: {  	_ =	swait.ge [sflag:s1], $0x32  }
0x82: {  	[sflag:s1] =	ssyncset.done $0x0  }
0x83: {  	s21 =	simm.s32 $0x500;
	[sflag:s1] =	ssyncadd.s32 $0xFFFFFFCE  }
0x84: {  	[spmem:s2] =	stream.indirect.scatter.add.f32 [tilespmem:s19], [sflag:$0x8], $0x1, s21, s25, $0xb8;
	[tilespmem:$0x16F8] =	vst v63  }
0x85: {  	_ =	swait.ge [sflag:s5], $0x32  }
0x86: {  	[sflag:s5] =	ssyncset.done $0x0  }
0x87: {  	s26 =	simm.s32 $0x580;
	[sflag:s5] =	ssyncadd.s32 $0xFFFFFFCE  }
0x88: {  	[spmem:s2] =	stream.indirect.scatter.add.f32 [tilespmem:s19], [sflag:$0x9], $0x1, s26, s25, $0xb8;
	[tilespmem:$0x16F8] =	vst v63  }
0x89: {  	_ =	swait.ge [sflag:s7], $0x32  }
0x8a: {  	[sflag:s7] =	ssyncset.done $0x0  }
0x8b: {  	p3 =	seq.s32 s8, $0x1180;
	s21 =	simm.s32 $0x600;
	[sflag:s7] =	ssyncadd.s32 $0xFFFFFFCE  }
0x8c: {  	[spmem:s2] =	stream.indirect.scatter.add.f32 [tilespmem:s19], [sflag:$0xA], $0x1, s21, s25, $0xb8;
	[tilespmem:$0x16F8] =	vst v63  }
0x8d: {  	s18 =	sadd.s32 @!p3 s8, s16;
	s21 =	simm.s32 @!p3 $0x0  }
0x8e: {  	[tilespmem:s21], [sflag:$0x1] =	stream.linear.gather @!p3 [hbm4b:s18+s21], $0x280, $0x38;
	[tilespmem:$0x16F8] =	vst v63  }
0x8f: {  	_ =	swait.ge [sflag:s10], $0x280  }
0x90: {  	[sflag:s10] =	ssyncset.done $0x0  }
0x91: {  	[sflag:s10] =	ssyncadd.s32 $0xFFFFFD80  }
0x92: {  	_ =	swait.ge [sflag:s30], $0x32  }
0x93: {  	[sflag:s30] =	ssyncset.done $0x0  }
0x94: {  	s26 =	simm.s32 $0x800;
	[sflag:s30] =	ssyncadd.s32 $0xFFFFFFCE  }
0x95: {  	[spmem:s2] =	stream.indirect.scatter.add.f32 [tilespmem:s19], [sflag:$0x6], $0x1, s26, s25, $0xb8;
	[tilespmem:$0x16F8] =	vst v63  }
0x96: {  	_ =	swait.ge [sflag:s31], $0x32  }
0x97: {  	[sflag:s31] =	ssyncset.done $0x0  }
0x98: {  	s26 =	simm.s32 $0x880;
	[sflag:s31] =	ssyncadd.s32 $0xFFFFFFCE  }
0x99: {  	[spmem:s2] =	stream.indirect.scatter.add.f32 [tilespmem:s19], [sflag:$0x7], $0x1, s26, s25, $0xb8;
	[tilespmem:$0x16F8] =	vst v63  }
0x9a: {  	_ =	swait.ge [sflag:s1], $0x32  }
0x9b: {  	[sflag:s1] =	ssyncset.done $0x0  }
0x9c: {  	s26 =	simm.s32 $0x900;
	[sflag:s1] =	ssyncadd.s32 $0xFFFFFFCE  }
0x9d: {  	[spmem:s2] =	stream.indirect.scatter.add.f32 [tilespmem:s19], [sflag:$0x8], $0x1, s26, s25, $0xb8;
	[tilespmem:$0x16F8] =	vst v63  }
0x9e: {  	_ =	swait.ge [sflag:s5], $0x32  }
0x9f: {  	[sflag:s5] =	ssyncset.done $0x0  }
0xa0: {  	s26 =	simm.s32 $0x980;
	[sflag:s5] =	ssyncadd.s32 $0xFFFFFFCE  }
0xa1: {  	[spmem:s2] =	stream.indirect.scatter.add.f32 [tilespmem:s19], [sflag:$0x9], $0x1, s26, s25, $0xb8;
	[tilespmem:$0x16F8] =	vst v63  }
0xa2: {  	_ =	swait.ge [sflag:s7], $0x32  }
0xa3: {  	[sflag:s7] =	ssyncset.done $0x0  }
0xa4: {  	s26 =	simm.s32 $0xA00;
	[sflag:s7] =	ssyncadd.s32 $0xFFFFFFCE  }
0xa5: {  	[spmem:s2] =	stream.indirect.scatter.add.f32 [tilespmem:s19], [sflag:$0xA], $0x1, s26, s25, $0xb8;
	[tilespmem:$0x16F8] =	vst v63  }
0xa6: {  	s18 =	sadd.s32 @!p3 s8, s15;
	s26 =	simm.s32 @!p3 $0x400  }
0xa7: {  	[tilespmem:s26], [sflag:$0x2] =	stream.linear.gather @!p3 [hbm4b:s18+s21], $0x280, $0x38;
	[tilespmem:$0x16F8] =	vst v63  }
0xa8: {  	_ =	swait.ge [sflag:s20], $0x280  }
0xa9: {  	[sflag:s20] =	ssyncset.done $0x0  }
0xaa: {  	[sflag:s20] =	ssyncadd.s32 $0xFFFFFD80  }
0xab: {  	_ =	swait.ge [sflag:s30], $0x32  }
0xac: {  	[sflag:s30] =	ssyncset.done $0x0  }
0xad: {  	[sflag:s30] =	ssyncadd.s32 $0xFFFFFFCE  }
0xae: {  	[spmem:s2] =	stream.indirect.scatter.add.f32 [tilespmem:s19], [sflag:$0x6], $0x1, s23, s25, $0xb8;
	[tilespmem:$0x16F8] =	vst v63  }
0xaf: {  	_ =	swait.ge [sflag:s31], $0x32  }
0xb0: {  	[sflag:s31] =	ssyncset.done $0x0  }
0xb1: {  	s26 =	simm.s32 $0xC80;
	[sflag:s31] =	ssyncadd.s32 $0xFFFFFFCE  }
0xb2: {  	[spmem:s2] =	stream.indirect.scatter.add.f32 [tilespmem:s19], [sflag:$0x7], $0x1, s26, s25, $0xb8;
	[tilespmem:$0x16F8] =	vst v63  }
0xb3: {  	_ =	swait.ge [sflag:s1], $0x32  }
0xb4: {  	[sflag:s1] =	ssyncset.done $0x0  }
0xb5: {  	s26 =	simm.s32 $0xD00;
	[sflag:s1] =	ssyncadd.s32 $0xFFFFFFCE  }
0xb6: {  	[spmem:s2] =	stream.indirect.scatter.add.f32 [tilespmem:s19], [sflag:$0x8], $0x1, s26, s25, $0xb8;
	[tilespmem:$0x16F8] =	vst v63  }
0xb7: {  	_ =	swait.ge [sflag:s5], $0x32  }
0xb8: {  	[sflag:s5] =	ssyncset.done $0x0  }
0xb9: {  	[sflag:s5] =	ssyncadd.s32 $0xFFFFFFCE  }
0xba: {  	[spmem:s2] =	stream.indirect.scatter.add.f32 [tilespmem:s19], [sflag:$0x9], $0x1, s22, s25, $0xb8;
	[tilespmem:$0x16F8] =	vst v63  }
0xbb: {  	_ =	swait.ge [sflag:s7], $0x32  }
0xbc: {  	[sflag:s7] =	ssyncset.done $0x0  }
0xbd: {  	[sflag:s7] =	ssyncadd.s32 $0xFFFFFFCE  }
0xbe: {  	[spmem:s2] =	stream.indirect.scatter.add.f32 [tilespmem:s19], [sflag:$0xA], $0x1, s0, s25, $0xb8;
	[tilespmem:$0x16F8] =	vst v63  }
0xbf: {  	s18 =	sadd.s32 @!p3 s8, s14;
	s26 =	simm.s32 @!p3 $0x800  }
0xc0: {  	[tilespmem:s26], [sflag:$0x3] =	stream.linear.gather @!p3 [hbm4b:s18+s21], $0x280, $0x38;
	[tilespmem:$0x16F8] =	vst v63  }
0xc1: {  	_ =	swait.ge [sflag:s4], $0x280  }
0xc2: {  	[sflag:s4] =	ssyncset.done $0x0  }
0xc3: {  	[sflag:s4] =	ssyncadd.s32 $0xFFFFFD80  }
0xc4: {  	_ =	swait.ge [sflag:s30], $0x32  }
0xc5: {  	[sflag:s30] =	ssyncset.done $0x0  }
0xc6: {  	[sflag:s30] =	ssyncadd.s32 $0xFFFFFFCE  }
0xc7: {  	[spmem:s2] =	stream.indirect.scatter.add.f32 [tilespmem:s19], [sflag:$0x6], $0x1, s28, s25, $0xb8;
	[tilespmem:$0x16F8] =	vst v63  }
0xc8: {  	_ =	swait.ge [sflag:s31], $0x32  }
0xc9: {  	[sflag:s31] =	ssyncset.done $0x0  }
0xca: {  	[sflag:s31] =	ssyncadd.s32 $0xFFFFFFCE  }
0xcb: {  	[spmem:s2] =	stream.indirect.scatter.add.f32 [tilespmem:s19], [sflag:$0x7], $0x1, s6, s25, $0xb8;
	[tilespmem:$0x16F8] =	vst v63  }
0xcc: {  	_ =	swait.ge [sflag:s1], $0x32  }
0xcd: {  	[sflag:s1] =	ssyncset.done $0x0  }
0xce: {  	[sflag:s1] =	ssyncadd.s32 $0xFFFFFFCE  }
0xcf: {  	[spmem:s2] =	stream.indirect.scatter.add.f32 [tilespmem:s19], [sflag:$0x8], $0x1, s9, s25, $0xb8;
	[tilespmem:$0x16F8] =	vst v63  }
0xd0: {  	_ =	swait.ge [sflag:s5], $0x32  }
0xd1: {  	[sflag:s5] =	ssyncset.done $0x0  }
0xd2: {  	[sflag:s5] =	ssyncadd.s32 $0xFFFFFFCE  }
0xd3: {  	[spmem:s2] =	stream.indirect.scatter.add.f32 [tilespmem:s19], [sflag:$0x9], $0x1, s11, s25, $0xb8;
	[tilespmem:$0x16F8] =	vst v63  }
.Ltmp2:
0xd4: {  	_ = 	snop;
	(pc) =	sbr.rel @p3 .LBB2_4-.Ltmp2, $4  }
0xd5: {  	_ =	swait.ge [sflag:s7], $0x32  }
0xd6: {  	[sflag:s7] =	ssyncset.done $0x0  }
0xd7: {  	[sflag:s7] =	ssyncadd.s32 $0xFFFFFFCE  }
0xd8: {  	[spmem:s2] =	stream.indirect.scatter.add.f32 [tilespmem:s19], [sflag:$0xA], $0x1, s12, s25, $0xb8;
	[tilespmem:$0x16F8] =	vst v63  }
.Ltmp3:
0xd9: {  	(pc) =	sbr.rel .LBB2_2-.Ltmp3, $3  }
0xda: {  	_ =	sdelay $0x1  }
0xdb: {  	s18 =	sadd.s32 s8, s13;
	s8 =	sadd.s32 $0x280, s8  }
0xdc: {  	[tilespmem:s23], [sflag:$0x4] =	stream.linear.gather [hbm4b:s18+s3], $0x280, $0x38;
	[tilespmem:$0x16F8] =	vst v63  }
.LBB2_5:
0xdd: {  	_ =	sfence.sel $0x180000  }
0xde: {  	[bflag:$0x0] =	sbarrier.arrive $0xFFFF  }
0xdf: {  	_ =	strace $0x90000047  }
0xe0: {  	[bflag:$0x2] =	sbarrier.arrive $0xFFFF  }
0xe1: {  	s0 =	rddreg [dreg:$0x3]  }
0xe2: {  	s0 =	sadd.s32 @!p1 $0x100000, s0  }
0xe3: {  	[sflag:s0] =	ssyncadd.tile.s32 @!p1 $0x1;
	_ =	shalt  }
.Lfunc_end2:
_tile_overlayer_lowered:
.L_overlay_start_2:
0xe4: {  	(tag) =	ssettag $0x2  }
0xe5: {  	s0 =	rddreg [dreg:$0x0];
	s2 =	stileid.u32  }
0xe6: {  	s1 =	rddreg [dreg:$0x1];
	p0 =	sne.s32 s2, $0x0  }
0xe7: {  	s3 =	rddreg [dreg:$0x2];
	[bflag:$0x3] =	sbarrier.arrive $0xFFFF;
	s2 =	simm.s32 @!p0 $0x1C0B  }
0xe8: {  	[timem:s3], [sflag:s2] =	dma.local @!p0 [hbm:s0], s1  }
0xe9: {  	s0 =	simm.s32 @!p0 $0xB  }
0xea: {  	_ =	swait.ge @!p0 [sflag:s0], s1  }
0xeb: {  	s1 =	ssub.s32 @!p0 $0x0, s1;
	[sflag:s0] =	ssyncset.done @!p0 $0x0  }
0xec: {  	[sflag:s0] =	ssyncadd.s32 @!p0 s1  }
0xed: {  	[bflag:$0x3] =	sbarrier.arrive $0xFFFF  }
0xee: {  	_ =	shalt  }

</sc_bundles>
